<compile_context>
chip_gen: v7x
topology: tpu7x:2x2x1
jax: 0.10.2.dev20260603
libtpu: 0.0.44.dev20260713+nightly
codegen_flags: <defaults>
</compile_context>

<pallas_src>
import functools

import jax
import jax.numpy as jnp
from jax import lax
from jax.experimental import pallas as pl
from jax.experimental.pallas import tpu as pltpu
from jax.experimental.pallas import tpu_sc as plsc

D = 8
DR = 128
DO = 16
NC, NS = 2, 16
NW = NC * NS
SUB = 128
CHUNK = 128


def _prep_body(wt, st, et, ct, mt, wfw, wfb, sfw, sfb, efw, efb, cfw, cfb,
               mfw, mfb, wp_ref, ep_ref, scm_ref):
    dn = (((1,), (1,)), ((), ()))
    hi = lax.Precision.HIGHEST

    def wide(x):
        return jnp.pad(x, ((0, 0), (0, DR - D)))

    wp_ref[...] = wide(lax.dot_general(wt[...], wfw[...], dn, precision=hi,
                                       preferred_element_type=jnp.float32)
                       + wfb[...][None, :])
    ep_ref[...] = wide(lax.dot_general(et[...], efw[...][:, 0:2], dn,
                                       precision=hi,
                                       preferred_element_type=jnp.float32)
                       + efb[...][None, :])
    sp = lax.dot_general(st[...], sfw[...], dn, precision=hi,
                         preferred_element_type=jnp.float32)
    cp = lax.dot_general(ct[...], cfw[...], dn, precision=hi,
                         preferred_element_type=jnp.float32)
    mp = lax.dot_general(mt[...], mfw[...], dn, precision=hi,
                         preferred_element_type=jnp.float32)
    b3 = sfb[...] + cfb[...] + mfb[...]
    for c in range(2):
        for m in range(4):
            scm_ref[c * 4 + m, :, :] = wide(sp + (cp[c] + mp[m] + b3)[None, :])


def _sc_body(n_chunks, exi_h, wi_h, eqi_h, si_h, ci_h, mi_h, ex_t, wp_t,
             ep_t, scm_t, out_h, exi, wi, eqi, si, ci, mi, smi, g0, g1, g2,
             g3, outs, sem):
    cid = lax.axis_index("c")
    sid = lax.axis_index("s")
    wid = sid * NC + cid
    tok0 = wid * (n_chunks * CHUNK)

    def chunk_body(c, carry):
        t = tok0 + c * CHUNK
        pltpu.sync_copy(exi_h.at[pl.ds(t, CHUNK)], exi)
        pltpu.sync_copy(wi_h.at[pl.ds(t, CHUNK)], wi)
        pltpu.sync_copy(eqi_h.at[pl.ds(t, CHUNK)], eqi)
        pltpu.sync_copy(si_h.at[pl.ds(t, CHUNK)], si)
        pltpu.sync_copy(ci_h.at[pl.ds(t, CHUNK)], ci)
        pltpu.sync_copy(mi_h.at[pl.ds(t, CHUNK)], mi)
        for v in range(SUB // 16):
            sl = pl.ds(v * 16, 16)
            smi[sl] = ci[sl] * 800 + mi[sl] * 200 + si[sl]
        cps = [pltpu.async_copy(ex_t.at[exi], g0, sem),
               pltpu.async_copy(wp_t.at[wi], g1, sem),
               pltpu.async_copy(ep_t.at[eqi], g2, sem),
               pltpu.async_copy(scm_t.at[smi], g3, sem)]
        for cp in cps:
            cp.wait()
        for i in range(CHUNK):
            sl = pl.ds(0, 16)
            outs[i, sl] = ((g0[i, sl] + g1[i, sl]) + (g2[i, sl] + g3[i, sl]))
        pltpu.sync_copy(outs, out_h.at[pl.ds(t, CHUNK)])
        return carry

    lax.fori_loop(0, n_chunks, chunk_body, 0)


def kernel(exercise_id, weight_id, exercise_sequence, equipment_id, core,
           metric_type, exercise_table, weight_table, seq_table,
           equipment_table, core_table, metric_table, weight_fc_w,
           weight_fc_b, seq_fc_w, seq_fc_b, equipment_fc_w, equipment_fc_b,
           core_fc_w, core_fc_b, metric_fc_w, metric_fc_b):
    B, L = exercise_id.shape
    N = B * L
    assert N % (NW * CHUNK) == 0
    n_chunks = N // (NW * CHUNK)
    vw = weight_table.shape[0]
    vq = equipment_table.shape[0]
    vs, vc, vm = seq_table.shape[0], core_table.shape[0], metric_table.shape[0]

    wp, ep, scm3 = pl.pallas_call(
        _prep_body,
        out_shape=[
            jax.ShapeDtypeStruct((vw, DR), jnp.float32),
            jax.ShapeDtypeStruct((vq, DR), jnp.float32),
            jax.ShapeDtypeStruct((vc * vm, vs, DR), jnp.float32),
        ],
    )(weight_table, seq_table, equipment_table, core_table, metric_table,
      weight_fc_w, weight_fc_b, seq_fc_w, seq_fc_b, equipment_fc_w,
      equipment_fc_b, core_fc_w, core_fc_b, metric_fc_w, metric_fc_b)
    scm = scm3.reshape(vc * vm * vs, DR)
    ex_w = jnp.pad(exercise_table, ((0, 0), (0, DR - D)))

    mesh = plsc.VectorSubcoreMesh(core_axis_name="c", subcore_axis_name="s")
    sc = pl.kernel(
        functools.partial(_sc_body, n_chunks),
        out_type=jax.ShapeDtypeStruct((N, DO), jnp.float32),
        mesh=mesh,
        scratch_types=[
            pltpu.VMEM((SUB,), jnp.int32),
            pltpu.VMEM((SUB,), jnp.int32),
            pltpu.VMEM((SUB,), jnp.int32),
            pltpu.VMEM((SUB,), jnp.int32),
            pltpu.VMEM((SUB,), jnp.int32),
            pltpu.VMEM((SUB,), jnp.int32),
            pltpu.VMEM((SUB,), jnp.int32),
            pltpu.VMEM((CHUNK, DR), jnp.float32),
            pltpu.VMEM((CHUNK, DR), jnp.float32),
            pltpu.VMEM((CHUNK, DR), jnp.float32),
            pltpu.VMEM((CHUNK, DR), jnp.float32),
            pltpu.VMEM((CHUNK, DO), jnp.float32),
            pltpu.SemaphoreType.DMA,
        ],
    )
    out = sc(exercise_id.reshape(N),
             weight_id.reshape(N),
             equipment_id.reshape(N),
             exercise_sequence.reshape(N),
             core.reshape(N),
             metric_type.reshape(N),
             ex_w, wp, ep, scm)
    return out[:, :D].reshape(B, L, D)

# --- scband reference (transcript-rebuilt; emitter-appended) ---
"""Pipeline reference for scband-intensity-transformer-16054587752989 (READ-ONLY COPY).

The authoritative reference and input builder live on the scoring server;
editing this copy changes nothing except your own understanding.
"""

import jax, jax.numpy as jnp
import numpy as np

B, L = 4096, 200
VOCAB_EX, VOCAB_W, VOCAB_SEQ, VOCAB_EQ, VOCAB_CORE, VOCAB_MET = 100000, 1000, 200, 1000, 2, 4
D_MODEL, D_WEIGHT, D_SEQ, D_EQUIPMENT, D_CORE, D_METRIC = 8, 4, 2, 4, 2, 2


def setup_inputs(seed: int = 0) -> dict:
    key = jax.random.key(seed)
    ks = jax.random.split(key, 24)
    inp = {}
    inp['exercise_id'] = jax.random.randint(ks[0], (B, L), 0, VOCAB_EX, dtype=jnp.int32)
    inp['weight_id'] = jax.random.randint(ks[1], (B, L), 0, VOCAB_W, dtype=jnp.int32)
    inp['exercise_sequence'] = jax.random.randint(ks[2], (B, L), 0, VOCAB_SEQ, dtype=jnp.int32)
    inp['equipment_id'] = jax.random.randint(ks[3], (B, L), 0, VOCAB_EQ, dtype=jnp.int32)
    inp['core'] = jax.random.randint(ks[4], (B, L), 0, VOCAB_CORE, dtype=jnp.int32)
    inp['metric_type'] = jax.random.randint(ks[5], (B, L), 0, VOCAB_MET, dtype=jnp.int32)
    # embedding tables (padding_idx=0 rows zeroed where applicable)
    inp['exercise_table'] = jax.random.normal(ks[6], (VOCAB_EX, D_MODEL), dtype=jnp.float32).at[0].set(0.0)
    inp['weight_table'] = jax.random.normal(ks[7], (VOCAB_W, D_WEIGHT), dtype=jnp.float32).at[0].set(0.0)
    inp['seq_table'] = jax.random.normal(ks[8], (VOCAB_SEQ, D_SEQ), dtype=jnp.float32).at[0].set(0.0)
    inp['equipment_table'] = jax.random.normal(ks[9], (VOCAB_EQ, D_SEQ), dtype=jnp.float32).at[0].set(0.0)
    inp['core_table'] = jax.random.normal(ks[10], (VOCAB_CORE, D_CORE), dtype=jnp.float32)
    inp['metric_table'] = jax.random.normal(ks[11], (VOCAB_MET, D_METRIC), dtype=jnp.float32)
    # linear layers (torch convention: W[out, in])
    inp['weight_fc_w'] = jax.random.normal(ks[12], (D_MODEL, D_WEIGHT), dtype=jnp.float32) * 0.1
    inp['weight_fc_b'] = jnp.zeros((D_MODEL,), dtype=jnp.float32)
    inp['seq_fc_w'] = jax.random.normal(ks[13], (D_MODEL, D_SEQ), dtype=jnp.float32) * 0.1
    inp['seq_fc_b'] = jnp.zeros((D_MODEL,), dtype=jnp.float32)
    inp['equipment_fc_w'] = jax.random.normal(ks[14], (D_MODEL, D_EQUIPMENT), dtype=jnp.float32) * 0.1
    inp['equipment_fc_b'] = jnp.zeros((D_MODEL,), dtype=jnp.float32)
    inp['core_fc_w'] = jax.random.normal(ks[15], (D_MODEL, D_CORE), dtype=jnp.float32) * 0.1
    inp['core_fc_b'] = jnp.zeros((D_MODEL,), dtype=jnp.float32)
    inp['metric_fc_w'] = jax.random.normal(ks[16], (D_MODEL, D_METRIC), dtype=jnp.float32) * 0.1
    inp['metric_fc_b'] = jnp.zeros((D_MODEL,), dtype=jnp.float32)
    return inp


def reference(exercise_id, weight_id, exercise_sequence, equipment_id, core, metric_type,
              exercise_table, weight_table, seq_table, equipment_table, core_table, metric_table,
              weight_fc_w, weight_fc_b, seq_fc_w, seq_fc_b, equipment_fc_w, equipment_fc_b,
              core_fc_w, core_fc_b, metric_fc_w, metric_fc_b):
    ex = jnp.take(exercise_table, exercise_id, axis=0)                       # [B, L, 8]
    w = jnp.take(weight_table, weight_id, axis=0) @ weight_fc_w.T + weight_fc_b
    s = jnp.take(seq_table, exercise_sequence, axis=0) @ seq_fc_w.T + seq_fc_b
    eq_e = jnp.take(equipment_table, equipment_id, axis=0)                    # [B, L, 2]
    # constructor bug in original: equipment_emb has dim d_seq=2 but equipment_fc expects d_equipment=4;
    # zero-pad the embedding to dim 4 so the projection is applicable
    eq_e = jnp.pad(eq_e, ((0, 0), (0, 0), (0, D_EQUIPMENT - D_SEQ)))
    eq = eq_e @ equipment_fc_w.T + equipment_fc_b
    c = jnp.take(core_table, core, axis=0) @ core_fc_w.T + core_fc_b
    m = jnp.take(metric_table, metric_type, axis=0) @ metric_fc_w.T + metric_fc_b
    return ex + w + s + eq + c + m

if __name__ == "__main__":
    import jax
    _d = setup_inputs()
    print(jax.jit(kernel)(*tuple(_d.values())))

</pallas_src>

<mosaic_0001>
#map = affine_map<(d0, d1) -> (0)>
#map1 = affine_map<(d0, d1) -> (0, 0)>
module attributes {stable_mosaic.version = 14 : i64} {
  func.func @_sc_body(%arg0: i32, %arg1: i32, %arg2: memref<819200xi32, #tpu.memory_space<hbm>>, %arg3: memref<819200xi32, #tpu.memory_space<hbm>>, %arg4: memref<819200xi32, #tpu.memory_space<hbm>>, %arg5: memref<819200xi32, #tpu.memory_space<hbm>>, %arg6: memref<819200xi32, #tpu.memory_space<hbm>>, %arg7: memref<819200xi32, #tpu.memory_space<hbm>>, %arg8: memref<100000x128xf32, #tpu.memory_space<hbm>>, %arg9: memref<1000x128xf32, #tpu.memory_space<hbm>>, %arg10: memref<1000x128xf32, #tpu.memory_space<hbm>>, %arg11: memref<1600x128xf32, #tpu.memory_space<hbm>>, %arg12: memref<819200x16xf32, #tpu.memory_space<hbm>>, %arg13: memref<128xi32, #tpu.memory_space<vmem>>, %arg14: memref<128xi32, #tpu.memory_space<vmem>>, %arg15: memref<128xi32, #tpu.memory_space<vmem>>, %arg16: memref<128xi32, #tpu.memory_space<vmem>>, %arg17: memref<128xi32, #tpu.memory_space<vmem>>, %arg18: memref<128xi32, #tpu.memory_space<vmem>>, %arg19: memref<128xi32, #tpu.memory_space<vmem>>, %arg20: memref<128x128xf32, #tpu.memory_space<vmem>>, %arg21: memref<128x128xf32, #tpu.memory_space<vmem>>, %arg22: memref<128x128xf32, #tpu.memory_space<vmem>>, %arg23: memref<128x128xf32, #tpu.memory_space<vmem>>, %arg24: memref<128x16xf32, #tpu.memory_space<vmem>>, %arg25: memref<!tpu.dma_semaphore, #tpu.memory_space<semaphore_mem>>) attributes {dimension_semantics = [#tpu.dimension_semantics<core_parallel>, #tpu.dimension_semantics<subcore_parallel>], iteration_bounds = array<i64: 2, 16>, scalar_prefetch = 0 : i64, scratch_operands = 13 : i64, tpu.core_type = #tpu.core_type<sc_vector_subcore>, window_params = [{transform_indices = #map}, {transform_indices = #map}, {transform_indices = #map}, {transform_indices = #map}, {transform_indices = #map}, {transform_indices = #map}, {transform_indices = #map1}, {transform_indices = #map1}, {transform_indices = #map1}, {transform_indices = #map1}, {transform_indices = #map1}]} {
    %mul3A = arith.constant 2 : i32
    %mul3A_0 = arith.muli %arg1, %mul3A : i32
    %add3A = arith.addi %mul3A_0, %arg0 : i32
    %mul3A_1 = arith.constant 25600 : i32
    %mul3A_2 = arith.muli %add3A, %mul3A_1 : i32
    %scan3A = arith.constant 0 : i32
    %scan3A_3 = arith.constant 0 : i32
    %scan3A_4 = arith.constant 200 : i32
    %scan3A_5 = arith.addi %scan3A_3, %scan3A_4 : i32
    %scan3A_6 = arith.constant 1 : i32
    scf.for %scan3A_8 = %scan3A_3 to %scan3A_5 step %scan3A_6  : i32 {
      %mul3A_9 = arith.constant 128 : i32
      %mul3A_10 = arith.muli %scan3A_8, %mul3A_9 : i32
      %add3A_11 = arith.addi %mul3A_2, %mul3A_10 : i32
      "tpu.region"() ({
        %run_scoped3A = tpu.sem_alloc : memref<!tpu.dma_semaphore, #tpu.memory_space<semaphore_mem>>
        %dma_start3A_3912 = tpu.memref_slice %arg2[%add3A_11] : memref<819200xi32, #tpu.memory_space<hbm>> -> memref<128xi32, #tpu.memory_space<hbm>>
        %dma_start3A_3913 = tpu.memref_slice %arg2[%add3A_11] : memref<819200xi32, #tpu.memory_space<hbm>> -> memref<128xi32, #tpu.memory_space<hbm>>
        tpu.enqueue_dma source(%dma_start3A_3913 : memref<128xi32, #tpu.memory_space<hbm>>) target(%arg13 : memref<128xi32, #tpu.memory_space<vmem>>) target_semaphore(%run_scoped3A : memref<!tpu.dma_semaphore, #tpu.memory_space<semaphore_mem>>)
        %dma_wait3A_3914 = tpu.memref_slice %arg2[%add3A_11] : memref<819200xi32, #tpu.memory_space<hbm>> -> memref<128xi32, #tpu.memory_space<hbm>>
        %dma_wait3A_3915 = tpu.memref_slice %arg2[%add3A_11] : memref<819200xi32, #tpu.memory_space<hbm>> -> memref<128xi32, #tpu.memory_space<hbm>>
        tpu.wait_dma2 semaphore(%run_scoped3A : memref<!tpu.dma_semaphore, #tpu.memory_space<semaphore_mem>>) src(%dma_wait3A_3915 : memref<128xi32, #tpu.memory_space<hbm>>) dst(%arg13 : memref<128xi32, #tpu.memory_space<vmem>>)
        tpu.yield
      }) : () -> ()
      "tpu.region"() ({
        %run_scoped3A = tpu.sem_alloc : memref<!tpu.dma_semaphore, #tpu.memory_space<semaphore_mem>>
        %dma_start3A_3912 = tpu.memref_slice %arg3[%add3A_11] : memref<819200xi32, #tpu.memory_space<hbm>> -> memref<128xi32, #tpu.memory_space<hbm>>
        %dma_start3A_3913 = tpu.memref_slice %arg3[%add3A_11] : memref<819200xi32, #tpu.memory_space<hbm>> -> memref<128xi32, #tpu.memory_space<hbm>>
        tpu.enqueue_dma source(%dma_start3A_3913 : memref<128xi32, #tpu.memory_space<hbm>>) target(%arg14 : memref<128xi32, #tpu.memory_space<vmem>>) target_semaphore(%run_scoped3A : memref<!tpu.dma_semaphore, #tpu.memory_space<semaphore_mem>>)
        %dma_wait3A_3914 = tpu.memref_slice %arg3[%add3A_11] : memref<819200xi32, #tpu.memory_space<hbm>> -> memref<128xi32, #tpu.memory_space<hbm>>
        %dma_wait3A_3915 = tpu.memref_slice %arg3[%add3A_11] : memref<819200xi32, #tpu.memory_space<hbm>> -> memref<128xi32, #tpu.memory_space<hbm>>
        tpu.wait_dma2 semaphore(%run_scoped3A : memref<!tpu.dma_semaphore, #tpu.memory_space<semaphore_mem>>) src(%dma_wait3A_3915 : memref<128xi32, #tpu.memory_space<hbm>>) dst(%arg14 : memref<128xi32, #tpu.memory_space<vmem>>)
        tpu.yield
      }) : () -> ()
      "tpu.region"() ({
        %run_scoped3A = tpu.sem_alloc : memref<!tpu.dma_semaphore, #tpu.memory_space<semaphore_mem>>
        %dma_start3A_3912 = tpu.memref_slice %arg4[%add3A_11] : memref<819200xi32, #tpu.memory_space<hbm>> -> memref<128xi32, #tpu.memory_space<hbm>>
        %dma_start3A_3913 = tpu.memref_slice %arg4[%add3A_11] : memref<819200xi32, #tpu.memory_space<hbm>> -> memref<128xi32, #tpu.memory_space<hbm>>
        tpu.enqueue_dma source(%dma_start3A_3913 : memref<128xi32, #tpu.memory_space<hbm>>) target(%arg15 : memref<128xi32, #tpu.memory_space<vmem>>) target_semaphore(%run_scoped3A : memref<!tpu.dma_semaphore, #tpu.memory_space<semaphore_mem>>)
        %dma_wait3A_3914 = tpu.memref_slice %arg4[%add3A_11] : memref<819200xi32, #tpu.memory_space<hbm>> -> memref<128xi32, #tpu.memory_space<hbm>>
        %dma_wait3A_3915 = tpu.memref_slice %arg4[%add3A_11] : memref<819200xi32, #tpu.memory_space<hbm>> -> memref<128xi32, #tpu.memory_space<hbm>>
        tpu.wait_dma2 semaphore(%run_scoped3A : memref<!tpu.dma_semaphore, #tpu.memory_space<semaphore_mem>>) src(%dma_wait3A_3915 : memref<128xi32, #tpu.memory_space<hbm>>) dst(%arg15 : memref<128xi32, #tpu.memory_space<vmem>>)
        tpu.yield
      }) : () -> ()
      "tpu.region"() ({
        %run_scoped3A = tpu.sem_alloc : memref<!tpu.dma_semaphore, #tpu.memory_space<semaphore_mem>>
        %dma_start3A_3912 = tpu.memref_slice %arg5[%add3A_11] : memref<819200xi32, #tpu.memory_space<hbm>> -> memref<128xi32, #tpu.memory_space<hbm>>
        %dma_start3A_3913 = tpu.memref_slice %arg5[%add3A_11] : memref<819200xi32, #tpu.memory_space<hbm>> -> memref<128xi32, #tpu.memory_space<hbm>>
        tpu.enqueue_dma source(%dma_start3A_3913 : memref<128xi32, #tpu.memory_space<hbm>>) target(%arg16 : memref<128xi32, #tpu.memory_space<vmem>>) target_semaphore(%run_scoped3A : memref<!tpu.dma_semaphore, #tpu.memory_space<semaphore_mem>>)
        %dma_wait3A_3914 = tpu.memref_slice %arg5[%add3A_11] : memref<819200xi32, #tpu.memory_space<hbm>> -> memref<128xi32, #tpu.memory_space<hbm>>
        %dma_wait3A_3915 = tpu.memref_slice %arg5[%add3A_11] : memref<819200xi32, #tpu.memory_space<hbm>> -> memref<128xi32, #tpu.memory_space<hbm>>
        tpu.wait_dma2 semaphore(%run_scoped3A : memref<!tpu.dma_semaphore, #tpu.memory_space<semaphore_mem>>) src(%dma_wait3A_3915 : memref<128xi32, #tpu.memory_space<hbm>>) dst(%arg16 : memref<128xi32, #tpu.memory_space<vmem>>)
        tpu.yield
      }) : () -> ()
      "tpu.region"() ({
        %run_scoped3A = tpu.sem_alloc : memref<!tpu.dma_semaphore, #tpu.memory_space<semaphore_mem>>
        %dma_start3A_3912 = tpu.memref_slice %arg6[%add3A_11] : memref<819200xi32, #tpu.memory_space<hbm>> -> memref<128xi32, #tpu.memory_space<hbm>>
        %dma_start3A_3913 = tpu.memref_slice %arg6[%add3A_11] : memref<819200xi32, #tpu.memory_space<hbm>> -> memref<128xi32, #tpu.memory_space<hbm>>
        tpu.enqueue_dma source(%dma_start3A_3913 : memref<128xi32, #tpu.memory_space<hbm>>) target(%arg17 : memref<128xi32, #tpu.memory_space<vmem>>) target_semaphore(%run_scoped3A : memref<!tpu.dma_semaphore, #tpu.memory_space<semaphore_mem>>)
        %dma_wait3A_3914 = tpu.memref_slice %arg6[%add3A_11] : memref<819200xi32, #tpu.memory_space<hbm>> -> memref<128xi32, #tpu.memory_space<hbm>>
        %dma_wait3A_3915 = tpu.memref_slice %arg6[%add3A_11] : memref<819200xi32, #tpu.memory_space<hbm>> -> memref<128xi32, #tpu.memory_space<hbm>>
        tpu.wait_dma2 semaphore(%run_scoped3A : memref<!tpu.dma_semaphore, #tpu.memory_space<semaphore_mem>>) src(%dma_wait3A_3915 : memref<128xi32, #tpu.memory_space<hbm>>) dst(%arg17 : memref<128xi32, #tpu.memory_space<vmem>>)
        tpu.yield
      }) : () -> ()
      "tpu.region"() ({
        %run_scoped3A = tpu.sem_alloc : memref<!tpu.dma_semaphore, #tpu.memory_space<semaphore_mem>>
        %dma_start3A_3912 = tpu.memref_slice %arg7[%add3A_11] : memref<819200xi32, #tpu.memory_space<hbm>> -> memref<128xi32, #tpu.memory_space<hbm>>
        %dma_start3A_3913 = tpu.memref_slice %arg7[%add3A_11] : memref<819200xi32, #tpu.memory_space<hbm>> -> memref<128xi32, #tpu.memory_space<hbm>>
        tpu.enqueue_dma source(%dma_start3A_3913 : memref<128xi32, #tpu.memory_space<hbm>>) target(%arg18 : memref<128xi32, #tpu.memory_space<vmem>>) target_semaphore(%run_scoped3A : memref<!tpu.dma_semaphore, #tpu.memory_space<semaphore_mem>>)
        %dma_wait3A_3914 = tpu.memref_slice %arg7[%add3A_11] : memref<819200xi32, #tpu.memory_space<hbm>> -> memref<128xi32, #tpu.memory_space<hbm>>
        %dma_wait3A_3915 = tpu.memref_slice %arg7[%add3A_11] : memref<819200xi32, #tpu.memory_space<hbm>> -> memref<128xi32, #tpu.memory_space<hbm>>
        tpu.wait_dma2 semaphore(%run_scoped3A : memref<!tpu.dma_semaphore, #tpu.memory_space<semaphore_mem>>) src(%dma_wait3A_3915 : memref<128xi32, #tpu.memory_space<hbm>>) dst(%arg18 : memref<128xi32, #tpu.memory_space<vmem>>)
        tpu.yield
      }) : () -> ()
      %get3A = arith.constant 0 : index
      %get3A_12 = tpu.vector_load %arg17[%get3A] {strides = array<i32>} : memref<128xi32, #tpu.memory_space<vmem>>, vector<16xi32>,
      %get3A_13 = vector.shape_cast %get3A_12 : vector<16xi32> to vector<16xi32>
      %mul3A_14 = arith.constant 800 : i32
      %mul3A_15 = vector.broadcast %mul3A_14 : i32 to vector<16xi32>
      %mul3A_16 = arith.muli %get3A_13, %mul3A_15 : vector<16xi32>
      %get3A_17 = arith.constant 0 : index
      %get3A_18 = tpu.vector_load %arg18[%get3A_17] {strides = array<i32>} : memref<128xi32, #tpu.memory_space<vmem>>, vector<16xi32>,
      %get3A_19 = vector.shape_cast %get3A_18 : vector<16xi32> to vector<16xi32>
      %mul3A_20 = arith.constant 200 : i32
      %mul3A_21 = vector.broadcast %mul3A_20 : i32 to vector<16xi32>
      %mul3A_22 = arith.muli %get3A_19, %mul3A_21 : vector<16xi32>
      %add3A_23 = arith.addi %mul3A_16, %mul3A_22 : vector<16xi32>
      %get3A_24 = arith.constant 0 : index
      %get3A_25 = tpu.vector_load %arg16[%get3A_24] {strides = array<i32>} : memref<128xi32, #tpu.memory_space<vmem>>, vector<16xi32>,
      %get3A_26 = vector.shape_cast %get3A_25 : vector<16xi32> to vector<16xi32>
      %add3A_27 = arith.addi %add3A_23, %get3A_26 : vector<16xi32>
      %swap3A = arith.constant 0 : index
      %swap3A_28 = tpu.vector_load %arg19[%swap3A] {strides = array<i32>} : memref<128xi32, #tpu.memory_space<vmem>>, vector<16xi32>,
      %swap3A_29 = vector.shape_cast %swap3A_28 : vector<16xi32> to vector<16xi32>
      %swap3A_30 = vector.shape_cast %add3A_27 : vector<16xi32> to vector<16xi32>
      tpu.vector_store %arg19[%swap3A], %swap3A_30 {strides = array<i32>} : memref<128xi32, #tpu.memory_space<vmem>>, vector<16xi32>,
      %get3A_31 = arith.constant 16 : index
      %get3A_32 = tpu.vector_load %arg17[%get3A_31] {strides = array<i32>} : memref<128xi32, #tpu.memory_space<vmem>>, vector<16xi32>,
      %get3A_33 = vector.shape_cast %get3A_32 : vector<16xi32> to vector<16xi32>
      %mul3A_34 = arith.constant 800 : i32
      %mul3A_35 = vector.broadcast %mul3A_34 : i32 to vector<16xi32>
      %mul3A_36 = arith.muli %get3A_33, %mul3A_35 : vector<16xi32>
      %get3A_37 = arith.constant 16 : index
      %get3A_38 = tpu.vector_load %arg18[%get3A_37] {strides = array<i32>} : memref<128xi32, #tpu.memory_space<vmem>>, vector<16xi32>,
      %get3A_39 = vector.shape_cast %get3A_38 : vector<16xi32> to vector<16xi32>
      %mul3A_40 = arith.constant 200 : i32
      %mul3A_41 = vector.broadcast %mul3A_40 : i32 to vector<16xi32>
      %mul3A_42 = arith.muli %get3A_39, %mul3A_41 : vector<16xi32>
      %add3A_43 = arith.addi %mul3A_36, %mul3A_42 : vector<16xi32>
      %get3A_44 = arith.constant 16 : index
      %get3A_45 = tpu.vector_load %arg16[%get3A_44] {strides = array<i32>} : memref<128xi32, #tpu.memory_space<vmem>>, vector<16xi32>,
      %get3A_46 = vector.shape_cast %get3A_45 : vector<16xi32> to vector<16xi32>
      %add3A_47 = arith.addi %add3A_43, %get3A_46 : vector<16xi32>
      %swap3A_48 = arith.constant 16 : index
      %swap3A_49 = tpu.vector_load %arg19[%swap3A_48] {strides = array<i32>} : memref<128xi32, #tpu.memory_space<vmem>>, vector<16xi32>,
      %swap3A_50 = vector.shape_cast %swap3A_49 : vector<16xi32> to vector<16xi32>
      %swap3A_51 = vector.shape_cast %add3A_47 : vector<16xi32> to vector<16xi32>
      tpu.vector_store %arg19[%swap3A_48], %swap3A_51 {strides = array<i32>} : memref<128xi32, #tpu.memory_space<vmem>>, vector<16xi32>,
      %get3A_52 = arith.constant 32 : index
      %get3A_53 = tpu.vector_load %arg17[%get3A_52] {strides = array<i32>} : memref<128xi32, #tpu.memory_space<vmem>>, vector<16xi32>,
      %get3A_54 = vector.shape_cast %get3A_53 : vector<16xi32> to vector<16xi32>
      %mul3A_55 = arith.constant 800 : i32
      %mul3A_56 = vector.broadcast %mul3A_55 : i32 to vector<16xi32>
      %mul3A_57 = arith.muli %get3A_54, %mul3A_56 : vector<16xi32>
      %get3A_58 = arith.constant 32 : index
      %get3A_59 = tpu.vector_load %arg18[%get3A_58] {strides = array<i32>} : memref<128xi32, #tpu.memory_space<vmem>>, vector<16xi32>,
      %get3A_60 = vector.shape_cast %get3A_59 : vector<16xi32> to vector<16xi32>
      %mul3A_61 = arith.constant 200 : i32
      %mul3A_62 = vector.broadcast %mul3A_61 : i32 to vector<16xi32>
      %mul3A_63 = arith.muli %get3A_60, %mul3A_62 : vector<16xi32>
      %add3A_64 = arith.addi %mul3A_57, %mul3A_63 : vector<16xi32>
      %get3A_65 = arith.constant 32 : index
      %get3A_66 = tpu.vector_load %arg16[%get3A_65] {strides = array<i32>} : memref<128xi32, #tpu.memory_space<vmem>>, vector<16xi32>,
      %get3A_67 = vector.shape_cast %get3A_66 : vector<16xi32> to vector<16xi32>
      %add3A_68 = arith.addi %add3A_64, %get3A_67 : vector<16xi32>
      %swap3A_69 = arith.constant 32 : index
      %swap3A_70 = tpu.vector_load %arg19[%swap3A_69] {strides = array<i32>} : memref<128xi32, #tpu.memory_space<vmem>>, vector<16xi32>,
      %swap3A_71 = vector.shape_cast %swap3A_70 : vector<16xi32> to vector<16xi32>
      %swap3A_72 = vector.shape_cast %add3A_68 : vector<16xi32> to vector<16xi32>
      tpu.vector_store %arg19[%swap3A_69], %swap3A_72 {strides = array<i32>} : memref<128xi32, #tpu.memory_space<vmem>>, vector<16xi32>,
      %get3A_73 = arith.constant 48 : index
      %get3A_74 = tpu.vector_load %arg17[%get3A_73] {strides = array<i32>} : memref<128xi32, #tpu.memory_space<vmem>>, vector<16xi32>,
      %get3A_75 = vector.shape_cast %get3A_74 : vector<16xi32> to vector<16xi32>
      %mul3A_76 = arith.constant 800 : i32
      %mul3A_77 = vector.broadcast %mul3A_76 : i32 to vector<16xi32>
      %mul3A_78 = arith.muli %get3A_75, %mul3A_77 : vector<16xi32>
      %get3A_79 = arith.constant 48 : index
      %get3A_80 = tpu.vector_load %arg18[%get3A_79] {strides = array<i32>} : memref<128xi32, #tpu.memory_space<vmem>>, vector<16xi32>,
      %get3A_81 = vector.shape_cast %get3A_80 : vector<16xi32> to vector<16xi32>
      %mul3A_82 = arith.constant 200 : i32
      %mul3A_83 = vector.broadcast %mul3A_82 : i32 to vector<16xi32>
      %mul3A_84 = arith.muli %get3A_81, %mul3A_83 : vector<16xi32>
      %add3A_85 = arith.addi %mul3A_78, %mul3A_84 : vector<16xi32>
      %get3A_86 = arith.constant 48 : index
      %get3A_87 = tpu.vector_load %arg16[%get3A_86] {strides = array<i32>} : memref<128xi32, #tpu.memory_space<vmem>>, vector<16xi32>,
      %get3A_88 = vector.shape_cast %get3A_87 : vector<16xi32> to vector<16xi32>
      %add3A_89 = arith.addi %add3A_85, %get3A_88 : vector<16xi32>
      %swap3A_90 = arith.constant 48 : index
      %swap3A_91 = tpu.vector_load %arg19[%swap3A_90] {strides = array<i32>} : memref<128xi32, #tpu.memory_space<vmem>>, vector<16xi32>,
      %swap3A_92 = vector.shape_cast %swap3A_91 : vector<16xi32> to vector<16xi32>
      %swap3A_93 = vector.shape_cast %add3A_89 : vector<16xi32> to vector<16xi32>
      tpu.vector_store %arg19[%swap3A_90], %swap3A_93 {strides = array<i32>} : memref<128xi32, #tpu.memory_space<vmem>>, vector<16xi32>,
      %get3A_94 = arith.constant 64 : index
      %get3A_95 = tpu.vector_load %arg17[%get3A_94] {strides = array<i32>} : memref<128xi32, #tpu.memory_space<vmem>>, vector<16xi32>,
      %get3A_96 = vector.shape_cast %get3A_95 : vector<16xi32> to vector<16xi32>
      %mul3A_97 = arith.constant 800 : i32
      %mul3A_98 = vector.broadcast %mul3A_97 : i32 to vector<16xi32>
      %mul3A_99 = arith.muli %get3A_96, %mul3A_98 : vector<16xi32>
      %get3A_100 = arith.constant 64 : index
      %get3A_101 = tpu.vector_load %arg18[%get3A_100] {strides = array<i32>} : memref<128xi32, #tpu.memory_space<vmem>>, vector<16xi32>,
      %get3A_102 = vector.shape_cast %get3A_101 : vector<16xi32> to vector<16xi32>
      %mul3A_103 = arith.constant 200 : i32
      %mul3A_104 = vector.broadcast %mul3A_103 : i32 to vector<16xi32>
      %mul3A_105 = arith.muli %get3A_102, %mul3A_104 : vector<16xi32>
      %add3A_106 = arith.addi %mul3A_99, %mul3A_105 : vector<16xi32>
      %get3A_107 = arith.constant 64 : index
      %get3A_108 = tpu.vector_load %arg16[%get3A_107] {strides = array<i32>} : memref<128xi32, #tpu.memory_space<vmem>>, vector<16xi32>,
      %get3A_109 = vector.shape_cast %get3A_108 : vector<16xi32> to vector<16xi32>
      %add3A_110 = arith.addi %add3A_106, %get3A_109 : vector<16xi32>
      %swap3A_111 = arith.constant 64 : index
      %swap3A_112 = tpu.vector_load %arg19[%swap3A_111] {strides = array<i32>} : memref<128xi32, #tpu.memory_space<vmem>>, vector<16xi32>,
      %swap3A_113 = vector.shape_cast %swap3A_112 : vector<16xi32> to vector<16xi32>
      %swap3A_114 = vector.shape_cast %add3A_110 : vector<16xi32> to vector<16xi32>
      tpu.vector_store %arg19[%swap3A_111], %swap3A_114 {strides = array<i32>} : memref<128xi32, #tpu.memory_space<vmem>>, vector<16xi32>,
      %get3A_115 = arith.constant 80 : index
      %get3A_116 = tpu.vector_load %arg17[%get3A_115] {strides = array<i32>} : memref<128xi32, #tpu.memory_space<vmem>>, vector<16xi32>,
      %get3A_117 = vector.shape_cast %get3A_116 : vector<16xi32> to vector<16xi32>
      %mul3A_118 = arith.constant 800 : i32
      %mul3A_119 = vector.broadcast %mul3A_118 : i32 to vector<16xi32>
      %mul3A_120 = arith.muli %get3A_117, %mul3A_119 : vector<16xi32>
      %get3A_121 = arith.constant 80 : index
      %get3A_122 = tpu.vector_load %arg18[%get3A_121] {strides = array<i32>} : memref<128xi32, #tpu.memory_space<vmem>>, vector<16xi32>,
      %get3A_123 = vector.shape_cast %get3A_122 : vector<16xi32> to vector<16xi32>
      %mul3A_124 = arith.constant 200 : i32
      %mul3A_125 = vector.broadcast %mul3A_124 : i32 to vector<16xi32>
      %mul3A_126 = arith.muli %get3A_123, %mul3A_125 : vector<16xi32>
      %add3A_127 = arith.addi %mul3A_120, %mul3A_126 : vector<16xi32>
      %get3A_128 = arith.constant 80 : index
      %get3A_129 = tpu.vector_load %arg16[%get3A_128] {strides = array<i32>} : memref<128xi32, #tpu.memory_space<vmem>>, vector<16xi32>,
      %get3A_130 = vector.shape_cast %get3A_129 : vector<16xi32> to vector<16xi32>
      %add3A_131 = arith.addi %add3A_127, %get3A_130 : vector<16xi32>
      %swap3A_132 = arith.constant 80 : index
      %swap3A_133 = tpu.vector_load %arg19[%swap3A_132] {strides = array<i32>} : memref<128xi32, #tpu.memory_space<vmem>>, vector<16xi32>,
      %swap3A_134 = vector.shape_cast %swap3A_133 : vector<16xi32> to vector<16xi32>
      %swap3A_135 = vector.shape_cast %add3A_131 : vector<16xi32> to vector<16xi32>
      tpu.vector_store %arg19[%swap3A_132], %swap3A_135 {strides = array<i32>} : memref<128xi32, #tpu.memory_space<vmem>>, vector<16xi32>,
      %get3A_136 = arith.constant 96 : index
      %get3A_137 = tpu.vector_load %arg17[%get3A_136] {strides = array<i32>} : memref<128xi32, #tpu.memory_space<vmem>>, vector<16xi32>,
      %get3A_138 = vector.shape_cast %get3A_137 : vector<16xi32> to vector<16xi32>
      %mul3A_139 = arith.constant 800 : i32
      %mul3A_140 = vector.broadcast %mul3A_139 : i32 to vector<16xi32>
      %mul3A_141 = arith.muli %get3A_138, %mul3A_140 : vector<16xi32>
      %get3A_142 = arith.constant 96 : index
      %get3A_143 = tpu.vector_load %arg18[%get3A_142] {strides = array<i32>} : memref<128xi32, #tpu.memory_space<vmem>>, vector<16xi32>,
      %get3A_144 = vector.shape_cast %get3A_143 : vector<16xi32> to vector<16xi32>
      %mul3A_145 = arith.constant 200 : i32
      %mul3A_146 = vector.broadcast %mul3A_145 : i32 to vector<16xi32>
      %mul3A_147 = arith.muli %get3A_144, %mul3A_146 : vector<16xi32>
      %add3A_148 = arith.addi %mul3A_141, %mul3A_147 : vector<16xi32>
      %get3A_149 = arith.constant 96 : index
      %get3A_150 = tpu.vector_load %arg16[%get3A_149] {strides = array<i32>} : memref<128xi32, #tpu.memory_space<vmem>>, vector<16xi32>,
      %get3A_151 = vector.shape_cast %get3A_150 : vector<16xi32> to vector<16xi32>
      %add3A_152 = arith.addi %add3A_148, %get3A_151 : vector<16xi32>
      %swap3A_153 = arith.constant 96 : index
      %swap3A_154 = tpu.vector_load %arg19[%swap3A_153] {strides = array<i32>} : memref<128xi32, #tpu.memory_space<vmem>>, vector<16xi32>,
      %swap3A_155 = vector.shape_cast %swap3A_154 : vector<16xi32> to vector<16xi32>
      %swap3A_156 = vector.shape_cast %add3A_152 : vector<16xi32> to vector<16xi32>
      tpu.vector_store %arg19[%swap3A_153], %swap3A_156 {strides = array<i32>} : memref<128xi32, #tpu.memory_space<vmem>>, vector<16xi32>,
      %get3A_157 = arith.constant 112 : index
      %get3A_158 = tpu.vector_load %arg17[%get3A_157] {strides = array<i32>} : memref<128xi32, #tpu.memory_space<vmem>>, vector<16xi32>,
      %get3A_159 = vector.shape_cast %get3A_158 : vector<16xi32> to vector<16xi32>
      %mul3A_160 = arith.constant 800 : i32
      %mul3A_161 = vector.broadcast %mul3A_160 : i32 to vector<16xi32>
      %mul3A_162 = arith.muli %get3A_159, %mul3A_161 : vector<16xi32>
      %get3A_163 = arith.constant 112 : index
      %get3A_164 = tpu.vector_load %arg18[%get3A_163] {strides = array<i32>} : memref<128xi32, #tpu.memory_space<vmem>>, vector<16xi32>,
      %get3A_165 = vector.shape_cast %get3A_164 : vector<16xi32> to vector<16xi32>
      %mul3A_166 = arith.constant 200 : i32
      %mul3A_167 = vector.broadcast %mul3A_166 : i32 to vector<16xi32>
      %mul3A_168 = arith.muli %get3A_165, %mul3A_167 : vector<16xi32>
      %add3A_169 = arith.addi %mul3A_162, %mul3A_168 : vector<16xi32>
      %get3A_170 = arith.constant 112 : index
      %get3A_171 = tpu.vector_load %arg16[%get3A_170] {strides = array<i32>} : memref<128xi32, #tpu.memory_space<vmem>>, vector<16xi32>,
      %get3A_172 = vector.shape_cast %get3A_171 : vector<16xi32> to vector<16xi32>
      %add3A_173 = arith.addi %add3A_169, %get3A_172 : vector<16xi32>
      %swap3A_174 = arith.constant 112 : index
      %swap3A_175 = tpu.vector_load %arg19[%swap3A_174] {strides = array<i32>} : memref<128xi32, #tpu.memory_space<vmem>>, vector<16xi32>,
      %swap3A_176 = vector.shape_cast %swap3A_175 : vector<16xi32> to vector<16xi32>
      %swap3A_177 = vector.shape_cast %add3A_173 : vector<16xi32> to vector<16xi32>
      tpu.vector_store %arg19[%swap3A_174], %swap3A_177 {strides = array<i32>} : memref<128xi32, #tpu.memory_space<vmem>>, vector<16xi32>,
      %dma_start3A = arith.constant 0 : i32
      %dma_start3A_178 = arith.constant 0 : i32
      %dma_start3A_179 = tpu.memref_slice %arg8[%dma_start3A, %dma_start3A_178] : memref<100000x128xf32, #tpu.memory_space<hbm>> -> memref<100000x128xf32, #tpu.memory_space<hbm>>
      tpu.enqueue_indirect_dma source(%dma_start3A_179 : memref<100000x128xf32, #tpu.memory_space<hbm>>) target(%arg20 : memref<128x128xf32, #tpu.memory_space<vmem>>) offsets(%arg13 : memref<128xi32, #tpu.memory_space<vmem>>) semaphore(%arg25 : memref<!tpu.dma_semaphore, #tpu.memory_space<semaphore_mem>>)
      %dma_start3A_180 = arith.constant 0 : i32
      %dma_start3A_181 = arith.constant 0 : i32
      %dma_start3A_182 = tpu.memref_slice %arg9[%dma_start3A_180, %dma_start3A_181] : memref<1000x128xf32, #tpu.memory_space<hbm>> -> memref<1000x128xf32, #tpu.memory_space<hbm>>
      tpu.enqueue_indirect_dma source(%dma_start3A_182 : memref<1000x128xf32, #tpu.memory_space<hbm>>) target(%arg21 : memref<128x128xf32, #tpu.memory_space<vmem>>) offsets(%arg14 : memref<128xi32, #tpu.memory_space<vmem>>) semaphore(%arg25 : memref<!tpu.dma_semaphore, #tpu.memory_space<semaphore_mem>>)
      %dma_start3A_183 = arith.constant 0 : i32
      %dma_start3A_184 = arith.constant 0 : i32
      %dma_start3A_185 = tpu.memref_slice %arg10[%dma_start3A_183, %dma_start3A_184] : memref<1000x128xf32, #tpu.memory_space<hbm>> -> memref<1000x128xf32, #tpu.memory_space<hbm>>
      tpu.enqueue_indirect_dma source(%dma_start3A_185 : memref<1000x128xf32, #tpu.memory_space<hbm>>) target(%arg22 : memref<128x128xf32, #tpu.memory_space<vmem>>) offsets(%arg15 : memref<128xi32, #tpu.memory_space<vmem>>) semaphore(%arg25 : memref<!tpu.dma_semaphore, #tpu.memory_space<semaphore_mem>>)
      %dma_start3A_186 = arith.constant 0 : i32
      %dma_start3A_187 = arith.constant 0 : i32
      %dma_start3A_188 = tpu.memref_slice %arg11[%dma_start3A_186, %dma_start3A_187] : memref<1600x128xf32, #tpu.memory_space<hbm>> -> memref<1600x128xf32, #tpu.memory_space<hbm>>
      tpu.enqueue_indirect_dma source(%dma_start3A_188 : memref<1600x128xf32, #tpu.memory_space<hbm>>) target(%arg23 : memref<128x128xf32, #tpu.memory_space<vmem>>) offsets(%arg19 : memref<128xi32, #tpu.memory_space<vmem>>) semaphore(%arg25 : memref<!tpu.dma_semaphore, #tpu.memory_space<semaphore_mem>>)
      %dma_wait3A = arith.constant 0 : i32
      %dma_wait3A_189 = arith.constant 0 : i32
      %dma_wait3A_190 = tpu.memref_slice %arg8[%dma_wait3A, %dma_wait3A_189] : memref<100000x128xf32, #tpu.memory_space<hbm>> -> memref<100000x128xf32, #tpu.memory_space<hbm>>
      tpu.wait_indirect_dma semaphore(%arg25 : memref<!tpu.dma_semaphore, #tpu.memory_space<semaphore_mem>>) src(%dma_wait3A_190 : memref<100000x128xf32, #tpu.memory_space<hbm>>) dst(%arg20 : memref<128x128xf32, #tpu.memory_space<vmem>>)
      %dma_wait3A_191 = arith.constant 0 : i32
      %dma_wait3A_192 = arith.constant 0 : i32
      %dma_wait3A_193 = tpu.memref_slice %arg9[%dma_wait3A_191, %dma_wait3A_192] : memref<1000x128xf32, #tpu.memory_space<hbm>> -> memref<1000x128xf32, #tpu.memory_space<hbm>>
      tpu.wait_indirect_dma semaphore(%arg25 : memref<!tpu.dma_semaphore, #tpu.memory_space<semaphore_mem>>) src(%dma_wait3A_193 : memref<1000x128xf32, #tpu.memory_space<hbm>>) dst(%arg21 : memref<128x128xf32, #tpu.memory_space<vmem>>)
      %dma_wait3A_194 = arith.constant 0 : i32
      %dma_wait3A_195 = arith.constant 0 : i32
      %dma_wait3A_196 = tpu.memref_slice %arg10[%dma_wait3A_194, %dma_wait3A_195] : memref<1000x128xf32, #tpu.memory_space<hbm>> -> memref<1000x128xf32, #tpu.memory_space<hbm>>
      tpu.wait_indirect_dma semaphore(%arg25 : memref<!tpu.dma_semaphore, #tpu.memory_space<semaphore_mem>>) src(%dma_wait3A_196 : memref<1000x128xf32, #tpu.memory_space<hbm>>) dst(%arg22 : memref<128x128xf32, #tpu.memory_space<vmem>>)
      %dma_wait3A_197 = arith.constant 0 : i32
      %dma_wait3A_198 = arith.constant 0 : i32
      %dma_wait3A_199 = tpu.memref_slice %arg11[%dma_wait3A_197, %dma_wait3A_198] : memref<1600x128xf32, #tpu.memory_space<hbm>> -> memref<1600x128xf32, #tpu.memory_space<hbm>>
      tpu.wait_indirect_dma semaphore(%arg25 : memref<!tpu.dma_semaphore, #tpu.memory_space<semaphore_mem>>) src(%dma_wait3A_199 : memref<1600x128xf32, #tpu.memory_space<hbm>>) dst(%arg23 : memref<128x128xf32, #tpu.memory_space<vmem>>)
      %get3A_200 = arith.constant 0 : i32
      %get3A_201 = arith.index_cast %get3A_200 : i32 to index
      %get3A_202 = arith.constant 0 : index
      %get3A_203 = tpu.vector_load %arg20[%get3A_201, %get3A_202] {strides = array<i32>} : memref<128x128xf32, #tpu.memory_space<vmem>>, vector<1x16xf32>,
      %get3A_204 = vector.shape_cast %get3A_203 : vector<1x16xf32> to vector<16xf32>
      %get3A_205 = arith.constant 0 : i32
      %get3A_206 = arith.index_cast %get3A_205 : i32 to index
      %get3A_207 = arith.constant 0 : index
      %get3A_208 = tpu.vector_load %arg21[%get3A_206, %get3A_207] {strides = array<i32>} : memref<128x128xf32, #tpu.memory_space<vmem>>, vector<1x16xf32>,
      %get3A_209 = vector.shape_cast %get3A_208 : vector<1x16xf32> to vector<16xf32>
      %add3A_210 = arith.addf %get3A_204, %get3A_209 : vector<16xf32>
      %get3A_211 = arith.constant 0 : i32
      %get3A_212 = arith.index_cast %get3A_211 : i32 to index
      %get3A_213 = arith.constant 0 : index
      %get3A_214 = tpu.vector_load %arg22[%get3A_212, %get3A_213] {strides = array<i32>} : memref<128x128xf32, #tpu.memory_space<vmem>>, vector<1x16xf32>,
      %get3A_215 = vector.shape_cast %get3A_214 : vector<1x16xf32> to vector<16xf32>
      %get3A_216 = arith.constant 0 : i32
      %get3A_217 = arith.index_cast %get3A_216 : i32 to index
      %get3A_218 = arith.constant 0 : index
      %get3A_219 = tpu.vector_load %arg23[%get3A_217, %get3A_218] {strides = array<i32>} : memref<128x128xf32, #tpu.memory_space<vmem>>, vector<1x16xf32>,
      %get3A_220 = vector.shape_cast %get3A_219 : vector<1x16xf32> to vector<16xf32>
      %add3A_221 = arith.addf %get3A_215, %get3A_220 : vector<16xf32>
      %add3A_222 = arith.addf %add3A_210, %add3A_221 : vector<16xf32>
      %swap3A_223 = arith.constant 0 : i32
      %swap3A_224 = arith.index_cast %swap3A_223 : i32 to index
      %swap3A_225 = arith.constant 0 : index
      %swap3A_226 = tpu.vector_load %arg24[%swap3A_224, %swap3A_225] {strides = array<i32>} : memref<128x16xf32, #tpu.memory_space<vmem>>, vector<1x16xf32>,
      %swap3A_227 = vector.shape_cast %swap3A_226 : vector<1x16xf32> to vector<16xf32>
      %swap3A_228 = vector.shape_cast %add3A_222 : vector<16xf32> to vector<1x16xf32>
      tpu.vector_store %arg24[%swap3A_224, %swap3A_225], %swap3A_228 {strides = array<i32>} : memref<128x16xf32, #tpu.memory_space<vmem>>, vector<1x16xf32>,
      %get3A_229 = arith.constant 1 : i32
      %get3A_230 = arith.index_cast %get3A_229 : i32 to index
      %get3A_231 = arith.constant 0 : index
      %get3A_232 = tpu.vector_load %arg20[%get3A_230, %get3A_231] {strides = array<i32>} : memref<128x128xf32, #tpu.memory_space<vmem>>, vector<1x16xf32>,
      %get3A_233 = vector.shape_cast %get3A_232 : vector<1x16xf32> to vector<16xf32>
      %get3A_234 = arith.constant 1 : i32
      %get3A_235 = arith.index_cast %get3A_234 : i32 to index
      %get3A_236 = arith.constant 0 : index
      %get3A_237 = tpu.vector_load %arg21[%get3A_235, %get3A_236] {strides = array<i32>} : memref<128x128xf32, #tpu.memory_space<vmem>>, vector<1x16xf32>,
      %get3A_238 = vector.shape_cast %get3A_237 : vector<1x16xf32> to vector<16xf32>
      %add3A_239 = arith.addf %get3A_233, %get3A_238 : vector<16xf32>
      %get3A_240 = arith.constant 1 : i32
      %get3A_241 = arith.index_cast %get3A_240 : i32 to index
      %get3A_242 = arith.constant 0 : index
      %get3A_243 = tpu.vector_load %arg22[%get3A_241, %get3A_242] {strides = array<i32>} : memref<128x128xf32, #tpu.memory_space<vmem>>, vector<1x16xf32>,
      %get3A_244 = vector.shape_cast %get3A_243 : vector<1x16xf32> to vector<16xf32>
      %get3A_245 = arith.constant 1 : i32
      %get3A_246 = arith.index_cast %get3A_245 : i32 to index
      %get3A_247 = arith.constant 0 : index
      %get3A_248 = tpu.vector_load %arg23[%get3A_246, %get3A_247] {strides = array<i32>} : memref<128x128xf32, #tpu.memory_space<vmem>>, vector<1x16xf32>,
      %get3A_249 = vector.shape_cast %get3A_248 : vector<1x16xf32> to vector<16xf32>
      %add3A_250 = arith.addf %get3A_244, %get3A_249 : vector<16xf32>
      %add3A_251 = arith.addf %add3A_239, %add3A_250 : vector<16xf32>
      %swap3A_252 = arith.constant 1 : i32
      %swap3A_253 = arith.index_cast %swap3A_252 : i32 to index
      %swap3A_254 = arith.constant 0 : index
      %swap3A_255 = tpu.vector_load %arg24[%swap3A_253, %swap3A_254] {strides = array<i32>} : memref<128x16xf32, #tpu.memory_space<vmem>>, vector<1x16xf32>,
      %swap3A_256 = vector.shape_cast %swap3A_255 : vector<1x16xf32> to vector<16xf32>
      %swap3A_257 = vector.shape_cast %add3A_251 : vector<16xf32> to vector<1x16xf32>
      tpu.vector_store %arg24[%swap3A_253, %swap3A_254], %swap3A_257 {strides = array<i32>} : memref<128x16xf32, #tpu.memory_space<vmem>>, vector<1x16xf32>,
      %get3A_258 = arith.constant 2 : i32
      %get3A_259 = arith.index_cast %get3A_258 : i32 to index
      %get3A_260 = arith.constant 0 : index
      %get3A_261 = tpu.vector_load %arg20[%get3A_259, %get3A_260] {strides = array<i32>} : memref<128x128xf32, #tpu.memory_space<vmem>>, vector<1x16xf32>,
      %get3A_262 = vector.shape_cast %get3A_261 : vector<1x16xf32> to vector<16xf32>
      %get3A_263 = arith.constant 2 : i32
      %get3A_264 = arith.index_cast %get3A_263 : i32 to index
      %get3A_265 = arith.constant 0 : index
      %get3A_266 = tpu.vector_load %arg21[%get3A_264, %get3A_265] {strides = array<i32>} : memref<128x128xf32, #tpu.memory_space<vmem>>, vector<1x16xf32>,
      %get3A_267 = vector.shape_cast %get3A_266 : vector<1x16xf32> to vector<16xf32>
      %add3A_268 = arith.addf %get3A_262, %get3A_267 : vector<16xf32>
      %get3A_269 = arith.constant 2 : i32
      %get3A_270 = arith.index_cast %get3A_269 : i32 to index
      %get3A_271 = arith.constant 0 : index
      %get3A_272 = tpu.vector_load %arg22[%get3A_270, %get3A_271] {strides = array<i32>} : memref<128x128xf32, #tpu.memory_space<vmem>>, vector<1x16xf32>,
      %get3A_273 = vector.shape_cast %get3A_272 : vector<1x16xf32> to vector<16xf32>
      %get3A_274 = arith.constant 2 : i32
      %get3A_275 = arith.index_cast %get3A_274 : i32 to index
      %get3A_276 = arith.constant 0 : index
      %get3A_277 = tpu.vector_load %arg23[%get3A_275, %get3A_276] {strides = array<i32>} : memref<128x128xf32, #tpu.memory_space<vmem>>, vector<1x16xf32>,
      %get3A_278 = vector.shape_cast %get3A_277 : vector<1x16xf32> to vector<16xf32>
      %add3A_279 = arith.addf %get3A_273, %get3A_278 : vector<16xf32>
      %add3A_280 = arith.addf %add3A_268, %add3A_279 : vector<16xf32>
      %swap3A_281 = arith.constant 2 : i32
      %swap3A_282 = arith.index_cast %swap3A_281 : i32 to index
      %swap3A_283 = arith.constant 0 : index
      %swap3A_284 = tpu.vector_load %arg24[%swap3A_282, %swap3A_283] {strides = array<i32>} : memref<128x16xf32, #tpu.memory_space<vmem>>, vector<1x16xf32>,
      %swap3A_285 = vector.shape_cast %swap3A_284 : vector<1x16xf32> to vector<16xf32>
      %swap3A_286 = vector.shape_cast %add3A_280 : vector<16xf32> to vector<1x16xf32>
      tpu.vector_store %arg24[%swap3A_282, %swap3A_283], %swap3A_286 {strides = array<i32>} : memref<128x16xf32, #tpu.memory_space<vmem>>, vector<1x16xf32>,
      %get3A_287 = arith.constant 3 : i32
      %get3A_288 = arith.index_cast %get3A_287 : i32 to index
      %get3A_289 = arith.constant 0 : index
      %get3A_290 = tpu.vector_load %arg20[%get3A_288, %get3A_289] {strides = array<i32>} : memref<128x128xf32, #tpu.memory_space<vmem>>, vector<1x16xf32>,
      %get3A_291 = vector.shape_cast %get3A_290 : vector<1x16xf32> to vector<16xf32>
      %get3A_292 = arith.constant 3 : i32
      %get3A_293 = arith.index_cast %get3A_292 : i32 to index
      %get3A_294 = arith.constant 0 : index
      %get3A_295 = tpu.vector_load %arg21[%get3A_293, %get3A_294] {strides = array<i32>} : memref<128x128xf32, #tpu.memory_space<vmem>>, vector<1x16xf32>,
      %get3A_296 = vector.shape_cast %get3A_295 : vector<1x16xf32> to vector<16xf32>
      %add3A_297 = arith.addf %get3A_291, %get3A_296 : vector<16xf32>
      %get3A_298 = arith.constant 3 : i32
      %get3A_299 = arith.index_cast %get3A_298 : i32 to index
      %get3A_300 = arith.constant 0 : index
      %get3A_301 = tpu.vector_load %arg22[%get3A_299, %get3A_300] {strides = array<i32>} : memref<128x128xf32, #tpu.memory_space<vmem>>, vector<1x16xf32>,
      %get3A_302 = vector.shape_cast %get3A_301 : vector<1x16xf32> to vector<16xf32>
      %get3A_303 = arith.constant 3 : i32
      %get3A_304 = arith.index_cast %get3A_303 : i32 to index
      %get3A_305 = arith.constant 0 : index
      %get3A_306 = tpu.vector_load %arg23[%get3A_304, %get3A_305] {strides = array<i32>} : memref<128x128xf32, #tpu.memory_space<vmem>>, vector<1x16xf32>,
      %get3A_307 = vector.shape_cast %get3A_306 : vector<1x16xf32> to vector<16xf32>
      %add3A_308 = arith.addf %get3A_302, %get3A_307 : vector<16xf32>
      %add3A_309 = arith.addf %add3A_297, %add3A_308 : vector<16xf32>
      %swap3A_310 = arith.constant 3 : i32
      %swap3A_311 = arith.index_cast %swap3A_310 : i32 to index
      %swap3A_312 = arith.constant 0 : index
      %swap3A_313 = tpu.vector_load %arg24[%swap3A_311, %swap3A_312] {strides = array<i32>} : memref<128x16xf32, #tpu.memory_space<vmem>>, vector<1x16xf32>,
      %swap3A_314 = vector.shape_cast %swap3A_313 : vector<1x16xf32> to vector<16xf32>
      %swap3A_315 = vector.shape_cast %add3A_309 : vector<16xf32> to vector<1x16xf32>
      tpu.vector_store %arg24[%swap3A_311, %swap3A_312], %swap3A_315 {strides = array<i32>} : memref<128x16xf32, #tpu.memory_space<vmem>>, vector<1x16xf32>,
      %get3A_316 = arith.constant 4 : i32
      %get3A_317 = arith.index_cast %get3A_316 : i32 to index
      %get3A_318 = arith.constant 0 : index
      %get3A_319 = tpu.vector_load %arg20[%get3A_317, %get3A_318] {strides = array<i32>} : memref<128x128xf32, #tpu.memory_space<vmem>>, vector<1x16xf32>,
      %get3A_320 = vector.shape_cast %get3A_319 : vector<1x16xf32> to vector<16xf32>
      %get3A_321 = arith.constant 4 : i32
      %get3A_322 = arith.index_cast %get3A_321 : i32 to index
      %get3A_323 = arith.constant 0 : index
      %get3A_324 = tpu.vector_load %arg21[%get3A_322, %get3A_323] {strides = array<i32>} : memref<128x128xf32, #tpu.memory_space<vmem>>, vector<1x16xf32>,
      %get3A_325 = vector.shape_cast %get3A_324 : vector<1x16xf32> to vector<16xf32>
      %add3A_326 = arith.addf %get3A_320, %get3A_325 : vector<16xf32>
      %get3A_327 = arith.constant 4 : i32
      %get3A_328 = arith.index_cast %get3A_327 : i32 to index
      %get3A_329 = arith.constant 0 : index
      %get3A_330 = tpu.vector_load %arg22[%get3A_328, %get3A_329] {strides = array<i32>} : memref<128x128xf32, #tpu.memory_space<vmem>>, vector<1x16xf32>,
      %get3A_331 = vector.shape_cast %get3A_330 : vector<1x16xf32> to vector<16xf32>
      %get3A_332 = arith.constant 4 : i32
      %get3A_333 = arith.index_cast %get3A_332 : i32 to index
      %get3A_334 = arith.constant 0 : index
      %get3A_335 = tpu.vector_load %arg23[%get3A_333, %get3A_334] {strides = array<i32>} : memref<128x128xf32, #tpu.memory_space<vmem>>, vector<1x16xf32>,
      %get3A_336 = vector.shape_cast %get3A_335 : vector<1x16xf32> to vector<16xf32>
      %add3A_337 = arith.addf %get3A_331, %get3A_336 : vector<16xf32>
      %add3A_338 = arith.addf %add3A_326, %add3A_337 : vector<16xf32>
      %swap3A_339 = arith.constant 4 : i32
      %swap3A_340 = arith.index_cast %swap3A_339 : i32 to index
      %swap3A_341 = arith.constant 0 : index
      %swap3A_342 = tpu.vector_load %arg24[%swap3A_340, %swap3A_341] {strides = array<i32>} : memref<128x16xf32, #tpu.memory_space<vmem>>, vector<1x16xf32>,
      %swap3A_343 = vector.shape_cast %swap3A_342 : vector<1x16xf32> to vector<16xf32>
      %swap3A_344 = vector.shape_cast %add3A_338 : vector<16xf32> to vector<1x16xf32>
      tpu.vector_store %arg24[%swap3A_340, %swap3A_341], %swap3A_344 {strides = array<i32>} : memref<128x16xf32, #tpu.memory_space<vmem>>, vector<1x16xf32>,
      %get3A_345 = arith.constant 5 : i32
      %get3A_346 = arith.index_cast %get3A_345 : i32 to index
      %get3A_347 = arith.constant 0 : index
      %get3A_348 = tpu.vector_load %arg20[%get3A_346, %get3A_347] {strides = array<i32>} : memref<128x128xf32, #tpu.memory_space<vmem>>, vector<1x16xf32>,
      %get3A_349 = vector.shape_cast %get3A_348 : vector<1x16xf32> to vector<16xf32>
      %get3A_350 = arith.constant 5 : i32
      %get3A_351 = arith.index_cast %get3A_350 : i32 to index
      %get3A_352 = arith.constant 0 : index
      %get3A_353 = tpu.vector_load %arg21[%get3A_351, %get3A_352] {strides = array<i32>} : memref<128x128xf32, #tpu.memory_space<vmem>>, vector<1x16xf32>,
      %get3A_354 = vector.shape_cast %get3A_353 : vector<1x16xf32> to vector<16xf32>
      %add3A_355 = arith.addf %get3A_349, %get3A_354 : vector<16xf32>
      %get3A_356 = arith.constant 5 : i32
      %get3A_357 = arith.index_cast %get3A_356 : i32 to index
      %get3A_358 = arith.constant 0 : index
      %get3A_359 = tpu.vector_load %arg22[%get3A_357, %get3A_358] {strides = array<i32>} : memref<128x128xf32, #tpu.memory_space<vmem>>, vector<1x16xf32>,
      %get3A_360 = vector.shape_cast %get3A_359 : vector<1x16xf32> to vector<16xf32>
      %get3A_361 = arith.constant 5 : i32
      %get3A_362 = arith.index_cast %get3A_361 : i32 to index
      %get3A_363 = arith.constant 0 : index
      %get3A_364 = tpu.vector_load %arg23[%get3A_362, %get3A_363] {strides = array<i32>} : memref<128x128xf32, #tpu.memory_space<vmem>>, vector<1x16xf32>,
      %get3A_365 = vector.shape_cast %get3A_364 : vector<1x16xf32> to vector<16xf32>
      %add3A_366 = arith.addf %get3A_360, %get3A_365 : vector<16xf32>
      %add3A_367 = arith.addf %add3A_355, %add3A_366 : vector<16xf32>
      %swap3A_368 = arith.constant 5 : i32
      %swap3A_369 = arith.index_cast %swap3A_368 : i32 to index
      %swap3A_370 = arith.constant 0 : index
      %swap3A_371 = tpu.vector_load %arg24[%swap3A_369, %swap3A_370] {strides = array<i32>} : memref<128x16xf32, #tpu.memory_space<vmem>>, vector<1x16xf32>,
      %swap3A_372 = vector.shape_cast %swap3A_371 : vector<1x16xf32> to vector<16xf32>
      %swap3A_373 = vector.shape_cast %add3A_367 : vector<16xf32> to vector<1x16xf32>
      tpu.vector_store %arg24[%swap3A_369, %swap3A_370], %swap3A_373 {strides = array<i32>} : memref<128x16xf32, #tpu.memory_space<vmem>>, vector<1x16xf32>,
      %get3A_374 = arith.constant 6 : i32
      %get3A_375 = arith.index_cast %get3A_374 : i32 to index
      %get3A_376 = arith.constant 0 : index
      %get3A_377 = tpu.vector_load %arg20[%get3A_375, %get3A_376] {strides = array<i32>} : memref<128x128xf32, #tpu.memory_space<vmem>>, vector<1x16xf32>,
      %get3A_378 = vector.shape_cast %get3A_377 : vector<1x16xf32> to vector<16xf32>
      %get3A_379 = arith.constant 6 : i32
      %get3A_380 = arith.index_cast %get3A_379 : i32 to index
      %get3A_381 = arith.constant 0 : index
      %get3A_382 = tpu.vector_load %arg21[%get3A_380, %get3A_381] {strides = array<i32>} : memref<128x128xf32, #tpu.memory_space<vmem>>, vector<1x16xf32>,
      %get3A_383 = vector.shape_cast %get3A_382 : vector<1x16xf32> to vector<16xf32>
      %add3A_384 = arith.addf %get3A_378, %get3A_383 : vector<16xf32>
      %get3A_385 = arith.constant 6 : i32
      %get3A_386 = arith.index_cast %get3A_385 : i32 to index
      %get3A_387 = arith.constant 0 : index
      %get3A_388 = tpu.vector_load %arg22[%get3A_386, %get3A_387] {strides = array<i32>} : memref<128x128xf32, #tpu.memory_space<vmem>>, vector<1x16xf32>,
      %get3A_389 = vector.shape_cast %get3A_388 : vector<1x16xf32> to vector<16xf32>
      %get3A_390 = arith.constant 6 : i32
      %get3A_391 = arith.index_cast %get3A_390 : i32 to index
      %get3A_392 = arith.constant 0 : index
      %get3A_393 = tpu.vector_load %arg23[%get3A_391, %get3A_392] {strides = array<i32>} : memref<128x128xf32, #tpu.memory_space<vmem>>, vector<1x16xf32>,
      %get3A_394 = vector.shape_cast %get3A_393 : vector<1x16xf32> to vector<16xf32>
      %add3A_395 = arith.addf %get3A_389, %get3A_394 : vector<16xf32>
      %add3A_396 = arith.addf %add3A_384, %add3A_395 : vector<16xf32>
      %swap3A_397 = arith.constant 6 : i32
      %swap3A_398 = arith.index_cast %swap3A_397 : i32 to index
      %swap3A_399 = arith.constant 0 : index
      %swap3A_400 = tpu.vector_load %arg24[%swap3A_398, %swap3A_399] {strides = array<i32>} : memref<128x16xf32, #tpu.memory_space<vmem>>, vector<1x16xf32>,
      %swap3A_401 = vector.shape_cast %swap3A_400 : vector<1x16xf32> to vector<16xf32>
      %swap3A_402 = vector.shape_cast %add3A_396 : vector<16xf32> to vector<1x16xf32>
      tpu.vector_store %arg24[%swap3A_398, %swap3A_399], %swap3A_402 {strides = array<i32>} : memref<128x16xf32, #tpu.memory_space<vmem>>, vector<1x16xf32>,
      %get3A_403 = arith.constant 7 : i32
      %get3A_404 = arith.index_cast %get3A_403 : i32 to index
      %get3A_405 = arith.constant 0 : index
      %get3A_406 = tpu.vector_load %arg20[%get3A_404, %get3A_405] {strides = array<i32>} : memref<128x128xf32, #tpu.memory_space<vmem>>, vector<1x16xf32>,
      %get3A_407 = vector.shape_cast %get3A_406 : vector<1x16xf32> to vector<16xf32>
      %get3A_408 = arith.constant 7 : i32
      %get3A_409 = arith.index_cast %get3A_408 : i32 to index
      %get3A_410 = arith.constant 0 : index
      %get3A_411 = tpu.vector_load %arg21[%get3A_409, %get3A_410] {strides = array<i32>} : memref<128x128xf32, #tpu.memory_space<vmem>>, vector<1x16xf32>,
      %get3A_412 = vector.shape_cast %get3A_411 : vector<1x16xf32> to vector<16xf32>
      %add3A_413 = arith.addf %get3A_407, %get3A_412 : vector<16xf32>
      %get3A_414 = arith.constant 7 : i32
      %get3A_415 = arith.index_cast %get3A_414 : i32 to index
      %get3A_416 = arith.constant 0 : index
      %get3A_417 = tpu.vector_load %arg22[%get3A_415, %get3A_416] {strides = array<i32>} : memref<128x128xf32, #tpu.memory_space<vmem>>, vector<1x16xf32>,
      %get3A_418 = vector.shape_cast %get3A_417 : vector<1x16xf32> to vector<16xf32>
      %get3A_419 = arith.constant 7 : i32
      %get3A_420 = arith.index_cast %get3A_419 : i32 to index
      %get3A_421 = arith.constant 0 : index
      %get3A_422 = tpu.vector_load %arg23[%get3A_420, %get3A_421] {strides = array<i32>} : memref<128x128xf32, #tpu.memory_space<vmem>>, vector<1x16xf32>,
      %get3A_423 = vector.shape_cast %get3A_422 : vector<1x16xf32> to vector<16xf32>
      %add3A_424 = arith.addf %get3A_418, %get3A_423 : vector<16xf32>
      %add3A_425 = arith.addf %add3A_413, %add3A_424 : vector<16xf32>
      %swap3A_426 = arith.constant 7 : i32
      %swap3A_427 = arith.index_cast %swap3A_426 : i32 to index
      %swap3A_428 = arith.constant 0 : index
      %swap3A_429 = tpu.vector_load %arg24[%swap3A_427, %swap3A_428] {strides = array<i32>} : memref<128x16xf32, #tpu.memory_space<vmem>>, vector<1x16xf32>,
      %swap3A_430 = vector.shape_cast %swap3A_429 : vector<1x16xf32> to vector<16xf32>
      %swap3A_431 = vector.shape_cast %add3A_425 : vector<16xf32> to vector<1x16xf32>
      tpu.vector_store %arg24[%swap3A_427, %swap3A_428], %swap3A_431 {strides = array<i32>} : memref<128x16xf32, #tpu.memory_space<vmem>>, vector<1x16xf32>,
      %get3A_432 = arith.constant 8 : i32
      %get3A_433 = arith.index_cast %get3A_432 : i32 to index
      %get3A_434 = arith.constant 0 : index
      %get3A_435 = tpu.vector_load %arg20[%get3A_433, %get3A_434] {strides = array<i32>} : memref<128x128xf32, #tpu.memory_space<vmem>>, vector<1x16xf32>,
      %get3A_436 = vector.shape_cast %get3A_435 : vector<1x16xf32> to vector<16xf32>
      %get3A_437 = arith.constant 8 : i32
      %get3A_438 = arith.index_cast %get3A_437 : i32 to index
      %get3A_439 = arith.constant 0 : index
      %get3A_440 = tpu.vector_load %arg21[%get3A_438, %get3A_439] {strides = array<i32>} : memref<128x128xf32, #tpu.memory_space<vmem>>, vector<1x16xf32>,
      %get3A_441 = vector.shape_cast %get3A_440 : vector<1x16xf32> to vector<16xf32>
      %add3A_442 = arith.addf %get3A_436, %get3A_441 : vector<16xf32>
      %get3A_443 = arith.constant 8 : i32
      %get3A_444 = arith.index_cast %get3A_443 : i32 to index
      %get3A_445 = arith.constant 0 : index
      %get3A_446 = tpu.vector_load %arg22[%get3A_444, %get3A_445] {strides = array<i32>} : memref<128x128xf32, #tpu.memory_space<vmem>>, vector<1x16xf32>,
      %get3A_447 = vector.shape_cast %get3A_446 : vector<1x16xf32> to vector<16xf32>
      %get3A_448 = arith.constant 8 : i32
      %get3A_449 = arith.index_cast %get3A_448 : i32 to index
      %get3A_450 = arith.constant 0 : index
      %get3A_451 = tpu.vector_load %arg23[%get3A_449, %get3A_450] {strides = array<i32>} : memref<128x128xf32, #tpu.memory_space<vmem>>, vector<1x16xf32>,
      %get3A_452 = vector.shape_cast %get3A_451 : vector<1x16xf32> to vector<16xf32>
      %add3A_453 = arith.addf %get3A_447, %get3A_452 : vector<16xf32>
      %add3A_454 = arith.addf %add3A_442, %add3A_453 : vector<16xf32>
      %swap3A_455 = arith.constant 8 : i32
      %swap3A_456 = arith.index_cast %swap3A_455 : i32 to index
      %swap3A_457 = arith.constant 0 : index
      %swap3A_458 = tpu.vector_load %arg24[%swap3A_456, %swap3A_457] {strides = array<i32>} : memref<128x16xf32, #tpu.memory_space<vmem>>, vector<1x16xf32>,
      %swap3A_459 = vector.shape_cast %swap3A_458 : vector<1x16xf32> to vector<16xf32>
      %swap3A_460 = vector.shape_cast %add3A_454 : vector<16xf32> to vector<1x16xf32>
      tpu.vector_store %arg24[%swap3A_456, %swap3A_457], %swap3A_460 {strides = array<i32>} : memref<128x16xf32, #tpu.memory_space<vmem>>, vector<1x16xf32>,
      %get3A_461 = arith.constant 9 : i32
      %get3A_462 = arith.index_cast %get3A_461 : i32 to index
      %get3A_463 = arith.constant 0 : index
      %get3A_464 = tpu.vector_load %arg20[%get3A_462, %get3A_463] {strides = array<i32>} : memref<128x128xf32, #tpu.memory_space<vmem>>, vector<1x16xf32>,
      %get3A_465 = vector.shape_cast %get3A_464 : vector<1x16xf32> to vector<16xf32>
      %get3A_466 = arith.constant 9 : i32
      %get3A_467 = arith.index_cast %get3A_466 : i32 to index
      %get3A_468 = arith.constant 0 : index
      %get3A_469 = tpu.vector_load %arg21[%get3A_467, %get3A_468] {strides = array<i32>} : memref<128x128xf32, #tpu.memory_space<vmem>>, vector<1x16xf32>,
      %get3A_470 = vector.shape_cast %get3A_469 : vector<1x16xf32> to vector<16xf32>
      %add3A_471 = arith.addf %get3A_465, %get3A_470 : vector<16xf32>
      %get3A_472 = arith.constant 9 : i32
      %get3A_473 = arith.index_cast %get3A_472 : i32 to index
      %get3A_474 = arith.constant 0 : index
      %get3A_475 = tpu.vector_load %arg22[%get3A_473, %get3A_474] {strides = array<i32>} : memref<128x128xf32, #tpu.memory_space<vmem>>, vector<1x16xf32>,
      %get3A_476 = vector.shape_cast %get3A_475 : vector<1x16xf32> to vector<16xf32>
      %get3A_477 = arith.constant 9 : i32
      %get3A_478 = arith.index_cast %get3A_477 : i32 to index
      %get3A_479 = arith.constant 0 : index
      %get3A_480 = tpu.vector_load %arg23[%get3A_478, %get3A_479] {strides = array<i32>} : memref<128x128xf32, #tpu.memory_space<vmem>>, vector<1x16xf32>,
      %get3A_481 = vector.shape_cast %get3A_480 : vector<1x16xf32> to vector<16xf32>
      %add3A_482 = arith.addf %get3A_476, %get3A_481 : vector<16xf32>
      %add3A_483 = arith.addf %add3A_471, %add3A_482 : vector<16xf32>
      %swap3A_484 = arith.constant 9 : i32
      %swap3A_485 = arith.index_cast %swap3A_484 : i32 to index
      %swap3A_486 = arith.constant 0 : index
      %swap3A_487 = tpu.vector_load %arg24[%swap3A_485, %swap3A_486] {strides = array<i32>} : memref<128x16xf32, #tpu.memory_space<vmem>>, vector<1x16xf32>,
      %swap3A_488 = vector.shape_cast %swap3A_487 : vector<1x16xf32> to vector<16xf32>
      %swap3A_489 = vector.shape_cast %add3A_483 : vector<16xf32> to vector<1x16xf32>
      tpu.vector_store %arg24[%swap3A_485, %swap3A_486], %swap3A_489 {strides = array<i32>} : memref<128x16xf32, #tpu.memory_space<vmem>>, vector<1x16xf32>,
      %get3A_490 = arith.constant 10 : i32
      %get3A_491 = arith.index_cast %get3A_490 : i32 to index
      %get3A_492 = arith.constant 0 : index
      %get3A_493 = tpu.vector_load %arg20[%get3A_491, %get3A_492] {strides = array<i32>} : memref<128x128xf32, #tpu.memory_space<vmem>>, vector<1x16xf32>,
      %get3A_494 = vector.shape_cast %get3A_493 : vector<1x16xf32> to vector<16xf32>
      %get3A_495 = arith.constant 10 : i32
      %get3A_496 = arith.index_cast %get3A_495 : i32 to index
      %get3A_497 = arith.constant 0 : index
      %get3A_498 = tpu.vector_load %arg21[%get3A_496, %get3A_497] {strides = array<i32>} : memref<128x128xf32, #tpu.memory_space<vmem>>, vector<1x16xf32>,
      %get3A_499 = vector.shape_cast %get3A_498 : vector<1x16xf32> to vector<16xf32>
      %add3A_500 = arith.addf %get3A_494, %get3A_499 : vector<16xf32>
      %get3A_501 = arith.constant 10 : i32
      %get3A_502 = arith.index_cast %get3A_501 : i32 to index
      %get3A_503 = arith.constant 0 : index
      %get3A_504 = tpu.vector_load %arg22[%get3A_502, %get3A_503] {strides = array<i32>} : memref<128x128xf32, #tpu.memory_space<vmem>>, vector<1x16xf32>,
      %get3A_505 = vector.shape_cast %get3A_504 : vector<1x16xf32> to vector<16xf32>
      %get3A_506 = arith.constant 10 : i32
      %get3A_507 = arith.index_cast %get3A_506 : i32 to index
      %get3A_508 = arith.constant 0 : index
      %get3A_509 = tpu.vector_load %arg23[%get3A_507, %get3A_508] {strides = array<i32>} : memref<128x128xf32, #tpu.memory_space<vmem>>, vector<1x16xf32>,
      %get3A_510 = vector.shape_cast %get3A_509 : vector<1x16xf32> to vector<16xf32>
      %add3A_511 = arith.addf %get3A_505, %get3A_510 : vector<16xf32>
      %add3A_512 = arith.addf %add3A_500, %add3A_511 : vector<16xf32>
      %swap3A_513 = arith.constant 10 : i32
      %swap3A_514 = arith.index_cast %swap3A_513 : i32 to index
      %swap3A_515 = arith.constant 0 : index
      %swap3A_516 = tpu.vector_load %arg24[%swap3A_514, %swap3A_515] {strides = array<i32>} : memref<128x16xf32, #tpu.memory_space<vmem>>, vector<1x16xf32>,
      %swap3A_517 = vector.shape_cast %swap3A_516 : vector<1x16xf32> to vector<16xf32>
      %swap3A_518 = vector.shape_cast %add3A_512 : vector<16xf32> to vector<1x16xf32>
      tpu.vector_store %arg24[%swap3A_514, %swap3A_515], %swap3A_518 {strides = array<i32>} : memref<128x16xf32, #tpu.memory_space<vmem>>, vector<1x16xf32>,
      %get3A_519 = arith.constant 11 : i32
      %get3A_520 = arith.index_cast %get3A_519 : i32 to index
      %get3A_521 = arith.constant 0 : index
      %get3A_522 = tpu.vector_load %arg20[%get3A_520, %get3A_521] {strides = array<i32>} : memref<128x128xf32, #tpu.memory_space<vmem>>, vector<1x16xf32>,
      %get3A_523 = vector.shape_cast %get3A_522 : vector<1x16xf32> to vector<16xf32>
      %get3A_524 = arith.constant 11 : i32
      %get3A_525 = arith.index_cast %get3A_524 : i32 to index
      %get3A_526 = arith.constant 0 : index
      %get3A_527 = tpu.vector_load %arg21[%get3A_525, %get3A_526] {strides = array<i32>} : memref<128x128xf32, #tpu.memory_space<vmem>>, vector<1x16xf32>,
      %get3A_528 = vector.shape_cast %get3A_527 : vector<1x16xf32> to vector<16xf32>
      %add3A_529 = arith.addf %get3A_523, %get3A_528 : vector<16xf32>
      %get3A_530 = arith.constant 11 : i32
      %get3A_531 = arith.index_cast %get3A_530 : i32 to index
      %get3A_532 = arith.constant 0 : index
      %get3A_533 = tpu.vector_load %arg22[%get3A_531, %get3A_532] {strides = array<i32>} : memref<128x128xf32, #tpu.memory_space<vmem>>, vector<1x16xf32>,
      %get3A_534 = vector.shape_cast %get3A_533 : vector<1x16xf32> to vector<16xf32>
      %get3A_535 = arith.constant 11 : i32
      %get3A_536 = arith.index_cast %get3A_535 : i32 to index
      %get3A_537 = arith.constant 0 : index
      %get3A_538 = tpu.vector_load %arg23[%get3A_536, %get3A_537] {strides = array<i32>} : memref<128x128xf32, #tpu.memory_space<vmem>>, vector<1x16xf32>,
      %get3A_539 = vector.shape_cast %get3A_538 : vector<1x16xf32> to vector<16xf32>
      %add3A_540 = arith.addf %get3A_534, %get3A_539 : vector<16xf32>
      %add3A_541 = arith.addf %add3A_529, %add3A_540 : vector<16xf32>
      %swap3A_542 = arith.constant 11 : i32
      %swap3A_543 = arith.index_cast %swap3A_542 : i32 to index
      %swap3A_544 = arith.constant 0 : index
      %swap3A_545 = tpu.vector_load %arg24[%swap3A_543, %swap3A_544] {strides = array<i32>} : memref<128x16xf32, #tpu.memory_space<vmem>>, vector<1x16xf32>,
      %swap3A_546 = vector.shape_cast %swap3A_545 : vector<1x16xf32> to vector<16xf32>
      %swap3A_547 = vector.shape_cast %add3A_541 : vector<16xf32> to vector<1x16xf32>
      tpu.vector_store %arg24[%swap3A_543, %swap3A_544], %swap3A_547 {strides = array<i32>} : memref<128x16xf32, #tpu.memory_space<vmem>>, vector<1x16xf32>,
      %get3A_548 = arith.constant 12 : i32
      %get3A_549 = arith.index_cast %get3A_548 : i32 to index
      %get3A_550 = arith.constant 0 : index
      %get3A_551 = tpu.vector_load %arg20[%get3A_549, %get3A_550] {strides = array<i32>} : memref<128x128xf32, #tpu.memory_space<vmem>>, vector<1x16xf32>,
      %get3A_552 = vector.shape_cast %get3A_551 : vector<1x16xf32> to vector<16xf32>
      %get3A_553 = arith.constant 12 : i32
      %get3A_554 = arith.index_cast %get3A_553 : i32 to index
      %get3A_555 = arith.constant 0 : index
      %get3A_556 = tpu.vector_load %arg21[%get3A_554, %get3A_555] {strides = array<i32>} : memref<128x128xf32, #tpu.memory_space<vmem>>, vector<1x16xf32>,
      %get3A_557 = vector.shape_cast %get3A_556 : vector<1x16xf32> to vector<16xf32>
      %add3A_558 = arith.addf %get3A_552, %get3A_557 : vector<16xf32>
      %get3A_559 = arith.constant 12 : i32
      %get3A_560 = arith.index_cast %get3A_559 : i32 to index
      %get3A_561 = arith.constant 0 : index
      %get3A_562 = tpu.vector_load %arg22[%get3A_560, %get3A_561] {strides = array<i32>} : memref<128x128xf32, #tpu.memory_space<vmem>>, vector<1x16xf32>,
      %get3A_563 = vector.shape_cast %get3A_562 : vector<1x16xf32> to vector<16xf32>
      %get3A_564 = arith.constant 12 : i32
      %get3A_565 = arith.index_cast %get3A_564 : i32 to index
      %get3A_566 = arith.constant 0 : index
      %get3A_567 = tpu.vector_load %arg23[%get3A_565, %get3A_566] {strides = array<i32>} : memref<128x128xf32, #tpu.memory_space<vmem>>, vector<1x16xf32>,
      %get3A_568 = vector.shape_cast %get3A_567 : vector<1x16xf32> to vector<16xf32>
      %add3A_569 = arith.addf %get3A_563, %get3A_568 : vector<16xf32>
      %add3A_570 = arith.addf %add3A_558, %add3A_569 : vector<16xf32>
      %swap3A_571 = arith.constant 12 : i32
      %swap3A_572 = arith.index_cast %swap3A_571 : i32 to index
      %swap3A_573 = arith.constant 0 : index
      %swap3A_574 = tpu.vector_load %arg24[%swap3A_572, %swap3A_573] {strides = array<i32>} : memref<128x16xf32, #tpu.memory_space<vmem>>, vector<1x16xf32>,
      %swap3A_575 = vector.shape_cast %swap3A_574 : vector<1x16xf32> to vector<16xf32>
      %swap3A_576 = vector.shape_cast %add3A_570 : vector<16xf32> to vector<1x16xf32>
      tpu.vector_store %arg24[%swap3A_572, %swap3A_573], %swap3A_576 {strides = array<i32>} : memref<128x16xf32, #tpu.memory_space<vmem>>, vector<1x16xf32>,
      %get3A_577 = arith.constant 13 : i32
      %get3A_578 = arith.index_cast %get3A_577 : i32 to index
      %get3A_579 = arith.constant 0 : index
      %get3A_580 = tpu.vector_load %arg20[%get3A_578, %get3A_579] {strides = array<i32>} : memref<128x128xf32, #tpu.memory_space<vmem>>, vector<1x16xf32>,
      %get3A_581 = vector.shape_cast %get3A_580 : vector<1x16xf32> to vector<16xf32>
      %get3A_582 = arith.constant 13 : i32
      %get3A_583 = arith.index_cast %get3A_582 : i32 to index
      %get3A_584 = arith.constant 0 : index
      %get3A_585 = tpu.vector_load %arg21[%get3A_583, %get3A_584] {strides = array<i32>} : memref<128x128xf32, #tpu.memory_space<vmem>>, vector<1x16xf32>,
      %get3A_586 = vector.shape_cast %get3A_585 : vector<1x16xf32> to vector<16xf32>
      %add3A_587 = arith.addf %get3A_581, %get3A_586 : vector<16xf32>
      %get3A_588 = arith.constant 13 : i32
      %get3A_589 = arith.index_cast %get3A_588 : i32 to index
      %get3A_590 = arith.constant 0 : index
      %get3A_591 = tpu.vector_load %arg22[%get3A_589, %get3A_590] {strides = array<i32>} : memref<128x128xf32, #tpu.memory_space<vmem>>, vector<1x16xf32>,
      %get3A_592 = vector.shape_cast %get3A_591 : vector<1x16xf32> to vector<16xf32>
      %get3A_593 = arith.constant 13 : i32
      %get3A_594 = arith.index_cast %get3A_593 : i32 to index
      %get3A_595 = arith.constant 0 : index
      %get3A_596 = tpu.vector_load %arg23[%get3A_594, %get3A_595] {strides = array<i32>} : memref<128x128xf32, #tpu.memory_space<vmem>>, vector<1x16xf32>,
      %get3A_597 = vector.shape_cast %get3A_596 : vector<1x16xf32> to vector<16xf32>
      %add3A_598 = arith.addf %get3A_592, %get3A_597 : vector<16xf32>
      %add3A_599 = arith.addf %add3A_587, %add3A_598 : vector<16xf32>
      %swap3A_600 = arith.constant 13 : i32
      %swap3A_601 = arith.index_cast %swap3A_600 : i32 to index
      %swap3A_602 = arith.constant 0 : index
      %swap3A_603 = tpu.vector_load %arg24[%swap3A_601, %swap3A_602] {strides = array<i32>} : memref<128x16xf32, #tpu.memory_space<vmem>>, vector<1x16xf32>,
      %swap3A_604 = vector.shape_cast %swap3A_603 : vector<1x16xf32> to vector<16xf32>
      %swap3A_605 = vector.shape_cast %add3A_599 : vector<16xf32> to vector<1x16xf32>
      tpu.vector_store %arg24[%swap3A_601, %swap3A_602], %swap3A_605 {strides = array<i32>} : memref<128x16xf32, #tpu.memory_space<vmem>>, vector<1x16xf32>,
      %get3A_606 = arith.constant 14 : i32
      %get3A_607 = arith.index_cast %get3A_606 : i32 to index
      %get3A_608 = arith.constant 0 : index
      %get3A_609 = tpu.vector_load %arg20[%get3A_607, %get3A_608] {strides = array<i32>} : memref<128x128xf32, #tpu.memory_space<vmem>>, vector<1x16xf32>,
      %get3A_610 = vector.shape_cast %get3A_609 : vector<1x16xf32> to vector<16xf32>
      %get3A_611 = arith.constant 14 : i32
      %get3A_612 = arith.index_cast %get3A_611 : i32 to index
      %get3A_613 = arith.constant 0 : index
      %get3A_614 = tpu.vector_load %arg21[%get3A_612, %get3A_613] {strides = array<i32>} : memref<128x128xf32, #tpu.memory_space<vmem>>, vector<1x16xf32>,
      %get3A_615 = vector.shape_cast %get3A_614 : vector<1x16xf32> to vector<16xf32>
      %add3A_616 = arith.addf %get3A_610, %get3A_615 : vector<16xf32>
      %get3A_617 = arith.constant 14 : i32
      %get3A_618 = arith.index_cast %get3A_617 : i32 to index
      %get3A_619 = arith.constant 0 : index
      %get3A_620 = tpu.vector_load %arg22[%get3A_618, %get3A_619] {strides = array<i32>} : memref<128x128xf32, #tpu.memory_space<vmem>>, vector<1x16xf32>,
      %get3A_621 = vector.shape_cast %get3A_620 : vector<1x16xf32> to vector<16xf32>
      %get3A_622 = arith.constant 14 : i32
      %get3A_623 = arith.index_cast %get3A_622 : i32 to index
      %get3A_624 = arith.constant 0 : index
      %get3A_625 = tpu.vector_load %arg23[%get3A_623, %get3A_624] {strides = array<i32>} : memref<128x128xf32, #tpu.memory_space<vmem>>, vector<1x16xf32>,
      %get3A_626 = vector.shape_cast %get3A_625 : vector<1x16xf32> to vector<16xf32>
      %add3A_627 = arith.addf %get3A_621, %get3A_626 : vector<16xf32>
      %add3A_628 = arith.addf %add3A_616, %add3A_627 : vector<16xf32>
      %swap3A_629 = arith.constant 14 : i32
      %swap3A_630 = arith.index_cast %swap3A_629 : i32 to index
      %swap3A_631 = arith.constant 0 : index
      %swap3A_632 = tpu.vector_load %arg24[%swap3A_630, %swap3A_631] {strides = array<i32>} : memref<128x16xf32, #tpu.memory_space<vmem>>, vector<1x16xf32>,
      %swap3A_633 = vector.shape_cast %swap3A_632 : vector<1x16xf32> to vector<16xf32>
      %swap3A_634 = vector.shape_cast %add3A_628 : vector<16xf32> to vector<1x16xf32>
      tpu.vector_store %arg24[%swap3A_630, %swap3A_631], %swap3A_634 {strides = array<i32>} : memref<128x16xf32, #tpu.memory_space<vmem>>, vector<1x16xf32>,
      %get3A_635 = arith.constant 15 : i32
      %get3A_636 = arith.index_cast %get3A_635 : i32 to index
      %get3A_637 = arith.constant 0 : index
      %get3A_638 = tpu.vector_load %arg20[%get3A_636, %get3A_637] {strides = array<i32>} : memref<128x128xf32, #tpu.memory_space<vmem>>, vector<1x16xf32>,
      %get3A_639 = vector.shape_cast %get3A_638 : vector<1x16xf32> to vector<16xf32>
      %get3A_640 = arith.constant 15 : i32
      %get3A_641 = arith.index_cast %get3A_640 : i32 to index
      %get3A_642 = arith.constant 0 : index
      %get3A_643 = tpu.vector_load %arg21[%get3A_641, %get3A_642] {strides = array<i32>} : memref<128x128xf32, #tpu.memory_space<vmem>>, vector<1x16xf32>,
      %get3A_644 = vector.shape_cast %get3A_643 : vector<1x16xf32> to vector<16xf32>
      %add3A_645 = arith.addf %get3A_639, %get3A_644 : vector<16xf32>
      %get3A_646 = arith.constant 15 : i32
      %get3A_647 = arith.index_cast %get3A_646 : i32 to index
      %get3A_648 = arith.constant 0 : index
      %get3A_649 = tpu.vector_load %arg22[%get3A_647, %get3A_648] {strides = array<i32>} : memref<128x128xf32, #tpu.memory_space<vmem>>, vector<1x16xf32>,
      %get3A_650 = vector.shape_cast %get3A_649 : vector<1x16xf32> to vector<16xf32>
      %get3A_651 = arith.constant 15 : i32
      %get3A_652 = arith.index_cast %get3A_651 : i32 to index
      %get3A_653 = arith.constant 0 : index
      %get3A_654 = tpu.vector_load %arg23[%get3A_652, %get3A_653] {strides = array<i32>} : memref<128x128xf32, #tpu.memory_space<vmem>>, vector<1x16xf32>,
      %get3A_655 = vector.shape_cast %get3A_654 : vector<1x16xf32> to vector<16xf32>
      %add3A_656 = arith.addf %get3A_650, %get3A_655 : vector<16xf32>
      %add3A_657 = arith.addf %add3A_645, %add3A_656 : vector<16xf32>
      %swap3A_658 = arith.constant 15 : i32
      %swap3A_659 = arith.index_cast %swap3A_658 : i32 to index
      %swap3A_660 = arith.constant 0 : index
      %swap3A_661 = tpu.vector_load %arg24[%swap3A_659, %swap3A_660] {strides = array<i32>} : memref<128x16xf32, #tpu.memory_space<vmem>>, vector<1x16xf32>,
      %swap3A_662 = vector.shape_cast %swap3A_661 : vector<1x16xf32> to vector<16xf32>
      %swap3A_663 = vector.shape_cast %add3A_657 : vector<16xf32> to vector<1x16xf32>
      tpu.vector_store %arg24[%swap3A_659, %swap3A_660], %swap3A_663 {strides = array<i32>} : memref<128x16xf32, #tpu.memory_space<vmem>>, vector<1x16xf32>,
      %get3A_664 = arith.constant 16 : i32
      %get3A_665 = arith.index_cast %get3A_664 : i32 to index
      %get3A_666 = arith.constant 0 : index
      %get3A_667 = tpu.vector_load %arg20[%get3A_665, %get3A_666] {strides = array<i32>} : memref<128x128xf32, #tpu.memory_space<vmem>>, vector<1x16xf32>,
      %get3A_668 = vector.shape_cast %get3A_667 : vector<1x16xf32> to vector<16xf32>
      %get3A_669 = arith.constant 16 : i32
      %get3A_670 = arith.index_cast %get3A_669 : i32 to index
      %get3A_671 = arith.constant 0 : index
      %get3A_672 = tpu.vector_load %arg21[%get3A_670, %get3A_671] {strides = array<i32>} : memref<128x128xf32, #tpu.memory_space<vmem>>, vector<1x16xf32>,
      %get3A_673 = vector.shape_cast %get3A_672 : vector<1x16xf32> to vector<16xf32>
      %add3A_674 = arith.addf %get3A_668, %get3A_673 : vector<16xf32>
      %get3A_675 = arith.constant 16 : i32
      %get3A_676 = arith.index_cast %get3A_675 : i32 to index
      %get3A_677 = arith.constant 0 : index
      %get3A_678 = tpu.vector_load %arg22[%get3A_676, %get3A_677] {strides = array<i32>} : memref<128x128xf32, #tpu.memory_space<vmem>>, vector<1x16xf32>,
      %get3A_679 = vector.shape_cast %get3A_678 : vector<1x16xf32> to vector<16xf32>
      %get3A_680 = arith.constant 16 : i32
      %get3A_681 = arith.index_cast %get3A_680 : i32 to index
      %get3A_682 = arith.constant 0 : index
      %get3A_683 = tpu.vector_load %arg23[%get3A_681, %get3A_682] {strides = array<i32>} : memref<128x128xf32, #tpu.memory_space<vmem>>, vector<1x16xf32>,
      %get3A_684 = vector.shape_cast %get3A_683 : vector<1x16xf32> to vector<16xf32>
      %add3A_685 = arith.addf %get3A_679, %get3A_684 : vector<16xf32>
      %add3A_686 = arith.addf %add3A_674, %add3A_685 : vector<16xf32>
      %swap3A_687 = arith.constant 16 : i32
      %swap3A_688 = arith.index_cast %swap3A_687 : i32 to index
      %swap3A_689 = arith.constant 0 : index
      %swap3A_690 = tpu.vector_load %arg24[%swap3A_688, %swap3A_689] {strides = array<i32>} : memref<128x16xf32, #tpu.memory_space<vmem>>, vector<1x16xf32>,
      %swap3A_691 = vector.shape_cast %swap3A_690 : vector<1x16xf32> to vector<16xf32>
      %swap3A_692 = vector.shape_cast %add3A_686 : vector<16xf32> to vector<1x16xf32>
      tpu.vector_store %arg24[%swap3A_688, %swap3A_689], %swap3A_692 {strides = array<i32>} : memref<128x16xf32, #tpu.memory_space<vmem>>, vector<1x16xf32>,
      %get3A_693 = arith.constant 17 : i32
      %get3A_694 = arith.index_cast %get3A_693 : i32 to index
      %get3A_695 = arith.constant 0 : index
      %get3A_696 = tpu.vector_load %arg20[%get3A_694, %get3A_695] {strides = array<i32>} : memref<128x128xf32, #tpu.memory_space<vmem>>, vector<1x16xf32>,
      %get3A_697 = vector.shape_cast %get3A_696 : vector<1x16xf32> to vector<16xf32>
      %get3A_698 = arith.constant 17 : i32
      %get3A_699 = arith.index_cast %get3A_698 : i32 to index
      %get3A_700 = arith.constant 0 : index
      %get3A_701 = tpu.vector_load %arg21[%get3A_699, %get3A_700] {strides = array<i32>} : memref<128x128xf32, #tpu.memory_space<vmem>>, vector<1x16xf32>,
      %get3A_702 = vector.shape_cast %get3A_701 : vector<1x16xf32> to vector<16xf32>
      %add3A_703 = arith.addf %get3A_697, %get3A_702 : vector<16xf32>
      %get3A_704 = arith.constant 17 : i32
      %get3A_705 = arith.index_cast %get3A_704 : i32 to index
      %get3A_706 = arith.constant 0 : index
      %get3A_707 = tpu.vector_load %arg22[%get3A_705, %get3A_706] {strides = array<i32>} : memref<128x128xf32, #tpu.memory_space<vmem>>, vector<1x16xf32>,
      %get3A_708 = vector.shape_cast %get3A_707 : vector<1x16xf32> to vector<16xf32>
      %get3A_709 = arith.constant 17 : i32
      %get3A_710 = arith.index_cast %get3A_709 : i32 to index
      %get3A_711 = arith.constant 0 : index
      %get3A_712 = tpu.vector_load %arg23[%get3A_710, %get3A_711] {strides = array<i32>} : memref<128x128xf32, #tpu.memory_space<vmem>>, vector<1x16xf32>,
      %get3A_713 = vector.shape_cast %get3A_712 : vector<1x16xf32> to vector<16xf32>
      %add3A_714 = arith.addf %get3A_708, %get3A_713 : vector<16xf32>
      %add3A_715 = arith.addf %add3A_703, %add3A_714 : vector<16xf32>
      %swap3A_716 = arith.constant 17 : i32
      %swap3A_717 = arith.index_cast %swap3A_716 : i32 to index
      %swap3A_718 = arith.constant 0 : index
      %swap3A_719 = tpu.vector_load %arg24[%swap3A_717, %swap3A_718] {strides = array<i32>} : memref<128x16xf32, #tpu.memory_space<vmem>>, vector<1x16xf32>,
      %swap3A_720 = vector.shape_cast %swap3A_719 : vector<1x16xf32> to vector<16xf32>
      %swap3A_721 = vector.shape_cast %add3A_715 : vector<16xf32> to vector<1x16xf32>
      tpu.vector_store %arg24[%swap3A_717, %swap3A_718], %swap3A_721 {strides = array<i32>} : memref<128x16xf32, #tpu.memory_space<vmem>>, vector<1x16xf32>,
      %get3A_722 = arith.constant 18 : i32
      %get3A_723 = arith.index_cast %get3A_722 : i32 to index
      %get3A_724 = arith.constant 0 : index
      %get3A_725 = tpu.vector_load %arg20[%get3A_723, %get3A_724] {strides = array<i32>} : memref<128x128xf32, #tpu.memory_space<vmem>>, vector<1x16xf32>,
      %get3A_726 = vector.shape_cast %get3A_725 : vector<1x16xf32> to vector<16xf32>
      %get3A_727 = arith.constant 18 : i32
      %get3A_728 = arith.index_cast %get3A_727 : i32 to index
      %get3A_729 = arith.constant 0 : index
      %get3A_730 = tpu.vector_load %arg21[%get3A_728, %get3A_729] {strides = array<i32>} : memref<128x128xf32, #tpu.memory_space<vmem>>, vector<1x16xf32>,
      %get3A_731 = vector.shape_cast %get3A_730 : vector<1x16xf32> to vector<16xf32>
      %add3A_732 = arith.addf %get3A_726, %get3A_731 : vector<16xf32>
      %get3A_733 = arith.constant 18 : i32
      %get3A_734 = arith.index_cast %get3A_733 : i32 to index
      %get3A_735 = arith.constant 0 : index
      %get3A_736 = tpu.vector_load %arg22[%get3A_734, %get3A_735] {strides = array<i32>} : memref<128x128xf32, #tpu.memory_space<vmem>>, vector<1x16xf32>,
      %get3A_737 = vector.shape_cast %get3A_736 : vector<1x16xf32> to vector<16xf32>
      %get3A_738 = arith.constant 18 : i32
      %get3A_739 = arith.index_cast %get3A_738 : i32 to index
      %get3A_740 = arith.constant 0 : index
      %get3A_741 = tpu.vector_load %arg23[%get3A_739, %get3A_740] {strides = array<i32>} : memref<128x128xf32, #tpu.memory_space<vmem>>, vector<1x16xf32>,
      %get3A_742 = vector.shape_cast %get3A_741 : vector<1x16xf32> to vector<16xf32>
      %add3A_743 = arith.addf %get3A_737, %get3A_742 : vector<16xf32>
      %add3A_744 = arith.addf %add3A_732, %add3A_743 : vector<16xf32>
      %swap3A_745 = arith.constant 18 : i32
      %swap3A_746 = arith.index_cast %swap3A_745 : i32 to index
      %swap3A_747 = arith.constant 0 : index
      %swap3A_748 = tpu.vector_load %arg24[%swap3A_746, %swap3A_747] {strides = array<i32>} : memref<128x16xf32, #tpu.memory_space<vmem>>, vector<1x16xf32>,
      %swap3A_749 = vector.shape_cast %swap3A_748 : vector<1x16xf32> to vector<16xf32>
      %swap3A_750 = vector.shape_cast %add3A_744 : vector<16xf32> to vector<1x16xf32>
      tpu.vector_store %arg24[%swap3A_746, %swap3A_747], %swap3A_750 {strides = array<i32>} : memref<128x16xf32, #tpu.memory_space<vmem>>, vector<1x16xf32>,
      %get3A_751 = arith.constant 19 : i32
      %get3A_752 = arith.index_cast %get3A_751 : i32 to index
      %get3A_753 = arith.constant 0 : index
      %get3A_754 = tpu.vector_load %arg20[%get3A_752, %get3A_753] {strides = array<i32>} : memref<128x128xf32, #tpu.memory_space<vmem>>, vector<1x16xf32>,
      %get3A_755 = vector.shape_cast %get3A_754 : vector<1x16xf32> to vector<16xf32>
      %get3A_756 = arith.constant 19 : i32
      %get3A_757 = arith.index_cast %get3A_756 : i32 to index
      %get3A_758 = arith.constant 0 : index
      %get3A_759 = tpu.vector_load %arg21[%get3A_757, %get3A_758] {strides = array<i32>} : memref<128x128xf32, #tpu.memory_space<vmem>>, vector<1x16xf32>,
      %get3A_760 = vector.shape_cast %get3A_759 : vector<1x16xf32> to vector<16xf32>
      %add3A_761 = arith.addf %get3A_755, %get3A_760 : vector<16xf32>
      %get3A_762 = arith.constant 19 : i32
      %get3A_763 = arith.index_cast %get3A_762 : i32 to index
      %get3A_764 = arith.constant 0 : index
      %get3A_765 = tpu.vector_load %arg22[%get3A_763, %get3A_764] {strides = array<i32>} : memref<128x128xf32, #tpu.memory_space<vmem>>, vector<1x16xf32>,
      %get3A_766 = vector.shape_cast %get3A_765 : vector<1x16xf32> to vector<16xf32>
      %get3A_767 = arith.constant 19 : i32
      %get3A_768 = arith.index_cast %get3A_767 : i32 to index
      %get3A_769 = arith.constant 0 : index
      %get3A_770 = tpu.vector_load %arg23[%get3A_768, %get3A_769] {strides = array<i32>} : memref<128x128xf32, #tpu.memory_space<vmem>>, vector<1x16xf32>,
      %get3A_771 = vector.shape_cast %get3A_770 : vector<1x16xf32> to vector<16xf32>
      %add3A_772 = arith.addf %get3A_766, %get3A_771 : vector<16xf32>
      %add3A_773 = arith.addf %add3A_761, %add3A_772 : vector<16xf32>
      %swap3A_774 = arith.constant 19 : i32
      %swap3A_775 = arith.index_cast %swap3A_774 : i32 to index
      %swap3A_776 = arith.constant 0 : index
      %swap3A_777 = tpu.vector_load %arg24[%swap3A_775, %swap3A_776] {strides = array<i32>} : memref<128x16xf32, #tpu.memory_space<vmem>>, vector<1x16xf32>,
      %swap3A_778 = vector.shape_cast %swap3A_777 : vector<1x16xf32> to vector<16xf32>
      %swap3A_779 = vector.shape_cast %add3A_773 : vector<16xf32> to vector<1x16xf32>
      tpu.vector_store %arg24[%swap3A_775, %swap3A_776], %swap3A_779 {strides = array<i32>} : memref<128x16xf32, #tpu.memory_space<vmem>>, vector<1x16xf32>,
      %get3A_780 = arith.constant 20 : i32
      %get3A_781 = arith.index_cast %get3A_780 : i32 to index
      %get3A_782 = arith.constant 0 : index
      %get3A_783 = tpu.vector_load %arg20[%get3A_781, %get3A_782] {strides = array<i32>} : memref<128x128xf32, #tpu.memory_space<vmem>>, vector<1x16xf32>,
      %get3A_784 = vector.shape_cast %get3A_783 : vector<1x16xf32> to vector<16xf32>
      %get3A_785 = arith.constant 20 : i32
      %get3A_786 = arith.index_cast %get3A_785 : i32 to index
      %get3A_787 = arith.constant 0 : index
      %get3A_788 = tpu.vector_load %arg21[%get3A_786, %get3A_787] {strides = array<i32>} : memref<128x128xf32, #tpu.memory_space<vmem>>, vector<1x16xf32>,
      %get3A_789 = vector.shape_cast %get3A_788 : vector<1x16xf32> to vector<16xf32>
      %add3A_790 = arith.addf %get3A_784, %get3A_789 : vector<16xf32>
      %get3A_791 = arith.constant 20 : i32
      %get3A_792 = arith.index_cast %get3A_791 : i32 to index
      %get3A_793 = arith.constant 0 : index
      %get3A_794 = tpu.vector_load %arg22[%get3A_792, %get3A_793] {strides = array<i32>} : memref<128x128xf32, #tpu.memory_space<vmem>>, vector<1x16xf32>,
      %get3A_795 = vector.shape_cast %get3A_794 : vector<1x16xf32> to vector<16xf32>
      %get3A_796 = arith.constant 20 : i32
      %get3A_797 = arith.index_cast %get3A_796 : i32 to index
      %get3A_798 = arith.constant 0 : index
      %get3A_799 = tpu.vector_load %arg23[%get3A_797, %get3A_798] {strides = array<i32>} : memref<128x128xf32, #tpu.memory_space<vmem>>, vector<1x16xf32>,
      %get3A_800 = vector.shape_cast %get3A_799 : vector<1x16xf32> to vector<16xf32>
      %add3A_801 = arith.addf %get3A_795, %get3A_800 : vector<16xf32>
      %add3A_802 = arith.addf %add3A_790, %add3A_801 : vector<16xf32>
      %swap3A_803 = arith.constant 20 : i32
      %swap3A_804 = arith.index_cast %swap3A_803 : i32 to index
      %swap3A_805 = arith.constant 0 : index
      %swap3A_806 = tpu.vector_load %arg24[%swap3A_804, %swap3A_805] {strides = array<i32>} : memref<128x16xf32, #tpu.memory_space<vmem>>, vector<1x16xf32>,
      %swap3A_807 = vector.shape_cast %swap3A_806 : vector<1x16xf32> to vector<16xf32>
      %swap3A_808 = vector.shape_cast %add3A_802 : vector<16xf32> to vector<1x16xf32>
      tpu.vector_store %arg24[%swap3A_804, %swap3A_805], %swap3A_808 {strides = array<i32>} : memref<128x16xf32, #tpu.memory_space<vmem>>, vector<1x16xf32>,
      %get3A_809 = arith.constant 21 : i32
      %get3A_810 = arith.index_cast %get3A_809 : i32 to index
      %get3A_811 = arith.constant 0 : index
      %get3A_812 = tpu.vector_load %arg20[%get3A_810, %get3A_811] {strides = array<i32>} : memref<128x128xf32, #tpu.memory_space<vmem>>, vector<1x16xf32>,
      %get3A_813 = vector.shape_cast %get3A_812 : vector<1x16xf32> to vector<16xf32>
      %get3A_814 = arith.constant 21 : i32
      %get3A_815 = arith.index_cast %get3A_814 : i32 to index
      %get3A_816 = arith.constant 0 : index
      %get3A_817 = tpu.vector_load %arg21[%get3A_815, %get3A_816] {strides = array<i32>} : memref<128x128xf32, #tpu.memory_space<vmem>>, vector<1x16xf32>,
      %get3A_818 = vector.shape_cast %get3A_817 : vector<1x16xf32> to vector<16xf32>
      %add3A_819 = arith.addf %get3A_813, %get3A_818 : vector<16xf32>
      %get3A_820 = arith.constant 21 : i32
      %get3A_821 = arith.index_cast %get3A_820 : i32 to index
      %get3A_822 = arith.constant 0 : index
      %get3A_823 = tpu.vector_load %arg22[%get3A_821, %get3A_822] {strides = array<i32>} : memref<128x128xf32, #tpu.memory_space<vmem>>, vector<1x16xf32>,
      %get3A_824 = vector.shape_cast %get3A_823 : vector<1x16xf32> to vector<16xf32>
      %get3A_825 = arith.constant 21 : i32
      %get3A_826 = arith.index_cast %get3A_825 : i32 to index
      %get3A_827 = arith.constant 0 : index
      %get3A_828 = tpu.vector_load %arg23[%get3A_826, %get3A_827] {strides = array<i32>} : memref<128x128xf32, #tpu.memory_space<vmem>>, vector<1x16xf32>,
      %get3A_829 = vector.shape_cast %get3A_828 : vector<1x16xf32> to vector<16xf32>
      %add3A_830 = arith.addf %get3A_824, %get3A_829 : vector<16xf32>
      %add3A_831 = arith.addf %add3A_819, %add3A_830 : vector<16xf32>
      %swap3A_832 = arith.constant 21 : i32
      %swap3A_833 = arith.index_cast %swap3A_832 : i32 to index
      %swap3A_834 = arith.constant 0 : index
      %swap3A_835 = tpu.vector_load %arg24[%swap3A_833, %swap3A_834] {strides = array<i32>} : memref<128x16xf32, #tpu.memory_space<vmem>>, vector<1x16xf32>,
      %swap3A_836 = vector.shape_cast %swap3A_835 : vector<1x16xf32> to vector<16xf32>
      %swap3A_837 = vector.shape_cast %add3A_831 : vector<16xf32> to vector<1x16xf32>
      tpu.vector_store %arg24[%swap3A_833, %swap3A_834], %swap3A_837 {strides = array<i32>} : memref<128x16xf32, #tpu.memory_space<vmem>>, vector<1x16xf32>,
      %get3A_838 = arith.constant 22 : i32
      %get3A_839 = arith.index_cast %get3A_838 : i32 to index
      %get3A_840 = arith.constant 0 : index
      %get3A_841 = tpu.vector_load %arg20[%get3A_839, %get3A_840] {strides = array<i32>} : memref<128x128xf32, #tpu.memory_space<vmem>>, vector<1x16xf32>,
      %get3A_842 = vector.shape_cast %get3A_841 : vector<1x16xf32> to vector<16xf32>
      %get3A_843 = arith.constant 22 : i32
      %get3A_844 = arith.index_cast %get3A_843 : i32 to index
      %get3A_845 = arith.constant 0 : index
      %get3A_846 = tpu.vector_load %arg21[%get3A_844, %get3A_845] {strides = array<i32>} : memref<128x128xf32, #tpu.memory_space<vmem>>, vector<1x16xf32>,
      %get3A_847 = vector.shape_cast %get3A_846 : vector<1x16xf32> to vector<16xf32>
      %add3A_848 = arith.addf %get3A_842, %get3A_847 : vector<16xf32>
      %get3A_849 = arith.constant 22 : i32
      %get3A_850 = arith.index_cast %get3A_849 : i32 to index
      %get3A_851 = arith.constant 0 : index
      %get3A_852 = tpu.vector_load %arg22[%get3A_850, %get3A_851] {strides = array<i32>} : memref<128x128xf32, #tpu.memory_space<vmem>>, vector<1x16xf32>,
      %get3A_853 = vector.shape_cast %get3A_852 : vector<1x16xf32> to vector<16xf32>
      %get3A_854 = arith.constant 22 : i32
      %get3A_855 = arith.index_cast %get3A_854 : i32 to index
      %get3A_856 = arith.constant 0 : index
      %get3A_857 = tpu.vector_load %arg23[%get3A_855, %get3A_856] {strides = array<i32>} : memref<128x128xf32, #tpu.memory_space<vmem>>, vector<1x16xf32>,
      %get3A_858 = vector.shape_cast %get3A_857 : vector<1x16xf32> to vector<16xf32>
      %add3A_859 = arith.addf %get3A_853, %get3A_858 : vector<16xf32>
      %add3A_860 = arith.addf %add3A_848, %add3A_859 : vector<16xf32>
      %swap3A_861 = arith.constant 22 : i32
      %swap3A_862 = arith.index_cast %swap3A_861 : i32 to index
      %swap3A_863 = arith.constant 0 : index
      %swap3A_864 = tpu.vector_load %arg24[%swap3A_862, %swap3A_863] {strides = array<i32>} : memref<128x16xf32, #tpu.memory_space<vmem>>, vector<1x16xf32>,
      %swap3A_865 = vector.shape_cast %swap3A_864 : vector<1x16xf32> to vector<16xf32>
      %swap3A_866 = vector.shape_cast %add3A_860 : vector<16xf32> to vector<1x16xf32>
      tpu.vector_store %arg24[%swap3A_862, %swap3A_863], %swap3A_866 {strides = array<i32>} : memref<128x16xf32, #tpu.memory_space<vmem>>, vector<1x16xf32>,
      %get3A_867 = arith.constant 23 : i32
      %get3A_868 = arith.index_cast %get3A_867 : i32 to index
      %get3A_869 = arith.constant 0 : index
      %get3A_870 = tpu.vector_load %arg20[%get3A_868, %get3A_869] {strides = array<i32>} : memref<128x128xf32, #tpu.memory_space<vmem>>, vector<1x16xf32>,
      %get3A_871 = vector.shape_cast %get3A_870 : vector<1x16xf32> to vector<16xf32>
      %get3A_872 = arith.constant 23 : i32
      %get3A_873 = arith.index_cast %get3A_872 : i32 to index
      %get3A_874 = arith.constant 0 : index
      %get3A_875 = tpu.vector_load %arg21[%get3A_873, %get3A_874] {strides = array<i32>} : memref<128x128xf32, #tpu.memory_space<vmem>>, vector<1x16xf32>,
      %get3A_876 = vector.shape_cast %get3A_875 : vector<1x16xf32> to vector<16xf32>
      %add3A_877 = arith.addf %get3A_871, %get3A_876 : vector<16xf32>
      %get3A_878 = arith.constant 23 : i32
      %get3A_879 = arith.index_cast %get3A_878 : i32 to index
      %get3A_880 = arith.constant 0 : index
      %get3A_881 = tpu.vector_load %arg22[%get3A_879, %get3A_880] {strides = array<i32>} : memref<128x128xf32, #tpu.memory_space<vmem>>, vector<1x16xf32>,
      %get3A_882 = vector.shape_cast %get3A_881 : vector<1x16xf32> to vector<16xf32>
      %get3A_883 = arith.constant 23 : i32
      %get3A_884 = arith.index_cast %get3A_883 : i32 to index
      %get3A_885 = arith.constant 0 : index
      %get3A_886 = tpu.vector_load %arg23[%get3A_884, %get3A_885] {strides = array<i32>} : memref<128x128xf32, #tpu.memory_space<vmem>>, vector<1x16xf32>,
      %get3A_887 = vector.shape_cast %get3A_886 : vector<1x16xf32> to vector<16xf32>
      %add3A_888 = arith.addf %get3A_882, %get3A_887 : vector<16xf32>
      %add3A_889 = arith.addf %add3A_877, %add3A_888 : vector<16xf32>
      %swap3A_890 = arith.constant 23 : i32
      %swap3A_891 = arith.index_cast %swap3A_890 : i32 to index
      %swap3A_892 = arith.constant 0 : index
      %swap3A_893 = tpu.vector_load %arg24[%swap3A_891, %swap3A_892] {strides = array<i32>} : memref<128x16xf32, #tpu.memory_space<vmem>>, vector<1x16xf32>,
      %swap3A_894 = vector.shape_cast %swap3A_893 : vector<1x16xf32> to vector<16xf32>
      %swap3A_895 = vector.shape_cast %add3A_889 : vector<16xf32> to vector<1x16xf32>
      tpu.vector_store %arg24[%swap3A_891, %swap3A_892], %swap3A_895 {strides = array<i32>} : memref<128x16xf32, #tpu.memory_space<vmem>>, vector<1x16xf32>,
      %get3A_896 = arith.constant 24 : i32
      %get3A_897 = arith.index_cast %get3A_896 : i32 to index
      %get3A_898 = arith.constant 0 : index
      %get3A_899 = tpu.vector_load %arg20[%get3A_897, %get3A_898] {strides = array<i32>} : memref<128x128xf32, #tpu.memory_space<vmem>>, vector<1x16xf32>,
      %get3A_900 = vector.shape_cast %get3A_899 : vector<1x16xf32> to vector<16xf32>
      %get3A_901 = arith.constant 24 : i32
      %get3A_902 = arith.index_cast %get3A_901 : i32 to index
      %get3A_903 = arith.constant 0 : index
      %get3A_904 = tpu.vector_load %arg21[%get3A_902, %get3A_903] {strides = array<i32>} : memref<128x128xf32, #tpu.memory_space<vmem>>, vector<1x16xf32>,
      %get3A_905 = vector.shape_cast %get3A_904 : vector<1x16xf32> to vector<16xf32>
      %add3A_906 = arith.addf %get3A_900, %get3A_905 : vector<16xf32>
      %get3A_907 = arith.constant 24 : i32
      %get3A_908 = arith.index_cast %get3A_907 : i32 to index
      %get3A_909 = arith.constant 0 : index
      %get3A_910 = tpu.vector_load %arg22[%get3A_908, %get3A_909] {strides = array<i32>} : memref<128x128xf32, #tpu.memory_space<vmem>>, vector<1x16xf32>,
      %get3A_911 = vector.shape_cast %get3A_910 : vector<1x16xf32> to vector<16xf32>
      %get3A_912 = arith.constant 24 : i32
      %get3A_913 = arith.index_cast %get3A_912 : i32 to index
      %get3A_914 = arith.constant 0 : index
      %get3A_915 = tpu.vector_load %arg23[%get3A_913, %get3A_914] {strides = array<i32>} : memref<128x128xf32, #tpu.memory_space<vmem>>, vector<1x16xf32>,
      %get3A_916 = vector.shape_cast %get3A_915 : vector<1x16xf32> to vector<16xf32>
      %add3A_917 = arith.addf %get3A_911, %get3A_916 : vector<16xf32>
      %add3A_918 = arith.addf %add3A_906, %add3A_917 : vector<16xf32>
      %swap3A_919 = arith.constant 24 : i32
      %swap3A_920 = arith.index_cast %swap3A_919 : i32 to index
      %swap3A_921 = arith.constant 0 : index
      %swap3A_922 = tpu.vector_load %arg24[%swap3A_920, %swap3A_921] {strides = array<i32>} : memref<128x16xf32, #tpu.memory_space<vmem>>, vector<1x16xf32>,
      %swap3A_923 = vector.shape_cast %swap3A_922 : vector<1x16xf32> to vector<16xf32>
      %swap3A_924 = vector.shape_cast %add3A_918 : vector<16xf32> to vector<1x16xf32>
      tpu.vector_store %arg24[%swap3A_920, %swap3A_921], %swap3A_924 {strides = array<i32>} : memref<128x16xf32, #tpu.memory_space<vmem>>, vector<1x16xf32>,
      %get3A_925 = arith.constant 25 : i32
      %get3A_926 = arith.index_cast %get3A_925 : i32 to index
      %get3A_927 = arith.constant 0 : index
      %get3A_928 = tpu.vector_load %arg20[%get3A_926, %get3A_927] {strides = array<i32>} : memref<128x128xf32, #tpu.memory_space<vmem>>, vector<1x16xf32>,
      %get3A_929 = vector.shape_cast %get3A_928 : vector<1x16xf32> to vector<16xf32>
      %get3A_930 = arith.constant 25 : i32
      %get3A_931 = arith.index_cast %get3A_930 : i32 to index
      %get3A_932 = arith.constant 0 : index
      %get3A_933 = tpu.vector_load %arg21[%get3A_931, %get3A_932] {strides = array<i32>} : memref<128x128xf32, #tpu.memory_space<vmem>>, vector<1x16xf32>,
      %get3A_934 = vector.shape_cast %get3A_933 : vector<1x16xf32> to vector<16xf32>
      %add3A_935 = arith.addf %get3A_929, %get3A_934 : vector<16xf32>
      %get3A_936 = arith.constant 25 : i32
      %get3A_937 = arith.index_cast %get3A_936 : i32 to index
      %get3A_938 = arith.constant 0 : index
      %get3A_939 = tpu.vector_load %arg22[%get3A_937, %get3A_938] {strides = array<i32>} : memref<128x128xf32, #tpu.memory_space<vmem>>, vector<1x16xf32>,
      %get3A_940 = vector.shape_cast %get3A_939 : vector<1x16xf32> to vector<16xf32>
      %get3A_941 = arith.constant 25 : i32
      %get3A_942 = arith.index_cast %get3A_941 : i32 to index
      %get3A_943 = arith.constant 0 : index
      %get3A_944 = tpu.vector_load %arg23[%get3A_942, %get3A_943] {strides = array<i32>} : memref<128x128xf32, #tpu.memory_space<vmem>>, vector<1x16xf32>,
      %get3A_945 = vector.shape_cast %get3A_944 : vector<1x16xf32> to vector<16xf32>
      %add3A_946 = arith.addf %get3A_940, %get3A_945 : vector<16xf32>
      %add3A_947 = arith.addf %add3A_935, %add3A_946 : vector<16xf32>
      %swap3A_948 = arith.constant 25 : i32
      %swap3A_949 = arith.index_cast %swap3A_948 : i32 to index
      %swap3A_950 = arith.constant 0 : index
      %swap3A_951 = tpu.vector_load %arg24[%swap3A_949, %swap3A_950] {strides = array<i32>} : memref<128x16xf32, #tpu.memory_space<vmem>>, vector<1x16xf32>,
      %swap3A_952 = vector.shape_cast %swap3A_951 : vector<1x16xf32> to vector<16xf32>
      %swap3A_953 = vector.shape_cast %add3A_947 : vector<16xf32> to vector<1x16xf32>
      tpu.vector_store %arg24[%swap3A_949, %swap3A_950], %swap3A_953 {strides = array<i32>} : memref<128x16xf32, #tpu.memory_space<vmem>>, vector<1x16xf32>,
      %get3A_954 = arith.constant 26 : i32
      %get3A_955 = arith.index_cast %get3A_954 : i32 to index
      %get3A_956 = arith.constant 0 : index
      %get3A_957 = tpu.vector_load %arg20[%get3A_955, %get3A_956] {strides = array<i32>} : memref<128x128xf32, #tpu.memory_space<vmem>>, vector<1x16xf32>,
      %get3A_958 = vector.shape_cast %get3A_957 : vector<1x16xf32> to vector<16xf32>
      %get3A_959 = arith.constant 26 : i32
      %get3A_960 = arith.index_cast %get3A_959 : i32 to index
      %get3A_961 = arith.constant 0 : index
      %get3A_962 = tpu.vector_load %arg21[%get3A_960, %get3A_961] {strides = array<i32>} : memref<128x128xf32, #tpu.memory_space<vmem>>, vector<1x16xf32>,
      %get3A_963 = vector.shape_cast %get3A_962 : vector<1x16xf32> to vector<16xf32>
      %add3A_964 = arith.addf %get3A_958, %get3A_963 : vector<16xf32>
      %get3A_965 = arith.constant 26 : i32
      %get3A_966 = arith.index_cast %get3A_965 : i32 to index
      %get3A_967 = arith.constant 0 : index
      %get3A_968 = tpu.vector_load %arg22[%get3A_966, %get3A_967] {strides = array<i32>} : memref<128x128xf32, #tpu.memory_space<vmem>>, vector<1x16xf32>,
      %get3A_969 = vector.shape_cast %get3A_968 : vector<1x16xf32> to vector<16xf32>
      %get3A_970 = arith.constant 26 : i32
      %get3A_971 = arith.index_cast %get3A_970 : i32 to index
      %get3A_972 = arith.constant 0 : index
      %get3A_973 = tpu.vector_load %arg23[%get3A_971, %get3A_972] {strides = array<i32>} : memref<128x128xf32, #tpu.memory_space<vmem>>, vector<1x16xf32>,
      %get3A_974 = vector.shape_cast %get3A_973 : vector<1x16xf32> to vector<16xf32>
      %add3A_975 = arith.addf %get3A_969, %get3A_974 : vector<16xf32>
      %add3A_976 = arith.addf %add3A_964, %add3A_975 : vector<16xf32>
      %swap3A_977 = arith.constant 26 : i32
      %swap3A_978 = arith.index_cast %swap3A_977 : i32 to index
      %swap3A_979 = arith.constant 0 : index
      %swap3A_980 = tpu.vector_load %arg24[%swap3A_978, %swap3A_979] {strides = array<i32>} : memref<128x16xf32, #tpu.memory_space<vmem>>, vector<1x16xf32>,
      %swap3A_981 = vector.shape_cast %swap3A_980 : vector<1x16xf32> to vector<16xf32>
      %swap3A_982 = vector.shape_cast %add3A_976 : vector<16xf32> to vector<1x16xf32>
      tpu.vector_store %arg24[%swap3A_978, %swap3A_979], %swap3A_982 {strides = array<i32>} : memref<128x16xf32, #tpu.memory_space<vmem>>, vector<1x16xf32>,
      %get3A_983 = arith.constant 27 : i32
      %get3A_984 = arith.index_cast %get3A_983 : i32 to index
      %get3A_985 = arith.constant 0 : index
      %get3A_986 = tpu.vector_load %arg20[%get3A_984, %get3A_985] {strides = array<i32>} : memref<128x128xf32, #tpu.memory_space<vmem>>, vector<1x16xf32>,
      %get3A_987 = vector.shape_cast %get3A_986 : vector<1x16xf32> to vector<16xf32>
      %get3A_988 = arith.constant 27 : i32
      %get3A_989 = arith.index_cast %get3A_988 : i32 to index
      %get3A_990 = arith.constant 0 : index
      %get3A_991 = tpu.vector_load %arg21[%get3A_989, %get3A_990] {strides = array<i32>} : memref<128x128xf32, #tpu.memory_space<vmem>>, vector<1x16xf32>,
      %get3A_992 = vector.shape_cast %get3A_991 : vector<1x16xf32> to vector<16xf32>
      %add3A_993 = arith.addf %get3A_987, %get3A_992 : vector<16xf32>
      %get3A_994 = arith.constant 27 : i32
      %get3A_995 = arith.index_cast %get3A_994 : i32 to index
      %get3A_996 = arith.constant 0 : index
      %get3A_997 = tpu.vector_load %arg22[%get3A_995, %get3A_996] {strides = array<i32>} : memref<128x128xf32, #tpu.memory_space<vmem>>, vector<1x16xf32>,
      %get3A_998 = vector.shape_cast %get3A_997 : vector<1x16xf32> to vector<16xf32>
      %get3A_999 = arith.constant 27 : i32
      %get3A_1000 = arith.index_cast %get3A_999 : i32 to index
      %get3A_1001 = arith.constant 0 : index
      %get3A_1002 = tpu.vector_load %arg23[%get3A_1000, %get3A_1001] {strides = array<i32>} : memref<128x128xf32, #tpu.memory_space<vmem>>, vector<1x16xf32>,
      %get3A_1003 = vector.shape_cast %get3A_1002 : vector<1x16xf32> to vector<16xf32>
      %add3A_1004 = arith.addf %get3A_998, %get3A_1003 : vector<16xf32>
      %add3A_1005 = arith.addf %add3A_993, %add3A_1004 : vector<16xf32>
      %swap3A_1006 = arith.constant 27 : i32
      %swap3A_1007 = arith.index_cast %swap3A_1006 : i32 to index
      %swap3A_1008 = arith.constant 0 : index
      %swap3A_1009 = tpu.vector_load %arg24[%swap3A_1007, %swap3A_1008] {strides = array<i32>} : memref<128x16xf32, #tpu.memory_space<vmem>>, vector<1x16xf32>,
      %swap3A_1010 = vector.shape_cast %swap3A_1009 : vector<1x16xf32> to vector<16xf32>
      %swap3A_1011 = vector.shape_cast %add3A_1005 : vector<16xf32> to vector<1x16xf32>
      tpu.vector_store %arg24[%swap3A_1007, %swap3A_1008], %swap3A_1011 {strides = array<i32>} : memref<128x16xf32, #tpu.memory_space<vmem>>, vector<1x16xf32>,
      %get3A_1012 = arith.constant 28 : i32
      %get3A_1013 = arith.index_cast %get3A_1012 : i32 to index
      %get3A_1014 = arith.constant 0 : index
      %get3A_1015 = tpu.vector_load %arg20[%get3A_1013, %get3A_1014] {strides = array<i32>} : memref<128x128xf32, #tpu.memory_space<vmem>>, vector<1x16xf32>,
      %get3A_1016 = vector.shape_cast %get3A_1015 : vector<1x16xf32> to vector<16xf32>
      %get3A_1017 = arith.constant 28 : i32
      %get3A_1018 = arith.index_cast %get3A_1017 : i32 to index
      %get3A_1019 = arith.constant 0 : index
      %get3A_1020 = tpu.vector_load %arg21[%get3A_1018, %get3A_1019] {strides = array<i32>} : memref<128x128xf32, #tpu.memory_space<vmem>>, vector<1x16xf32>,
      %get3A_1021 = vector.shape_cast %get3A_1020 : vector<1x16xf32> to vector<16xf32>
      %add3A_1022 = arith.addf %get3A_1016, %get3A_1021 : vector<16xf32>
      %get3A_1023 = arith.constant 28 : i32
      %get3A_1024 = arith.index_cast %get3A_1023 : i32 to index
      %get3A_1025 = arith.constant 0 : index
      %get3A_1026 = tpu.vector_load %arg22[%get3A_1024, %get3A_1025] {strides = array<i32>} : memref<128x128xf32, #tpu.memory_space<vmem>>, vector<1x16xf32>,
      %get3A_1027 = vector.shape_cast %get3A_1026 : vector<1x16xf32> to vector<16xf32>
      %get3A_1028 = arith.constant 28 : i32
      %get3A_1029 = arith.index_cast %get3A_1028 : i32 to index
      %get3A_1030 = arith.constant 0 : index
      %get3A_1031 = tpu.vector_load %arg23[%get3A_1029, %get3A_1030] {strides = array<i32>} : memref<128x128xf32, #tpu.memory_space<vmem>>, vector<1x16xf32>,
      %get3A_1032 = vector.shape_cast %get3A_1031 : vector<1x16xf32> to vector<16xf32>
      %add3A_1033 = arith.addf %get3A_1027, %get3A_1032 : vector<16xf32>
      %add3A_1034 = arith.addf %add3A_1022, %add3A_1033 : vector<16xf32>
      %swap3A_1035 = arith.constant 28 : i32
      %swap3A_1036 = arith.index_cast %swap3A_1035 : i32 to index
      %swap3A_1037 = arith.constant 0 : index
      %swap3A_1038 = tpu.vector_load %arg24[%swap3A_1036, %swap3A_1037] {strides = array<i32>} : memref<128x16xf32, #tpu.memory_space<vmem>>, vector<1x16xf32>,
      %swap3A_1039 = vector.shape_cast %swap3A_1038 : vector<1x16xf32> to vector<16xf32>
      %swap3A_1040 = vector.shape_cast %add3A_1034 : vector<16xf32> to vector<1x16xf32>
      tpu.vector_store %arg24[%swap3A_1036, %swap3A_1037], %swap3A_1040 {strides = array<i32>} : memref<128x16xf32, #tpu.memory_space<vmem>>, vector<1x16xf32>,
      %get3A_1041 = arith.constant 29 : i32
      %get3A_1042 = arith.index_cast %get3A_1041 : i32 to index
      %get3A_1043 = arith.constant 0 : index
      %get3A_1044 = tpu.vector_load %arg20[%get3A_1042, %get3A_1043] {strides = array<i32>} : memref<128x128xf32, #tpu.memory_space<vmem>>, vector<1x16xf32>,
      %get3A_1045 = vector.shape_cast %get3A_1044 : vector<1x16xf32> to vector<16xf32>
      %get3A_1046 = arith.constant 29 : i32
      %get3A_1047 = arith.index_cast %get3A_1046 : i32 to index
      %get3A_1048 = arith.constant 0 : index
      %get3A_1049 = tpu.vector_load %arg21[%get3A_1047, %get3A_1048] {strides = array<i32>} : memref<128x128xf32, #tpu.memory_space<vmem>>, vector<1x16xf32>,
      %get3A_1050 = vector.shape_cast %get3A_1049 : vector<1x16xf32> to vector<16xf32>
      %add3A_1051 = arith.addf %get3A_1045, %get3A_1050 : vector<16xf32>
      %get3A_1052 = arith.constant 29 : i32
      %get3A_1053 = arith.index_cast %get3A_1052 : i32 to index
      %get3A_1054 = arith.constant 0 : index
      %get3A_1055 = tpu.vector_load %arg22[%get3A_1053, %get3A_1054] {strides = array<i32>} : memref<128x128xf32, #tpu.memory_space<vmem>>, vector<1x16xf32>,
      %get3A_1056 = vector.shape_cast %get3A_1055 : vector<1x16xf32> to vector<16xf32>
      %get3A_1057 = arith.constant 29 : i32
      %get3A_1058 = arith.index_cast %get3A_1057 : i32 to index
      %get3A_1059 = arith.constant 0 : index
      %get3A_1060 = tpu.vector_load %arg23[%get3A_1058, %get3A_1059] {strides = array<i32>} : memref<128x128xf32, #tpu.memory_space<vmem>>, vector<1x16xf32>,
      %get3A_1061 = vector.shape_cast %get3A_1060 : vector<1x16xf32> to vector<16xf32>
      %add3A_1062 = arith.addf %get3A_1056, %get3A_1061 : vector<16xf32>
      %add3A_1063 = arith.addf %add3A_1051, %add3A_1062 : vector<16xf32>
      %swap3A_1064 = arith.constant 29 : i32
      %swap3A_1065 = arith.index_cast %swap3A_1064 : i32 to index
      %swap3A_1066 = arith.constant 0 : index
      %swap3A_1067 = tpu.vector_load %arg24[%swap3A_1065, %swap3A_1066] {strides = array<i32>} : memref<128x16xf32, #tpu.memory_space<vmem>>, vector<1x16xf32>,
      %swap3A_1068 = vector.shape_cast %swap3A_1067 : vector<1x16xf32> to vector<16xf32>
      %swap3A_1069 = vector.shape_cast %add3A_1063 : vector<16xf32> to vector<1x16xf32>
      tpu.vector_store %arg24[%swap3A_1065, %swap3A_1066], %swap3A_1069 {strides = array<i32>} : memref<128x16xf32, #tpu.memory_space<vmem>>, vector<1x16xf32>,
      %get3A_1070 = arith.constant 30 : i32
      %get3A_1071 = arith.index_cast %get3A_1070 : i32 to index
      %get3A_1072 = arith.constant 0 : index
      %get3A_1073 = tpu.vector_load %arg20[%get3A_1071, %get3A_1072] {strides = array<i32>} : memref<128x128xf32, #tpu.memory_space<vmem>>, vector<1x16xf32>,
      %get3A_1074 = vector.shape_cast %get3A_1073 : vector<1x16xf32> to vector<16xf32>
      %get3A_1075 = arith.constant 30 : i32
      %get3A_1076 = arith.index_cast %get3A_1075 : i32 to index
      %get3A_1077 = arith.constant 0 : index
      %get3A_1078 = tpu.vector_load %arg21[%get3A_1076, %get3A_1077] {strides = array<i32>} : memref<128x128xf32, #tpu.memory_space<vmem>>, vector<1x16xf32>,
      %get3A_1079 = vector.shape_cast %get3A_1078 : vector<1x16xf32> to vector<16xf32>
      %add3A_1080 = arith.addf %get3A_1074, %get3A_1079 : vector<16xf32>
      %get3A_1081 = arith.constant 30 : i32
      %get3A_1082 = arith.index_cast %get3A_1081 : i32 to index
      %get3A_1083 = arith.constant 0 : index
      %get3A_1084 = tpu.vector_load %arg22[%get3A_1082, %get3A_1083] {strides = array<i32>} : memref<128x128xf32, #tpu.memory_space<vmem>>, vector<1x16xf32>,
      %get3A_1085 = vector.shape_cast %get3A_1084 : vector<1x16xf32> to vector<16xf32>
      %get3A_1086 = arith.constant 30 : i32
      %get3A_1087 = arith.index_cast %get3A_1086 : i32 to index
      %get3A_1088 = arith.constant 0 : index
      %get3A_1089 = tpu.vector_load %arg23[%get3A_1087, %get3A_1088] {strides = array<i32>} : memref<128x128xf32, #tpu.memory_space<vmem>>, vector<1x16xf32>,
      %get3A_1090 = vector.shape_cast %get3A_1089 : vector<1x16xf32> to vector<16xf32>
      %add3A_1091 = arith.addf %get3A_1085, %get3A_1090 : vector<16xf32>
      %add3A_1092 = arith.addf %add3A_1080, %add3A_1091 : vector<16xf32>
      %swap3A_1093 = arith.constant 30 : i32
      %swap3A_1094 = arith.index_cast %swap3A_1093 : i32 to index
      %swap3A_1095 = arith.constant 0 : index
      %swap3A_1096 = tpu.vector_load %arg24[%swap3A_1094, %swap3A_1095] {strides = array<i32>} : memref<128x16xf32, #tpu.memory_space<vmem>>, vector<1x16xf32>,
      %swap3A_1097 = vector.shape_cast %swap3A_1096 : vector<1x16xf32> to vector<16xf32>
      %swap3A_1098 = vector.shape_cast %add3A_1092 : vector<16xf32> to vector<1x16xf32>
      tpu.vector_store %arg24[%swap3A_1094, %swap3A_1095], %swap3A_1098 {strides = array<i32>} : memref<128x16xf32, #tpu.memory_space<vmem>>, vector<1x16xf32>,
      %get3A_1099 = arith.constant 31 : i32
      %get3A_1100 = arith.index_cast %get3A_1099 : i32 to index
      %get3A_1101 = arith.constant 0 : index
      %get3A_1102 = tpu.vector_load %arg20[%get3A_1100, %get3A_1101] {strides = array<i32>} : memref<128x128xf32, #tpu.memory_space<vmem>>, vector<1x16xf32>,
      %get3A_1103 = vector.shape_cast %get3A_1102 : vector<1x16xf32> to vector<16xf32>
      %get3A_1104 = arith.constant 31 : i32
      %get3A_1105 = arith.index_cast %get3A_1104 : i32 to index
      %get3A_1106 = arith.constant 0 : index
      %get3A_1107 = tpu.vector_load %arg21[%get3A_1105, %get3A_1106] {strides = array<i32>} : memref<128x128xf32, #tpu.memory_space<vmem>>, vector<1x16xf32>,
      %get3A_1108 = vector.shape_cast %get3A_1107 : vector<1x16xf32> to vector<16xf32>
      %add3A_1109 = arith.addf %get3A_1103, %get3A_1108 : vector<16xf32>
      %get3A_1110 = arith.constant 31 : i32
      %get3A_1111 = arith.index_cast %get3A_1110 : i32 to index
      %get3A_1112 = arith.constant 0 : index
      %get3A_1113 = tpu.vector_load %arg22[%get3A_1111, %get3A_1112] {strides = array<i32>} : memref<128x128xf32, #tpu.memory_space<vmem>>, vector<1x16xf32>,
      %get3A_1114 = vector.shape_cast %get3A_1113 : vector<1x16xf32> to vector<16xf32>
      %get3A_1115 = arith.constant 31 : i32
      %get3A_1116 = arith.index_cast %get3A_1115 : i32 to index
      %get3A_1117 = arith.constant 0 : index
      %get3A_1118 = tpu.vector_load %arg23[%get3A_1116, %get3A_1117] {strides = array<i32>} : memref<128x128xf32, #tpu.memory_space<vmem>>, vector<1x16xf32>,
      %get3A_1119 = vector.shape_cast %get3A_1118 : vector<1x16xf32> to vector<16xf32>
      %add3A_1120 = arith.addf %get3A_1114, %get3A_1119 : vector<16xf32>
      %add3A_1121 = arith.addf %add3A_1109, %add3A_1120 : vector<16xf32>
      %swap3A_1122 = arith.constant 31 : i32
      %swap3A_1123 = arith.index_cast %swap3A_1122 : i32 to index
      %swap3A_1124 = arith.constant 0 : index
      %swap3A_1125 = tpu.vector_load %arg24[%swap3A_1123, %swap3A_1124] {strides = array<i32>} : memref<128x16xf32, #tpu.memory_space<vmem>>, vector<1x16xf32>,
      %swap3A_1126 = vector.shape_cast %swap3A_1125 : vector<1x16xf32> to vector<16xf32>
      %swap3A_1127 = vector.shape_cast %add3A_1121 : vector<16xf32> to vector<1x16xf32>
      tpu.vector_store %arg24[%swap3A_1123, %swap3A_1124], %swap3A_1127 {strides = array<i32>} : memref<128x16xf32, #tpu.memory_space<vmem>>, vector<1x16xf32>,
      %get3A_1128 = arith.constant 32 : i32
      %get3A_1129 = arith.index_cast %get3A_1128 : i32 to index
      %get3A_1130 = arith.constant 0 : index
      %get3A_1131 = tpu.vector_load %arg20[%get3A_1129, %get3A_1130] {strides = array<i32>} : memref<128x128xf32, #tpu.memory_space<vmem>>, vector<1x16xf32>,
      %get3A_1132 = vector.shape_cast %get3A_1131 : vector<1x16xf32> to vector<16xf32>
      %get3A_1133 = arith.constant 32 : i32
      %get3A_1134 = arith.index_cast %get3A_1133 : i32 to index
      %get3A_1135 = arith.constant 0 : index
      %get3A_1136 = tpu.vector_load %arg21[%get3A_1134, %get3A_1135] {strides = array<i32>} : memref<128x128xf32, #tpu.memory_space<vmem>>, vector<1x16xf32>,
      %get3A_1137 = vector.shape_cast %get3A_1136 : vector<1x16xf32> to vector<16xf32>
      %add3A_1138 = arith.addf %get3A_1132, %get3A_1137 : vector<16xf32>
      %get3A_1139 = arith.constant 32 : i32
      %get3A_1140 = arith.index_cast %get3A_1139 : i32 to index
      %get3A_1141 = arith.constant 0 : index
      %get3A_1142 = tpu.vector_load %arg22[%get3A_1140, %get3A_1141] {strides = array<i32>} : memref<128x128xf32, #tpu.memory_space<vmem>>, vector<1x16xf32>,
      %get3A_1143 = vector.shape_cast %get3A_1142 : vector<1x16xf32> to vector<16xf32>
      %get3A_1144 = arith.constant 32 : i32
      %get3A_1145 = arith.index_cast %get3A_1144 : i32 to index
      %get3A_1146 = arith.constant 0 : index
      %get3A_1147 = tpu.vector_load %arg23[%get3A_1145, %get3A_1146] {strides = array<i32>} : memref<128x128xf32, #tpu.memory_space<vmem>>, vector<1x16xf32>,
      %get3A_1148 = vector.shape_cast %get3A_1147 : vector<1x16xf32> to vector<16xf32>
      %add3A_1149 = arith.addf %get3A_1143, %get3A_1148 : vector<16xf32>
      %add3A_1150 = arith.addf %add3A_1138, %add3A_1149 : vector<16xf32>
      %swap3A_1151 = arith.constant 32 : i32
      %swap3A_1152 = arith.index_cast %swap3A_1151 : i32 to index
      %swap3A_1153 = arith.constant 0 : index
      %swap3A_1154 = tpu.vector_load %arg24[%swap3A_1152, %swap3A_1153] {strides = array<i32>} : memref<128x16xf32, #tpu.memory_space<vmem>>, vector<1x16xf32>,
      %swap3A_1155 = vector.shape_cast %swap3A_1154 : vector<1x16xf32> to vector<16xf32>
      %swap3A_1156 = vector.shape_cast %add3A_1150 : vector<16xf32> to vector<1x16xf32>
      tpu.vector_store %arg24[%swap3A_1152, %swap3A_1153], %swap3A_1156 {strides = array<i32>} : memref<128x16xf32, #tpu.memory_space<vmem>>, vector<1x16xf32>,
      %get3A_1157 = arith.constant 33 : i32
      %get3A_1158 = arith.index_cast %get3A_1157 : i32 to index
      %get3A_1159 = arith.constant 0 : index
      %get3A_1160 = tpu.vector_load %arg20[%get3A_1158, %get3A_1159] {strides = array<i32>} : memref<128x128xf32, #tpu.memory_space<vmem>>, vector<1x16xf32>,
      %get3A_1161 = vector.shape_cast %get3A_1160 : vector<1x16xf32> to vector<16xf32>
      %get3A_1162 = arith.constant 33 : i32
      %get3A_1163 = arith.index_cast %get3A_1162 : i32 to index
      %get3A_1164 = arith.constant 0 : index
      %get3A_1165 = tpu.vector_load %arg21[%get3A_1163, %get3A_1164] {strides = array<i32>} : memref<128x128xf32, #tpu.memory_space<vmem>>, vector<1x16xf32>,
      %get3A_1166 = vector.shape_cast %get3A_1165 : vector<1x16xf32> to vector<16xf32>
      %add3A_1167 = arith.addf %get3A_1161, %get3A_1166 : vector<16xf32>
      %get3A_1168 = arith.constant 33 : i32
      %get3A_1169 = arith.index_cast %get3A_1168 : i32 to index
      %get3A_1170 = arith.constant 0 : index
      %get3A_1171 = tpu.vector_load %arg22[%get3A_1169, %get3A_1170] {strides = array<i32>} : memref<128x128xf32, #tpu.memory_space<vmem>>, vector<1x16xf32>,
      %get3A_1172 = vector.shape_cast %get3A_1171 : vector<1x16xf32> to vector<16xf32>
      %get3A_1173 = arith.constant 33 : i32
      %get3A_1174 = arith.index_cast %get3A_1173 : i32 to index
      %get3A_1175 = arith.constant 0 : index
      %get3A_1176 = tpu.vector_load %arg23[%get3A_1174, %get3A_1175] {strides = array<i32>} : memref<128x128xf32, #tpu.memory_space<vmem>>, vector<1x16xf32>,
      %get3A_1177 = vector.shape_cast %get3A_1176 : vector<1x16xf32> to vector<16xf32>
      %add3A_1178 = arith.addf %get3A_1172, %get3A_1177 : vector<16xf32>
      %add3A_1179 = arith.addf %add3A_1167, %add3A_1178 : vector<16xf32>
      %swap3A_1180 = arith.constant 33 : i32
      %swap3A_1181 = arith.index_cast %swap3A_1180 : i32 to index
      %swap3A_1182 = arith.constant 0 : index
      %swap3A_1183 = tpu.vector_load %arg24[%swap3A_1181, %swap3A_1182] {strides = array<i32>} : memref<128x16xf32, #tpu.memory_space<vmem>>, vector<1x16xf32>,
      %swap3A_1184 = vector.shape_cast %swap3A_1183 : vector<1x16xf32> to vector<16xf32>
      %swap3A_1185 = vector.shape_cast %add3A_1179 : vector<16xf32> to vector<1x16xf32>
      tpu.vector_store %arg24[%swap3A_1181, %swap3A_1182], %swap3A_1185 {strides = array<i32>} : memref<128x16xf32, #tpu.memory_space<vmem>>, vector<1x16xf32>,
      %get3A_1186 = arith.constant 34 : i32
      %get3A_1187 = arith.index_cast %get3A_1186 : i32 to index
      %get3A_1188 = arith.constant 0 : index
      %get3A_1189 = tpu.vector_load %arg20[%get3A_1187, %get3A_1188] {strides = array<i32>} : memref<128x128xf32, #tpu.memory_space<vmem>>, vector<1x16xf32>,
      %get3A_1190 = vector.shape_cast %get3A_1189 : vector<1x16xf32> to vector<16xf32>
      %get3A_1191 = arith.constant 34 : i32
      %get3A_1192 = arith.index_cast %get3A_1191 : i32 to index
      %get3A_1193 = arith.constant 0 : index
      %get3A_1194 = tpu.vector_load %arg21[%get3A_1192, %get3A_1193] {strides = array<i32>} : memref<128x128xf32, #tpu.memory_space<vmem>>, vector<1x16xf32>,
      %get3A_1195 = vector.shape_cast %get3A_1194 : vector<1x16xf32> to vector<16xf32>
      %add3A_1196 = arith.addf %get3A_1190, %get3A_1195 : vector<16xf32>
      %get3A_1197 = arith.constant 34 : i32
      %get3A_1198 = arith.index_cast %get3A_1197 : i32 to index
      %get3A_1199 = arith.constant 0 : index
      %get3A_1200 = tpu.vector_load %arg22[%get3A_1198, %get3A_1199] {strides = array<i32>} : memref<128x128xf32, #tpu.memory_space<vmem>>, vector<1x16xf32>,
      %get3A_1201 = vector.shape_cast %get3A_1200 : vector<1x16xf32> to vector<16xf32>
      %get3A_1202 = arith.constant 34 : i32
      %get3A_1203 = arith.index_cast %get3A_1202 : i32 to index
      %get3A_1204 = arith.constant 0 : index
      %get3A_1205 = tpu.vector_load %arg23[%get3A_1203, %get3A_1204] {strides = array<i32>} : memref<128x128xf32, #tpu.memory_space<vmem>>, vector<1x16xf32>,
      %get3A_1206 = vector.shape_cast %get3A_1205 : vector<1x16xf32> to vector<16xf32>
      %add3A_1207 = arith.addf %get3A_1201, %get3A_1206 : vector<16xf32>
      %add3A_1208 = arith.addf %add3A_1196, %add3A_1207 : vector<16xf32>
      %swap3A_1209 = arith.constant 34 : i32
      %swap3A_1210 = arith.index_cast %swap3A_1209 : i32 to index
      %swap3A_1211 = arith.constant 0 : index
      %swap3A_1212 = tpu.vector_load %arg24[%swap3A_1210, %swap3A_1211] {strides = array<i32>} : memref<128x16xf32, #tpu.memory_space<vmem>>, vector<1x16xf32>,
      %swap3A_1213 = vector.shape_cast %swap3A_1212 : vector<1x16xf32> to vector<16xf32>
      %swap3A_1214 = vector.shape_cast %add3A_1208 : vector<16xf32> to vector<1x16xf32>
      tpu.vector_store %arg24[%swap3A_1210, %swap3A_1211], %swap3A_1214 {strides = array<i32>} : memref<128x16xf32, #tpu.memory_space<vmem>>, vector<1x16xf32>,
      %get3A_1215 = arith.constant 35 : i32
      %get3A_1216 = arith.index_cast %get3A_1215 : i32 to index
      %get3A_1217 = arith.constant 0 : index
      %get3A_1218 = tpu.vector_load %arg20[%get3A_1216, %get3A_1217] {strides = array<i32>} : memref<128x128xf32, #tpu.memory_space<vmem>>, vector<1x16xf32>,
      %get3A_1219 = vector.shape_cast %get3A_1218 : vector<1x16xf32> to vector<16xf32>
      %get3A_1220 = arith.constant 35 : i32
      %get3A_1221 = arith.index_cast %get3A_1220 : i32 to index
      %get3A_1222 = arith.constant 0 : index
      %get3A_1223 = tpu.vector_load %arg21[%get3A_1221, %get3A_1222] {strides = array<i32>} : memref<128x128xf32, #tpu.memory_space<vmem>>, vector<1x16xf32>,
      %get3A_1224 = vector.shape_cast %get3A_1223 : vector<1x16xf32> to vector<16xf32>
      %add3A_1225 = arith.addf %get3A_1219, %get3A_1224 : vector<16xf32>
      %get3A_1226 = arith.constant 35 : i32
      %get3A_1227 = arith.index_cast %get3A_1226 : i32 to index
      %get3A_1228 = arith.constant 0 : index
      %get3A_1229 = tpu.vector_load %arg22[%get3A_1227, %get3A_1228] {strides = array<i32>} : memref<128x128xf32, #tpu.memory_space<vmem>>, vector<1x16xf32>,
      %get3A_1230 = vector.shape_cast %get3A_1229 : vector<1x16xf32> to vector<16xf32>
      %get3A_1231 = arith.constant 35 : i32
      %get3A_1232 = arith.index_cast %get3A_1231 : i32 to index
      %get3A_1233 = arith.constant 0 : index
      %get3A_1234 = tpu.vector_load %arg23[%get3A_1232, %get3A_1233] {strides = array<i32>} : memref<128x128xf32, #tpu.memory_space<vmem>>, vector<1x16xf32>,
      %get3A_1235 = vector.shape_cast %get3A_1234 : vector<1x16xf32> to vector<16xf32>
      %add3A_1236 = arith.addf %get3A_1230, %get3A_1235 : vector<16xf32>
      %add3A_1237 = arith.addf %add3A_1225, %add3A_1236 : vector<16xf32>
      %swap3A_1238 = arith.constant 35 : i32
      %swap3A_1239 = arith.index_cast %swap3A_1238 : i32 to index
      %swap3A_1240 = arith.constant 0 : index
      %swap3A_1241 = tpu.vector_load %arg24[%swap3A_1239, %swap3A_1240] {strides = array<i32>} : memref<128x16xf32, #tpu.memory_space<vmem>>, vector<1x16xf32>,
      %swap3A_1242 = vector.shape_cast %swap3A_1241 : vector<1x16xf32> to vector<16xf32>
      %swap3A_1243 = vector.shape_cast %add3A_1237 : vector<16xf32> to vector<1x16xf32>
      tpu.vector_store %arg24[%swap3A_1239, %swap3A_1240], %swap3A_1243 {strides = array<i32>} : memref<128x16xf32, #tpu.memory_space<vmem>>, vector<1x16xf32>,
      %get3A_1244 = arith.constant 36 : i32
      %get3A_1245 = arith.index_cast %get3A_1244 : i32 to index
      %get3A_1246 = arith.constant 0 : index
      %get3A_1247 = tpu.vector_load %arg20[%get3A_1245, %get3A_1246] {strides = array<i32>} : memref<128x128xf32, #tpu.memory_space<vmem>>, vector<1x16xf32>,
      %get3A_1248 = vector.shape_cast %get3A_1247 : vector<1x16xf32> to vector<16xf32>
      %get3A_1249 = arith.constant 36 : i32
      %get3A_1250 = arith.index_cast %get3A_1249 : i32 to index
      %get3A_1251 = arith.constant 0 : index
      %get3A_1252 = tpu.vector_load %arg21[%get3A_1250, %get3A_1251] {strides = array<i32>} : memref<128x128xf32, #tpu.memory_space<vmem>>, vector<1x16xf32>,
      %get3A_1253 = vector.shape_cast %get3A_1252 : vector<1x16xf32> to vector<16xf32>
      %add3A_1254 = arith.addf %get3A_1248, %get3A_1253 : vector<16xf32>
      %get3A_1255 = arith.constant 36 : i32
      %get3A_1256 = arith.index_cast %get3A_1255 : i32 to index
      %get3A_1257 = arith.constant 0 : index
      %get3A_1258 = tpu.vector_load %arg22[%get3A_1256, %get3A_1257] {strides = array<i32>} : memref<128x128xf32, #tpu.memory_space<vmem>>, vector<1x16xf32>,
      %get3A_1259 = vector.shape_cast %get3A_1258 : vector<1x16xf32> to vector<16xf32>
      %get3A_1260 = arith.constant 36 : i32
      %get3A_1261 = arith.index_cast %get3A_1260 : i32 to index
      %get3A_1262 = arith.constant 0 : index
      %get3A_1263 = tpu.vector_load %arg23[%get3A_1261, %get3A_1262] {strides = array<i32>} : memref<128x128xf32, #tpu.memory_space<vmem>>, vector<1x16xf32>,
      %get3A_1264 = vector.shape_cast %get3A_1263 : vector<1x16xf32> to vector<16xf32>
      %add3A_1265 = arith.addf %get3A_1259, %get3A_1264 : vector<16xf32>
      %add3A_1266 = arith.addf %add3A_1254, %add3A_1265 : vector<16xf32>
      %swap3A_1267 = arith.constant 36 : i32
      %swap3A_1268 = arith.index_cast %swap3A_1267 : i32 to index
      %swap3A_1269 = arith.constant 0 : index
      %swap3A_1270 = tpu.vector_load %arg24[%swap3A_1268, %swap3A_1269] {strides = array<i32>} : memref<128x16xf32, #tpu.memory_space<vmem>>, vector<1x16xf32>,
      %swap3A_1271 = vector.shape_cast %swap3A_1270 : vector<1x16xf32> to vector<16xf32>
      %swap3A_1272 = vector.shape_cast %add3A_1266 : vector<16xf32> to vector<1x16xf32>
      tpu.vector_store %arg24[%swap3A_1268, %swap3A_1269], %swap3A_1272 {strides = array<i32>} : memref<128x16xf32, #tpu.memory_space<vmem>>, vector<1x16xf32>,
      %get3A_1273 = arith.constant 37 : i32
      %get3A_1274 = arith.index_cast %get3A_1273 : i32 to index
      %get3A_1275 = arith.constant 0 : index
      %get3A_1276 = tpu.vector_load %arg20[%get3A_1274, %get3A_1275] {strides = array<i32>} : memref<128x128xf32, #tpu.memory_space<vmem>>, vector<1x16xf32>,
      %get3A_1277 = vector.shape_cast %get3A_1276 : vector<1x16xf32> to vector<16xf32>
      %get3A_1278 = arith.constant 37 : i32
      %get3A_1279 = arith.index_cast %get3A_1278 : i32 to index
      %get3A_1280 = arith.constant 0 : index
      %get3A_1281 = tpu.vector_load %arg21[%get3A_1279, %get3A_1280] {strides = array<i32>} : memref<128x128xf32, #tpu.memory_space<vmem>>, vector<1x16xf32>,
      %get3A_1282 = vector.shape_cast %get3A_1281 : vector<1x16xf32> to vector<16xf32>
      %add3A_1283 = arith.addf %get3A_1277, %get3A_1282 : vector<16xf32>
      %get3A_1284 = arith.constant 37 : i32
      %get3A_1285 = arith.index_cast %get3A_1284 : i32 to index
      %get3A_1286 = arith.constant 0 : index
      %get3A_1287 = tpu.vector_load %arg22[%get3A_1285, %get3A_1286] {strides = array<i32>} : memref<128x128xf32, #tpu.memory_space<vmem>>, vector<1x16xf32>,
      %get3A_1288 = vector.shape_cast %get3A_1287 : vector<1x16xf32> to vector<16xf32>
      %get3A_1289 = arith.constant 37 : i32
      %get3A_1290 = arith.index_cast %get3A_1289 : i32 to index
      %get3A_1291 = arith.constant 0 : index
      %get3A_1292 = tpu.vector_load %arg23[%get3A_1290, %get3A_1291] {strides = array<i32>} : memref<128x128xf32, #tpu.memory_space<vmem>>, vector<1x16xf32>,
      %get3A_1293 = vector.shape_cast %get3A_1292 : vector<1x16xf32> to vector<16xf32>
      %add3A_1294 = arith.addf %get3A_1288, %get3A_1293 : vector<16xf32>
      %add3A_1295 = arith.addf %add3A_1283, %add3A_1294 : vector<16xf32>
      %swap3A_1296 = arith.constant 37 : i32
      %swap3A_1297 = arith.index_cast %swap3A_1296 : i32 to index
      %swap3A_1298 = arith.constant 0 : index
      %swap3A_1299 = tpu.vector_load %arg24[%swap3A_1297, %swap3A_1298] {strides = array<i32>} : memref<128x16xf32, #tpu.memory_space<vmem>>, vector<1x16xf32>,
      %swap3A_1300 = vector.shape_cast %swap3A_1299 : vector<1x16xf32> to vector<16xf32>
      %swap3A_1301 = vector.shape_cast %add3A_1295 : vector<16xf32> to vector<1x16xf32>
      tpu.vector_store %arg24[%swap3A_1297, %swap3A_1298], %swap3A_1301 {strides = array<i32>} : memref<128x16xf32, #tpu.memory_space<vmem>>, vector<1x16xf32>,
      %get3A_1302 = arith.constant 38 : i32
      %get3A_1303 = arith.index_cast %get3A_1302 : i32 to index
      %get3A_1304 = arith.constant 0 : index
      %get3A_1305 = tpu.vector_load %arg20[%get3A_1303, %get3A_1304] {strides = array<i32>} : memref<128x128xf32, #tpu.memory_space<vmem>>, vector<1x16xf32>,
      %get3A_1306 = vector.shape_cast %get3A_1305 : vector<1x16xf32> to vector<16xf32>
      %get3A_1307 = arith.constant 38 : i32
      %get3A_1308 = arith.index_cast %get3A_1307 : i32 to index
      %get3A_1309 = arith.constant 0 : index
      %get3A_1310 = tpu.vector_load %arg21[%get3A_1308, %get3A_1309] {strides = array<i32>} : memref<128x128xf32, #tpu.memory_space<vmem>>, vector<1x16xf32>,
      %get3A_1311 = vector.shape_cast %get3A_1310 : vector<1x16xf32> to vector<16xf32>
      %add3A_1312 = arith.addf %get3A_1306, %get3A_1311 : vector<16xf32>
      %get3A_1313 = arith.constant 38 : i32
      %get3A_1314 = arith.index_cast %get3A_1313 : i32 to index
      %get3A_1315 = arith.constant 0 : index
      %get3A_1316 = tpu.vector_load %arg22[%get3A_1314, %get3A_1315] {strides = array<i32>} : memref<128x128xf32, #tpu.memory_space<vmem>>, vector<1x16xf32>,
      %get3A_1317 = vector.shape_cast %get3A_1316 : vector<1x16xf32> to vector<16xf32>
      %get3A_1318 = arith.constant 38 : i32
      %get3A_1319 = arith.index_cast %get3A_1318 : i32 to index
      %get3A_1320 = arith.constant 0 : index
      %get3A_1321 = tpu.vector_load %arg23[%get3A_1319, %get3A_1320] {strides = array<i32>} : memref<128x128xf32, #tpu.memory_space<vmem>>, vector<1x16xf32>,
      %get3A_1322 = vector.shape_cast %get3A_1321 : vector<1x16xf32> to vector<16xf32>
      %add3A_1323 = arith.addf %get3A_1317, %get3A_1322 : vector<16xf32>
      %add3A_1324 = arith.addf %add3A_1312, %add3A_1323 : vector<16xf32>
      %swap3A_1325 = arith.constant 38 : i32
      %swap3A_1326 = arith.index_cast %swap3A_1325 : i32 to index
      %swap3A_1327 = arith.constant 0 : index
      %swap3A_1328 = tpu.vector_load %arg24[%swap3A_1326, %swap3A_1327] {strides = array<i32>} : memref<128x16xf32, #tpu.memory_space<vmem>>, vector<1x16xf32>,
      %swap3A_1329 = vector.shape_cast %swap3A_1328 : vector<1x16xf32> to vector<16xf32>
      %swap3A_1330 = vector.shape_cast %add3A_1324 : vector<16xf32> to vector<1x16xf32>
      tpu.vector_store %arg24[%swap3A_1326, %swap3A_1327], %swap3A_1330 {strides = array<i32>} : memref<128x16xf32, #tpu.memory_space<vmem>>, vector<1x16xf32>,
      %get3A_1331 = arith.constant 39 : i32
      %get3A_1332 = arith.index_cast %get3A_1331 : i32 to index
      %get3A_1333 = arith.constant 0 : index
      %get3A_1334 = tpu.vector_load %arg20[%get3A_1332, %get3A_1333] {strides = array<i32>} : memref<128x128xf32, #tpu.memory_space<vmem>>, vector<1x16xf32>,
      %get3A_1335 = vector.shape_cast %get3A_1334 : vector<1x16xf32> to vector<16xf32>
      %get3A_1336 = arith.constant 39 : i32
      %get3A_1337 = arith.index_cast %get3A_1336 : i32 to index
      %get3A_1338 = arith.constant 0 : index
      %get3A_1339 = tpu.vector_load %arg21[%get3A_1337, %get3A_1338] {strides = array<i32>} : memref<128x128xf32, #tpu.memory_space<vmem>>, vector<1x16xf32>,
      %get3A_1340 = vector.shape_cast %get3A_1339 : vector<1x16xf32> to vector<16xf32>
      %add3A_1341 = arith.addf %get3A_1335, %get3A_1340 : vector<16xf32>
      %get3A_1342 = arith.constant 39 : i32
      %get3A_1343 = arith.index_cast %get3A_1342 : i32 to index
      %get3A_1344 = arith.constant 0 : index
      %get3A_1345 = tpu.vector_load %arg22[%get3A_1343, %get3A_1344] {strides = array<i32>} : memref<128x128xf32, #tpu.memory_space<vmem>>, vector<1x16xf32>,
      %get3A_1346 = vector.shape_cast %get3A_1345 : vector<1x16xf32> to vector<16xf32>
      %get3A_1347 = arith.constant 39 : i32
      %get3A_1348 = arith.index_cast %get3A_1347 : i32 to index
      %get3A_1349 = arith.constant 0 : index
      %get3A_1350 = tpu.vector_load %arg23[%get3A_1348, %get3A_1349] {strides = array<i32>} : memref<128x128xf32, #tpu.memory_space<vmem>>, vector<1x16xf32>,
      %get3A_1351 = vector.shape_cast %get3A_1350 : vector<1x16xf32> to vector<16xf32>
      %add3A_1352 = arith.addf %get3A_1346, %get3A_1351 : vector<16xf32>
      %add3A_1353 = arith.addf %add3A_1341, %add3A_1352 : vector<16xf32>
      %swap3A_1354 = arith.constant 39 : i32
      %swap3A_1355 = arith.index_cast %swap3A_1354 : i32 to index
      %swap3A_1356 = arith.constant 0 : index
      %swap3A_1357 = tpu.vector_load %arg24[%swap3A_1355, %swap3A_1356] {strides = array<i32>} : memref<128x16xf32, #tpu.memory_space<vmem>>, vector<1x16xf32>,
      %swap3A_1358 = vector.shape_cast %swap3A_1357 : vector<1x16xf32> to vector<16xf32>
      %swap3A_1359 = vector.shape_cast %add3A_1353 : vector<16xf32> to vector<1x16xf32>
      tpu.vector_store %arg24[%swap3A_1355, %swap3A_1356], %swap3A_1359 {strides = array<i32>} : memref<128x16xf32, #tpu.memory_space<vmem>>, vector<1x16xf32>,
      %get3A_1360 = arith.constant 40 : i32
      %get3A_1361 = arith.index_cast %get3A_1360 : i32 to index
      %get3A_1362 = arith.constant 0 : index
      %get3A_1363 = tpu.vector_load %arg20[%get3A_1361, %get3A_1362] {strides = array<i32>} : memref<128x128xf32, #tpu.memory_space<vmem>>, vector<1x16xf32>,
      %get3A_1364 = vector.shape_cast %get3A_1363 : vector<1x16xf32> to vector<16xf32>
      %get3A_1365 = arith.constant 40 : i32
      %get3A_1366 = arith.index_cast %get3A_1365 : i32 to index
      %get3A_1367 = arith.constant 0 : index
      %get3A_1368 = tpu.vector_load %arg21[%get3A_1366, %get3A_1367] {strides = array<i32>} : memref<128x128xf32, #tpu.memory_space<vmem>>, vector<1x16xf32>,
      %get3A_1369 = vector.shape_cast %get3A_1368 : vector<1x16xf32> to vector<16xf32>
      %add3A_1370 = arith.addf %get3A_1364, %get3A_1369 : vector<16xf32>
      %get3A_1371 = arith.constant 40 : i32
      %get3A_1372 = arith.index_cast %get3A_1371 : i32 to index
      %get3A_1373 = arith.constant 0 : index
      %get3A_1374 = tpu.vector_load %arg22[%get3A_1372, %get3A_1373] {strides = array<i32>} : memref<128x128xf32, #tpu.memory_space<vmem>>, vector<1x16xf32>,
      %get3A_1375 = vector.shape_cast %get3A_1374 : vector<1x16xf32> to vector<16xf32>
      %get3A_1376 = arith.constant 40 : i32
      %get3A_1377 = arith.index_cast %get3A_1376 : i32 to index
      %get3A_1378 = arith.constant 0 : index
      %get3A_1379 = tpu.vector_load %arg23[%get3A_1377, %get3A_1378] {strides = array<i32>} : memref<128x128xf32, #tpu.memory_space<vmem>>, vector<1x16xf32>,
      %get3A_1380 = vector.shape_cast %get3A_1379 : vector<1x16xf32> to vector<16xf32>
      %add3A_1381 = arith.addf %get3A_1375, %get3A_1380 : vector<16xf32>
      %add3A_1382 = arith.addf %add3A_1370, %add3A_1381 : vector<16xf32>
      %swap3A_1383 = arith.constant 40 : i32
      %swap3A_1384 = arith.index_cast %swap3A_1383 : i32 to index
      %swap3A_1385 = arith.constant 0 : index
      %swap3A_1386 = tpu.vector_load %arg24[%swap3A_1384, %swap3A_1385] {strides = array<i32>} : memref<128x16xf32, #tpu.memory_space<vmem>>, vector<1x16xf32>,
      %swap3A_1387 = vector.shape_cast %swap3A_1386 : vector<1x16xf32> to vector<16xf32>
      %swap3A_1388 = vector.shape_cast %add3A_1382 : vector<16xf32> to vector<1x16xf32>
      tpu.vector_store %arg24[%swap3A_1384, %swap3A_1385], %swap3A_1388 {strides = array<i32>} : memref<128x16xf32, #tpu.memory_space<vmem>>, vector<1x16xf32>,
      %get3A_1389 = arith.constant 41 : i32
      %get3A_1390 = arith.index_cast %get3A_1389 : i32 to index
      %get3A_1391 = arith.constant 0 : index
      %get3A_1392 = tpu.vector_load %arg20[%get3A_1390, %get3A_1391] {strides = array<i32>} : memref<128x128xf32, #tpu.memory_space<vmem>>, vector<1x16xf32>,
      %get3A_1393 = vector.shape_cast %get3A_1392 : vector<1x16xf32> to vector<16xf32>
      %get3A_1394 = arith.constant 41 : i32
      %get3A_1395 = arith.index_cast %get3A_1394 : i32 to index
      %get3A_1396 = arith.constant 0 : index
      %get3A_1397 = tpu.vector_load %arg21[%get3A_1395, %get3A_1396] {strides = array<i32>} : memref<128x128xf32, #tpu.memory_space<vmem>>, vector<1x16xf32>,
      %get3A_1398 = vector.shape_cast %get3A_1397 : vector<1x16xf32> to vector<16xf32>
      %add3A_1399 = arith.addf %get3A_1393, %get3A_1398 : vector<16xf32>
      %get3A_1400 = arith.constant 41 : i32
      %get3A_1401 = arith.index_cast %get3A_1400 : i32 to index
      %get3A_1402 = arith.constant 0 : index
      %get3A_1403 = tpu.vector_load %arg22[%get3A_1401, %get3A_1402] {strides = array<i32>} : memref<128x128xf32, #tpu.memory_space<vmem>>, vector<1x16xf32>,
      %get3A_1404 = vector.shape_cast %get3A_1403 : vector<1x16xf32> to vector<16xf32>
      %get3A_1405 = arith.constant 41 : i32
      %get3A_1406 = arith.index_cast %get3A_1405 : i32 to index
      %get3A_1407 = arith.constant 0 : index
      %get3A_1408 = tpu.vector_load %arg23[%get3A_1406, %get3A_1407] {strides = array<i32>} : memref<128x128xf32, #tpu.memory_space<vmem>>, vector<1x16xf32>,
      %get3A_1409 = vector.shape_cast %get3A_1408 : vector<1x16xf32> to vector<16xf32>
      %add3A_1410 = arith.addf %get3A_1404, %get3A_1409 : vector<16xf32>
      %add3A_1411 = arith.addf %add3A_1399, %add3A_1410 : vector<16xf32>
      %swap3A_1412 = arith.constant 41 : i32
      %swap3A_1413 = arith.index_cast %swap3A_1412 : i32 to index
      %swap3A_1414 = arith.constant 0 : index
      %swap3A_1415 = tpu.vector_load %arg24[%swap3A_1413, %swap3A_1414] {strides = array<i32>} : memref<128x16xf32, #tpu.memory_space<vmem>>, vector<1x16xf32>,
      %swap3A_1416 = vector.shape_cast %swap3A_1415 : vector<1x16xf32> to vector<16xf32>
      %swap3A_1417 = vector.shape_cast %add3A_1411 : vector<16xf32> to vector<1x16xf32>
      tpu.vector_store %arg24[%swap3A_1413, %swap3A_1414], %swap3A_1417 {strides = array<i32>} : memref<128x16xf32, #tpu.memory_space<vmem>>, vector<1x16xf32>,
      %get3A_1418 = arith.constant 42 : i32
      %get3A_1419 = arith.index_cast %get3A_1418 : i32 to index
      %get3A_1420 = arith.constant 0 : index
      %get3A_1421 = tpu.vector_load %arg20[%get3A_1419, %get3A_1420] {strides = array<i32>} : memref<128x128xf32, #tpu.memory_space<vmem>>, vector<1x16xf32>,
      %get3A_1422 = vector.shape_cast %get3A_1421 : vector<1x16xf32> to vector<16xf32>
      %get3A_1423 = arith.constant 42 : i32
      %get3A_1424 = arith.index_cast %get3A_1423 : i32 to index
      %get3A_1425 = arith.constant 0 : index
      %get3A_1426 = tpu.vector_load %arg21[%get3A_1424, %get3A_1425] {strides = array<i32>} : memref<128x128xf32, #tpu.memory_space<vmem>>, vector<1x16xf32>,
      %get3A_1427 = vector.shape_cast %get3A_1426 : vector<1x16xf32> to vector<16xf32>
      %add3A_1428 = arith.addf %get3A_1422, %get3A_1427 : vector<16xf32>
      %get3A_1429 = arith.constant 42 : i32
      %get3A_1430 = arith.index_cast %get3A_1429 : i32 to index
      %get3A_1431 = arith.constant 0 : index
      %get3A_1432 = tpu.vector_load %arg22[%get3A_1430, %get3A_1431] {strides = array<i32>} : memref<128x128xf32, #tpu.memory_space<vmem>>, vector<1x16xf32>,
      %get3A_1433 = vector.shape_cast %get3A_1432 : vector<1x16xf32> to vector<16xf32>
      %get3A_1434 = arith.constant 42 : i32
      %get3A_1435 = arith.index_cast %get3A_1434 : i32 to index
      %get3A_1436 = arith.constant 0 : index
      %get3A_1437 = tpu.vector_load %arg23[%get3A_1435, %get3A_1436] {strides = array<i32>} : memref<128x128xf32, #tpu.memory_space<vmem>>, vector<1x16xf32>,
      %get3A_1438 = vector.shape_cast %get3A_1437 : vector<1x16xf32> to vector<16xf32>
      %add3A_1439 = arith.addf %get3A_1433, %get3A_1438 : vector<16xf32>
      %add3A_1440 = arith.addf %add3A_1428, %add3A_1439 : vector<16xf32>
      %swap3A_1441 = arith.constant 42 : i32
      %swap3A_1442 = arith.index_cast %swap3A_1441 : i32 to index
      %swap3A_1443 = arith.constant 0 : index
      %swap3A_1444 = tpu.vector_load %arg24[%swap3A_1442, %swap3A_1443] {strides = array<i32>} : memref<128x16xf32, #tpu.memory_space<vmem>>, vector<1x16xf32>,
      %swap3A_1445 = vector.shape_cast %swap3A_1444 : vector<1x16xf32> to vector<16xf32>
      %swap3A_1446 = vector.shape_cast %add3A_1440 : vector<16xf32> to vector<1x16xf32>
      tpu.vector_store %arg24[%swap3A_1442, %swap3A_1443], %swap3A_1446 {strides = array<i32>} : memref<128x16xf32, #tpu.memory_space<vmem>>, vector<1x16xf32>,
      %get3A_1447 = arith.constant 43 : i32
      %get3A_1448 = arith.index_cast %get3A_1447 : i32 to index
      %get3A_1449 = arith.constant 0 : index
      %get3A_1450 = tpu.vector_load %arg20[%get3A_1448, %get3A_1449] {strides = array<i32>} : memref<128x128xf32, #tpu.memory_space<vmem>>, vector<1x16xf32>,
      %get3A_1451 = vector.shape_cast %get3A_1450 : vector<1x16xf32> to vector<16xf32>
      %get3A_1452 = arith.constant 43 : i32
      %get3A_1453 = arith.index_cast %get3A_1452 : i32 to index
      %get3A_1454 = arith.constant 0 : index
      %get3A_1455 = tpu.vector_load %arg21[%get3A_1453, %get3A_1454] {strides = array<i32>} : memref<128x128xf32, #tpu.memory_space<vmem>>, vector<1x16xf32>,
      %get3A_1456 = vector.shape_cast %get3A_1455 : vector<1x16xf32> to vector<16xf32>
      %add3A_1457 = arith.addf %get3A_1451, %get3A_1456 : vector<16xf32>
      %get3A_1458 = arith.constant 43 : i32
      %get3A_1459 = arith.index_cast %get3A_1458 : i32 to index
      %get3A_1460 = arith.constant 0 : index
      %get3A_1461 = tpu.vector_load %arg22[%get3A_1459, %get3A_1460] {strides = array<i32>} : memref<128x128xf32, #tpu.memory_space<vmem>>, vector<1x16xf32>,
      %get3A_1462 = vector.shape_cast %get3A_1461 : vector<1x16xf32> to vector<16xf32>
      %get3A_1463 = arith.constant 43 : i32
      %get3A_1464 = arith.index_cast %get3A_1463 : i32 to index
      %get3A_1465 = arith.constant 0 : index
      %get3A_1466 = tpu.vector_load %arg23[%get3A_1464, %get3A_1465] {strides = array<i32>} : memref<128x128xf32, #tpu.memory_space<vmem>>, vector<1x16xf32>,
      %get3A_1467 = vector.shape_cast %get3A_1466 : vector<1x16xf32> to vector<16xf32>
      %add3A_1468 = arith.addf %get3A_1462, %get3A_1467 : vector<16xf32>
      %add3A_1469 = arith.addf %add3A_1457, %add3A_1468 : vector<16xf32>
      %swap3A_1470 = arith.constant 43 : i32
      %swap3A_1471 = arith.index_cast %swap3A_1470 : i32 to index
      %swap3A_1472 = arith.constant 0 : index
      %swap3A_1473 = tpu.vector_load %arg24[%swap3A_1471, %swap3A_1472] {strides = array<i32>} : memref<128x16xf32, #tpu.memory_space<vmem>>, vector<1x16xf32>,
      %swap3A_1474 = vector.shape_cast %swap3A_1473 : vector<1x16xf32> to vector<16xf32>
      %swap3A_1475 = vector.shape_cast %add3A_1469 : vector<16xf32> to vector<1x16xf32>
      tpu.vector_store %arg24[%swap3A_1471, %swap3A_1472], %swap3A_1475 {strides = array<i32>} : memref<128x16xf32, #tpu.memory_space<vmem>>, vector<1x16xf32>,
      %get3A_1476 = arith.constant 44 : i32
      %get3A_1477 = arith.index_cast %get3A_1476 : i32 to index
      %get3A_1478 = arith.constant 0 : index
      %get3A_1479 = tpu.vector_load %arg20[%get3A_1477, %get3A_1478] {strides = array<i32>} : memref<128x128xf32, #tpu.memory_space<vmem>>, vector<1x16xf32>,
      %get3A_1480 = vector.shape_cast %get3A_1479 : vector<1x16xf32> to vector<16xf32>
      %get3A_1481 = arith.constant 44 : i32
      %get3A_1482 = arith.index_cast %get3A_1481 : i32 to index
      %get3A_1483 = arith.constant 0 : index
      %get3A_1484 = tpu.vector_load %arg21[%get3A_1482, %get3A_1483] {strides = array<i32>} : memref<128x128xf32, #tpu.memory_space<vmem>>, vector<1x16xf32>,
      %get3A_1485 = vector.shape_cast %get3A_1484 : vector<1x16xf32> to vector<16xf32>
      %add3A_1486 = arith.addf %get3A_1480, %get3A_1485 : vector<16xf32>
      %get3A_1487 = arith.constant 44 : i32
      %get3A_1488 = arith.index_cast %get3A_1487 : i32 to index
      %get3A_1489 = arith.constant 0 : index
      %get3A_1490 = tpu.vector_load %arg22[%get3A_1488, %get3A_1489] {strides = array<i32>} : memref<128x128xf32, #tpu.memory_space<vmem>>, vector<1x16xf32>,
      %get3A_1491 = vector.shape_cast %get3A_1490 : vector<1x16xf32> to vector<16xf32>
      %get3A_1492 = arith.constant 44 : i32
      %get3A_1493 = arith.index_cast %get3A_1492 : i32 to index
      %get3A_1494 = arith.constant 0 : index
      %get3A_1495 = tpu.vector_load %arg23[%get3A_1493, %get3A_1494] {strides = array<i32>} : memref<128x128xf32, #tpu.memory_space<vmem>>, vector<1x16xf32>,
      %get3A_1496 = vector.shape_cast %get3A_1495 : vector<1x16xf32> to vector<16xf32>
      %add3A_1497 = arith.addf %get3A_1491, %get3A_1496 : vector<16xf32>
      %add3A_1498 = arith.addf %add3A_1486, %add3A_1497 : vector<16xf32>
      %swap3A_1499 = arith.constant 44 : i32
      %swap3A_1500 = arith.index_cast %swap3A_1499 : i32 to index
      %swap3A_1501 = arith.constant 0 : index
      %swap3A_1502 = tpu.vector_load %arg24[%swap3A_1500, %swap3A_1501] {strides = array<i32>} : memref<128x16xf32, #tpu.memory_space<vmem>>, vector<1x16xf32>,
      %swap3A_1503 = vector.shape_cast %swap3A_1502 : vector<1x16xf32> to vector<16xf32>
      %swap3A_1504 = vector.shape_cast %add3A_1498 : vector<16xf32> to vector<1x16xf32>
      tpu.vector_store %arg24[%swap3A_1500, %swap3A_1501], %swap3A_1504 {strides = array<i32>} : memref<128x16xf32, #tpu.memory_space<vmem>>, vector<1x16xf32>,
      %get3A_1505 = arith.constant 45 : i32
      %get3A_1506 = arith.index_cast %get3A_1505 : i32 to index
      %get3A_1507 = arith.constant 0 : index
      %get3A_1508 = tpu.vector_load %arg20[%get3A_1506, %get3A_1507] {strides = array<i32>} : memref<128x128xf32, #tpu.memory_space<vmem>>, vector<1x16xf32>,
      %get3A_1509 = vector.shape_cast %get3A_1508 : vector<1x16xf32> to vector<16xf32>
      %get3A_1510 = arith.constant 45 : i32
      %get3A_1511 = arith.index_cast %get3A_1510 : i32 to index
      %get3A_1512 = arith.constant 0 : index
      %get3A_1513 = tpu.vector_load %arg21[%get3A_1511, %get3A_1512] {strides = array<i32>} : memref<128x128xf32, #tpu.memory_space<vmem>>, vector<1x16xf32>,
      %get3A_1514 = vector.shape_cast %get3A_1513 : vector<1x16xf32> to vector<16xf32>
      %add3A_1515 = arith.addf %get3A_1509, %get3A_1514 : vector<16xf32>
      %get3A_1516 = arith.constant 45 : i32
      %get3A_1517 = arith.index_cast %get3A_1516 : i32 to index
      %get3A_1518 = arith.constant 0 : index
      %get3A_1519 = tpu.vector_load %arg22[%get3A_1517, %get3A_1518] {strides = array<i32>} : memref<128x128xf32, #tpu.memory_space<vmem>>, vector<1x16xf32>,
      %get3A_1520 = vector.shape_cast %get3A_1519 : vector<1x16xf32> to vector<16xf32>
      %get3A_1521 = arith.constant 45 : i32
      %get3A_1522 = arith.index_cast %get3A_1521 : i32 to index
      %get3A_1523 = arith.constant 0 : index
      %get3A_1524 = tpu.vector_load %arg23[%get3A_1522, %get3A_1523] {strides = array<i32>} : memref<128x128xf32, #tpu.memory_space<vmem>>, vector<1x16xf32>,
      %get3A_1525 = vector.shape_cast %get3A_1524 : vector<1x16xf32> to vector<16xf32>
      %add3A_1526 = arith.addf %get3A_1520, %get3A_1525 : vector<16xf32>
      %add3A_1527 = arith.addf %add3A_1515, %add3A_1526 : vector<16xf32>
      %swap3A_1528 = arith.constant 45 : i32
      %swap3A_1529 = arith.index_cast %swap3A_1528 : i32 to index
      %swap3A_1530 = arith.constant 0 : index
      %swap3A_1531 = tpu.vector_load %arg24[%swap3A_1529, %swap3A_1530] {strides = array<i32>} : memref<128x16xf32, #tpu.memory_space<vmem>>, vector<1x16xf32>,
      %swap3A_1532 = vector.shape_cast %swap3A_1531 : vector<1x16xf32> to vector<16xf32>
      %swap3A_1533 = vector.shape_cast %add3A_1527 : vector<16xf32> to vector<1x16xf32>
      tpu.vector_store %arg24[%swap3A_1529, %swap3A_1530], %swap3A_1533 {strides = array<i32>} : memref<128x16xf32, #tpu.memory_space<vmem>>, vector<1x16xf32>,
      %get3A_1534 = arith.constant 46 : i32
      %get3A_1535 = arith.index_cast %get3A_1534 : i32 to index
      %get3A_1536 = arith.constant 0 : index
      %get3A_1537 = tpu.vector_load %arg20[%get3A_1535, %get3A_1536] {strides = array<i32>} : memref<128x128xf32, #tpu.memory_space<vmem>>, vector<1x16xf32>,
      %get3A_1538 = vector.shape_cast %get3A_1537 : vector<1x16xf32> to vector<16xf32>
      %get3A_1539 = arith.constant 46 : i32
      %get3A_1540 = arith.index_cast %get3A_1539 : i32 to index
      %get3A_1541 = arith.constant 0 : index
      %get3A_1542 = tpu.vector_load %arg21[%get3A_1540, %get3A_1541] {strides = array<i32>} : memref<128x128xf32, #tpu.memory_space<vmem>>, vector<1x16xf32>,
      %get3A_1543 = vector.shape_cast %get3A_1542 : vector<1x16xf32> to vector<16xf32>
      %add3A_1544 = arith.addf %get3A_1538, %get3A_1543 : vector<16xf32>
      %get3A_1545 = arith.constant 46 : i32
      %get3A_1546 = arith.index_cast %get3A_1545 : i32 to index
      %get3A_1547 = arith.constant 0 : index
      %get3A_1548 = tpu.vector_load %arg22[%get3A_1546, %get3A_1547] {strides = array<i32>} : memref<128x128xf32, #tpu.memory_space<vmem>>, vector<1x16xf32>,
      %get3A_1549 = vector.shape_cast %get3A_1548 : vector<1x16xf32> to vector<16xf32>
      %get3A_1550 = arith.constant 46 : i32
      %get3A_1551 = arith.index_cast %get3A_1550 : i32 to index
      %get3A_1552 = arith.constant 0 : index
      %get3A_1553 = tpu.vector_load %arg23[%get3A_1551, %get3A_1552] {strides = array<i32>} : memref<128x128xf32, #tpu.memory_space<vmem>>, vector<1x16xf32>,
      %get3A_1554 = vector.shape_cast %get3A_1553 : vector<1x16xf32> to vector<16xf32>
      %add3A_1555 = arith.addf %get3A_1549, %get3A_1554 : vector<16xf32>
      %add3A_1556 = arith.addf %add3A_1544, %add3A_1555 : vector<16xf32>
      %swap3A_1557 = arith.constant 46 : i32
      %swap3A_1558 = arith.index_cast %swap3A_1557 : i32 to index
      %swap3A_1559 = arith.constant 0 : index
      %swap3A_1560 = tpu.vector_load %arg24[%swap3A_1558, %swap3A_1559] {strides = array<i32>} : memref<128x16xf32, #tpu.memory_space<vmem>>, vector<1x16xf32>,
      %swap3A_1561 = vector.shape_cast %swap3A_1560 : vector<1x16xf32> to vector<16xf32>
      %swap3A_1562 = vector.shape_cast %add3A_1556 : vector<16xf32> to vector<1x16xf32>
      tpu.vector_store %arg24[%swap3A_1558, %swap3A_1559], %swap3A_1562 {strides = array<i32>} : memref<128x16xf32, #tpu.memory_space<vmem>>, vector<1x16xf32>,
      %get3A_1563 = arith.constant 47 : i32
      %get3A_1564 = arith.index_cast %get3A_1563 : i32 to index
      %get3A_1565 = arith.constant 0 : index
      %get3A_1566 = tpu.vector_load %arg20[%get3A_1564, %get3A_1565] {strides = array<i32>} : memref<128x128xf32, #tpu.memory_space<vmem>>, vector<1x16xf32>,
      %get3A_1567 = vector.shape_cast %get3A_1566 : vector<1x16xf32> to vector<16xf32>
      %get3A_1568 = arith.constant 47 : i32
      %get3A_1569 = arith.index_cast %get3A_1568 : i32 to index
      %get3A_1570 = arith.constant 0 : index
      %get3A_1571 = tpu.vector_load %arg21[%get3A_1569, %get3A_1570] {strides = array<i32>} : memref<128x128xf32, #tpu.memory_space<vmem>>, vector<1x16xf32>,
      %get3A_1572 = vector.shape_cast %get3A_1571 : vector<1x16xf32> to vector<16xf32>
      %add3A_1573 = arith.addf %get3A_1567, %get3A_1572 : vector<16xf32>
      %get3A_1574 = arith.constant 47 : i32
      %get3A_1575 = arith.index_cast %get3A_1574 : i32 to index
      %get3A_1576 = arith.constant 0 : index
      %get3A_1577 = tpu.vector_load %arg22[%get3A_1575, %get3A_1576] {strides = array<i32>} : memref<128x128xf32, #tpu.memory_space<vmem>>, vector<1x16xf32>,
      %get3A_1578 = vector.shape_cast %get3A_1577 : vector<1x16xf32> to vector<16xf32>
      %get3A_1579 = arith.constant 47 : i32
      %get3A_1580 = arith.index_cast %get3A_1579 : i32 to index
      %get3A_1581 = arith.constant 0 : index
      %get3A_1582 = tpu.vector_load %arg23[%get3A_1580, %get3A_1581] {strides = array<i32>} : memref<128x128xf32, #tpu.memory_space<vmem>>, vector<1x16xf32>,
      %get3A_1583 = vector.shape_cast %get3A_1582 : vector<1x16xf32> to vector<16xf32>
      %add3A_1584 = arith.addf %get3A_1578, %get3A_1583 : vector<16xf32>
      %add3A_1585 = arith.addf %add3A_1573, %add3A_1584 : vector<16xf32>
      %swap3A_1586 = arith.constant 47 : i32
      %swap3A_1587 = arith.index_cast %swap3A_1586 : i32 to index
      %swap3A_1588 = arith.constant 0 : index
      %swap3A_1589 = tpu.vector_load %arg24[%swap3A_1587, %swap3A_1588] {strides = array<i32>} : memref<128x16xf32, #tpu.memory_space<vmem>>, vector<1x16xf32>,
      %swap3A_1590 = vector.shape_cast %swap3A_1589 : vector<1x16xf32> to vector<16xf32>
      %swap3A_1591 = vector.shape_cast %add3A_1585 : vector<16xf32> to vector<1x16xf32>
      tpu.vector_store %arg24[%swap3A_1587, %swap3A_1588], %swap3A_1591 {strides = array<i32>} : memref<128x16xf32, #tpu.memory_space<vmem>>, vector<1x16xf32>,
      %get3A_1592 = arith.constant 48 : i32
      %get3A_1593 = arith.index_cast %get3A_1592 : i32 to index
      %get3A_1594 = arith.constant 0 : index
      %get3A_1595 = tpu.vector_load %arg20[%get3A_1593, %get3A_1594] {strides = array<i32>} : memref<128x128xf32, #tpu.memory_space<vmem>>, vector<1x16xf32>,
      %get3A_1596 = vector.shape_cast %get3A_1595 : vector<1x16xf32> to vector<16xf32>
      %get3A_1597 = arith.constant 48 : i32
      %get3A_1598 = arith.index_cast %get3A_1597 : i32 to index
      %get3A_1599 = arith.constant 0 : index
      %get3A_1600 = tpu.vector_load %arg21[%get3A_1598, %get3A_1599] {strides = array<i32>} : memref<128x128xf32, #tpu.memory_space<vmem>>, vector<1x16xf32>,
      %get3A_1601 = vector.shape_cast %get3A_1600 : vector<1x16xf32> to vector<16xf32>
      %add3A_1602 = arith.addf %get3A_1596, %get3A_1601 : vector<16xf32>
      %get3A_1603 = arith.constant 48 : i32
      %get3A_1604 = arith.index_cast %get3A_1603 : i32 to index
      %get3A_1605 = arith.constant 0 : index
      %get3A_1606 = tpu.vector_load %arg22[%get3A_1604, %get3A_1605] {strides = array<i32>} : memref<128x128xf32, #tpu.memory_space<vmem>>, vector<1x16xf32>,
      %get3A_1607 = vector.shape_cast %get3A_1606 : vector<1x16xf32> to vector<16xf32>
      %get3A_1608 = arith.constant 48 : i32
      %get3A_1609 = arith.index_cast %get3A_1608 : i32 to index
      %get3A_1610 = arith.constant 0 : index
      %get3A_1611 = tpu.vector_load %arg23[%get3A_1609, %get3A_1610] {strides = array<i32>} : memref<128x128xf32, #tpu.memory_space<vmem>>, vector<1x16xf32>,
      %get3A_1612 = vector.shape_cast %get3A_1611 : vector<1x16xf32> to vector<16xf32>
      %add3A_1613 = arith.addf %get3A_1607, %get3A_1612 : vector<16xf32>
      %add3A_1614 = arith.addf %add3A_1602, %add3A_1613 : vector<16xf32>
      %swap3A_1615 = arith.constant 48 : i32
      %swap3A_1616 = arith.index_cast %swap3A_1615 : i32 to index
      %swap3A_1617 = arith.constant 0 : index
      %swap3A_1618 = tpu.vector_load %arg24[%swap3A_1616, %swap3A_1617] {strides = array<i32>} : memref<128x16xf32, #tpu.memory_space<vmem>>, vector<1x16xf32>,
      %swap3A_1619 = vector.shape_cast %swap3A_1618 : vector<1x16xf32> to vector<16xf32>
      %swap3A_1620 = vector.shape_cast %add3A_1614 : vector<16xf32> to vector<1x16xf32>
      tpu.vector_store %arg24[%swap3A_1616, %swap3A_1617], %swap3A_1620 {strides = array<i32>} : memref<128x16xf32, #tpu.memory_space<vmem>>, vector<1x16xf32>,
      %get3A_1621 = arith.constant 49 : i32
      %get3A_1622 = arith.index_cast %get3A_1621 : i32 to index
      %get3A_1623 = arith.constant 0 : index
      %get3A_1624 = tpu.vector_load %arg20[%get3A_1622, %get3A_1623] {strides = array<i32>} : memref<128x128xf32, #tpu.memory_space<vmem>>, vector<1x16xf32>,
      %get3A_1625 = vector.shape_cast %get3A_1624 : vector<1x16xf32> to vector<16xf32>
      %get3A_1626 = arith.constant 49 : i32
      %get3A_1627 = arith.index_cast %get3A_1626 : i32 to index
      %get3A_1628 = arith.constant 0 : index
      %get3A_1629 = tpu.vector_load %arg21[%get3A_1627, %get3A_1628] {strides = array<i32>} : memref<128x128xf32, #tpu.memory_space<vmem>>, vector<1x16xf32>,
      %get3A_1630 = vector.shape_cast %get3A_1629 : vector<1x16xf32> to vector<16xf32>
      %add3A_1631 = arith.addf %get3A_1625, %get3A_1630 : vector<16xf32>
      %get3A_1632 = arith.constant 49 : i32
      %get3A_1633 = arith.index_cast %get3A_1632 : i32 to index
      %get3A_1634 = arith.constant 0 : index
      %get3A_1635 = tpu.vector_load %arg22[%get3A_1633, %get3A_1634] {strides = array<i32>} : memref<128x128xf32, #tpu.memory_space<vmem>>, vector<1x16xf32>,
      %get3A_1636 = vector.shape_cast %get3A_1635 : vector<1x16xf32> to vector<16xf32>
      %get3A_1637 = arith.constant 49 : i32
      %get3A_1638 = arith.index_cast %get3A_1637 : i32 to index
      %get3A_1639 = arith.constant 0 : index
      %get3A_1640 = tpu.vector_load %arg23[%get3A_1638, %get3A_1639] {strides = array<i32>} : memref<128x128xf32, #tpu.memory_space<vmem>>, vector<1x16xf32>,
      %get3A_1641 = vector.shape_cast %get3A_1640 : vector<1x16xf32> to vector<16xf32>
      %add3A_1642 = arith.addf %get3A_1636, %get3A_1641 : vector<16xf32>
      %add3A_1643 = arith.addf %add3A_1631, %add3A_1642 : vector<16xf32>
      %swap3A_1644 = arith.constant 49 : i32
      %swap3A_1645 = arith.index_cast %swap3A_1644 : i32 to index
      %swap3A_1646 = arith.constant 0 : index
      %swap3A_1647 = tpu.vector_load %arg24[%swap3A_1645, %swap3A_1646] {strides = array<i32>} : memref<128x16xf32, #tpu.memory_space<vmem>>, vector<1x16xf32>,
      %swap3A_1648 = vector.shape_cast %swap3A_1647 : vector<1x16xf32> to vector<16xf32>
      %swap3A_1649 = vector.shape_cast %add3A_1643 : vector<16xf32> to vector<1x16xf32>
      tpu.vector_store %arg24[%swap3A_1645, %swap3A_1646], %swap3A_1649 {strides = array<i32>} : memref<128x16xf32, #tpu.memory_space<vmem>>, vector<1x16xf32>,
      %get3A_1650 = arith.constant 50 : i32
      %get3A_1651 = arith.index_cast %get3A_1650 : i32 to index
      %get3A_1652 = arith.constant 0 : index
      %get3A_1653 = tpu.vector_load %arg20[%get3A_1651, %get3A_1652] {strides = array<i32>} : memref<128x128xf32, #tpu.memory_space<vmem>>, vector<1x16xf32>,
      %get3A_1654 = vector.shape_cast %get3A_1653 : vector<1x16xf32> to vector<16xf32>
      %get3A_1655 = arith.constant 50 : i32
      %get3A_1656 = arith.index_cast %get3A_1655 : i32 to index
      %get3A_1657 = arith.constant 0 : index
      %get3A_1658 = tpu.vector_load %arg21[%get3A_1656, %get3A_1657] {strides = array<i32>} : memref<128x128xf32, #tpu.memory_space<vmem>>, vector<1x16xf32>,
      %get3A_1659 = vector.shape_cast %get3A_1658 : vector<1x16xf32> to vector<16xf32>
      %add3A_1660 = arith.addf %get3A_1654, %get3A_1659 : vector<16xf32>
      %get3A_1661 = arith.constant 50 : i32
      %get3A_1662 = arith.index_cast %get3A_1661 : i32 to index
      %get3A_1663 = arith.constant 0 : index
      %get3A_1664 = tpu.vector_load %arg22[%get3A_1662, %get3A_1663] {strides = array<i32>} : memref<128x128xf32, #tpu.memory_space<vmem>>, vector<1x16xf32>,
      %get3A_1665 = vector.shape_cast %get3A_1664 : vector<1x16xf32> to vector<16xf32>
      %get3A_1666 = arith.constant 50 : i32
      %get3A_1667 = arith.index_cast %get3A_1666 : i32 to index
      %get3A_1668 = arith.constant 0 : index
      %get3A_1669 = tpu.vector_load %arg23[%get3A_1667, %get3A_1668] {strides = array<i32>} : memref<128x128xf32, #tpu.memory_space<vmem>>, vector<1x16xf32>,
      %get3A_1670 = vector.shape_cast %get3A_1669 : vector<1x16xf32> to vector<16xf32>
      %add3A_1671 = arith.addf %get3A_1665, %get3A_1670 : vector<16xf32>
      %add3A_1672 = arith.addf %add3A_1660, %add3A_1671 : vector<16xf32>
      %swap3A_1673 = arith.constant 50 : i32
      %swap3A_1674 = arith.index_cast %swap3A_1673 : i32 to index
      %swap3A_1675 = arith.constant 0 : index
      %swap3A_1676 = tpu.vector_load %arg24[%swap3A_1674, %swap3A_1675] {strides = array<i32>} : memref<128x16xf32, #tpu.memory_space<vmem>>, vector<1x16xf32>,
      %swap3A_1677 = vector.shape_cast %swap3A_1676 : vector<1x16xf32> to vector<16xf32>
      %swap3A_1678 = vector.shape_cast %add3A_1672 : vector<16xf32> to vector<1x16xf32>
      tpu.vector_store %arg24[%swap3A_1674, %swap3A_1675], %swap3A_1678 {strides = array<i32>} : memref<128x16xf32, #tpu.memory_space<vmem>>, vector<1x16xf32>,
      %get3A_1679 = arith.constant 51 : i32
      %get3A_1680 = arith.index_cast %get3A_1679 : i32 to index
      %get3A_1681 = arith.constant 0 : index
      %get3A_1682 = tpu.vector_load %arg20[%get3A_1680, %get3A_1681] {strides = array<i32>} : memref<128x128xf32, #tpu.memory_space<vmem>>, vector<1x16xf32>,
      %get3A_1683 = vector.shape_cast %get3A_1682 : vector<1x16xf32> to vector<16xf32>
      %get3A_1684 = arith.constant 51 : i32
      %get3A_1685 = arith.index_cast %get3A_1684 : i32 to index
      %get3A_1686 = arith.constant 0 : index
      %get3A_1687 = tpu.vector_load %arg21[%get3A_1685, %get3A_1686] {strides = array<i32>} : memref<128x128xf32, #tpu.memory_space<vmem>>, vector<1x16xf32>,
      %get3A_1688 = vector.shape_cast %get3A_1687 : vector<1x16xf32> to vector<16xf32>
      %add3A_1689 = arith.addf %get3A_1683, %get3A_1688 : vector<16xf32>
      %get3A_1690 = arith.constant 51 : i32
      %get3A_1691 = arith.index_cast %get3A_1690 : i32 to index
      %get3A_1692 = arith.constant 0 : index
      %get3A_1693 = tpu.vector_load %arg22[%get3A_1691, %get3A_1692] {strides = array<i32>} : memref<128x128xf32, #tpu.memory_space<vmem>>, vector<1x16xf32>,
      %get3A_1694 = vector.shape_cast %get3A_1693 : vector<1x16xf32> to vector<16xf32>
      %get3A_1695 = arith.constant 51 : i32
      %get3A_1696 = arith.index_cast %get3A_1695 : i32 to index
      %get3A_1697 = arith.constant 0 : index
      %get3A_1698 = tpu.vector_load %arg23[%get3A_1696, %get3A_1697] {strides = array<i32>} : memref<128x128xf32, #tpu.memory_space<vmem>>, vector<1x16xf32>,
      %get3A_1699 = vector.shape_cast %get3A_1698 : vector<1x16xf32> to vector<16xf32>
      %add3A_1700 = arith.addf %get3A_1694, %get3A_1699 : vector<16xf32>
      %add3A_1701 = arith.addf %add3A_1689, %add3A_1700 : vector<16xf32>
      %swap3A_1702 = arith.constant 51 : i32
      %swap3A_1703 = arith.index_cast %swap3A_1702 : i32 to index
      %swap3A_1704 = arith.constant 0 : index
      %swap3A_1705 = tpu.vector_load %arg24[%swap3A_1703, %swap3A_1704] {strides = array<i32>} : memref<128x16xf32, #tpu.memory_space<vmem>>, vector<1x16xf32>,
      %swap3A_1706 = vector.shape_cast %swap3A_1705 : vector<1x16xf32> to vector<16xf32>
      %swap3A_1707 = vector.shape_cast %add3A_1701 : vector<16xf32> to vector<1x16xf32>
      tpu.vector_store %arg24[%swap3A_1703, %swap3A_1704], %swap3A_1707 {strides = array<i32>} : memref<128x16xf32, #tpu.memory_space<vmem>>, vector<1x16xf32>,
      %get3A_1708 = arith.constant 52 : i32
      %get3A_1709 = arith.index_cast %get3A_1708 : i32 to index
      %get3A_1710 = arith.constant 0 : index
      %get3A_1711 = tpu.vector_load %arg20[%get3A_1709, %get3A_1710] {strides = array<i32>} : memref<128x128xf32, #tpu.memory_space<vmem>>, vector<1x16xf32>,
      %get3A_1712 = vector.shape_cast %get3A_1711 : vector<1x16xf32> to vector<16xf32>
      %get3A_1713 = arith.constant 52 : i32
      %get3A_1714 = arith.index_cast %get3A_1713 : i32 to index
      %get3A_1715 = arith.constant 0 : index
      %get3A_1716 = tpu.vector_load %arg21[%get3A_1714, %get3A_1715] {strides = array<i32>} : memref<128x128xf32, #tpu.memory_space<vmem>>, vector<1x16xf32>,
      %get3A_1717 = vector.shape_cast %get3A_1716 : vector<1x16xf32> to vector<16xf32>
      %add3A_1718 = arith.addf %get3A_1712, %get3A_1717 : vector<16xf32>
      %get3A_1719 = arith.constant 52 : i32
      %get3A_1720 = arith.index_cast %get3A_1719 : i32 to index
      %get3A_1721 = arith.constant 0 : index
      %get3A_1722 = tpu.vector_load %arg22[%get3A_1720, %get3A_1721] {strides = array<i32>} : memref<128x128xf32, #tpu.memory_space<vmem>>, vector<1x16xf32>,
      %get3A_1723 = vector.shape_cast %get3A_1722 : vector<1x16xf32> to vector<16xf32>
      %get3A_1724 = arith.constant 52 : i32
      %get3A_1725 = arith.index_cast %get3A_1724 : i32 to index
      %get3A_1726 = arith.constant 0 : index
      %get3A_1727 = tpu.vector_load %arg23[%get3A_1725, %get3A_1726] {strides = array<i32>} : memref<128x128xf32, #tpu.memory_space<vmem>>, vector<1x16xf32>,
      %get3A_1728 = vector.shape_cast %get3A_1727 : vector<1x16xf32> to vector<16xf32>
      %add3A_1729 = arith.addf %get3A_1723, %get3A_1728 : vector<16xf32>
      %add3A_1730 = arith.addf %add3A_1718, %add3A_1729 : vector<16xf32>
      %swap3A_1731 = arith.constant 52 : i32
      %swap3A_1732 = arith.index_cast %swap3A_1731 : i32 to index
      %swap3A_1733 = arith.constant 0 : index
      %swap3A_1734 = tpu.vector_load %arg24[%swap3A_1732, %swap3A_1733] {strides = array<i32>} : memref<128x16xf32, #tpu.memory_space<vmem>>, vector<1x16xf32>,
      %swap3A_1735 = vector.shape_cast %swap3A_1734 : vector<1x16xf32> to vector<16xf32>
      %swap3A_1736 = vector.shape_cast %add3A_1730 : vector<16xf32> to vector<1x16xf32>
      tpu.vector_store %arg24[%swap3A_1732, %swap3A_1733], %swap3A_1736 {strides = array<i32>} : memref<128x16xf32, #tpu.memory_space<vmem>>, vector<1x16xf32>,
      %get3A_1737 = arith.constant 53 : i32
      %get3A_1738 = arith.index_cast %get3A_1737 : i32 to index
      %get3A_1739 = arith.constant 0 : index
      %get3A_1740 = tpu.vector_load %arg20[%get3A_1738, %get3A_1739] {strides = array<i32>} : memref<128x128xf32, #tpu.memory_space<vmem>>, vector<1x16xf32>,
      %get3A_1741 = vector.shape_cast %get3A_1740 : vector<1x16xf32> to vector<16xf32>
      %get3A_1742 = arith.constant 53 : i32
      %get3A_1743 = arith.index_cast %get3A_1742 : i32 to index
      %get3A_1744 = arith.constant 0 : index
      %get3A_1745 = tpu.vector_load %arg21[%get3A_1743, %get3A_1744] {strides = array<i32>} : memref<128x128xf32, #tpu.memory_space<vmem>>, vector<1x16xf32>,
      %get3A_1746 = vector.shape_cast %get3A_1745 : vector<1x16xf32> to vector<16xf32>
      %add3A_1747 = arith.addf %get3A_1741, %get3A_1746 : vector<16xf32>
      %get3A_1748 = arith.constant 53 : i32
      %get3A_1749 = arith.index_cast %get3A_1748 : i32 to index
      %get3A_1750 = arith.constant 0 : index
      %get3A_1751 = tpu.vector_load %arg22[%get3A_1749, %get3A_1750] {strides = array<i32>} : memref<128x128xf32, #tpu.memory_space<vmem>>, vector<1x16xf32>,
      %get3A_1752 = vector.shape_cast %get3A_1751 : vector<1x16xf32> to vector<16xf32>
      %get3A_1753 = arith.constant 53 : i32
      %get3A_1754 = arith.index_cast %get3A_1753 : i32 to index
      %get3A_1755 = arith.constant 0 : index
      %get3A_1756 = tpu.vector_load %arg23[%get3A_1754, %get3A_1755] {strides = array<i32>} : memref<128x128xf32, #tpu.memory_space<vmem>>, vector<1x16xf32>,
      %get3A_1757 = vector.shape_cast %get3A_1756 : vector<1x16xf32> to vector<16xf32>
      %add3A_1758 = arith.addf %get3A_1752, %get3A_1757 : vector<16xf32>
      %add3A_1759 = arith.addf %add3A_1747, %add3A_1758 : vector<16xf32>
      %swap3A_1760 = arith.constant 53 : i32
      %swap3A_1761 = arith.index_cast %swap3A_1760 : i32 to index
      %swap3A_1762 = arith.constant 0 : index
      %swap3A_1763 = tpu.vector_load %arg24[%swap3A_1761, %swap3A_1762] {strides = array<i32>} : memref<128x16xf32, #tpu.memory_space<vmem>>, vector<1x16xf32>,
      %swap3A_1764 = vector.shape_cast %swap3A_1763 : vector<1x16xf32> to vector<16xf32>
      %swap3A_1765 = vector.shape_cast %add3A_1759 : vector<16xf32> to vector<1x16xf32>
      tpu.vector_store %arg24[%swap3A_1761, %swap3A_1762], %swap3A_1765 {strides = array<i32>} : memref<128x16xf32, #tpu.memory_space<vmem>>, vector<1x16xf32>,
      %get3A_1766 = arith.constant 54 : i32
      %get3A_1767 = arith.index_cast %get3A_1766 : i32 to index
      %get3A_1768 = arith.constant 0 : index
      %get3A_1769 = tpu.vector_load %arg20[%get3A_1767, %get3A_1768] {strides = array<i32>} : memref<128x128xf32, #tpu.memory_space<vmem>>, vector<1x16xf32>,
      %get3A_1770 = vector.shape_cast %get3A_1769 : vector<1x16xf32> to vector<16xf32>
      %get3A_1771 = arith.constant 54 : i32
      %get3A_1772 = arith.index_cast %get3A_1771 : i32 to index
      %get3A_1773 = arith.constant 0 : index
      %get3A_1774 = tpu.vector_load %arg21[%get3A_1772, %get3A_1773] {strides = array<i32>} : memref<128x128xf32, #tpu.memory_space<vmem>>, vector<1x16xf32>,
      %get3A_1775 = vector.shape_cast %get3A_1774 : vector<1x16xf32> to vector<16xf32>
      %add3A_1776 = arith.addf %get3A_1770, %get3A_1775 : vector<16xf32>
      %get3A_1777 = arith.constant 54 : i32
      %get3A_1778 = arith.index_cast %get3A_1777 : i32 to index
      %get3A_1779 = arith.constant 0 : index
      %get3A_1780 = tpu.vector_load %arg22[%get3A_1778, %get3A_1779] {strides = array<i32>} : memref<128x128xf32, #tpu.memory_space<vmem>>, vector<1x16xf32>,
      %get3A_1781 = vector.shape_cast %get3A_1780 : vector<1x16xf32> to vector<16xf32>
      %get3A_1782 = arith.constant 54 : i32
      %get3A_1783 = arith.index_cast %get3A_1782 : i32 to index
      %get3A_1784 = arith.constant 0 : index
      %get3A_1785 = tpu.vector_load %arg23[%get3A_1783, %get3A_1784] {strides = array<i32>} : memref<128x128xf32, #tpu.memory_space<vmem>>, vector<1x16xf32>,
      %get3A_1786 = vector.shape_cast %get3A_1785 : vector<1x16xf32> to vector<16xf32>
      %add3A_1787 = arith.addf %get3A_1781, %get3A_1786 : vector<16xf32>
      %add3A_1788 = arith.addf %add3A_1776, %add3A_1787 : vector<16xf32>
      %swap3A_1789 = arith.constant 54 : i32
      %swap3A_1790 = arith.index_cast %swap3A_1789 : i32 to index
      %swap3A_1791 = arith.constant 0 : index
      %swap3A_1792 = tpu.vector_load %arg24[%swap3A_1790, %swap3A_1791] {strides = array<i32>} : memref<128x16xf32, #tpu.memory_space<vmem>>, vector<1x16xf32>,
      %swap3A_1793 = vector.shape_cast %swap3A_1792 : vector<1x16xf32> to vector<16xf32>
      %swap3A_1794 = vector.shape_cast %add3A_1788 : vector<16xf32> to vector<1x16xf32>
      tpu.vector_store %arg24[%swap3A_1790, %swap3A_1791], %swap3A_1794 {strides = array<i32>} : memref<128x16xf32, #tpu.memory_space<vmem>>, vector<1x16xf32>,
      %get3A_1795 = arith.constant 55 : i32
      %get3A_1796 = arith.index_cast %get3A_1795 : i32 to index
      %get3A_1797 = arith.constant 0 : index
      %get3A_1798 = tpu.vector_load %arg20[%get3A_1796, %get3A_1797] {strides = array<i32>} : memref<128x128xf32, #tpu.memory_space<vmem>>, vector<1x16xf32>,
      %get3A_1799 = vector.shape_cast %get3A_1798 : vector<1x16xf32> to vector<16xf32>
      %get3A_1800 = arith.constant 55 : i32
      %get3A_1801 = arith.index_cast %get3A_1800 : i32 to index
      %get3A_1802 = arith.constant 0 : index
      %get3A_1803 = tpu.vector_load %arg21[%get3A_1801, %get3A_1802] {strides = array<i32>} : memref<128x128xf32, #tpu.memory_space<vmem>>, vector<1x16xf32>,
      %get3A_1804 = vector.shape_cast %get3A_1803 : vector<1x16xf32> to vector<16xf32>
      %add3A_1805 = arith.addf %get3A_1799, %get3A_1804 : vector<16xf32>
      %get3A_1806 = arith.constant 55 : i32
      %get3A_1807 = arith.index_cast %get3A_1806 : i32 to index
      %get3A_1808 = arith.constant 0 : index
      %get3A_1809 = tpu.vector_load %arg22[%get3A_1807, %get3A_1808] {strides = array<i32>} : memref<128x128xf32, #tpu.memory_space<vmem>>, vector<1x16xf32>,
      %get3A_1810 = vector.shape_cast %get3A_1809 : vector<1x16xf32> to vector<16xf32>
      %get3A_1811 = arith.constant 55 : i32
      %get3A_1812 = arith.index_cast %get3A_1811 : i32 to index
      %get3A_1813 = arith.constant 0 : index
      %get3A_1814 = tpu.vector_load %arg23[%get3A_1812, %get3A_1813] {strides = array<i32>} : memref<128x128xf32, #tpu.memory_space<vmem>>, vector<1x16xf32>,
      %get3A_1815 = vector.shape_cast %get3A_1814 : vector<1x16xf32> to vector<16xf32>
      %add3A_1816 = arith.addf %get3A_1810, %get3A_1815 : vector<16xf32>
      %add3A_1817 = arith.addf %add3A_1805, %add3A_1816 : vector<16xf32>
      %swap3A_1818 = arith.constant 55 : i32
      %swap3A_1819 = arith.index_cast %swap3A_1818 : i32 to index
      %swap3A_1820 = arith.constant 0 : index
      %swap3A_1821 = tpu.vector_load %arg24[%swap3A_1819, %swap3A_1820] {strides = array<i32>} : memref<128x16xf32, #tpu.memory_space<vmem>>, vector<1x16xf32>,
      %swap3A_1822 = vector.shape_cast %swap3A_1821 : vector<1x16xf32> to vector<16xf32>
      %swap3A_1823 = vector.shape_cast %add3A_1817 : vector<16xf32> to vector<1x16xf32>
      tpu.vector_store %arg24[%swap3A_1819, %swap3A_1820], %swap3A_1823 {strides = array<i32>} : memref<128x16xf32, #tpu.memory_space<vmem>>, vector<1x16xf32>,
      %get3A_1824 = arith.constant 56 : i32
      %get3A_1825 = arith.index_cast %get3A_1824 : i32 to index
      %get3A_1826 = arith.constant 0 : index
      %get3A_1827 = tpu.vector_load %arg20[%get3A_1825, %get3A_1826] {strides = array<i32>} : memref<128x128xf32, #tpu.memory_space<vmem>>, vector<1x16xf32>,
      %get3A_1828 = vector.shape_cast %get3A_1827 : vector<1x16xf32> to vector<16xf32>
      %get3A_1829 = arith.constant 56 : i32
      %get3A_1830 = arith.index_cast %get3A_1829 : i32 to index
      %get3A_1831 = arith.constant 0 : index
      %get3A_1832 = tpu.vector_load %arg21[%get3A_1830, %get3A_1831] {strides = array<i32>} : memref<128x128xf32, #tpu.memory_space<vmem>>, vector<1x16xf32>,
      %get3A_1833 = vector.shape_cast %get3A_1832 : vector<1x16xf32> to vector<16xf32>
      %add3A_1834 = arith.addf %get3A_1828, %get3A_1833 : vector<16xf32>
      %get3A_1835 = arith.constant 56 : i32
      %get3A_1836 = arith.index_cast %get3A_1835 : i32 to index
      %get3A_1837 = arith.constant 0 : index
      %get3A_1838 = tpu.vector_load %arg22[%get3A_1836, %get3A_1837] {strides = array<i32>} : memref<128x128xf32, #tpu.memory_space<vmem>>, vector<1x16xf32>,
      %get3A_1839 = vector.shape_cast %get3A_1838 : vector<1x16xf32> to vector<16xf32>
      %get3A_1840 = arith.constant 56 : i32
      %get3A_1841 = arith.index_cast %get3A_1840 : i32 to index
      %get3A_1842 = arith.constant 0 : index
      %get3A_1843 = tpu.vector_load %arg23[%get3A_1841, %get3A_1842] {strides = array<i32>} : memref<128x128xf32, #tpu.memory_space<vmem>>, vector<1x16xf32>,
      %get3A_1844 = vector.shape_cast %get3A_1843 : vector<1x16xf32> to vector<16xf32>
      %add3A_1845 = arith.addf %get3A_1839, %get3A_1844 : vector<16xf32>
      %add3A_1846 = arith.addf %add3A_1834, %add3A_1845 : vector<16xf32>
      %swap3A_1847 = arith.constant 56 : i32
      %swap3A_1848 = arith.index_cast %swap3A_1847 : i32 to index
      %swap3A_1849 = arith.constant 0 : index
      %swap3A_1850 = tpu.vector_load %arg24[%swap3A_1848, %swap3A_1849] {strides = array<i32>} : memref<128x16xf32, #tpu.memory_space<vmem>>, vector<1x16xf32>,
      %swap3A_1851 = vector.shape_cast %swap3A_1850 : vector<1x16xf32> to vector<16xf32>
      %swap3A_1852 = vector.shape_cast %add3A_1846 : vector<16xf32> to vector<1x16xf32>
      tpu.vector_store %arg24[%swap3A_1848, %swap3A_1849], %swap3A_1852 {strides = array<i32>} : memref<128x16xf32, #tpu.memory_space<vmem>>, vector<1x16xf32>,
      %get3A_1853 = arith.constant 57 : i32
      %get3A_1854 = arith.index_cast %get3A_1853 : i32 to index
      %get3A_1855 = arith.constant 0 : index
      %get3A_1856 = tpu.vector_load %arg20[%get3A_1854, %get3A_1855] {strides = array<i32>} : memref<128x128xf32, #tpu.memory_space<vmem>>, vector<1x16xf32>,
      %get3A_1857 = vector.shape_cast %get3A_1856 : vector<1x16xf32> to vector<16xf32>
      %get3A_1858 = arith.constant 57 : i32
      %get3A_1859 = arith.index_cast %get3A_1858 : i32 to index
      %get3A_1860 = arith.constant 0 : index
      %get3A_1861 = tpu.vector_load %arg21[%get3A_1859, %get3A_1860] {strides = array<i32>} : memref<128x128xf32, #tpu.memory_space<vmem>>, vector<1x16xf32>,
      %get3A_1862 = vector.shape_cast %get3A_1861 : vector<1x16xf32> to vector<16xf32>
      %add3A_1863 = arith.addf %get3A_1857, %get3A_1862 : vector<16xf32>
      %get3A_1864 = arith.constant 57 : i32
      %get3A_1865 = arith.index_cast %get3A_1864 : i32 to index
      %get3A_1866 = arith.constant 0 : index
      %get3A_1867 = tpu.vector_load %arg22[%get3A_1865, %get3A_1866] {strides = array<i32>} : memref<128x128xf32, #tpu.memory_space<vmem>>, vector<1x16xf32>,
      %get3A_1868 = vector.shape_cast %get3A_1867 : vector<1x16xf32> to vector<16xf32>
      %get3A_1869 = arith.constant 57 : i32
      %get3A_1870 = arith.index_cast %get3A_1869 : i32 to index
      %get3A_1871 = arith.constant 0 : index
      %get3A_1872 = tpu.vector_load %arg23[%get3A_1870, %get3A_1871] {strides = array<i32>} : memref<128x128xf32, #tpu.memory_space<vmem>>, vector<1x16xf32>,
      %get3A_1873 = vector.shape_cast %get3A_1872 : vector<1x16xf32> to vector<16xf32>
      %add3A_1874 = arith.addf %get3A_1868, %get3A_1873 : vector<16xf32>
      %add3A_1875 = arith.addf %add3A_1863, %add3A_1874 : vector<16xf32>
      %swap3A_1876 = arith.constant 57 : i32
      %swap3A_1877 = arith.index_cast %swap3A_1876 : i32 to index
      %swap3A_1878 = arith.constant 0 : index
      %swap3A_1879 = tpu.vector_load %arg24[%swap3A_1877, %swap3A_1878] {strides = array<i32>} : memref<128x16xf32, #tpu.memory_space<vmem>>, vector<1x16xf32>,
      %swap3A_1880 = vector.shape_cast %swap3A_1879 : vector<1x16xf32> to vector<16xf32>
      %swap3A_1881 = vector.shape_cast %add3A_1875 : vector<16xf32> to vector<1x16xf32>
      tpu.vector_store %arg24[%swap3A_1877, %swap3A_1878], %swap3A_1881 {strides = array<i32>} : memref<128x16xf32, #tpu.memory_space<vmem>>, vector<1x16xf32>,
      %get3A_1882 = arith.constant 58 : i32
      %get3A_1883 = arith.index_cast %get3A_1882 : i32 to index
      %get3A_1884 = arith.constant 0 : index
      %get3A_1885 = tpu.vector_load %arg20[%get3A_1883, %get3A_1884] {strides = array<i32>} : memref<128x128xf32, #tpu.memory_space<vmem>>, vector<1x16xf32>,
      %get3A_1886 = vector.shape_cast %get3A_1885 : vector<1x16xf32> to vector<16xf32>
      %get3A_1887 = arith.constant 58 : i32
      %get3A_1888 = arith.index_cast %get3A_1887 : i32 to index
      %get3A_1889 = arith.constant 0 : index
      %get3A_1890 = tpu.vector_load %arg21[%get3A_1888, %get3A_1889] {strides = array<i32>} : memref<128x128xf32, #tpu.memory_space<vmem>>, vector<1x16xf32>,
      %get3A_1891 = vector.shape_cast %get3A_1890 : vector<1x16xf32> to vector<16xf32>
      %add3A_1892 = arith.addf %get3A_1886, %get3A_1891 : vector<16xf32>
      %get3A_1893 = arith.constant 58 : i32
      %get3A_1894 = arith.index_cast %get3A_1893 : i32 to index
      %get3A_1895 = arith.constant 0 : index
      %get3A_1896 = tpu.vector_load %arg22[%get3A_1894, %get3A_1895] {strides = array<i32>} : memref<128x128xf32, #tpu.memory_space<vmem>>, vector<1x16xf32>,
      %get3A_1897 = vector.shape_cast %get3A_1896 : vector<1x16xf32> to vector<16xf32>
      %get3A_1898 = arith.constant 58 : i32
      %get3A_1899 = arith.index_cast %get3A_1898 : i32 to index
      %get3A_1900 = arith.constant 0 : index
      %get3A_1901 = tpu.vector_load %arg23[%get3A_1899, %get3A_1900] {strides = array<i32>} : memref<128x128xf32, #tpu.memory_space<vmem>>, vector<1x16xf32>,
      %get3A_1902 = vector.shape_cast %get3A_1901 : vector<1x16xf32> to vector<16xf32>
      %add3A_1903 = arith.addf %get3A_1897, %get3A_1902 : vector<16xf32>
      %add3A_1904 = arith.addf %add3A_1892, %add3A_1903 : vector<16xf32>
      %swap3A_1905 = arith.constant 58 : i32
      %swap3A_1906 = arith.index_cast %swap3A_1905 : i32 to index
      %swap3A_1907 = arith.constant 0 : index
      %swap3A_1908 = tpu.vector_load %arg24[%swap3A_1906, %swap3A_1907] {strides = array<i32>} : memref<128x16xf32, #tpu.memory_space<vmem>>, vector<1x16xf32>,
      %swap3A_1909 = vector.shape_cast %swap3A_1908 : vector<1x16xf32> to vector<16xf32>
      %swap3A_1910 = vector.shape_cast %add3A_1904 : vector<16xf32> to vector<1x16xf32>
      tpu.vector_store %arg24[%swap3A_1906, %swap3A_1907], %swap3A_1910 {strides = array<i32>} : memref<128x16xf32, #tpu.memory_space<vmem>>, vector<1x16xf32>,
      %get3A_1911 = arith.constant 59 : i32
      %get3A_1912 = arith.index_cast %get3A_1911 : i32 to index
      %get3A_1913 = arith.constant 0 : index
      %get3A_1914 = tpu.vector_load %arg20[%get3A_1912, %get3A_1913] {strides = array<i32>} : memref<128x128xf32, #tpu.memory_space<vmem>>, vector<1x16xf32>,
      %get3A_1915 = vector.shape_cast %get3A_1914 : vector<1x16xf32> to vector<16xf32>
      %get3A_1916 = arith.constant 59 : i32
      %get3A_1917 = arith.index_cast %get3A_1916 : i32 to index
      %get3A_1918 = arith.constant 0 : index
      %get3A_1919 = tpu.vector_load %arg21[%get3A_1917, %get3A_1918] {strides = array<i32>} : memref<128x128xf32, #tpu.memory_space<vmem>>, vector<1x16xf32>,
      %get3A_1920 = vector.shape_cast %get3A_1919 : vector<1x16xf32> to vector<16xf32>
      %add3A_1921 = arith.addf %get3A_1915, %get3A_1920 : vector<16xf32>
      %get3A_1922 = arith.constant 59 : i32
      %get3A_1923 = arith.index_cast %get3A_1922 : i32 to index
      %get3A_1924 = arith.constant 0 : index
      %get3A_1925 = tpu.vector_load %arg22[%get3A_1923, %get3A_1924] {strides = array<i32>} : memref<128x128xf32, #tpu.memory_space<vmem>>, vector<1x16xf32>,
      %get3A_1926 = vector.shape_cast %get3A_1925 : vector<1x16xf32> to vector<16xf32>
      %get3A_1927 = arith.constant 59 : i32
      %get3A_1928 = arith.index_cast %get3A_1927 : i32 to index
      %get3A_1929 = arith.constant 0 : index
      %get3A_1930 = tpu.vector_load %arg23[%get3A_1928, %get3A_1929] {strides = array<i32>} : memref<128x128xf32, #tpu.memory_space<vmem>>, vector<1x16xf32>,
      %get3A_1931 = vector.shape_cast %get3A_1930 : vector<1x16xf32> to vector<16xf32>
      %add3A_1932 = arith.addf %get3A_1926, %get3A_1931 : vector<16xf32>
      %add3A_1933 = arith.addf %add3A_1921, %add3A_1932 : vector<16xf32>
      %swap3A_1934 = arith.constant 59 : i32
      %swap3A_1935 = arith.index_cast %swap3A_1934 : i32 to index
      %swap3A_1936 = arith.constant 0 : index
      %swap3A_1937 = tpu.vector_load %arg24[%swap3A_1935, %swap3A_1936] {strides = array<i32>} : memref<128x16xf32, #tpu.memory_space<vmem>>, vector<1x16xf32>,
      %swap3A_1938 = vector.shape_cast %swap3A_1937 : vector<1x16xf32> to vector<16xf32>
      %swap3A_1939 = vector.shape_cast %add3A_1933 : vector<16xf32> to vector<1x16xf32>
      tpu.vector_store %arg24[%swap3A_1935, %swap3A_1936], %swap3A_1939 {strides = array<i32>} : memref<128x16xf32, #tpu.memory_space<vmem>>, vector<1x16xf32>,
      %get3A_1940 = arith.constant 60 : i32
      %get3A_1941 = arith.index_cast %get3A_1940 : i32 to index
      %get3A_1942 = arith.constant 0 : index
      %get3A_1943 = tpu.vector_load %arg20[%get3A_1941, %get3A_1942] {strides = array<i32>} : memref<128x128xf32, #tpu.memory_space<vmem>>, vector<1x16xf32>,
      %get3A_1944 = vector.shape_cast %get3A_1943 : vector<1x16xf32> to vector<16xf32>
      %get3A_1945 = arith.constant 60 : i32
      %get3A_1946 = arith.index_cast %get3A_1945 : i32 to index
      %get3A_1947 = arith.constant 0 : index
      %get3A_1948 = tpu.vector_load %arg21[%get3A_1946, %get3A_1947] {strides = array<i32>} : memref<128x128xf32, #tpu.memory_space<vmem>>, vector<1x16xf32>,
      %get3A_1949 = vector.shape_cast %get3A_1948 : vector<1x16xf32> to vector<16xf32>
      %add3A_1950 = arith.addf %get3A_1944, %get3A_1949 : vector<16xf32>
      %get3A_1951 = arith.constant 60 : i32
      %get3A_1952 = arith.index_cast %get3A_1951 : i32 to index
      %get3A_1953 = arith.constant 0 : index
      %get3A_1954 = tpu.vector_load %arg22[%get3A_1952, %get3A_1953] {strides = array<i32>} : memref<128x128xf32, #tpu.memory_space<vmem>>, vector<1x16xf32>,
      %get3A_1955 = vector.shape_cast %get3A_1954 : vector<1x16xf32> to vector<16xf32>
      %get3A_1956 = arith.constant 60 : i32
      %get3A_1957 = arith.index_cast %get3A_1956 : i32 to index
      %get3A_1958 = arith.constant 0 : index
      %get3A_1959 = tpu.vector_load %arg23[%get3A_1957, %get3A_1958] {strides = array<i32>} : memref<128x128xf32, #tpu.memory_space<vmem>>, vector<1x16xf32>,
      %get3A_1960 = vector.shape_cast %get3A_1959 : vector<1x16xf32> to vector<16xf32>
      %add3A_1961 = arith.addf %get3A_1955, %get3A_1960 : vector<16xf32>
      %add3A_1962 = arith.addf %add3A_1950, %add3A_1961 : vector<16xf32>
      %swap3A_1963 = arith.constant 60 : i32
      %swap3A_1964 = arith.index_cast %swap3A_1963 : i32 to index
      %swap3A_1965 = arith.constant 0 : index
      %swap3A_1966 = tpu.vector_load %arg24[%swap3A_1964, %swap3A_1965] {strides = array<i32>} : memref<128x16xf32, #tpu.memory_space<vmem>>, vector<1x16xf32>,
      %swap3A_1967 = vector.shape_cast %swap3A_1966 : vector<1x16xf32> to vector<16xf32>
      %swap3A_1968 = vector.shape_cast %add3A_1962 : vector<16xf32> to vector<1x16xf32>
      tpu.vector_store %arg24[%swap3A_1964, %swap3A_1965], %swap3A_1968 {strides = array<i32>} : memref<128x16xf32, #tpu.memory_space<vmem>>, vector<1x16xf32>,
      %get3A_1969 = arith.constant 61 : i32
      %get3A_1970 = arith.index_cast %get3A_1969 : i32 to index
      %get3A_1971 = arith.constant 0 : index
      %get3A_1972 = tpu.vector_load %arg20[%get3A_1970, %get3A_1971] {strides = array<i32>} : memref<128x128xf32, #tpu.memory_space<vmem>>, vector<1x16xf32>,
      %get3A_1973 = vector.shape_cast %get3A_1972 : vector<1x16xf32> to vector<16xf32>
      %get3A_1974 = arith.constant 61 : i32
      %get3A_1975 = arith.index_cast %get3A_1974 : i32 to index
      %get3A_1976 = arith.constant 0 : index
      %get3A_1977 = tpu.vector_load %arg21[%get3A_1975, %get3A_1976] {strides = array<i32>} : memref<128x128xf32, #tpu.memory_space<vmem>>, vector<1x16xf32>,
      %get3A_1978 = vector.shape_cast %get3A_1977 : vector<1x16xf32> to vector<16xf32>
      %add3A_1979 = arith.addf %get3A_1973, %get3A_1978 : vector<16xf32>
      %get3A_1980 = arith.constant 61 : i32
      %get3A_1981 = arith.index_cast %get3A_1980 : i32 to index
      %get3A_1982 = arith.constant 0 : index
      %get3A_1983 = tpu.vector_load %arg22[%get3A_1981, %get3A_1982] {strides = array<i32>} : memref<128x128xf32, #tpu.memory_space<vmem>>, vector<1x16xf32>,
      %get3A_1984 = vector.shape_cast %get3A_1983 : vector<1x16xf32> to vector<16xf32>
      %get3A_1985 = arith.constant 61 : i32
      %get3A_1986 = arith.index_cast %get3A_1985 : i32 to index
      %get3A_1987 = arith.constant 0 : index
      %get3A_1988 = tpu.vector_load %arg23[%get3A_1986, %get3A_1987] {strides = array<i32>} : memref<128x128xf32, #tpu.memory_space<vmem>>, vector<1x16xf32>,
      %get3A_1989 = vector.shape_cast %get3A_1988 : vector<1x16xf32> to vector<16xf32>
      %add3A_1990 = arith.addf %get3A_1984, %get3A_1989 : vector<16xf32>
      %add3A_1991 = arith.addf %add3A_1979, %add3A_1990 : vector<16xf32>
      %swap3A_1992 = arith.constant 61 : i32
      %swap3A_1993 = arith.index_cast %swap3A_1992 : i32 to index
      %swap3A_1994 = arith.constant 0 : index
      %swap3A_1995 = tpu.vector_load %arg24[%swap3A_1993, %swap3A_1994] {strides = array<i32>} : memref<128x16xf32, #tpu.memory_space<vmem>>, vector<1x16xf32>,
      %swap3A_1996 = vector.shape_cast %swap3A_1995 : vector<1x16xf32> to vector<16xf32>
      %swap3A_1997 = vector.shape_cast %add3A_1991 : vector<16xf32> to vector<1x16xf32>
      tpu.vector_store %arg24[%swap3A_1993, %swap3A_1994], %swap3A_1997 {strides = array<i32>} : memref<128x16xf32, #tpu.memory_space<vmem>>, vector<1x16xf32>,
      %get3A_1998 = arith.constant 62 : i32
      %get3A_1999 = arith.index_cast %get3A_1998 : i32 to index
      %get3A_2000 = arith.constant 0 : index
      %get3A_2001 = tpu.vector_load %arg20[%get3A_1999, %get3A_2000] {strides = array<i32>} : memref<128x128xf32, #tpu.memory_space<vmem>>, vector<1x16xf32>,
      %get3A_2002 = vector.shape_cast %get3A_2001 : vector<1x16xf32> to vector<16xf32>
      %get3A_2003 = arith.constant 62 : i32
      %get3A_2004 = arith.index_cast %get3A_2003 : i32 to index
      %get3A_2005 = arith.constant 0 : index
      %get3A_2006 = tpu.vector_load %arg21[%get3A_2004, %get3A_2005] {strides = array<i32>} : memref<128x128xf32, #tpu.memory_space<vmem>>, vector<1x16xf32>,
      %get3A_2007 = vector.shape_cast %get3A_2006 : vector<1x16xf32> to vector<16xf32>
      %add3A_2008 = arith.addf %get3A_2002, %get3A_2007 : vector<16xf32>
      %get3A_2009 = arith.constant 62 : i32
      %get3A_2010 = arith.index_cast %get3A_2009 : i32 to index
      %get3A_2011 = arith.constant 0 : index
      %get3A_2012 = tpu.vector_load %arg22[%get3A_2010, %get3A_2011] {strides = array<i32>} : memref<128x128xf32, #tpu.memory_space<vmem>>, vector<1x16xf32>,
      %get3A_2013 = vector.shape_cast %get3A_2012 : vector<1x16xf32> to vector<16xf32>
      %get3A_2014 = arith.constant 62 : i32
      %get3A_2015 = arith.index_cast %get3A_2014 : i32 to index
      %get3A_2016 = arith.constant 0 : index
      %get3A_2017 = tpu.vector_load %arg23[%get3A_2015, %get3A_2016] {strides = array<i32>} : memref<128x128xf32, #tpu.memory_space<vmem>>, vector<1x16xf32>,
      %get3A_2018 = vector.shape_cast %get3A_2017 : vector<1x16xf32> to vector<16xf32>
      %add3A_2019 = arith.addf %get3A_2013, %get3A_2018 : vector<16xf32>
      %add3A_2020 = arith.addf %add3A_2008, %add3A_2019 : vector<16xf32>
      %swap3A_2021 = arith.constant 62 : i32
      %swap3A_2022 = arith.index_cast %swap3A_2021 : i32 to index
      %swap3A_2023 = arith.constant 0 : index
      %swap3A_2024 = tpu.vector_load %arg24[%swap3A_2022, %swap3A_2023] {strides = array<i32>} : memref<128x16xf32, #tpu.memory_space<vmem>>, vector<1x16xf32>,
      %swap3A_2025 = vector.shape_cast %swap3A_2024 : vector<1x16xf32> to vector<16xf32>
      %swap3A_2026 = vector.shape_cast %add3A_2020 : vector<16xf32> to vector<1x16xf32>
      tpu.vector_store %arg24[%swap3A_2022, %swap3A_2023], %swap3A_2026 {strides = array<i32>} : memref<128x16xf32, #tpu.memory_space<vmem>>, vector<1x16xf32>,
      %get3A_2027 = arith.constant 63 : i32
      %get3A_2028 = arith.index_cast %get3A_2027 : i32 to index
      %get3A_2029 = arith.constant 0 : index
      %get3A_2030 = tpu.vector_load %arg20[%get3A_2028, %get3A_2029] {strides = array<i32>} : memref<128x128xf32, #tpu.memory_space<vmem>>, vector<1x16xf32>,
      %get3A_2031 = vector.shape_cast %get3A_2030 : vector<1x16xf32> to vector<16xf32>
      %get3A_2032 = arith.constant 63 : i32
      %get3A_2033 = arith.index_cast %get3A_2032 : i32 to index
      %get3A_2034 = arith.constant 0 : index
      %get3A_2035 = tpu.vector_load %arg21[%get3A_2033, %get3A_2034] {strides = array<i32>} : memref<128x128xf32, #tpu.memory_space<vmem>>, vector<1x16xf32>,
      %get3A_2036 = vector.shape_cast %get3A_2035 : vector<1x16xf32> to vector<16xf32>
      %add3A_2037 = arith.addf %get3A_2031, %get3A_2036 : vector<16xf32>
      %get3A_2038 = arith.constant 63 : i32
      %get3A_2039 = arith.index_cast %get3A_2038 : i32 to index
      %get3A_2040 = arith.constant 0 : index
      %get3A_2041 = tpu.vector_load %arg22[%get3A_2039, %get3A_2040] {strides = array<i32>} : memref<128x128xf32, #tpu.memory_space<vmem>>, vector<1x16xf32>,
      %get3A_2042 = vector.shape_cast %get3A_2041 : vector<1x16xf32> to vector<16xf32>
      %get3A_2043 = arith.constant 63 : i32
      %get3A_2044 = arith.index_cast %get3A_2043 : i32 to index
      %get3A_2045 = arith.constant 0 : index
      %get3A_2046 = tpu.vector_load %arg23[%get3A_2044, %get3A_2045] {strides = array<i32>} : memref<128x128xf32, #tpu.memory_space<vmem>>, vector<1x16xf32>,
      %get3A_2047 = vector.shape_cast %get3A_2046 : vector<1x16xf32> to vector<16xf32>
      %add3A_2048 = arith.addf %get3A_2042, %get3A_2047 : vector<16xf32>
      %add3A_2049 = arith.addf %add3A_2037, %add3A_2048 : vector<16xf32>
      %swap3A_2050 = arith.constant 63 : i32
      %swap3A_2051 = arith.index_cast %swap3A_2050 : i32 to index
      %swap3A_2052 = arith.constant 0 : index
      %swap3A_2053 = tpu.vector_load %arg24[%swap3A_2051, %swap3A_2052] {strides = array<i32>} : memref<128x16xf32, #tpu.memory_space<vmem>>, vector<1x16xf32>,
      %swap3A_2054 = vector.shape_cast %swap3A_2053 : vector<1x16xf32> to vector<16xf32>
      %swap3A_2055 = vector.shape_cast %add3A_2049 : vector<16xf32> to vector<1x16xf32>
      tpu.vector_store %arg24[%swap3A_2051, %swap3A_2052], %swap3A_2055 {strides = array<i32>} : memref<128x16xf32, #tpu.memory_space<vmem>>, vector<1x16xf32>,
      %get3A_2056 = arith.constant 64 : i32
      %get3A_2057 = arith.index_cast %get3A_2056 : i32 to index
      %get3A_2058 = arith.constant 0 : index
      %get3A_2059 = tpu.vector_load %arg20[%get3A_2057, %get3A_2058] {strides = array<i32>} : memref<128x128xf32, #tpu.memory_space<vmem>>, vector<1x16xf32>,
      %get3A_2060 = vector.shape_cast %get3A_2059 : vector<1x16xf32> to vector<16xf32>
      %get3A_2061 = arith.constant 64 : i32
      %get3A_2062 = arith.index_cast %get3A_2061 : i32 to index
      %get3A_2063 = arith.constant 0 : index
      %get3A_2064 = tpu.vector_load %arg21[%get3A_2062, %get3A_2063] {strides = array<i32>} : memref<128x128xf32, #tpu.memory_space<vmem>>, vector<1x16xf32>,
      %get3A_2065 = vector.shape_cast %get3A_2064 : vector<1x16xf32> to vector<16xf32>
      %add3A_2066 = arith.addf %get3A_2060, %get3A_2065 : vector<16xf32>
      %get3A_2067 = arith.constant 64 : i32
      %get3A_2068 = arith.index_cast %get3A_2067 : i32 to index
      %get3A_2069 = arith.constant 0 : index
      %get3A_2070 = tpu.vector_load %arg22[%get3A_2068, %get3A_2069] {strides = array<i32>} : memref<128x128xf32, #tpu.memory_space<vmem>>, vector<1x16xf32>,
      %get3A_2071 = vector.shape_cast %get3A_2070 : vector<1x16xf32> to vector<16xf32>
      %get3A_2072 = arith.constant 64 : i32
      %get3A_2073 = arith.index_cast %get3A_2072 : i32 to index
      %get3A_2074 = arith.constant 0 : index
      %get3A_2075 = tpu.vector_load %arg23[%get3A_2073, %get3A_2074] {strides = array<i32>} : memref<128x128xf32, #tpu.memory_space<vmem>>, vector<1x16xf32>,
      %get3A_2076 = vector.shape_cast %get3A_2075 : vector<1x16xf32> to vector<16xf32>
      %add3A_2077 = arith.addf %get3A_2071, %get3A_2076 : vector<16xf32>
      %add3A_2078 = arith.addf %add3A_2066, %add3A_2077 : vector<16xf32>
      %swap3A_2079 = arith.constant 64 : i32
      %swap3A_2080 = arith.index_cast %swap3A_2079 : i32 to index
      %swap3A_2081 = arith.constant 0 : index
      %swap3A_2082 = tpu.vector_load %arg24[%swap3A_2080, %swap3A_2081] {strides = array<i32>} : memref<128x16xf32, #tpu.memory_space<vmem>>, vector<1x16xf32>,
      %swap3A_2083 = vector.shape_cast %swap3A_2082 : vector<1x16xf32> to vector<16xf32>
      %swap3A_2084 = vector.shape_cast %add3A_2078 : vector<16xf32> to vector<1x16xf32>
      tpu.vector_store %arg24[%swap3A_2080, %swap3A_2081], %swap3A_2084 {strides = array<i32>} : memref<128x16xf32, #tpu.memory_space<vmem>>, vector<1x16xf32>,
      %get3A_2085 = arith.constant 65 : i32
      %get3A_2086 = arith.index_cast %get3A_2085 : i32 to index
      %get3A_2087 = arith.constant 0 : index
      %get3A_2088 = tpu.vector_load %arg20[%get3A_2086, %get3A_2087] {strides = array<i32>} : memref<128x128xf32, #tpu.memory_space<vmem>>, vector<1x16xf32>,
      %get3A_2089 = vector.shape_cast %get3A_2088 : vector<1x16xf32> to vector<16xf32>
      %get3A_2090 = arith.constant 65 : i32
      %get3A_2091 = arith.index_cast %get3A_2090 : i32 to index
      %get3A_2092 = arith.constant 0 : index
      %get3A_2093 = tpu.vector_load %arg21[%get3A_2091, %get3A_2092] {strides = array<i32>} : memref<128x128xf32, #tpu.memory_space<vmem>>, vector<1x16xf32>,
      %get3A_2094 = vector.shape_cast %get3A_2093 : vector<1x16xf32> to vector<16xf32>
      %add3A_2095 = arith.addf %get3A_2089, %get3A_2094 : vector<16xf32>
      %get3A_2096 = arith.constant 65 : i32
      %get3A_2097 = arith.index_cast %get3A_2096 : i32 to index
      %get3A_2098 = arith.constant 0 : index
      %get3A_2099 = tpu.vector_load %arg22[%get3A_2097, %get3A_2098] {strides = array<i32>} : memref<128x128xf32, #tpu.memory_space<vmem>>, vector<1x16xf32>,
      %get3A_2100 = vector.shape_cast %get3A_2099 : vector<1x16xf32> to vector<16xf32>
      %get3A_2101 = arith.constant 65 : i32
      %get3A_2102 = arith.index_cast %get3A_2101 : i32 to index
      %get3A_2103 = arith.constant 0 : index
      %get3A_2104 = tpu.vector_load %arg23[%get3A_2102, %get3A_2103] {strides = array<i32>} : memref<128x128xf32, #tpu.memory_space<vmem>>, vector<1x16xf32>,
      %get3A_2105 = vector.shape_cast %get3A_2104 : vector<1x16xf32> to vector<16xf32>
      %add3A_2106 = arith.addf %get3A_2100, %get3A_2105 : vector<16xf32>
      %add3A_2107 = arith.addf %add3A_2095, %add3A_2106 : vector<16xf32>
      %swap3A_2108 = arith.constant 65 : i32
      %swap3A_2109 = arith.index_cast %swap3A_2108 : i32 to index
      %swap3A_2110 = arith.constant 0 : index
      %swap3A_2111 = tpu.vector_load %arg24[%swap3A_2109, %swap3A_2110] {strides = array<i32>} : memref<128x16xf32, #tpu.memory_space<vmem>>, vector<1x16xf32>,
      %swap3A_2112 = vector.shape_cast %swap3A_2111 : vector<1x16xf32> to vector<16xf32>
      %swap3A_2113 = vector.shape_cast %add3A_2107 : vector<16xf32> to vector<1x16xf32>
      tpu.vector_store %arg24[%swap3A_2109, %swap3A_2110], %swap3A_2113 {strides = array<i32>} : memref<128x16xf32, #tpu.memory_space<vmem>>, vector<1x16xf32>,
      %get3A_2114 = arith.constant 66 : i32
      %get3A_2115 = arith.index_cast %get3A_2114 : i32 to index
      %get3A_2116 = arith.constant 0 : index
      %get3A_2117 = tpu.vector_load %arg20[%get3A_2115, %get3A_2116] {strides = array<i32>} : memref<128x128xf32, #tpu.memory_space<vmem>>, vector<1x16xf32>,
      %get3A_2118 = vector.shape_cast %get3A_2117 : vector<1x16xf32> to vector<16xf32>
      %get3A_2119 = arith.constant 66 : i32
      %get3A_2120 = arith.index_cast %get3A_2119 : i32 to index
      %get3A_2121 = arith.constant 0 : index
      %get3A_2122 = tpu.vector_load %arg21[%get3A_2120, %get3A_2121] {strides = array<i32>} : memref<128x128xf32, #tpu.memory_space<vmem>>, vector<1x16xf32>,
      %get3A_2123 = vector.shape_cast %get3A_2122 : vector<1x16xf32> to vector<16xf32>
      %add3A_2124 = arith.addf %get3A_2118, %get3A_2123 : vector<16xf32>
      %get3A_2125 = arith.constant 66 : i32
      %get3A_2126 = arith.index_cast %get3A_2125 : i32 to index
      %get3A_2127 = arith.constant 0 : index
      %get3A_2128 = tpu.vector_load %arg22[%get3A_2126, %get3A_2127] {strides = array<i32>} : memref<128x128xf32, #tpu.memory_space<vmem>>, vector<1x16xf32>,
      %get3A_2129 = vector.shape_cast %get3A_2128 : vector<1x16xf32> to vector<16xf32>
      %get3A_2130 = arith.constant 66 : i32
      %get3A_2131 = arith.index_cast %get3A_2130 : i32 to index
      %get3A_2132 = arith.constant 0 : index
      %get3A_2133 = tpu.vector_load %arg23[%get3A_2131, %get3A_2132] {strides = array<i32>} : memref<128x128xf32, #tpu.memory_space<vmem>>, vector<1x16xf32>,
      %get3A_2134 = vector.shape_cast %get3A_2133 : vector<1x16xf32> to vector<16xf32>
      %add3A_2135 = arith.addf %get3A_2129, %get3A_2134 : vector<16xf32>
      %add3A_2136 = arith.addf %add3A_2124, %add3A_2135 : vector<16xf32>
      %swap3A_2137 = arith.constant 66 : i32
      %swap3A_2138 = arith.index_cast %swap3A_2137 : i32 to index
      %swap3A_2139 = arith.constant 0 : index
      %swap3A_2140 = tpu.vector_load %arg24[%swap3A_2138, %swap3A_2139] {strides = array<i32>} : memref<128x16xf32, #tpu.memory_space<vmem>>, vector<1x16xf32>,
      %swap3A_2141 = vector.shape_cast %swap3A_2140 : vector<1x16xf32> to vector<16xf32>
      %swap3A_2142 = vector.shape_cast %add3A_2136 : vector<16xf32> to vector<1x16xf32>
      tpu.vector_store %arg24[%swap3A_2138, %swap3A_2139], %swap3A_2142 {strides = array<i32>} : memref<128x16xf32, #tpu.memory_space<vmem>>, vector<1x16xf32>,
      %get3A_2143 = arith.constant 67 : i32
      %get3A_2144 = arith.index_cast %get3A_2143 : i32 to index
      %get3A_2145 = arith.constant 0 : index
      %get3A_2146 = tpu.vector_load %arg20[%get3A_2144, %get3A_2145] {strides = array<i32>} : memref<128x128xf32, #tpu.memory_space<vmem>>, vector<1x16xf32>,
      %get3A_2147 = vector.shape_cast %get3A_2146 : vector<1x16xf32> to vector<16xf32>
      %get3A_2148 = arith.constant 67 : i32
      %get3A_2149 = arith.index_cast %get3A_2148 : i32 to index
      %get3A_2150 = arith.constant 0 : index
      %get3A_2151 = tpu.vector_load %arg21[%get3A_2149, %get3A_2150] {strides = array<i32>} : memref<128x128xf32, #tpu.memory_space<vmem>>, vector<1x16xf32>,
      %get3A_2152 = vector.shape_cast %get3A_2151 : vector<1x16xf32> to vector<16xf32>
      %add3A_2153 = arith.addf %get3A_2147, %get3A_2152 : vector<16xf32>
      %get3A_2154 = arith.constant 67 : i32
      %get3A_2155 = arith.index_cast %get3A_2154 : i32 to index
      %get3A_2156 = arith.constant 0 : index
      %get3A_2157 = tpu.vector_load %arg22[%get3A_2155, %get3A_2156] {strides = array<i32>} : memref<128x128xf32, #tpu.memory_space<vmem>>, vector<1x16xf32>,
      %get3A_2158 = vector.shape_cast %get3A_2157 : vector<1x16xf32> to vector<16xf32>
      %get3A_2159 = arith.constant 67 : i32
      %get3A_2160 = arith.index_cast %get3A_2159 : i32 to index
      %get3A_2161 = arith.constant 0 : index
      %get3A_2162 = tpu.vector_load %arg23[%get3A_2160, %get3A_2161] {strides = array<i32>} : memref<128x128xf32, #tpu.memory_space<vmem>>, vector<1x16xf32>,
      %get3A_2163 = vector.shape_cast %get3A_2162 : vector<1x16xf32> to vector<16xf32>
      %add3A_2164 = arith.addf %get3A_2158, %get3A_2163 : vector<16xf32>
      %add3A_2165 = arith.addf %add3A_2153, %add3A_2164 : vector<16xf32>
      %swap3A_2166 = arith.constant 67 : i32
      %swap3A_2167 = arith.index_cast %swap3A_2166 : i32 to index
      %swap3A_2168 = arith.constant 0 : index
      %swap3A_2169 = tpu.vector_load %arg24[%swap3A_2167, %swap3A_2168] {strides = array<i32>} : memref<128x16xf32, #tpu.memory_space<vmem>>, vector<1x16xf32>,
      %swap3A_2170 = vector.shape_cast %swap3A_2169 : vector<1x16xf32> to vector<16xf32>
      %swap3A_2171 = vector.shape_cast %add3A_2165 : vector<16xf32> to vector<1x16xf32>
      tpu.vector_store %arg24[%swap3A_2167, %swap3A_2168], %swap3A_2171 {strides = array<i32>} : memref<128x16xf32, #tpu.memory_space<vmem>>, vector<1x16xf32>,
      %get3A_2172 = arith.constant 68 : i32
      %get3A_2173 = arith.index_cast %get3A_2172 : i32 to index
      %get3A_2174 = arith.constant 0 : index
      %get3A_2175 = tpu.vector_load %arg20[%get3A_2173, %get3A_2174] {strides = array<i32>} : memref<128x128xf32, #tpu.memory_space<vmem>>, vector<1x16xf32>,
      %get3A_2176 = vector.shape_cast %get3A_2175 : vector<1x16xf32> to vector<16xf32>
      %get3A_2177 = arith.constant 68 : i32
      %get3A_2178 = arith.index_cast %get3A_2177 : i32 to index
      %get3A_2179 = arith.constant 0 : index
      %get3A_2180 = tpu.vector_load %arg21[%get3A_2178, %get3A_2179] {strides = array<i32>} : memref<128x128xf32, #tpu.memory_space<vmem>>, vector<1x16xf32>,
      %get3A_2181 = vector.shape_cast %get3A_2180 : vector<1x16xf32> to vector<16xf32>
      %add3A_2182 = arith.addf %get3A_2176, %get3A_2181 : vector<16xf32>
      %get3A_2183 = arith.constant 68 : i32
      %get3A_2184 = arith.index_cast %get3A_2183 : i32 to index
      %get3A_2185 = arith.constant 0 : index
      %get3A_2186 = tpu.vector_load %arg22[%get3A_2184, %get3A_2185] {strides = array<i32>} : memref<128x128xf32, #tpu.memory_space<vmem>>, vector<1x16xf32>,
      %get3A_2187 = vector.shape_cast %get3A_2186 : vector<1x16xf32> to vector<16xf32>
      %get3A_2188 = arith.constant 68 : i32
      %get3A_2189 = arith.index_cast %get3A_2188 : i32 to index
      %get3A_2190 = arith.constant 0 : index
      %get3A_2191 = tpu.vector_load %arg23[%get3A_2189, %get3A_2190] {strides = array<i32>} : memref<128x128xf32, #tpu.memory_space<vmem>>, vector<1x16xf32>,
      %get3A_2192 = vector.shape_cast %get3A_2191 : vector<1x16xf32> to vector<16xf32>
      %add3A_2193 = arith.addf %get3A_2187, %get3A_2192 : vector<16xf32>
      %add3A_2194 = arith.addf %add3A_2182, %add3A_2193 : vector<16xf32>
      %swap3A_2195 = arith.constant 68 : i32
      %swap3A_2196 = arith.index_cast %swap3A_2195 : i32 to index
      %swap3A_2197 = arith.constant 0 : index
      %swap3A_2198 = tpu.vector_load %arg24[%swap3A_2196, %swap3A_2197] {strides = array<i32>} : memref<128x16xf32, #tpu.memory_space<vmem>>, vector<1x16xf32>,
      %swap3A_2199 = vector.shape_cast %swap3A_2198 : vector<1x16xf32> to vector<16xf32>
      %swap3A_2200 = vector.shape_cast %add3A_2194 : vector<16xf32> to vector<1x16xf32>
      tpu.vector_store %arg24[%swap3A_2196, %swap3A_2197], %swap3A_2200 {strides = array<i32>} : memref<128x16xf32, #tpu.memory_space<vmem>>, vector<1x16xf32>,
      %get3A_2201 = arith.constant 69 : i32
      %get3A_2202 = arith.index_cast %get3A_2201 : i32 to index
      %get3A_2203 = arith.constant 0 : index
      %get3A_2204 = tpu.vector_load %arg20[%get3A_2202, %get3A_2203] {strides = array<i32>} : memref<128x128xf32, #tpu.memory_space<vmem>>, vector<1x16xf32>,
      %get3A_2205 = vector.shape_cast %get3A_2204 : vector<1x16xf32> to vector<16xf32>
      %get3A_2206 = arith.constant 69 : i32
      %get3A_2207 = arith.index_cast %get3A_2206 : i32 to index
      %get3A_2208 = arith.constant 0 : index
      %get3A_2209 = tpu.vector_load %arg21[%get3A_2207, %get3A_2208] {strides = array<i32>} : memref<128x128xf32, #tpu.memory_space<vmem>>, vector<1x16xf32>,
      %get3A_2210 = vector.shape_cast %get3A_2209 : vector<1x16xf32> to vector<16xf32>
      %add3A_2211 = arith.addf %get3A_2205, %get3A_2210 : vector<16xf32>
      %get3A_2212 = arith.constant 69 : i32
      %get3A_2213 = arith.index_cast %get3A_2212 : i32 to index
      %get3A_2214 = arith.constant 0 : index
      %get3A_2215 = tpu.vector_load %arg22[%get3A_2213, %get3A_2214] {strides = array<i32>} : memref<128x128xf32, #tpu.memory_space<vmem>>, vector<1x16xf32>,
      %get3A_2216 = vector.shape_cast %get3A_2215 : vector<1x16xf32> to vector<16xf32>
      %get3A_2217 = arith.constant 69 : i32
      %get3A_2218 = arith.index_cast %get3A_2217 : i32 to index
      %get3A_2219 = arith.constant 0 : index
      %get3A_2220 = tpu.vector_load %arg23[%get3A_2218, %get3A_2219] {strides = array<i32>} : memref<128x128xf32, #tpu.memory_space<vmem>>, vector<1x16xf32>,
      %get3A_2221 = vector.shape_cast %get3A_2220 : vector<1x16xf32> to vector<16xf32>
      %add3A_2222 = arith.addf %get3A_2216, %get3A_2221 : vector<16xf32>
      %add3A_2223 = arith.addf %add3A_2211, %add3A_2222 : vector<16xf32>
      %swap3A_2224 = arith.constant 69 : i32
      %swap3A_2225 = arith.index_cast %swap3A_2224 : i32 to index
      %swap3A_2226 = arith.constant 0 : index
      %swap3A_2227 = tpu.vector_load %arg24[%swap3A_2225, %swap3A_2226] {strides = array<i32>} : memref<128x16xf32, #tpu.memory_space<vmem>>, vector<1x16xf32>,
      %swap3A_2228 = vector.shape_cast %swap3A_2227 : vector<1x16xf32> to vector<16xf32>
      %swap3A_2229 = vector.shape_cast %add3A_2223 : vector<16xf32> to vector<1x16xf32>
      tpu.vector_store %arg24[%swap3A_2225, %swap3A_2226], %swap3A_2229 {strides = array<i32>} : memref<128x16xf32, #tpu.memory_space<vmem>>, vector<1x16xf32>,
      %get3A_2230 = arith.constant 70 : i32
      %get3A_2231 = arith.index_cast %get3A_2230 : i32 to index
      %get3A_2232 = arith.constant 0 : index
      %get3A_2233 = tpu.vector_load %arg20[%get3A_2231, %get3A_2232] {strides = array<i32>} : memref<128x128xf32, #tpu.memory_space<vmem>>, vector<1x16xf32>,
      %get3A_2234 = vector.shape_cast %get3A_2233 : vector<1x16xf32> to vector<16xf32>
      %get3A_2235 = arith.constant 70 : i32
      %get3A_2236 = arith.index_cast %get3A_2235 : i32 to index
      %get3A_2237 = arith.constant 0 : index
      %get3A_2238 = tpu.vector_load %arg21[%get3A_2236, %get3A_2237] {strides = array<i32>} : memref<128x128xf32, #tpu.memory_space<vmem>>, vector<1x16xf32>,
      %get3A_2239 = vector.shape_cast %get3A_2238 : vector<1x16xf32> to vector<16xf32>
      %add3A_2240 = arith.addf %get3A_2234, %get3A_2239 : vector<16xf32>
      %get3A_2241 = arith.constant 70 : i32
      %get3A_2242 = arith.index_cast %get3A_2241 : i32 to index
      %get3A_2243 = arith.constant 0 : index
      %get3A_2244 = tpu.vector_load %arg22[%get3A_2242, %get3A_2243] {strides = array<i32>} : memref<128x128xf32, #tpu.memory_space<vmem>>, vector<1x16xf32>,
      %get3A_2245 = vector.shape_cast %get3A_2244 : vector<1x16xf32> to vector<16xf32>
      %get3A_2246 = arith.constant 70 : i32
      %get3A_2247 = arith.index_cast %get3A_2246 : i32 to index
      %get3A_2248 = arith.constant 0 : index
      %get3A_2249 = tpu.vector_load %arg23[%get3A_2247, %get3A_2248] {strides = array<i32>} : memref<128x128xf32, #tpu.memory_space<vmem>>, vector<1x16xf32>,
      %get3A_2250 = vector.shape_cast %get3A_2249 : vector<1x16xf32> to vector<16xf32>
      %add3A_2251 = arith.addf %get3A_2245, %get3A_2250 : vector<16xf32>
      %add3A_2252 = arith.addf %add3A_2240, %add3A_2251 : vector<16xf32>
      %swap3A_2253 = arith.constant 70 : i32
      %swap3A_2254 = arith.index_cast %swap3A_2253 : i32 to index
      %swap3A_2255 = arith.constant 0 : index
      %swap3A_2256 = tpu.vector_load %arg24[%swap3A_2254, %swap3A_2255] {strides = array<i32>} : memref<128x16xf32, #tpu.memory_space<vmem>>, vector<1x16xf32>,
      %swap3A_2257 = vector.shape_cast %swap3A_2256 : vector<1x16xf32> to vector<16xf32>
      %swap3A_2258 = vector.shape_cast %add3A_2252 : vector<16xf32> to vector<1x16xf32>
      tpu.vector_store %arg24[%swap3A_2254, %swap3A_2255], %swap3A_2258 {strides = array<i32>} : memref<128x16xf32, #tpu.memory_space<vmem>>, vector<1x16xf32>,
      %get3A_2259 = arith.constant 71 : i32
      %get3A_2260 = arith.index_cast %get3A_2259 : i32 to index
      %get3A_2261 = arith.constant 0 : index
      %get3A_2262 = tpu.vector_load %arg20[%get3A_2260, %get3A_2261] {strides = array<i32>} : memref<128x128xf32, #tpu.memory_space<vmem>>, vector<1x16xf32>,
      %get3A_2263 = vector.shape_cast %get3A_2262 : vector<1x16xf32> to vector<16xf32>
      %get3A_2264 = arith.constant 71 : i32
      %get3A_2265 = arith.index_cast %get3A_2264 : i32 to index
      %get3A_2266 = arith.constant 0 : index
      %get3A_2267 = tpu.vector_load %arg21[%get3A_2265, %get3A_2266] {strides = array<i32>} : memref<128x128xf32, #tpu.memory_space<vmem>>, vector<1x16xf32>,
      %get3A_2268 = vector.shape_cast %get3A_2267 : vector<1x16xf32> to vector<16xf32>
      %add3A_2269 = arith.addf %get3A_2263, %get3A_2268 : vector<16xf32>
      %get3A_2270 = arith.constant 71 : i32
      %get3A_2271 = arith.index_cast %get3A_2270 : i32 to index
      %get3A_2272 = arith.constant 0 : index
      %get3A_2273 = tpu.vector_load %arg22[%get3A_2271, %get3A_2272] {strides = array<i32>} : memref<128x128xf32, #tpu.memory_space<vmem>>, vector<1x16xf32>,
      %get3A_2274 = vector.shape_cast %get3A_2273 : vector<1x16xf32> to vector<16xf32>
      %get3A_2275 = arith.constant 71 : i32
      %get3A_2276 = arith.index_cast %get3A_2275 : i32 to index
      %get3A_2277 = arith.constant 0 : index
      %get3A_2278 = tpu.vector_load %arg23[%get3A_2276, %get3A_2277] {strides = array<i32>} : memref<128x128xf32, #tpu.memory_space<vmem>>, vector<1x16xf32>,
      %get3A_2279 = vector.shape_cast %get3A_2278 : vector<1x16xf32> to vector<16xf32>
      %add3A_2280 = arith.addf %get3A_2274, %get3A_2279 : vector<16xf32>
      %add3A_2281 = arith.addf %add3A_2269, %add3A_2280 : vector<16xf32>
      %swap3A_2282 = arith.constant 71 : i32
      %swap3A_2283 = arith.index_cast %swap3A_2282 : i32 to index
      %swap3A_2284 = arith.constant 0 : index
      %swap3A_2285 = tpu.vector_load %arg24[%swap3A_2283, %swap3A_2284] {strides = array<i32>} : memref<128x16xf32, #tpu.memory_space<vmem>>, vector<1x16xf32>,
      %swap3A_2286 = vector.shape_cast %swap3A_2285 : vector<1x16xf32> to vector<16xf32>
      %swap3A_2287 = vector.shape_cast %add3A_2281 : vector<16xf32> to vector<1x16xf32>
      tpu.vector_store %arg24[%swap3A_2283, %swap3A_2284], %swap3A_2287 {strides = array<i32>} : memref<128x16xf32, #tpu.memory_space<vmem>>, vector<1x16xf32>,
      %get3A_2288 = arith.constant 72 : i32
      %get3A_2289 = arith.index_cast %get3A_2288 : i32 to index
      %get3A_2290 = arith.constant 0 : index
      %get3A_2291 = tpu.vector_load %arg20[%get3A_2289, %get3A_2290] {strides = array<i32>} : memref<128x128xf32, #tpu.memory_space<vmem>>, vector<1x16xf32>,
      %get3A_2292 = vector.shape_cast %get3A_2291 : vector<1x16xf32> to vector<16xf32>
      %get3A_2293 = arith.constant 72 : i32
      %get3A_2294 = arith.index_cast %get3A_2293 : i32 to index
      %get3A_2295 = arith.constant 0 : index
      %get3A_2296 = tpu.vector_load %arg21[%get3A_2294, %get3A_2295] {strides = array<i32>} : memref<128x128xf32, #tpu.memory_space<vmem>>, vector<1x16xf32>,
      %get3A_2297 = vector.shape_cast %get3A_2296 : vector<1x16xf32> to vector<16xf32>
      %add3A_2298 = arith.addf %get3A_2292, %get3A_2297 : vector<16xf32>
      %get3A_2299 = arith.constant 72 : i32
      %get3A_2300 = arith.index_cast %get3A_2299 : i32 to index
      %get3A_2301 = arith.constant 0 : index
      %get3A_2302 = tpu.vector_load %arg22[%get3A_2300, %get3A_2301] {strides = array<i32>} : memref<128x128xf32, #tpu.memory_space<vmem>>, vector<1x16xf32>,
      %get3A_2303 = vector.shape_cast %get3A_2302 : vector<1x16xf32> to vector<16xf32>
      %get3A_2304 = arith.constant 72 : i32
      %get3A_2305 = arith.index_cast %get3A_2304 : i32 to index
      %get3A_2306 = arith.constant 0 : index
      %get3A_2307 = tpu.vector_load %arg23[%get3A_2305, %get3A_2306] {strides = array<i32>} : memref<128x128xf32, #tpu.memory_space<vmem>>, vector<1x16xf32>,
      %get3A_2308 = vector.shape_cast %get3A_2307 : vector<1x16xf32> to vector<16xf32>
      %add3A_2309 = arith.addf %get3A_2303, %get3A_2308 : vector<16xf32>
      %add3A_2310 = arith.addf %add3A_2298, %add3A_2309 : vector<16xf32>
      %swap3A_2311 = arith.constant 72 : i32
      %swap3A_2312 = arith.index_cast %swap3A_2311 : i32 to index
      %swap3A_2313 = arith.constant 0 : index
      %swap3A_2314 = tpu.vector_load %arg24[%swap3A_2312, %swap3A_2313] {strides = array<i32>} : memref<128x16xf32, #tpu.memory_space<vmem>>, vector<1x16xf32>,
      %swap3A_2315 = vector.shape_cast %swap3A_2314 : vector<1x16xf32> to vector<16xf32>
      %swap3A_2316 = vector.shape_cast %add3A_2310 : vector<16xf32> to vector<1x16xf32>
      tpu.vector_store %arg24[%swap3A_2312, %swap3A_2313], %swap3A_2316 {strides = array<i32>} : memref<128x16xf32, #tpu.memory_space<vmem>>, vector<1x16xf32>,
      %get3A_2317 = arith.constant 73 : i32
      %get3A_2318 = arith.index_cast %get3A_2317 : i32 to index
      %get3A_2319 = arith.constant 0 : index
      %get3A_2320 = tpu.vector_load %arg20[%get3A_2318, %get3A_2319] {strides = array<i32>} : memref<128x128xf32, #tpu.memory_space<vmem>>, vector<1x16xf32>,
      %get3A_2321 = vector.shape_cast %get3A_2320 : vector<1x16xf32> to vector<16xf32>
      %get3A_2322 = arith.constant 73 : i32
      %get3A_2323 = arith.index_cast %get3A_2322 : i32 to index
      %get3A_2324 = arith.constant 0 : index
      %get3A_2325 = tpu.vector_load %arg21[%get3A_2323, %get3A_2324] {strides = array<i32>} : memref<128x128xf32, #tpu.memory_space<vmem>>, vector<1x16xf32>,
      %get3A_2326 = vector.shape_cast %get3A_2325 : vector<1x16xf32> to vector<16xf32>
      %add3A_2327 = arith.addf %get3A_2321, %get3A_2326 : vector<16xf32>
      %get3A_2328 = arith.constant 73 : i32
      %get3A_2329 = arith.index_cast %get3A_2328 : i32 to index
      %get3A_2330 = arith.constant 0 : index
      %get3A_2331 = tpu.vector_load %arg22[%get3A_2329, %get3A_2330] {strides = array<i32>} : memref<128x128xf32, #tpu.memory_space<vmem>>, vector<1x16xf32>,
      %get3A_2332 = vector.shape_cast %get3A_2331 : vector<1x16xf32> to vector<16xf32>
      %get3A_2333 = arith.constant 73 : i32
      %get3A_2334 = arith.index_cast %get3A_2333 : i32 to index
      %get3A_2335 = arith.constant 0 : index
      %get3A_2336 = tpu.vector_load %arg23[%get3A_2334, %get3A_2335] {strides = array<i32>} : memref<128x128xf32, #tpu.memory_space<vmem>>, vector<1x16xf32>,
      %get3A_2337 = vector.shape_cast %get3A_2336 : vector<1x16xf32> to vector<16xf32>
      %add3A_2338 = arith.addf %get3A_2332, %get3A_2337 : vector<16xf32>
      %add3A_2339 = arith.addf %add3A_2327, %add3A_2338 : vector<16xf32>
      %swap3A_2340 = arith.constant 73 : i32
      %swap3A_2341 = arith.index_cast %swap3A_2340 : i32 to index
      %swap3A_2342 = arith.constant 0 : index
      %swap3A_2343 = tpu.vector_load %arg24[%swap3A_2341, %swap3A_2342] {strides = array<i32>} : memref<128x16xf32, #tpu.memory_space<vmem>>, vector<1x16xf32>,
      %swap3A_2344 = vector.shape_cast %swap3A_2343 : vector<1x16xf32> to vector<16xf32>
      %swap3A_2345 = vector.shape_cast %add3A_2339 : vector<16xf32> to vector<1x16xf32>
      tpu.vector_store %arg24[%swap3A_2341, %swap3A_2342], %swap3A_2345 {strides = array<i32>} : memref<128x16xf32, #tpu.memory_space<vmem>>, vector<1x16xf32>,
      %get3A_2346 = arith.constant 74 : i32
      %get3A_2347 = arith.index_cast %get3A_2346 : i32 to index
      %get3A_2348 = arith.constant 0 : index
      %get3A_2349 = tpu.vector_load %arg20[%get3A_2347, %get3A_2348] {strides = array<i32>} : memref<128x128xf32, #tpu.memory_space<vmem>>, vector<1x16xf32>,
      %get3A_2350 = vector.shape_cast %get3A_2349 : vector<1x16xf32> to vector<16xf32>
      %get3A_2351 = arith.constant 74 : i32
      %get3A_2352 = arith.index_cast %get3A_2351 : i32 to index
      %get3A_2353 = arith.constant 0 : index
      %get3A_2354 = tpu.vector_load %arg21[%get3A_2352, %get3A_2353] {strides = array<i32>} : memref<128x128xf32, #tpu.memory_space<vmem>>, vector<1x16xf32>,
      %get3A_2355 = vector.shape_cast %get3A_2354 : vector<1x16xf32> to vector<16xf32>
      %add3A_2356 = arith.addf %get3A_2350, %get3A_2355 : vector<16xf32>
      %get3A_2357 = arith.constant 74 : i32
      %get3A_2358 = arith.index_cast %get3A_2357 : i32 to index
      %get3A_2359 = arith.constant 0 : index
      %get3A_2360 = tpu.vector_load %arg22[%get3A_2358, %get3A_2359] {strides = array<i32>} : memref<128x128xf32, #tpu.memory_space<vmem>>, vector<1x16xf32>,
      %get3A_2361 = vector.shape_cast %get3A_2360 : vector<1x16xf32> to vector<16xf32>
      %get3A_2362 = arith.constant 74 : i32
      %get3A_2363 = arith.index_cast %get3A_2362 : i32 to index
      %get3A_2364 = arith.constant 0 : index
      %get3A_2365 = tpu.vector_load %arg23[%get3A_2363, %get3A_2364] {strides = array<i32>} : memref<128x128xf32, #tpu.memory_space<vmem>>, vector<1x16xf32>,
      %get3A_2366 = vector.shape_cast %get3A_2365 : vector<1x16xf32> to vector<16xf32>
      %add3A_2367 = arith.addf %get3A_2361, %get3A_2366 : vector<16xf32>
      %add3A_2368 = arith.addf %add3A_2356, %add3A_2367 : vector<16xf32>
      %swap3A_2369 = arith.constant 74 : i32
      %swap3A_2370 = arith.index_cast %swap3A_2369 : i32 to index
      %swap3A_2371 = arith.constant 0 : index
      %swap3A_2372 = tpu.vector_load %arg24[%swap3A_2370, %swap3A_2371] {strides = array<i32>} : memref<128x16xf32, #tpu.memory_space<vmem>>, vector<1x16xf32>,
      %swap3A_2373 = vector.shape_cast %swap3A_2372 : vector<1x16xf32> to vector<16xf32>
      %swap3A_2374 = vector.shape_cast %add3A_2368 : vector<16xf32> to vector<1x16xf32>
      tpu.vector_store %arg24[%swap3A_2370, %swap3A_2371], %swap3A_2374 {strides = array<i32>} : memref<128x16xf32, #tpu.memory_space<vmem>>, vector<1x16xf32>,
      %get3A_2375 = arith.constant 75 : i32
      %get3A_2376 = arith.index_cast %get3A_2375 : i32 to index
      %get3A_2377 = arith.constant 0 : index
      %get3A_2378 = tpu.vector_load %arg20[%get3A_2376, %get3A_2377] {strides = array<i32>} : memref<128x128xf32, #tpu.memory_space<vmem>>, vector<1x16xf32>,
      %get3A_2379 = vector.shape_cast %get3A_2378 : vector<1x16xf32> to vector<16xf32>
      %get3A_2380 = arith.constant 75 : i32
      %get3A_2381 = arith.index_cast %get3A_2380 : i32 to index
      %get3A_2382 = arith.constant 0 : index
      %get3A_2383 = tpu.vector_load %arg21[%get3A_2381, %get3A_2382] {strides = array<i32>} : memref<128x128xf32, #tpu.memory_space<vmem>>, vector<1x16xf32>,
      %get3A_2384 = vector.shape_cast %get3A_2383 : vector<1x16xf32> to vector<16xf32>
      %add3A_2385 = arith.addf %get3A_2379, %get3A_2384 : vector<16xf32>
      %get3A_2386 = arith.constant 75 : i32
      %get3A_2387 = arith.index_cast %get3A_2386 : i32 to index
      %get3A_2388 = arith.constant 0 : index
      %get3A_2389 = tpu.vector_load %arg22[%get3A_2387, %get3A_2388] {strides = array<i32>} : memref<128x128xf32, #tpu.memory_space<vmem>>, vector<1x16xf32>,
      %get3A_2390 = vector.shape_cast %get3A_2389 : vector<1x16xf32> to vector<16xf32>
      %get3A_2391 = arith.constant 75 : i32
      %get3A_2392 = arith.index_cast %get3A_2391 : i32 to index
      %get3A_2393 = arith.constant 0 : index
      %get3A_2394 = tpu.vector_load %arg23[%get3A_2392, %get3A_2393] {strides = array<i32>} : memref<128x128xf32, #tpu.memory_space<vmem>>, vector<1x16xf32>,
      %get3A_2395 = vector.shape_cast %get3A_2394 : vector<1x16xf32> to vector<16xf32>
      %add3A_2396 = arith.addf %get3A_2390, %get3A_2395 : vector<16xf32>
      %add3A_2397 = arith.addf %add3A_2385, %add3A_2396 : vector<16xf32>
      %swap3A_2398 = arith.constant 75 : i32
      %swap3A_2399 = arith.index_cast %swap3A_2398 : i32 to index
      %swap3A_2400 = arith.constant 0 : index
      %swap3A_2401 = tpu.vector_load %arg24[%swap3A_2399, %swap3A_2400] {strides = array<i32>} : memref<128x16xf32, #tpu.memory_space<vmem>>, vector<1x16xf32>,
      %swap3A_2402 = vector.shape_cast %swap3A_2401 : vector<1x16xf32> to vector<16xf32>
      %swap3A_2403 = vector.shape_cast %add3A_2397 : vector<16xf32> to vector<1x16xf32>
      tpu.vector_store %arg24[%swap3A_2399, %swap3A_2400], %swap3A_2403 {strides = array<i32>} : memref<128x16xf32, #tpu.memory_space<vmem>>, vector<1x16xf32>,
      %get3A_2404 = arith.constant 76 : i32
      %get3A_2405 = arith.index_cast %get3A_2404 : i32 to index
      %get3A_2406 = arith.constant 0 : index
      %get3A_2407 = tpu.vector_load %arg20[%get3A_2405, %get3A_2406] {strides = array<i32>} : memref<128x128xf32, #tpu.memory_space<vmem>>, vector<1x16xf32>,
      %get3A_2408 = vector.shape_cast %get3A_2407 : vector<1x16xf32> to vector<16xf32>
      %get3A_2409 = arith.constant 76 : i32
      %get3A_2410 = arith.index_cast %get3A_2409 : i32 to index
      %get3A_2411 = arith.constant 0 : index
      %get3A_2412 = tpu.vector_load %arg21[%get3A_2410, %get3A_2411] {strides = array<i32>} : memref<128x128xf32, #tpu.memory_space<vmem>>, vector<1x16xf32>,
      %get3A_2413 = vector.shape_cast %get3A_2412 : vector<1x16xf32> to vector<16xf32>
      %add3A_2414 = arith.addf %get3A_2408, %get3A_2413 : vector<16xf32>
      %get3A_2415 = arith.constant 76 : i32
      %get3A_2416 = arith.index_cast %get3A_2415 : i32 to index
      %get3A_2417 = arith.constant 0 : index
      %get3A_2418 = tpu.vector_load %arg22[%get3A_2416, %get3A_2417] {strides = array<i32>} : memref<128x128xf32, #tpu.memory_space<vmem>>, vector<1x16xf32>,
      %get3A_2419 = vector.shape_cast %get3A_2418 : vector<1x16xf32> to vector<16xf32>
      %get3A_2420 = arith.constant 76 : i32
      %get3A_2421 = arith.index_cast %get3A_2420 : i32 to index
      %get3A_2422 = arith.constant 0 : index
      %get3A_2423 = tpu.vector_load %arg23[%get3A_2421, %get3A_2422] {strides = array<i32>} : memref<128x128xf32, #tpu.memory_space<vmem>>, vector<1x16xf32>,
      %get3A_2424 = vector.shape_cast %get3A_2423 : vector<1x16xf32> to vector<16xf32>
      %add3A_2425 = arith.addf %get3A_2419, %get3A_2424 : vector<16xf32>
      %add3A_2426 = arith.addf %add3A_2414, %add3A_2425 : vector<16xf32>
      %swap3A_2427 = arith.constant 76 : i32
      %swap3A_2428 = arith.index_cast %swap3A_2427 : i32 to index
      %swap3A_2429 = arith.constant 0 : index
      %swap3A_2430 = tpu.vector_load %arg24[%swap3A_2428, %swap3A_2429] {strides = array<i32>} : memref<128x16xf32, #tpu.memory_space<vmem>>, vector<1x16xf32>,
      %swap3A_2431 = vector.shape_cast %swap3A_2430 : vector<1x16xf32> to vector<16xf32>
      %swap3A_2432 = vector.shape_cast %add3A_2426 : vector<16xf32> to vector<1x16xf32>
      tpu.vector_store %arg24[%swap3A_2428, %swap3A_2429], %swap3A_2432 {strides = array<i32>} : memref<128x16xf32, #tpu.memory_space<vmem>>, vector<1x16xf32>,
      %get3A_2433 = arith.constant 77 : i32
      %get3A_2434 = arith.index_cast %get3A_2433 : i32 to index
      %get3A_2435 = arith.constant 0 : index
      %get3A_2436 = tpu.vector_load %arg20[%get3A_2434, %get3A_2435] {strides = array<i32>} : memref<128x128xf32, #tpu.memory_space<vmem>>, vector<1x16xf32>,
      %get3A_2437 = vector.shape_cast %get3A_2436 : vector<1x16xf32> to vector<16xf32>
      %get3A_2438 = arith.constant 77 : i32
      %get3A_2439 = arith.index_cast %get3A_2438 : i32 to index
      %get3A_2440 = arith.constant 0 : index
      %get3A_2441 = tpu.vector_load %arg21[%get3A_2439, %get3A_2440] {strides = array<i32>} : memref<128x128xf32, #tpu.memory_space<vmem>>, vector<1x16xf32>,
      %get3A_2442 = vector.shape_cast %get3A_2441 : vector<1x16xf32> to vector<16xf32>
      %add3A_2443 = arith.addf %get3A_2437, %get3A_2442 : vector<16xf32>
      %get3A_2444 = arith.constant 77 : i32
      %get3A_2445 = arith.index_cast %get3A_2444 : i32 to index
      %get3A_2446 = arith.constant 0 : index
      %get3A_2447 = tpu.vector_load %arg22[%get3A_2445, %get3A_2446] {strides = array<i32>} : memref<128x128xf32, #tpu.memory_space<vmem>>, vector<1x16xf32>,
      %get3A_2448 = vector.shape_cast %get3A_2447 : vector<1x16xf32> to vector<16xf32>
      %get3A_2449 = arith.constant 77 : i32
      %get3A_2450 = arith.index_cast %get3A_2449 : i32 to index
      %get3A_2451 = arith.constant 0 : index
      %get3A_2452 = tpu.vector_load %arg23[%get3A_2450, %get3A_2451] {strides = array<i32>} : memref<128x128xf32, #tpu.memory_space<vmem>>, vector<1x16xf32>,
      %get3A_2453 = vector.shape_cast %get3A_2452 : vector<1x16xf32> to vector<16xf32>
      %add3A_2454 = arith.addf %get3A_2448, %get3A_2453 : vector<16xf32>
      %add3A_2455 = arith.addf %add3A_2443, %add3A_2454 : vector<16xf32>
      %swap3A_2456 = arith.constant 77 : i32
      %swap3A_2457 = arith.index_cast %swap3A_2456 : i32 to index
      %swap3A_2458 = arith.constant 0 : index
      %swap3A_2459 = tpu.vector_load %arg24[%swap3A_2457, %swap3A_2458] {strides = array<i32>} : memref<128x16xf32, #tpu.memory_space<vmem>>, vector<1x16xf32>,
      %swap3A_2460 = vector.shape_cast %swap3A_2459 : vector<1x16xf32> to vector<16xf32>
      %swap3A_2461 = vector.shape_cast %add3A_2455 : vector<16xf32> to vector<1x16xf32>
      tpu.vector_store %arg24[%swap3A_2457, %swap3A_2458], %swap3A_2461 {strides = array<i32>} : memref<128x16xf32, #tpu.memory_space<vmem>>, vector<1x16xf32>,
      %get3A_2462 = arith.constant 78 : i32
      %get3A_2463 = arith.index_cast %get3A_2462 : i32 to index
      %get3A_2464 = arith.constant 0 : index
      %get3A_2465 = tpu.vector_load %arg20[%get3A_2463, %get3A_2464] {strides = array<i32>} : memref<128x128xf32, #tpu.memory_space<vmem>>, vector<1x16xf32>,
      %get3A_2466 = vector.shape_cast %get3A_2465 : vector<1x16xf32> to vector<16xf32>
      %get3A_2467 = arith.constant 78 : i32
      %get3A_2468 = arith.index_cast %get3A_2467 : i32 to index
      %get3A_2469 = arith.constant 0 : index
      %get3A_2470 = tpu.vector_load %arg21[%get3A_2468, %get3A_2469] {strides = array<i32>} : memref<128x128xf32, #tpu.memory_space<vmem>>, vector<1x16xf32>,
      %get3A_2471 = vector.shape_cast %get3A_2470 : vector<1x16xf32> to vector<16xf32>
      %add3A_2472 = arith.addf %get3A_2466, %get3A_2471 : vector<16xf32>
      %get3A_2473 = arith.constant 78 : i32
      %get3A_2474 = arith.index_cast %get3A_2473 : i32 to index
      %get3A_2475 = arith.constant 0 : index
      %get3A_2476 = tpu.vector_load %arg22[%get3A_2474, %get3A_2475] {strides = array<i32>} : memref<128x128xf32, #tpu.memory_space<vmem>>, vector<1x16xf32>,
      %get3A_2477 = vector.shape_cast %get3A_2476 : vector<1x16xf32> to vector<16xf32>
      %get3A_2478 = arith.constant 78 : i32
      %get3A_2479 = arith.index_cast %get3A_2478 : i32 to index
      %get3A_2480 = arith.constant 0 : index
      %get3A_2481 = tpu.vector_load %arg23[%get3A_2479, %get3A_2480] {strides = array<i32>} : memref<128x128xf32, #tpu.memory_space<vmem>>, vector<1x16xf32>,
      %get3A_2482 = vector.shape_cast %get3A_2481 : vector<1x16xf32> to vector<16xf32>
      %add3A_2483 = arith.addf %get3A_2477, %get3A_2482 : vector<16xf32>
      %add3A_2484 = arith.addf %add3A_2472, %add3A_2483 : vector<16xf32>
      %swap3A_2485 = arith.constant 78 : i32
      %swap3A_2486 = arith.index_cast %swap3A_2485 : i32 to index
      %swap3A_2487 = arith.constant 0 : index
      %swap3A_2488 = tpu.vector_load %arg24[%swap3A_2486, %swap3A_2487] {strides = array<i32>} : memref<128x16xf32, #tpu.memory_space<vmem>>, vector<1x16xf32>,
      %swap3A_2489 = vector.shape_cast %swap3A_2488 : vector<1x16xf32> to vector<16xf32>
      %swap3A_2490 = vector.shape_cast %add3A_2484 : vector<16xf32> to vector<1x16xf32>
      tpu.vector_store %arg24[%swap3A_2486, %swap3A_2487], %swap3A_2490 {strides = array<i32>} : memref<128x16xf32, #tpu.memory_space<vmem>>, vector<1x16xf32>,
      %get3A_2491 = arith.constant 79 : i32
      %get3A_2492 = arith.index_cast %get3A_2491 : i32 to index
      %get3A_2493 = arith.constant 0 : index
      %get3A_2494 = tpu.vector_load %arg20[%get3A_2492, %get3A_2493] {strides = array<i32>} : memref<128x128xf32, #tpu.memory_space<vmem>>, vector<1x16xf32>,
      %get3A_2495 = vector.shape_cast %get3A_2494 : vector<1x16xf32> to vector<16xf32>
      %get3A_2496 = arith.constant 79 : i32
      %get3A_2497 = arith.index_cast %get3A_2496 : i32 to index
      %get3A_2498 = arith.constant 0 : index
      %get3A_2499 = tpu.vector_load %arg21[%get3A_2497, %get3A_2498] {strides = array<i32>} : memref<128x128xf32, #tpu.memory_space<vmem>>, vector<1x16xf32>,
      %get3A_2500 = vector.shape_cast %get3A_2499 : vector<1x16xf32> to vector<16xf32>
      %add3A_2501 = arith.addf %get3A_2495, %get3A_2500 : vector<16xf32>
      %get3A_2502 = arith.constant 79 : i32
      %get3A_2503 = arith.index_cast %get3A_2502 : i32 to index
      %get3A_2504 = arith.constant 0 : index
      %get3A_2505 = tpu.vector_load %arg22[%get3A_2503, %get3A_2504] {strides = array<i32>} : memref<128x128xf32, #tpu.memory_space<vmem>>, vector<1x16xf32>,
      %get3A_2506 = vector.shape_cast %get3A_2505 : vector<1x16xf32> to vector<16xf32>
      %get3A_2507 = arith.constant 79 : i32
      %get3A_2508 = arith.index_cast %get3A_2507 : i32 to index
      %get3A_2509 = arith.constant 0 : index
      %get3A_2510 = tpu.vector_load %arg23[%get3A_2508, %get3A_2509] {strides = array<i32>} : memref<128x128xf32, #tpu.memory_space<vmem>>, vector<1x16xf32>,
      %get3A_2511 = vector.shape_cast %get3A_2510 : vector<1x16xf32> to vector<16xf32>
      %add3A_2512 = arith.addf %get3A_2506, %get3A_2511 : vector<16xf32>
      %add3A_2513 = arith.addf %add3A_2501, %add3A_2512 : vector<16xf32>
      %swap3A_2514 = arith.constant 79 : i32
      %swap3A_2515 = arith.index_cast %swap3A_2514 : i32 to index
      %swap3A_2516 = arith.constant 0 : index
      %swap3A_2517 = tpu.vector_load %arg24[%swap3A_2515, %swap3A_2516] {strides = array<i32>} : memref<128x16xf32, #tpu.memory_space<vmem>>, vector<1x16xf32>,
      %swap3A_2518 = vector.shape_cast %swap3A_2517 : vector<1x16xf32> to vector<16xf32>
      %swap3A_2519 = vector.shape_cast %add3A_2513 : vector<16xf32> to vector<1x16xf32>
      tpu.vector_store %arg24[%swap3A_2515, %swap3A_2516], %swap3A_2519 {strides = array<i32>} : memref<128x16xf32, #tpu.memory_space<vmem>>, vector<1x16xf32>,
      %get3A_2520 = arith.constant 80 : i32
      %get3A_2521 = arith.index_cast %get3A_2520 : i32 to index
      %get3A_2522 = arith.constant 0 : index
      %get3A_2523 = tpu.vector_load %arg20[%get3A_2521, %get3A_2522] {strides = array<i32>} : memref<128x128xf32, #tpu.memory_space<vmem>>, vector<1x16xf32>,
      %get3A_2524 = vector.shape_cast %get3A_2523 : vector<1x16xf32> to vector<16xf32>
      %get3A_2525 = arith.constant 80 : i32
      %get3A_2526 = arith.index_cast %get3A_2525 : i32 to index
      %get3A_2527 = arith.constant 0 : index
      %get3A_2528 = tpu.vector_load %arg21[%get3A_2526, %get3A_2527] {strides = array<i32>} : memref<128x128xf32, #tpu.memory_space<vmem>>, vector<1x16xf32>,
      %get3A_2529 = vector.shape_cast %get3A_2528 : vector<1x16xf32> to vector<16xf32>
      %add3A_2530 = arith.addf %get3A_2524, %get3A_2529 : vector<16xf32>
      %get3A_2531 = arith.constant 80 : i32
      %get3A_2532 = arith.index_cast %get3A_2531 : i32 to index
      %get3A_2533 = arith.constant 0 : index
      %get3A_2534 = tpu.vector_load %arg22[%get3A_2532, %get3A_2533] {strides = array<i32>} : memref<128x128xf32, #tpu.memory_space<vmem>>, vector<1x16xf32>,
      %get3A_2535 = vector.shape_cast %get3A_2534 : vector<1x16xf32> to vector<16xf32>
      %get3A_2536 = arith.constant 80 : i32
      %get3A_2537 = arith.index_cast %get3A_2536 : i32 to index
      %get3A_2538 = arith.constant 0 : index
      %get3A_2539 = tpu.vector_load %arg23[%get3A_2537, %get3A_2538] {strides = array<i32>} : memref<128x128xf32, #tpu.memory_space<vmem>>, vector<1x16xf32>,
      %get3A_2540 = vector.shape_cast %get3A_2539 : vector<1x16xf32> to vector<16xf32>
      %add3A_2541 = arith.addf %get3A_2535, %get3A_2540 : vector<16xf32>
      %add3A_2542 = arith.addf %add3A_2530, %add3A_2541 : vector<16xf32>
      %swap3A_2543 = arith.constant 80 : i32
      %swap3A_2544 = arith.index_cast %swap3A_2543 : i32 to index
      %swap3A_2545 = arith.constant 0 : index
      %swap3A_2546 = tpu.vector_load %arg24[%swap3A_2544, %swap3A_2545] {strides = array<i32>} : memref<128x16xf32, #tpu.memory_space<vmem>>, vector<1x16xf32>,
      %swap3A_2547 = vector.shape_cast %swap3A_2546 : vector<1x16xf32> to vector<16xf32>
      %swap3A_2548 = vector.shape_cast %add3A_2542 : vector<16xf32> to vector<1x16xf32>
      tpu.vector_store %arg24[%swap3A_2544, %swap3A_2545], %swap3A_2548 {strides = array<i32>} : memref<128x16xf32, #tpu.memory_space<vmem>>, vector<1x16xf32>,
      %get3A_2549 = arith.constant 81 : i32
      %get3A_2550 = arith.index_cast %get3A_2549 : i32 to index
      %get3A_2551 = arith.constant 0 : index
      %get3A_2552 = tpu.vector_load %arg20[%get3A_2550, %get3A_2551] {strides = array<i32>} : memref<128x128xf32, #tpu.memory_space<vmem>>, vector<1x16xf32>,
      %get3A_2553 = vector.shape_cast %get3A_2552 : vector<1x16xf32> to vector<16xf32>
      %get3A_2554 = arith.constant 81 : i32
      %get3A_2555 = arith.index_cast %get3A_2554 : i32 to index
      %get3A_2556 = arith.constant 0 : index
      %get3A_2557 = tpu.vector_load %arg21[%get3A_2555, %get3A_2556] {strides = array<i32>} : memref<128x128xf32, #tpu.memory_space<vmem>>, vector<1x16xf32>,
      %get3A_2558 = vector.shape_cast %get3A_2557 : vector<1x16xf32> to vector<16xf32>
      %add3A_2559 = arith.addf %get3A_2553, %get3A_2558 : vector<16xf32>
      %get3A_2560 = arith.constant 81 : i32
      %get3A_2561 = arith.index_cast %get3A_2560 : i32 to index
      %get3A_2562 = arith.constant 0 : index
      %get3A_2563 = tpu.vector_load %arg22[%get3A_2561, %get3A_2562] {strides = array<i32>} : memref<128x128xf32, #tpu.memory_space<vmem>>, vector<1x16xf32>,
      %get3A_2564 = vector.shape_cast %get3A_2563 : vector<1x16xf32> to vector<16xf32>
      %get3A_2565 = arith.constant 81 : i32
      %get3A_2566 = arith.index_cast %get3A_2565 : i32 to index
      %get3A_2567 = arith.constant 0 : index
      %get3A_2568 = tpu.vector_load %arg23[%get3A_2566, %get3A_2567] {strides = array<i32>} : memref<128x128xf32, #tpu.memory_space<vmem>>, vector<1x16xf32>,
      %get3A_2569 = vector.shape_cast %get3A_2568 : vector<1x16xf32> to vector<16xf32>
      %add3A_2570 = arith.addf %get3A_2564, %get3A_2569 : vector<16xf32>
      %add3A_2571 = arith.addf %add3A_2559, %add3A_2570 : vector<16xf32>
      %swap3A_2572 = arith.constant 81 : i32
      %swap3A_2573 = arith.index_cast %swap3A_2572 : i32 to index
      %swap3A_2574 = arith.constant 0 : index
      %swap3A_2575 = tpu.vector_load %arg24[%swap3A_2573, %swap3A_2574] {strides = array<i32>} : memref<128x16xf32, #tpu.memory_space<vmem>>, vector<1x16xf32>,
      %swap3A_2576 = vector.shape_cast %swap3A_2575 : vector<1x16xf32> to vector<16xf32>
      %swap3A_2577 = vector.shape_cast %add3A_2571 : vector<16xf32> to vector<1x16xf32>
      tpu.vector_store %arg24[%swap3A_2573, %swap3A_2574], %swap3A_2577 {strides = array<i32>} : memref<128x16xf32, #tpu.memory_space<vmem>>, vector<1x16xf32>,
      %get3A_2578 = arith.constant 82 : i32
      %get3A_2579 = arith.index_cast %get3A_2578 : i32 to index
      %get3A_2580 = arith.constant 0 : index
      %get3A_2581 = tpu.vector_load %arg20[%get3A_2579, %get3A_2580] {strides = array<i32>} : memref<128x128xf32, #tpu.memory_space<vmem>>, vector<1x16xf32>,
      %get3A_2582 = vector.shape_cast %get3A_2581 : vector<1x16xf32> to vector<16xf32>
      %get3A_2583 = arith.constant 82 : i32
      %get3A_2584 = arith.index_cast %get3A_2583 : i32 to index
      %get3A_2585 = arith.constant 0 : index
      %get3A_2586 = tpu.vector_load %arg21[%get3A_2584, %get3A_2585] {strides = array<i32>} : memref<128x128xf32, #tpu.memory_space<vmem>>, vector<1x16xf32>,
      %get3A_2587 = vector.shape_cast %get3A_2586 : vector<1x16xf32> to vector<16xf32>
      %add3A_2588 = arith.addf %get3A_2582, %get3A_2587 : vector<16xf32>
      %get3A_2589 = arith.constant 82 : i32
      %get3A_2590 = arith.index_cast %get3A_2589 : i32 to index
      %get3A_2591 = arith.constant 0 : index
      %get3A_2592 = tpu.vector_load %arg22[%get3A_2590, %get3A_2591] {strides = array<i32>} : memref<128x128xf32, #tpu.memory_space<vmem>>, vector<1x16xf32>,
      %get3A_2593 = vector.shape_cast %get3A_2592 : vector<1x16xf32> to vector<16xf32>
      %get3A_2594 = arith.constant 82 : i32
      %get3A_2595 = arith.index_cast %get3A_2594 : i32 to index
      %get3A_2596 = arith.constant 0 : index
      %get3A_2597 = tpu.vector_load %arg23[%get3A_2595, %get3A_2596] {strides = array<i32>} : memref<128x128xf32, #tpu.memory_space<vmem>>, vector<1x16xf32>,
      %get3A_2598 = vector.shape_cast %get3A_2597 : vector<1x16xf32> to vector<16xf32>
      %add3A_2599 = arith.addf %get3A_2593, %get3A_2598 : vector<16xf32>
      %add3A_2600 = arith.addf %add3A_2588, %add3A_2599 : vector<16xf32>
      %swap3A_2601 = arith.constant 82 : i32
      %swap3A_2602 = arith.index_cast %swap3A_2601 : i32 to index
      %swap3A_2603 = arith.constant 0 : index
      %swap3A_2604 = tpu.vector_load %arg24[%swap3A_2602, %swap3A_2603] {strides = array<i32>} : memref<128x16xf32, #tpu.memory_space<vmem>>, vector<1x16xf32>,
      %swap3A_2605 = vector.shape_cast %swap3A_2604 : vector<1x16xf32> to vector<16xf32>
      %swap3A_2606 = vector.shape_cast %add3A_2600 : vector<16xf32> to vector<1x16xf32>
      tpu.vector_store %arg24[%swap3A_2602, %swap3A_2603], %swap3A_2606 {strides = array<i32>} : memref<128x16xf32, #tpu.memory_space<vmem>>, vector<1x16xf32>,
      %get3A_2607 = arith.constant 83 : i32
      %get3A_2608 = arith.index_cast %get3A_2607 : i32 to index
      %get3A_2609 = arith.constant 0 : index
      %get3A_2610 = tpu.vector_load %arg20[%get3A_2608, %get3A_2609] {strides = array<i32>} : memref<128x128xf32, #tpu.memory_space<vmem>>, vector<1x16xf32>,
      %get3A_2611 = vector.shape_cast %get3A_2610 : vector<1x16xf32> to vector<16xf32>
      %get3A_2612 = arith.constant 83 : i32
      %get3A_2613 = arith.index_cast %get3A_2612 : i32 to index
      %get3A_2614 = arith.constant 0 : index
      %get3A_2615 = tpu.vector_load %arg21[%get3A_2613, %get3A_2614] {strides = array<i32>} : memref<128x128xf32, #tpu.memory_space<vmem>>, vector<1x16xf32>,
      %get3A_2616 = vector.shape_cast %get3A_2615 : vector<1x16xf32> to vector<16xf32>
      %add3A_2617 = arith.addf %get3A_2611, %get3A_2616 : vector<16xf32>
      %get3A_2618 = arith.constant 83 : i32
      %get3A_2619 = arith.index_cast %get3A_2618 : i32 to index
      %get3A_2620 = arith.constant 0 : index
      %get3A_2621 = tpu.vector_load %arg22[%get3A_2619, %get3A_2620] {strides = array<i32>} : memref<128x128xf32, #tpu.memory_space<vmem>>, vector<1x16xf32>,
      %get3A_2622 = vector.shape_cast %get3A_2621 : vector<1x16xf32> to vector<16xf32>
      %get3A_2623 = arith.constant 83 : i32
      %get3A_2624 = arith.index_cast %get3A_2623 : i32 to index
      %get3A_2625 = arith.constant 0 : index
      %get3A_2626 = tpu.vector_load %arg23[%get3A_2624, %get3A_2625] {strides = array<i32>} : memref<128x128xf32, #tpu.memory_space<vmem>>, vector<1x16xf32>,
      %get3A_2627 = vector.shape_cast %get3A_2626 : vector<1x16xf32> to vector<16xf32>
      %add3A_2628 = arith.addf %get3A_2622, %get3A_2627 : vector<16xf32>
      %add3A_2629 = arith.addf %add3A_2617, %add3A_2628 : vector<16xf32>
      %swap3A_2630 = arith.constant 83 : i32
      %swap3A_2631 = arith.index_cast %swap3A_2630 : i32 to index
      %swap3A_2632 = arith.constant 0 : index
      %swap3A_2633 = tpu.vector_load %arg24[%swap3A_2631, %swap3A_2632] {strides = array<i32>} : memref<128x16xf32, #tpu.memory_space<vmem>>, vector<1x16xf32>,
      %swap3A_2634 = vector.shape_cast %swap3A_2633 : vector<1x16xf32> to vector<16xf32>
      %swap3A_2635 = vector.shape_cast %add3A_2629 : vector<16xf32> to vector<1x16xf32>
      tpu.vector_store %arg24[%swap3A_2631, %swap3A_2632], %swap3A_2635 {strides = array<i32>} : memref<128x16xf32, #tpu.memory_space<vmem>>, vector<1x16xf32>,
      %get3A_2636 = arith.constant 84 : i32
      %get3A_2637 = arith.index_cast %get3A_2636 : i32 to index
      %get3A_2638 = arith.constant 0 : index
      %get3A_2639 = tpu.vector_load %arg20[%get3A_2637, %get3A_2638] {strides = array<i32>} : memref<128x128xf32, #tpu.memory_space<vmem>>, vector<1x16xf32>,
      %get3A_2640 = vector.shape_cast %get3A_2639 : vector<1x16xf32> to vector<16xf32>
      %get3A_2641 = arith.constant 84 : i32
      %get3A_2642 = arith.index_cast %get3A_2641 : i32 to index
      %get3A_2643 = arith.constant 0 : index
      %get3A_2644 = tpu.vector_load %arg21[%get3A_2642, %get3A_2643] {strides = array<i32>} : memref<128x128xf32, #tpu.memory_space<vmem>>, vector<1x16xf32>,
      %get3A_2645 = vector.shape_cast %get3A_2644 : vector<1x16xf32> to vector<16xf32>
      %add3A_2646 = arith.addf %get3A_2640, %get3A_2645 : vector<16xf32>
      %get3A_2647 = arith.constant 84 : i32
      %get3A_2648 = arith.index_cast %get3A_2647 : i32 to index
      %get3A_2649 = arith.constant 0 : index
      %get3A_2650 = tpu.vector_load %arg22[%get3A_2648, %get3A_2649] {strides = array<i32>} : memref<128x128xf32, #tpu.memory_space<vmem>>, vector<1x16xf32>,
      %get3A_2651 = vector.shape_cast %get3A_2650 : vector<1x16xf32> to vector<16xf32>
      %get3A_2652 = arith.constant 84 : i32
      %get3A_2653 = arith.index_cast %get3A_2652 : i32 to index
      %get3A_2654 = arith.constant 0 : index
      %get3A_2655 = tpu.vector_load %arg23[%get3A_2653, %get3A_2654] {strides = array<i32>} : memref<128x128xf32, #tpu.memory_space<vmem>>, vector<1x16xf32>,
      %get3A_2656 = vector.shape_cast %get3A_2655 : vector<1x16xf32> to vector<16xf32>
      %add3A_2657 = arith.addf %get3A_2651, %get3A_2656 : vector<16xf32>
      %add3A_2658 = arith.addf %add3A_2646, %add3A_2657 : vector<16xf32>
      %swap3A_2659 = arith.constant 84 : i32
      %swap3A_2660 = arith.index_cast %swap3A_2659 : i32 to index
      %swap3A_2661 = arith.constant 0 : index
      %swap3A_2662 = tpu.vector_load %arg24[%swap3A_2660, %swap3A_2661] {strides = array<i32>} : memref<128x16xf32, #tpu.memory_space<vmem>>, vector<1x16xf32>,
      %swap3A_2663 = vector.shape_cast %swap3A_2662 : vector<1x16xf32> to vector<16xf32>
      %swap3A_2664 = vector.shape_cast %add3A_2658 : vector<16xf32> to vector<1x16xf32>
      tpu.vector_store %arg24[%swap3A_2660, %swap3A_2661], %swap3A_2664 {strides = array<i32>} : memref<128x16xf32, #tpu.memory_space<vmem>>, vector<1x16xf32>,
      %get3A_2665 = arith.constant 85 : i32
      %get3A_2666 = arith.index_cast %get3A_2665 : i32 to index
      %get3A_2667 = arith.constant 0 : index
      %get3A_2668 = tpu.vector_load %arg20[%get3A_2666, %get3A_2667] {strides = array<i32>} : memref<128x128xf32, #tpu.memory_space<vmem>>, vector<1x16xf32>,
      %get3A_2669 = vector.shape_cast %get3A_2668 : vector<1x16xf32> to vector<16xf32>
      %get3A_2670 = arith.constant 85 : i32
      %get3A_2671 = arith.index_cast %get3A_2670 : i32 to index
      %get3A_2672 = arith.constant 0 : index
      %get3A_2673 = tpu.vector_load %arg21[%get3A_2671, %get3A_2672] {strides = array<i32>} : memref<128x128xf32, #tpu.memory_space<vmem>>, vector<1x16xf32>,
      %get3A_2674 = vector.shape_cast %get3A_2673 : vector<1x16xf32> to vector<16xf32>
      %add3A_2675 = arith.addf %get3A_2669, %get3A_2674 : vector<16xf32>
      %get3A_2676 = arith.constant 85 : i32
      %get3A_2677 = arith.index_cast %get3A_2676 : i32 to index
      %get3A_2678 = arith.constant 0 : index
      %get3A_2679 = tpu.vector_load %arg22[%get3A_2677, %get3A_2678] {strides = array<i32>} : memref<128x128xf32, #tpu.memory_space<vmem>>, vector<1x16xf32>,
      %get3A_2680 = vector.shape_cast %get3A_2679 : vector<1x16xf32> to vector<16xf32>
      %get3A_2681 = arith.constant 85 : i32
      %get3A_2682 = arith.index_cast %get3A_2681 : i32 to index
      %get3A_2683 = arith.constant 0 : index
      %get3A_2684 = tpu.vector_load %arg23[%get3A_2682, %get3A_2683] {strides = array<i32>} : memref<128x128xf32, #tpu.memory_space<vmem>>, vector<1x16xf32>,
      %get3A_2685 = vector.shape_cast %get3A_2684 : vector<1x16xf32> to vector<16xf32>
      %add3A_2686 = arith.addf %get3A_2680, %get3A_2685 : vector<16xf32>
      %add3A_2687 = arith.addf %add3A_2675, %add3A_2686 : vector<16xf32>
      %swap3A_2688 = arith.constant 85 : i32
      %swap3A_2689 = arith.index_cast %swap3A_2688 : i32 to index
      %swap3A_2690 = arith.constant 0 : index
      %swap3A_2691 = tpu.vector_load %arg24[%swap3A_2689, %swap3A_2690] {strides = array<i32>} : memref<128x16xf32, #tpu.memory_space<vmem>>, vector<1x16xf32>,
      %swap3A_2692 = vector.shape_cast %swap3A_2691 : vector<1x16xf32> to vector<16xf32>
      %swap3A_2693 = vector.shape_cast %add3A_2687 : vector<16xf32> to vector<1x16xf32>
      tpu.vector_store %arg24[%swap3A_2689, %swap3A_2690], %swap3A_2693 {strides = array<i32>} : memref<128x16xf32, #tpu.memory_space<vmem>>, vector<1x16xf32>,
      %get3A_2694 = arith.constant 86 : i32
      %get3A_2695 = arith.index_cast %get3A_2694 : i32 to index
      %get3A_2696 = arith.constant 0 : index
      %get3A_2697 = tpu.vector_load %arg20[%get3A_2695, %get3A_2696] {strides = array<i32>} : memref<128x128xf32, #tpu.memory_space<vmem>>, vector<1x16xf32>,
      %get3A_2698 = vector.shape_cast %get3A_2697 : vector<1x16xf32> to vector<16xf32>
      %get3A_2699 = arith.constant 86 : i32
      %get3A_2700 = arith.index_cast %get3A_2699 : i32 to index
      %get3A_2701 = arith.constant 0 : index
      %get3A_2702 = tpu.vector_load %arg21[%get3A_2700, %get3A_2701] {strides = array<i32>} : memref<128x128xf32, #tpu.memory_space<vmem>>, vector<1x16xf32>,
      %get3A_2703 = vector.shape_cast %get3A_2702 : vector<1x16xf32> to vector<16xf32>
      %add3A_2704 = arith.addf %get3A_2698, %get3A_2703 : vector<16xf32>
      %get3A_2705 = arith.constant 86 : i32
      %get3A_2706 = arith.index_cast %get3A_2705 : i32 to index
      %get3A_2707 = arith.constant 0 : index
      %get3A_2708 = tpu.vector_load %arg22[%get3A_2706, %get3A_2707] {strides = array<i32>} : memref<128x128xf32, #tpu.memory_space<vmem>>, vector<1x16xf32>,
      %get3A_2709 = vector.shape_cast %get3A_2708 : vector<1x16xf32> to vector<16xf32>
      %get3A_2710 = arith.constant 86 : i32
      %get3A_2711 = arith.index_cast %get3A_2710 : i32 to index
      %get3A_2712 = arith.constant 0 : index
      %get3A_2713 = tpu.vector_load %arg23[%get3A_2711, %get3A_2712] {strides = array<i32>} : memref<128x128xf32, #tpu.memory_space<vmem>>, vector<1x16xf32>,
      %get3A_2714 = vector.shape_cast %get3A_2713 : vector<1x16xf32> to vector<16xf32>
      %add3A_2715 = arith.addf %get3A_2709, %get3A_2714 : vector<16xf32>
      %add3A_2716 = arith.addf %add3A_2704, %add3A_2715 : vector<16xf32>
      %swap3A_2717 = arith.constant 86 : i32
      %swap3A_2718 = arith.index_cast %swap3A_2717 : i32 to index
      %swap3A_2719 = arith.constant 0 : index
      %swap3A_2720 = tpu.vector_load %arg24[%swap3A_2718, %swap3A_2719] {strides = array<i32>} : memref<128x16xf32, #tpu.memory_space<vmem>>, vector<1x16xf32>,
      %swap3A_2721 = vector.shape_cast %swap3A_2720 : vector<1x16xf32> to vector<16xf32>
      %swap3A_2722 = vector.shape_cast %add3A_2716 : vector<16xf32> to vector<1x16xf32>
      tpu.vector_store %arg24[%swap3A_2718, %swap3A_2719], %swap3A_2722 {strides = array<i32>} : memref<128x16xf32, #tpu.memory_space<vmem>>, vector<1x16xf32>,
      %get3A_2723 = arith.constant 87 : i32
      %get3A_2724 = arith.index_cast %get3A_2723 : i32 to index
      %get3A_2725 = arith.constant 0 : index
      %get3A_2726 = tpu.vector_load %arg20[%get3A_2724, %get3A_2725] {strides = array<i32>} : memref<128x128xf32, #tpu.memory_space<vmem>>, vector<1x16xf32>,
      %get3A_2727 = vector.shape_cast %get3A_2726 : vector<1x16xf32> to vector<16xf32>
      %get3A_2728 = arith.constant 87 : i32
      %get3A_2729 = arith.index_cast %get3A_2728 : i32 to index
      %get3A_2730 = arith.constant 0 : index
      %get3A_2731 = tpu.vector_load %arg21[%get3A_2729, %get3A_2730] {strides = array<i32>} : memref<128x128xf32, #tpu.memory_space<vmem>>, vector<1x16xf32>,
      %get3A_2732 = vector.shape_cast %get3A_2731 : vector<1x16xf32> to vector<16xf32>
      %add3A_2733 = arith.addf %get3A_2727, %get3A_2732 : vector<16xf32>
      %get3A_2734 = arith.constant 87 : i32
      %get3A_2735 = arith.index_cast %get3A_2734 : i32 to index
      %get3A_2736 = arith.constant 0 : index
      %get3A_2737 = tpu.vector_load %arg22[%get3A_2735, %get3A_2736] {strides = array<i32>} : memref<128x128xf32, #tpu.memory_space<vmem>>, vector<1x16xf32>,
      %get3A_2738 = vector.shape_cast %get3A_2737 : vector<1x16xf32> to vector<16xf32>
      %get3A_2739 = arith.constant 87 : i32
      %get3A_2740 = arith.index_cast %get3A_2739 : i32 to index
      %get3A_2741 = arith.constant 0 : index
      %get3A_2742 = tpu.vector_load %arg23[%get3A_2740, %get3A_2741] {strides = array<i32>} : memref<128x128xf32, #tpu.memory_space<vmem>>, vector<1x16xf32>,
      %get3A_2743 = vector.shape_cast %get3A_2742 : vector<1x16xf32> to vector<16xf32>
      %add3A_2744 = arith.addf %get3A_2738, %get3A_2743 : vector<16xf32>
      %add3A_2745 = arith.addf %add3A_2733, %add3A_2744 : vector<16xf32>
      %swap3A_2746 = arith.constant 87 : i32
      %swap3A_2747 = arith.index_cast %swap3A_2746 : i32 to index
      %swap3A_2748 = arith.constant 0 : index
      %swap3A_2749 = tpu.vector_load %arg24[%swap3A_2747, %swap3A_2748] {strides = array<i32>} : memref<128x16xf32, #tpu.memory_space<vmem>>, vector<1x16xf32>,
      %swap3A_2750 = vector.shape_cast %swap3A_2749 : vector<1x16xf32> to vector<16xf32>
      %swap3A_2751 = vector.shape_cast %add3A_2745 : vector<16xf32> to vector<1x16xf32>
      tpu.vector_store %arg24[%swap3A_2747, %swap3A_2748], %swap3A_2751 {strides = array<i32>} : memref<128x16xf32, #tpu.memory_space<vmem>>, vector<1x16xf32>,
      %get3A_2752 = arith.constant 88 : i32
      %get3A_2753 = arith.index_cast %get3A_2752 : i32 to index
      %get3A_2754 = arith.constant 0 : index
      %get3A_2755 = tpu.vector_load %arg20[%get3A_2753, %get3A_2754] {strides = array<i32>} : memref<128x128xf32, #tpu.memory_space<vmem>>, vector<1x16xf32>,
      %get3A_2756 = vector.shape_cast %get3A_2755 : vector<1x16xf32> to vector<16xf32>
      %get3A_2757 = arith.constant 88 : i32
      %get3A_2758 = arith.index_cast %get3A_2757 : i32 to index
      %get3A_2759 = arith.constant 0 : index
      %get3A_2760 = tpu.vector_load %arg21[%get3A_2758, %get3A_2759] {strides = array<i32>} : memref<128x128xf32, #tpu.memory_space<vmem>>, vector<1x16xf32>,
      %get3A_2761 = vector.shape_cast %get3A_2760 : vector<1x16xf32> to vector<16xf32>
      %add3A_2762 = arith.addf %get3A_2756, %get3A_2761 : vector<16xf32>
      %get3A_2763 = arith.constant 88 : i32
      %get3A_2764 = arith.index_cast %get3A_2763 : i32 to index
      %get3A_2765 = arith.constant 0 : index
      %get3A_2766 = tpu.vector_load %arg22[%get3A_2764, %get3A_2765] {strides = array<i32>} : memref<128x128xf32, #tpu.memory_space<vmem>>, vector<1x16xf32>,
      %get3A_2767 = vector.shape_cast %get3A_2766 : vector<1x16xf32> to vector<16xf32>
      %get3A_2768 = arith.constant 88 : i32
      %get3A_2769 = arith.index_cast %get3A_2768 : i32 to index
      %get3A_2770 = arith.constant 0 : index
      %get3A_2771 = tpu.vector_load %arg23[%get3A_2769, %get3A_2770] {strides = array<i32>} : memref<128x128xf32, #tpu.memory_space<vmem>>, vector<1x16xf32>,
      %get3A_2772 = vector.shape_cast %get3A_2771 : vector<1x16xf32> to vector<16xf32>
      %add3A_2773 = arith.addf %get3A_2767, %get3A_2772 : vector<16xf32>
      %add3A_2774 = arith.addf %add3A_2762, %add3A_2773 : vector<16xf32>
      %swap3A_2775 = arith.constant 88 : i32
      %swap3A_2776 = arith.index_cast %swap3A_2775 : i32 to index
      %swap3A_2777 = arith.constant 0 : index
      %swap3A_2778 = tpu.vector_load %arg24[%swap3A_2776, %swap3A_2777] {strides = array<i32>} : memref<128x16xf32, #tpu.memory_space<vmem>>, vector<1x16xf32>,
      %swap3A_2779 = vector.shape_cast %swap3A_2778 : vector<1x16xf32> to vector<16xf32>
      %swap3A_2780 = vector.shape_cast %add3A_2774 : vector<16xf32> to vector<1x16xf32>
      tpu.vector_store %arg24[%swap3A_2776, %swap3A_2777], %swap3A_2780 {strides = array<i32>} : memref<128x16xf32, #tpu.memory_space<vmem>>, vector<1x16xf32>,
      %get3A_2781 = arith.constant 89 : i32
      %get3A_2782 = arith.index_cast %get3A_2781 : i32 to index
      %get3A_2783 = arith.constant 0 : index
      %get3A_2784 = tpu.vector_load %arg20[%get3A_2782, %get3A_2783] {strides = array<i32>} : memref<128x128xf32, #tpu.memory_space<vmem>>, vector<1x16xf32>,
      %get3A_2785 = vector.shape_cast %get3A_2784 : vector<1x16xf32> to vector<16xf32>
      %get3A_2786 = arith.constant 89 : i32
      %get3A_2787 = arith.index_cast %get3A_2786 : i32 to index
      %get3A_2788 = arith.constant 0 : index
      %get3A_2789 = tpu.vector_load %arg21[%get3A_2787, %get3A_2788] {strides = array<i32>} : memref<128x128xf32, #tpu.memory_space<vmem>>, vector<1x16xf32>,
      %get3A_2790 = vector.shape_cast %get3A_2789 : vector<1x16xf32> to vector<16xf32>
      %add3A_2791 = arith.addf %get3A_2785, %get3A_2790 : vector<16xf32>
      %get3A_2792 = arith.constant 89 : i32
      %get3A_2793 = arith.index_cast %get3A_2792 : i32 to index
      %get3A_2794 = arith.constant 0 : index
      %get3A_2795 = tpu.vector_load %arg22[%get3A_2793, %get3A_2794] {strides = array<i32>} : memref<128x128xf32, #tpu.memory_space<vmem>>, vector<1x16xf32>,
      %get3A_2796 = vector.shape_cast %get3A_2795 : vector<1x16xf32> to vector<16xf32>
      %get3A_2797 = arith.constant 89 : i32
      %get3A_2798 = arith.index_cast %get3A_2797 : i32 to index
      %get3A_2799 = arith.constant 0 : index
      %get3A_2800 = tpu.vector_load %arg23[%get3A_2798, %get3A_2799] {strides = array<i32>} : memref<128x128xf32, #tpu.memory_space<vmem>>, vector<1x16xf32>,
      %get3A_2801 = vector.shape_cast %get3A_2800 : vector<1x16xf32> to vector<16xf32>
      %add3A_2802 = arith.addf %get3A_2796, %get3A_2801 : vector<16xf32>
      %add3A_2803 = arith.addf %add3A_2791, %add3A_2802 : vector<16xf32>
      %swap3A_2804 = arith.constant 89 : i32
      %swap3A_2805 = arith.index_cast %swap3A_2804 : i32 to index
      %swap3A_2806 = arith.constant 0 : index
      %swap3A_2807 = tpu.vector_load %arg24[%swap3A_2805, %swap3A_2806] {strides = array<i32>} : memref<128x16xf32, #tpu.memory_space<vmem>>, vector<1x16xf32>,
      %swap3A_2808 = vector.shape_cast %swap3A_2807 : vector<1x16xf32> to vector<16xf32>
      %swap3A_2809 = vector.shape_cast %add3A_2803 : vector<16xf32> to vector<1x16xf32>
      tpu.vector_store %arg24[%swap3A_2805, %swap3A_2806], %swap3A_2809 {strides = array<i32>} : memref<128x16xf32, #tpu.memory_space<vmem>>, vector<1x16xf32>,
      %get3A_2810 = arith.constant 90 : i32
      %get3A_2811 = arith.index_cast %get3A_2810 : i32 to index
      %get3A_2812 = arith.constant 0 : index
      %get3A_2813 = tpu.vector_load %arg20[%get3A_2811, %get3A_2812] {strides = array<i32>} : memref<128x128xf32, #tpu.memory_space<vmem>>, vector<1x16xf32>,
      %get3A_2814 = vector.shape_cast %get3A_2813 : vector<1x16xf32> to vector<16xf32>
      %get3A_2815 = arith.constant 90 : i32
      %get3A_2816 = arith.index_cast %get3A_2815 : i32 to index
      %get3A_2817 = arith.constant 0 : index
      %get3A_2818 = tpu.vector_load %arg21[%get3A_2816, %get3A_2817] {strides = array<i32>} : memref<128x128xf32, #tpu.memory_space<vmem>>, vector<1x16xf32>,
      %get3A_2819 = vector.shape_cast %get3A_2818 : vector<1x16xf32> to vector<16xf32>
      %add3A_2820 = arith.addf %get3A_2814, %get3A_2819 : vector<16xf32>
      %get3A_2821 = arith.constant 90 : i32
      %get3A_2822 = arith.index_cast %get3A_2821 : i32 to index
      %get3A_2823 = arith.constant 0 : index
      %get3A_2824 = tpu.vector_load %arg22[%get3A_2822, %get3A_2823] {strides = array<i32>} : memref<128x128xf32, #tpu.memory_space<vmem>>, vector<1x16xf32>,
      %get3A_2825 = vector.shape_cast %get3A_2824 : vector<1x16xf32> to vector<16xf32>
      %get3A_2826 = arith.constant 90 : i32
      %get3A_2827 = arith.index_cast %get3A_2826 : i32 to index
      %get3A_2828 = arith.constant 0 : index
      %get3A_2829 = tpu.vector_load %arg23[%get3A_2827, %get3A_2828] {strides = array<i32>} : memref<128x128xf32, #tpu.memory_space<vmem>>, vector<1x16xf32>,
      %get3A_2830 = vector.shape_cast %get3A_2829 : vector<1x16xf32> to vector<16xf32>
      %add3A_2831 = arith.addf %get3A_2825, %get3A_2830 : vector<16xf32>
      %add3A_2832 = arith.addf %add3A_2820, %add3A_2831 : vector<16xf32>
      %swap3A_2833 = arith.constant 90 : i32
      %swap3A_2834 = arith.index_cast %swap3A_2833 : i32 to index
      %swap3A_2835 = arith.constant 0 : index
      %swap3A_2836 = tpu.vector_load %arg24[%swap3A_2834, %swap3A_2835] {strides = array<i32>} : memref<128x16xf32, #tpu.memory_space<vmem>>, vector<1x16xf32>,
      %swap3A_2837 = vector.shape_cast %swap3A_2836 : vector<1x16xf32> to vector<16xf32>
      %swap3A_2838 = vector.shape_cast %add3A_2832 : vector<16xf32> to vector<1x16xf32>
      tpu.vector_store %arg24[%swap3A_2834, %swap3A_2835], %swap3A_2838 {strides = array<i32>} : memref<128x16xf32, #tpu.memory_space<vmem>>, vector<1x16xf32>,
      %get3A_2839 = arith.constant 91 : i32
      %get3A_2840 = arith.index_cast %get3A_2839 : i32 to index
      %get3A_2841 = arith.constant 0 : index
      %get3A_2842 = tpu.vector_load %arg20[%get3A_2840, %get3A_2841] {strides = array<i32>} : memref<128x128xf32, #tpu.memory_space<vmem>>, vector<1x16xf32>,
      %get3A_2843 = vector.shape_cast %get3A_2842 : vector<1x16xf32> to vector<16xf32>
      %get3A_2844 = arith.constant 91 : i32
      %get3A_2845 = arith.index_cast %get3A_2844 : i32 to index
      %get3A_2846 = arith.constant 0 : index
      %get3A_2847 = tpu.vector_load %arg21[%get3A_2845, %get3A_2846] {strides = array<i32>} : memref<128x128xf32, #tpu.memory_space<vmem>>, vector<1x16xf32>,
      %get3A_2848 = vector.shape_cast %get3A_2847 : vector<1x16xf32> to vector<16xf32>
      %add3A_2849 = arith.addf %get3A_2843, %get3A_2848 : vector<16xf32>
      %get3A_2850 = arith.constant 91 : i32
      %get3A_2851 = arith.index_cast %get3A_2850 : i32 to index
      %get3A_2852 = arith.constant 0 : index
      %get3A_2853 = tpu.vector_load %arg22[%get3A_2851, %get3A_2852] {strides = array<i32>} : memref<128x128xf32, #tpu.memory_space<vmem>>, vector<1x16xf32>,
      %get3A_2854 = vector.shape_cast %get3A_2853 : vector<1x16xf32> to vector<16xf32>
      %get3A_2855 = arith.constant 91 : i32
      %get3A_2856 = arith.index_cast %get3A_2855 : i32 to index
      %get3A_2857 = arith.constant 0 : index
      %get3A_2858 = tpu.vector_load %arg23[%get3A_2856, %get3A_2857] {strides = array<i32>} : memref<128x128xf32, #tpu.memory_space<vmem>>, vector<1x16xf32>,
      %get3A_2859 = vector.shape_cast %get3A_2858 : vector<1x16xf32> to vector<16xf32>
      %add3A_2860 = arith.addf %get3A_2854, %get3A_2859 : vector<16xf32>
      %add3A_2861 = arith.addf %add3A_2849, %add3A_2860 : vector<16xf32>
      %swap3A_2862 = arith.constant 91 : i32
      %swap3A_2863 = arith.index_cast %swap3A_2862 : i32 to index
      %swap3A_2864 = arith.constant 0 : index
      %swap3A_2865 = tpu.vector_load %arg24[%swap3A_2863, %swap3A_2864] {strides = array<i32>} : memref<128x16xf32, #tpu.memory_space<vmem>>, vector<1x16xf32>,
      %swap3A_2866 = vector.shape_cast %swap3A_2865 : vector<1x16xf32> to vector<16xf32>
      %swap3A_2867 = vector.shape_cast %add3A_2861 : vector<16xf32> to vector<1x16xf32>
      tpu.vector_store %arg24[%swap3A_2863, %swap3A_2864], %swap3A_2867 {strides = array<i32>} : memref<128x16xf32, #tpu.memory_space<vmem>>, vector<1x16xf32>,
      %get3A_2868 = arith.constant 92 : i32
      %get3A_2869 = arith.index_cast %get3A_2868 : i32 to index
      %get3A_2870 = arith.constant 0 : index
      %get3A_2871 = tpu.vector_load %arg20[%get3A_2869, %get3A_2870] {strides = array<i32>} : memref<128x128xf32, #tpu.memory_space<vmem>>, vector<1x16xf32>,
      %get3A_2872 = vector.shape_cast %get3A_2871 : vector<1x16xf32> to vector<16xf32>
      %get3A_2873 = arith.constant 92 : i32
      %get3A_2874 = arith.index_cast %get3A_2873 : i32 to index
      %get3A_2875 = arith.constant 0 : index
      %get3A_2876 = tpu.vector_load %arg21[%get3A_2874, %get3A_2875] {strides = array<i32>} : memref<128x128xf32, #tpu.memory_space<vmem>>, vector<1x16xf32>,
      %get3A_2877 = vector.shape_cast %get3A_2876 : vector<1x16xf32> to vector<16xf32>
      %add3A_2878 = arith.addf %get3A_2872, %get3A_2877 : vector<16xf32>
      %get3A_2879 = arith.constant 92 : i32
      %get3A_2880 = arith.index_cast %get3A_2879 : i32 to index
      %get3A_2881 = arith.constant 0 : index
      %get3A_2882 = tpu.vector_load %arg22[%get3A_2880, %get3A_2881] {strides = array<i32>} : memref<128x128xf32, #tpu.memory_space<vmem>>, vector<1x16xf32>,
      %get3A_2883 = vector.shape_cast %get3A_2882 : vector<1x16xf32> to vector<16xf32>
      %get3A_2884 = arith.constant 92 : i32
      %get3A_2885 = arith.index_cast %get3A_2884 : i32 to index
      %get3A_2886 = arith.constant 0 : index
      %get3A_2887 = tpu.vector_load %arg23[%get3A_2885, %get3A_2886] {strides = array<i32>} : memref<128x128xf32, #tpu.memory_space<vmem>>, vector<1x16xf32>,
      %get3A_2888 = vector.shape_cast %get3A_2887 : vector<1x16xf32> to vector<16xf32>
      %add3A_2889 = arith.addf %get3A_2883, %get3A_2888 : vector<16xf32>
      %add3A_2890 = arith.addf %add3A_2878, %add3A_2889 : vector<16xf32>
      %swap3A_2891 = arith.constant 92 : i32
      %swap3A_2892 = arith.index_cast %swap3A_2891 : i32 to index
      %swap3A_2893 = arith.constant 0 : index
      %swap3A_2894 = tpu.vector_load %arg24[%swap3A_2892, %swap3A_2893] {strides = array<i32>} : memref<128x16xf32, #tpu.memory_space<vmem>>, vector<1x16xf32>,
      %swap3A_2895 = vector.shape_cast %swap3A_2894 : vector<1x16xf32> to vector<16xf32>
      %swap3A_2896 = vector.shape_cast %add3A_2890 : vector<16xf32> to vector<1x16xf32>
      tpu.vector_store %arg24[%swap3A_2892, %swap3A_2893], %swap3A_2896 {strides = array<i32>} : memref<128x16xf32, #tpu.memory_space<vmem>>, vector<1x16xf32>,
      %get3A_2897 = arith.constant 93 : i32
      %get3A_2898 = arith.index_cast %get3A_2897 : i32 to index
      %get3A_2899 = arith.constant 0 : index
      %get3A_2900 = tpu.vector_load %arg20[%get3A_2898, %get3A_2899] {strides = array<i32>} : memref<128x128xf32, #tpu.memory_space<vmem>>, vector<1x16xf32>,
      %get3A_2901 = vector.shape_cast %get3A_2900 : vector<1x16xf32> to vector<16xf32>
      %get3A_2902 = arith.constant 93 : i32
      %get3A_2903 = arith.index_cast %get3A_2902 : i32 to index
      %get3A_2904 = arith.constant 0 : index
      %get3A_2905 = tpu.vector_load %arg21[%get3A_2903, %get3A_2904] {strides = array<i32>} : memref<128x128xf32, #tpu.memory_space<vmem>>, vector<1x16xf32>,
      %get3A_2906 = vector.shape_cast %get3A_2905 : vector<1x16xf32> to vector<16xf32>
      %add3A_2907 = arith.addf %get3A_2901, %get3A_2906 : vector<16xf32>
      %get3A_2908 = arith.constant 93 : i32
      %get3A_2909 = arith.index_cast %get3A_2908 : i32 to index
      %get3A_2910 = arith.constant 0 : index
      %get3A_2911 = tpu.vector_load %arg22[%get3A_2909, %get3A_2910] {strides = array<i32>} : memref<128x128xf32, #tpu.memory_space<vmem>>, vector<1x16xf32>,
      %get3A_2912 = vector.shape_cast %get3A_2911 : vector<1x16xf32> to vector<16xf32>
      %get3A_2913 = arith.constant 93 : i32
      %get3A_2914 = arith.index_cast %get3A_2913 : i32 to index
      %get3A_2915 = arith.constant 0 : index
      %get3A_2916 = tpu.vector_load %arg23[%get3A_2914, %get3A_2915] {strides = array<i32>} : memref<128x128xf32, #tpu.memory_space<vmem>>, vector<1x16xf32>,
      %get3A_2917 = vector.shape_cast %get3A_2916 : vector<1x16xf32> to vector<16xf32>
      %add3A_2918 = arith.addf %get3A_2912, %get3A_2917 : vector<16xf32>
      %add3A_2919 = arith.addf %add3A_2907, %add3A_2918 : vector<16xf32>
      %swap3A_2920 = arith.constant 93 : i32
      %swap3A_2921 = arith.index_cast %swap3A_2920 : i32 to index
      %swap3A_2922 = arith.constant 0 : index
      %swap3A_2923 = tpu.vector_load %arg24[%swap3A_2921, %swap3A_2922] {strides = array<i32>} : memref<128x16xf32, #tpu.memory_space<vmem>>, vector<1x16xf32>,
      %swap3A_2924 = vector.shape_cast %swap3A_2923 : vector<1x16xf32> to vector<16xf32>
      %swap3A_2925 = vector.shape_cast %add3A_2919 : vector<16xf32> to vector<1x16xf32>
      tpu.vector_store %arg24[%swap3A_2921, %swap3A_2922], %swap3A_2925 {strides = array<i32>} : memref<128x16xf32, #tpu.memory_space<vmem>>, vector<1x16xf32>,
      %get3A_2926 = arith.constant 94 : i32
      %get3A_2927 = arith.index_cast %get3A_2926 : i32 to index
      %get3A_2928 = arith.constant 0 : index
      %get3A_2929 = tpu.vector_load %arg20[%get3A_2927, %get3A_2928] {strides = array<i32>} : memref<128x128xf32, #tpu.memory_space<vmem>>, vector<1x16xf32>,
      %get3A_2930 = vector.shape_cast %get3A_2929 : vector<1x16xf32> to vector<16xf32>
      %get3A_2931 = arith.constant 94 : i32
      %get3A_2932 = arith.index_cast %get3A_2931 : i32 to index
      %get3A_2933 = arith.constant 0 : index
      %get3A_2934 = tpu.vector_load %arg21[%get3A_2932, %get3A_2933] {strides = array<i32>} : memref<128x128xf32, #tpu.memory_space<vmem>>, vector<1x16xf32>,
      %get3A_2935 = vector.shape_cast %get3A_2934 : vector<1x16xf32> to vector<16xf32>
      %add3A_2936 = arith.addf %get3A_2930, %get3A_2935 : vector<16xf32>
      %get3A_2937 = arith.constant 94 : i32
      %get3A_2938 = arith.index_cast %get3A_2937 : i32 to index
      %get3A_2939 = arith.constant 0 : index
      %get3A_2940 = tpu.vector_load %arg22[%get3A_2938, %get3A_2939] {strides = array<i32>} : memref<128x128xf32, #tpu.memory_space<vmem>>, vector<1x16xf32>,
      %get3A_2941 = vector.shape_cast %get3A_2940 : vector<1x16xf32> to vector<16xf32>
      %get3A_2942 = arith.constant 94 : i32
      %get3A_2943 = arith.index_cast %get3A_2942 : i32 to index
      %get3A_2944 = arith.constant 0 : index
      %get3A_2945 = tpu.vector_load %arg23[%get3A_2943, %get3A_2944] {strides = array<i32>} : memref<128x128xf32, #tpu.memory_space<vmem>>, vector<1x16xf32>,
      %get3A_2946 = vector.shape_cast %get3A_2945 : vector<1x16xf32> to vector<16xf32>
      %add3A_2947 = arith.addf %get3A_2941, %get3A_2946 : vector<16xf32>
      %add3A_2948 = arith.addf %add3A_2936, %add3A_2947 : vector<16xf32>
      %swap3A_2949 = arith.constant 94 : i32
      %swap3A_2950 = arith.index_cast %swap3A_2949 : i32 to index
      %swap3A_2951 = arith.constant 0 : index
      %swap3A_2952 = tpu.vector_load %arg24[%swap3A_2950, %swap3A_2951] {strides = array<i32>} : memref<128x16xf32, #tpu.memory_space<vmem>>, vector<1x16xf32>,
      %swap3A_2953 = vector.shape_cast %swap3A_2952 : vector<1x16xf32> to vector<16xf32>
      %swap3A_2954 = vector.shape_cast %add3A_2948 : vector<16xf32> to vector<1x16xf32>
      tpu.vector_store %arg24[%swap3A_2950, %swap3A_2951], %swap3A_2954 {strides = array<i32>} : memref<128x16xf32, #tpu.memory_space<vmem>>, vector<1x16xf32>,
      %get3A_2955 = arith.constant 95 : i32
      %get3A_2956 = arith.index_cast %get3A_2955 : i32 to index
      %get3A_2957 = arith.constant 0 : index
      %get3A_2958 = tpu.vector_load %arg20[%get3A_2956, %get3A_2957] {strides = array<i32>} : memref<128x128xf32, #tpu.memory_space<vmem>>, vector<1x16xf32>,
      %get3A_2959 = vector.shape_cast %get3A_2958 : vector<1x16xf32> to vector<16xf32>
      %get3A_2960 = arith.constant 95 : i32
      %get3A_2961 = arith.index_cast %get3A_2960 : i32 to index
      %get3A_2962 = arith.constant 0 : index
      %get3A_2963 = tpu.vector_load %arg21[%get3A_2961, %get3A_2962] {strides = array<i32>} : memref<128x128xf32, #tpu.memory_space<vmem>>, vector<1x16xf32>,
      %get3A_2964 = vector.shape_cast %get3A_2963 : vector<1x16xf32> to vector<16xf32>
      %add3A_2965 = arith.addf %get3A_2959, %get3A_2964 : vector<16xf32>
      %get3A_2966 = arith.constant 95 : i32
      %get3A_2967 = arith.index_cast %get3A_2966 : i32 to index
      %get3A_2968 = arith.constant 0 : index
      %get3A_2969 = tpu.vector_load %arg22[%get3A_2967, %get3A_2968] {strides = array<i32>} : memref<128x128xf32, #tpu.memory_space<vmem>>, vector<1x16xf32>,
      %get3A_2970 = vector.shape_cast %get3A_2969 : vector<1x16xf32> to vector<16xf32>
      %get3A_2971 = arith.constant 95 : i32
      %get3A_2972 = arith.index_cast %get3A_2971 : i32 to index
      %get3A_2973 = arith.constant 0 : index
      %get3A_2974 = tpu.vector_load %arg23[%get3A_2972, %get3A_2973] {strides = array<i32>} : memref<128x128xf32, #tpu.memory_space<vmem>>, vector<1x16xf32>,
      %get3A_2975 = vector.shape_cast %get3A_2974 : vector<1x16xf32> to vector<16xf32>
      %add3A_2976 = arith.addf %get3A_2970, %get3A_2975 : vector<16xf32>
      %add3A_2977 = arith.addf %add3A_2965, %add3A_2976 : vector<16xf32>
      %swap3A_2978 = arith.constant 95 : i32
      %swap3A_2979 = arith.index_cast %swap3A_2978 : i32 to index
      %swap3A_2980 = arith.constant 0 : index
      %swap3A_2981 = tpu.vector_load %arg24[%swap3A_2979, %swap3A_2980] {strides = array<i32>} : memref<128x16xf32, #tpu.memory_space<vmem>>, vector<1x16xf32>,
      %swap3A_2982 = vector.shape_cast %swap3A_2981 : vector<1x16xf32> to vector<16xf32>
      %swap3A_2983 = vector.shape_cast %add3A_2977 : vector<16xf32> to vector<1x16xf32>
      tpu.vector_store %arg24[%swap3A_2979, %swap3A_2980], %swap3A_2983 {strides = array<i32>} : memref<128x16xf32, #tpu.memory_space<vmem>>, vector<1x16xf32>,
      %get3A_2984 = arith.constant 96 : i32
      %get3A_2985 = arith.index_cast %get3A_2984 : i32 to index
      %get3A_2986 = arith.constant 0 : index
      %get3A_2987 = tpu.vector_load %arg20[%get3A_2985, %get3A_2986] {strides = array<i32>} : memref<128x128xf32, #tpu.memory_space<vmem>>, vector<1x16xf32>,
      %get3A_2988 = vector.shape_cast %get3A_2987 : vector<1x16xf32> to vector<16xf32>
      %get3A_2989 = arith.constant 96 : i32
      %get3A_2990 = arith.index_cast %get3A_2989 : i32 to index
      %get3A_2991 = arith.constant 0 : index
      %get3A_2992 = tpu.vector_load %arg21[%get3A_2990, %get3A_2991] {strides = array<i32>} : memref<128x128xf32, #tpu.memory_space<vmem>>, vector<1x16xf32>,
      %get3A_2993 = vector.shape_cast %get3A_2992 : vector<1x16xf32> to vector<16xf32>
      %add3A_2994 = arith.addf %get3A_2988, %get3A_2993 : vector<16xf32>
      %get3A_2995 = arith.constant 96 : i32
      %get3A_2996 = arith.index_cast %get3A_2995 : i32 to index
      %get3A_2997 = arith.constant 0 : index
      %get3A_2998 = tpu.vector_load %arg22[%get3A_2996, %get3A_2997] {strides = array<i32>} : memref<128x128xf32, #tpu.memory_space<vmem>>, vector<1x16xf32>,
      %get3A_2999 = vector.shape_cast %get3A_2998 : vector<1x16xf32> to vector<16xf32>
      %get3A_3000 = arith.constant 96 : i32
      %get3A_3001 = arith.index_cast %get3A_3000 : i32 to index
      %get3A_3002 = arith.constant 0 : index
      %get3A_3003 = tpu.vector_load %arg23[%get3A_3001, %get3A_3002] {strides = array<i32>} : memref<128x128xf32, #tpu.memory_space<vmem>>, vector<1x16xf32>,
      %get3A_3004 = vector.shape_cast %get3A_3003 : vector<1x16xf32> to vector<16xf32>
      %add3A_3005 = arith.addf %get3A_2999, %get3A_3004 : vector<16xf32>
      %add3A_3006 = arith.addf %add3A_2994, %add3A_3005 : vector<16xf32>
      %swap3A_3007 = arith.constant 96 : i32
      %swap3A_3008 = arith.index_cast %swap3A_3007 : i32 to index
      %swap3A_3009 = arith.constant 0 : index
      %swap3A_3010 = tpu.vector_load %arg24[%swap3A_3008, %swap3A_3009] {strides = array<i32>} : memref<128x16xf32, #tpu.memory_space<vmem>>, vector<1x16xf32>,
      %swap3A_3011 = vector.shape_cast %swap3A_3010 : vector<1x16xf32> to vector<16xf32>
      %swap3A_3012 = vector.shape_cast %add3A_3006 : vector<16xf32> to vector<1x16xf32>
      tpu.vector_store %arg24[%swap3A_3008, %swap3A_3009], %swap3A_3012 {strides = array<i32>} : memref<128x16xf32, #tpu.memory_space<vmem>>, vector<1x16xf32>,
      %get3A_3013 = arith.constant 97 : i32
      %get3A_3014 = arith.index_cast %get3A_3013 : i32 to index
      %get3A_3015 = arith.constant 0 : index
      %get3A_3016 = tpu.vector_load %arg20[%get3A_3014, %get3A_3015] {strides = array<i32>} : memref<128x128xf32, #tpu.memory_space<vmem>>, vector<1x16xf32>,
      %get3A_3017 = vector.shape_cast %get3A_3016 : vector<1x16xf32> to vector<16xf32>
      %get3A_3018 = arith.constant 97 : i32
      %get3A_3019 = arith.index_cast %get3A_3018 : i32 to index
      %get3A_3020 = arith.constant 0 : index
      %get3A_3021 = tpu.vector_load %arg21[%get3A_3019, %get3A_3020] {strides = array<i32>} : memref<128x128xf32, #tpu.memory_space<vmem>>, vector<1x16xf32>,
      %get3A_3022 = vector.shape_cast %get3A_3021 : vector<1x16xf32> to vector<16xf32>
      %add3A_3023 = arith.addf %get3A_3017, %get3A_3022 : vector<16xf32>
      %get3A_3024 = arith.constant 97 : i32
      %get3A_3025 = arith.index_cast %get3A_3024 : i32 to index
      %get3A_3026 = arith.constant 0 : index
      %get3A_3027 = tpu.vector_load %arg22[%get3A_3025, %get3A_3026] {strides = array<i32>} : memref<128x128xf32, #tpu.memory_space<vmem>>, vector<1x16xf32>,
      %get3A_3028 = vector.shape_cast %get3A_3027 : vector<1x16xf32> to vector<16xf32>
      %get3A_3029 = arith.constant 97 : i32
      %get3A_3030 = arith.index_cast %get3A_3029 : i32 to index
      %get3A_3031 = arith.constant 0 : index
      %get3A_3032 = tpu.vector_load %arg23[%get3A_3030, %get3A_3031] {strides = array<i32>} : memref<128x128xf32, #tpu.memory_space<vmem>>, vector<1x16xf32>,
      %get3A_3033 = vector.shape_cast %get3A_3032 : vector<1x16xf32> to vector<16xf32>
      %add3A_3034 = arith.addf %get3A_3028, %get3A_3033 : vector<16xf32>
      %add3A_3035 = arith.addf %add3A_3023, %add3A_3034 : vector<16xf32>
      %swap3A_3036 = arith.constant 97 : i32
      %swap3A_3037 = arith.index_cast %swap3A_3036 : i32 to index
      %swap3A_3038 = arith.constant 0 : index
      %swap3A_3039 = tpu.vector_load %arg24[%swap3A_3037, %swap3A_3038] {strides = array<i32>} : memref<128x16xf32, #tpu.memory_space<vmem>>, vector<1x16xf32>,
      %swap3A_3040 = vector.shape_cast %swap3A_3039 : vector<1x16xf32> to vector<16xf32>
      %swap3A_3041 = vector.shape_cast %add3A_3035 : vector<16xf32> to vector<1x16xf32>
      tpu.vector_store %arg24[%swap3A_3037, %swap3A_3038], %swap3A_3041 {strides = array<i32>} : memref<128x16xf32, #tpu.memory_space<vmem>>, vector<1x16xf32>,
      %get3A_3042 = arith.constant 98 : i32
      %get3A_3043 = arith.index_cast %get3A_3042 : i32 to index
      %get3A_3044 = arith.constant 0 : index
      %get3A_3045 = tpu.vector_load %arg20[%get3A_3043, %get3A_3044] {strides = array<i32>} : memref<128x128xf32, #tpu.memory_space<vmem>>, vector<1x16xf32>,
      %get3A_3046 = vector.shape_cast %get3A_3045 : vector<1x16xf32> to vector<16xf32>
      %get3A_3047 = arith.constant 98 : i32
      %get3A_3048 = arith.index_cast %get3A_3047 : i32 to index
      %get3A_3049 = arith.constant 0 : index
      %get3A_3050 = tpu.vector_load %arg21[%get3A_3048, %get3A_3049] {strides = array<i32>} : memref<128x128xf32, #tpu.memory_space<vmem>>, vector<1x16xf32>,
      %get3A_3051 = vector.shape_cast %get3A_3050 : vector<1x16xf32> to vector<16xf32>
      %add3A_3052 = arith.addf %get3A_3046, %get3A_3051 : vector<16xf32>
      %get3A_3053 = arith.constant 98 : i32
      %get3A_3054 = arith.index_cast %get3A_3053 : i32 to index
      %get3A_3055 = arith.constant 0 : index
      %get3A_3056 = tpu.vector_load %arg22[%get3A_3054, %get3A_3055] {strides = array<i32>} : memref<128x128xf32, #tpu.memory_space<vmem>>, vector<1x16xf32>,
      %get3A_3057 = vector.shape_cast %get3A_3056 : vector<1x16xf32> to vector<16xf32>
      %get3A_3058 = arith.constant 98 : i32
      %get3A_3059 = arith.index_cast %get3A_3058 : i32 to index
      %get3A_3060 = arith.constant 0 : index
      %get3A_3061 = tpu.vector_load %arg23[%get3A_3059, %get3A_3060] {strides = array<i32>} : memref<128x128xf32, #tpu.memory_space<vmem>>, vector<1x16xf32>,
      %get3A_3062 = vector.shape_cast %get3A_3061 : vector<1x16xf32> to vector<16xf32>
      %add3A_3063 = arith.addf %get3A_3057, %get3A_3062 : vector<16xf32>
      %add3A_3064 = arith.addf %add3A_3052, %add3A_3063 : vector<16xf32>
      %swap3A_3065 = arith.constant 98 : i32
      %swap3A_3066 = arith.index_cast %swap3A_3065 : i32 to index
      %swap3A_3067 = arith.constant 0 : index
      %swap3A_3068 = tpu.vector_load %arg24[%swap3A_3066, %swap3A_3067] {strides = array<i32>} : memref<128x16xf32, #tpu.memory_space<vmem>>, vector<1x16xf32>,
      %swap3A_3069 = vector.shape_cast %swap3A_3068 : vector<1x16xf32> to vector<16xf32>
      %swap3A_3070 = vector.shape_cast %add3A_3064 : vector<16xf32> to vector<1x16xf32>
      tpu.vector_store %arg24[%swap3A_3066, %swap3A_3067], %swap3A_3070 {strides = array<i32>} : memref<128x16xf32, #tpu.memory_space<vmem>>, vector<1x16xf32>,
      %get3A_3071 = arith.constant 99 : i32
      %get3A_3072 = arith.index_cast %get3A_3071 : i32 to index
      %get3A_3073 = arith.constant 0 : index
      %get3A_3074 = tpu.vector_load %arg20[%get3A_3072, %get3A_3073] {strides = array<i32>} : memref<128x128xf32, #tpu.memory_space<vmem>>, vector<1x16xf32>,
      %get3A_3075 = vector.shape_cast %get3A_3074 : vector<1x16xf32> to vector<16xf32>
      %get3A_3076 = arith.constant 99 : i32
      %get3A_3077 = arith.index_cast %get3A_3076 : i32 to index
      %get3A_3078 = arith.constant 0 : index
      %get3A_3079 = tpu.vector_load %arg21[%get3A_3077, %get3A_3078] {strides = array<i32>} : memref<128x128xf32, #tpu.memory_space<vmem>>, vector<1x16xf32>,
      %get3A_3080 = vector.shape_cast %get3A_3079 : vector<1x16xf32> to vector<16xf32>
      %add3A_3081 = arith.addf %get3A_3075, %get3A_3080 : vector<16xf32>
      %get3A_3082 = arith.constant 99 : i32
      %get3A_3083 = arith.index_cast %get3A_3082 : i32 to index
      %get3A_3084 = arith.constant 0 : index
      %get3A_3085 = tpu.vector_load %arg22[%get3A_3083, %get3A_3084] {strides = array<i32>} : memref<128x128xf32, #tpu.memory_space<vmem>>, vector<1x16xf32>,
      %get3A_3086 = vector.shape_cast %get3A_3085 : vector<1x16xf32> to vector<16xf32>
      %get3A_3087 = arith.constant 99 : i32
      %get3A_3088 = arith.index_cast %get3A_3087 : i32 to index
      %get3A_3089 = arith.constant 0 : index
      %get3A_3090 = tpu.vector_load %arg23[%get3A_3088, %get3A_3089] {strides = array<i32>} : memref<128x128xf32, #tpu.memory_space<vmem>>, vector<1x16xf32>,
      %get3A_3091 = vector.shape_cast %get3A_3090 : vector<1x16xf32> to vector<16xf32>
      %add3A_3092 = arith.addf %get3A_3086, %get3A_3091 : vector<16xf32>
      %add3A_3093 = arith.addf %add3A_3081, %add3A_3092 : vector<16xf32>
      %swap3A_3094 = arith.constant 99 : i32
      %swap3A_3095 = arith.index_cast %swap3A_3094 : i32 to index
      %swap3A_3096 = arith.constant 0 : index
      %swap3A_3097 = tpu.vector_load %arg24[%swap3A_3095, %swap3A_3096] {strides = array<i32>} : memref<128x16xf32, #tpu.memory_space<vmem>>, vector<1x16xf32>,
      %swap3A_3098 = vector.shape_cast %swap3A_3097 : vector<1x16xf32> to vector<16xf32>
      %swap3A_3099 = vector.shape_cast %add3A_3093 : vector<16xf32> to vector<1x16xf32>
      tpu.vector_store %arg24[%swap3A_3095, %swap3A_3096], %swap3A_3099 {strides = array<i32>} : memref<128x16xf32, #tpu.memory_space<vmem>>, vector<1x16xf32>,
      %get3A_3100 = arith.constant 100 : i32
      %get3A_3101 = arith.index_cast %get3A_3100 : i32 to index
      %get3A_3102 = arith.constant 0 : index
      %get3A_3103 = tpu.vector_load %arg20[%get3A_3101, %get3A_3102] {strides = array<i32>} : memref<128x128xf32, #tpu.memory_space<vmem>>, vector<1x16xf32>,
      %get3A_3104 = vector.shape_cast %get3A_3103 : vector<1x16xf32> to vector<16xf32>
      %get3A_3105 = arith.constant 100 : i32
      %get3A_3106 = arith.index_cast %get3A_3105 : i32 to index
      %get3A_3107 = arith.constant 0 : index
      %get3A_3108 = tpu.vector_load %arg21[%get3A_3106, %get3A_3107] {strides = array<i32>} : memref<128x128xf32, #tpu.memory_space<vmem>>, vector<1x16xf32>,
      %get3A_3109 = vector.shape_cast %get3A_3108 : vector<1x16xf32> to vector<16xf32>
      %add3A_3110 = arith.addf %get3A_3104, %get3A_3109 : vector<16xf32>
      %get3A_3111 = arith.constant 100 : i32
      %get3A_3112 = arith.index_cast %get3A_3111 : i32 to index
      %get3A_3113 = arith.constant 0 : index
      %get3A_3114 = tpu.vector_load %arg22[%get3A_3112, %get3A_3113] {strides = array<i32>} : memref<128x128xf32, #tpu.memory_space<vmem>>, vector<1x16xf32>,
      %get3A_3115 = vector.shape_cast %get3A_3114 : vector<1x16xf32> to vector<16xf32>
      %get3A_3116 = arith.constant 100 : i32
      %get3A_3117 = arith.index_cast %get3A_3116 : i32 to index
      %get3A_3118 = arith.constant 0 : index
      %get3A_3119 = tpu.vector_load %arg23[%get3A_3117, %get3A_3118] {strides = array<i32>} : memref<128x128xf32, #tpu.memory_space<vmem>>, vector<1x16xf32>,
      %get3A_3120 = vector.shape_cast %get3A_3119 : vector<1x16xf32> to vector<16xf32>
      %add3A_3121 = arith.addf %get3A_3115, %get3A_3120 : vector<16xf32>
      %add3A_3122 = arith.addf %add3A_3110, %add3A_3121 : vector<16xf32>
      %swap3A_3123 = arith.constant 100 : i32
      %swap3A_3124 = arith.index_cast %swap3A_3123 : i32 to index
      %swap3A_3125 = arith.constant 0 : index
      %swap3A_3126 = tpu.vector_load %arg24[%swap3A_3124, %swap3A_3125] {strides = array<i32>} : memref<128x16xf32, #tpu.memory_space<vmem>>, vector<1x16xf32>,
      %swap3A_3127 = vector.shape_cast %swap3A_3126 : vector<1x16xf32> to vector<16xf32>
      %swap3A_3128 = vector.shape_cast %add3A_3122 : vector<16xf32> to vector<1x16xf32>
      tpu.vector_store %arg24[%swap3A_3124, %swap3A_3125], %swap3A_3128 {strides = array<i32>} : memref<128x16xf32, #tpu.memory_space<vmem>>, vector<1x16xf32>,
      %get3A_3129 = arith.constant 101 : i32
      %get3A_3130 = arith.index_cast %get3A_3129 : i32 to index
      %get3A_3131 = arith.constant 0 : index
      %get3A_3132 = tpu.vector_load %arg20[%get3A_3130, %get3A_3131] {strides = array<i32>} : memref<128x128xf32, #tpu.memory_space<vmem>>, vector<1x16xf32>,
      %get3A_3133 = vector.shape_cast %get3A_3132 : vector<1x16xf32> to vector<16xf32>
      %get3A_3134 = arith.constant 101 : i32
      %get3A_3135 = arith.index_cast %get3A_3134 : i32 to index
      %get3A_3136 = arith.constant 0 : index
      %get3A_3137 = tpu.vector_load %arg21[%get3A_3135, %get3A_3136] {strides = array<i32>} : memref<128x128xf32, #tpu.memory_space<vmem>>, vector<1x16xf32>,
      %get3A_3138 = vector.shape_cast %get3A_3137 : vector<1x16xf32> to vector<16xf32>
      %add3A_3139 = arith.addf %get3A_3133, %get3A_3138 : vector<16xf32>
      %get3A_3140 = arith.constant 101 : i32
      %get3A_3141 = arith.index_cast %get3A_3140 : i32 to index
      %get3A_3142 = arith.constant 0 : index
      %get3A_3143 = tpu.vector_load %arg22[%get3A_3141, %get3A_3142] {strides = array<i32>} : memref<128x128xf32, #tpu.memory_space<vmem>>, vector<1x16xf32>,
      %get3A_3144 = vector.shape_cast %get3A_3143 : vector<1x16xf32> to vector<16xf32>
      %get3A_3145 = arith.constant 101 : i32
      %get3A_3146 = arith.index_cast %get3A_3145 : i32 to index
      %get3A_3147 = arith.constant 0 : index
      %get3A_3148 = tpu.vector_load %arg23[%get3A_3146, %get3A_3147] {strides = array<i32>} : memref<128x128xf32, #tpu.memory_space<vmem>>, vector<1x16xf32>,
      %get3A_3149 = vector.shape_cast %get3A_3148 : vector<1x16xf32> to vector<16xf32>
      %add3A_3150 = arith.addf %get3A_3144, %get3A_3149 : vector<16xf32>
      %add3A_3151 = arith.addf %add3A_3139, %add3A_3150 : vector<16xf32>
      %swap3A_3152 = arith.constant 101 : i32
      %swap3A_3153 = arith.index_cast %swap3A_3152 : i32 to index
      %swap3A_3154 = arith.constant 0 : index
      %swap3A_3155 = tpu.vector_load %arg24[%swap3A_3153, %swap3A_3154] {strides = array<i32>} : memref<128x16xf32, #tpu.memory_space<vmem>>, vector<1x16xf32>,
      %swap3A_3156 = vector.shape_cast %swap3A_3155 : vector<1x16xf32> to vector<16xf32>
      %swap3A_3157 = vector.shape_cast %add3A_3151 : vector<16xf32> to vector<1x16xf32>
      tpu.vector_store %arg24[%swap3A_3153, %swap3A_3154], %swap3A_3157 {strides = array<i32>} : memref<128x16xf32, #tpu.memory_space<vmem>>, vector<1x16xf32>,
      %get3A_3158 = arith.constant 102 : i32
      %get3A_3159 = arith.index_cast %get3A_3158 : i32 to index
      %get3A_3160 = arith.constant 0 : index
      %get3A_3161 = tpu.vector_load %arg20[%get3A_3159, %get3A_3160] {strides = array<i32>} : memref<128x128xf32, #tpu.memory_space<vmem>>, vector<1x16xf32>,
      %get3A_3162 = vector.shape_cast %get3A_3161 : vector<1x16xf32> to vector<16xf32>
      %get3A_3163 = arith.constant 102 : i32
      %get3A_3164 = arith.index_cast %get3A_3163 : i32 to index
      %get3A_3165 = arith.constant 0 : index
      %get3A_3166 = tpu.vector_load %arg21[%get3A_3164, %get3A_3165] {strides = array<i32>} : memref<128x128xf32, #tpu.memory_space<vmem>>, vector<1x16xf32>,
      %get3A_3167 = vector.shape_cast %get3A_3166 : vector<1x16xf32> to vector<16xf32>
      %add3A_3168 = arith.addf %get3A_3162, %get3A_3167 : vector<16xf32>
      %get3A_3169 = arith.constant 102 : i32
      %get3A_3170 = arith.index_cast %get3A_3169 : i32 to index
      %get3A_3171 = arith.constant 0 : index
      %get3A_3172 = tpu.vector_load %arg22[%get3A_3170, %get3A_3171] {strides = array<i32>} : memref<128x128xf32, #tpu.memory_space<vmem>>, vector<1x16xf32>,
      %get3A_3173 = vector.shape_cast %get3A_3172 : vector<1x16xf32> to vector<16xf32>
      %get3A_3174 = arith.constant 102 : i32
      %get3A_3175 = arith.index_cast %get3A_3174 : i32 to index
      %get3A_3176 = arith.constant 0 : index
      %get3A_3177 = tpu.vector_load %arg23[%get3A_3175, %get3A_3176] {strides = array<i32>} : memref<128x128xf32, #tpu.memory_space<vmem>>, vector<1x16xf32>,
      %get3A_3178 = vector.shape_cast %get3A_3177 : vector<1x16xf32> to vector<16xf32>
      %add3A_3179 = arith.addf %get3A_3173, %get3A_3178 : vector<16xf32>
      %add3A_3180 = arith.addf %add3A_3168, %add3A_3179 : vector<16xf32>
      %swap3A_3181 = arith.constant 102 : i32
      %swap3A_3182 = arith.index_cast %swap3A_3181 : i32 to index
      %swap3A_3183 = arith.constant 0 : index
      %swap3A_3184 = tpu.vector_load %arg24[%swap3A_3182, %swap3A_3183] {strides = array<i32>} : memref<128x16xf32, #tpu.memory_space<vmem>>, vector<1x16xf32>,
      %swap3A_3185 = vector.shape_cast %swap3A_3184 : vector<1x16xf32> to vector<16xf32>
      %swap3A_3186 = vector.shape_cast %add3A_3180 : vector<16xf32> to vector<1x16xf32>
      tpu.vector_store %arg24[%swap3A_3182, %swap3A_3183], %swap3A_3186 {strides = array<i32>} : memref<128x16xf32, #tpu.memory_space<vmem>>, vector<1x16xf32>,
      %get3A_3187 = arith.constant 103 : i32
      %get3A_3188 = arith.index_cast %get3A_3187 : i32 to index
      %get3A_3189 = arith.constant 0 : index
      %get3A_3190 = tpu.vector_load %arg20[%get3A_3188, %get3A_3189] {strides = array<i32>} : memref<128x128xf32, #tpu.memory_space<vmem>>, vector<1x16xf32>,
      %get3A_3191 = vector.shape_cast %get3A_3190 : vector<1x16xf32> to vector<16xf32>
      %get3A_3192 = arith.constant 103 : i32
      %get3A_3193 = arith.index_cast %get3A_3192 : i32 to index
      %get3A_3194 = arith.constant 0 : index
      %get3A_3195 = tpu.vector_load %arg21[%get3A_3193, %get3A_3194] {strides = array<i32>} : memref<128x128xf32, #tpu.memory_space<vmem>>, vector<1x16xf32>,
      %get3A_3196 = vector.shape_cast %get3A_3195 : vector<1x16xf32> to vector<16xf32>
      %add3A_3197 = arith.addf %get3A_3191, %get3A_3196 : vector<16xf32>
      %get3A_3198 = arith.constant 103 : i32
      %get3A_3199 = arith.index_cast %get3A_3198 : i32 to index
      %get3A_3200 = arith.constant 0 : index
      %get3A_3201 = tpu.vector_load %arg22[%get3A_3199, %get3A_3200] {strides = array<i32>} : memref<128x128xf32, #tpu.memory_space<vmem>>, vector<1x16xf32>,
      %get3A_3202 = vector.shape_cast %get3A_3201 : vector<1x16xf32> to vector<16xf32>
      %get3A_3203 = arith.constant 103 : i32
      %get3A_3204 = arith.index_cast %get3A_3203 : i32 to index
      %get3A_3205 = arith.constant 0 : index
      %get3A_3206 = tpu.vector_load %arg23[%get3A_3204, %get3A_3205] {strides = array<i32>} : memref<128x128xf32, #tpu.memory_space<vmem>>, vector<1x16xf32>,
      %get3A_3207 = vector.shape_cast %get3A_3206 : vector<1x16xf32> to vector<16xf32>
      %add3A_3208 = arith.addf %get3A_3202, %get3A_3207 : vector<16xf32>
      %add3A_3209 = arith.addf %add3A_3197, %add3A_3208 : vector<16xf32>
      %swap3A_3210 = arith.constant 103 : i32
      %swap3A_3211 = arith.index_cast %swap3A_3210 : i32 to index
      %swap3A_3212 = arith.constant 0 : index
      %swap3A_3213 = tpu.vector_load %arg24[%swap3A_3211, %swap3A_3212] {strides = array<i32>} : memref<128x16xf32, #tpu.memory_space<vmem>>, vector<1x16xf32>,
      %swap3A_3214 = vector.shape_cast %swap3A_3213 : vector<1x16xf32> to vector<16xf32>
      %swap3A_3215 = vector.shape_cast %add3A_3209 : vector<16xf32> to vector<1x16xf32>
      tpu.vector_store %arg24[%swap3A_3211, %swap3A_3212], %swap3A_3215 {strides = array<i32>} : memref<128x16xf32, #tpu.memory_space<vmem>>, vector<1x16xf32>,
      %get3A_3216 = arith.constant 104 : i32
      %get3A_3217 = arith.index_cast %get3A_3216 : i32 to index
      %get3A_3218 = arith.constant 0 : index
      %get3A_3219 = tpu.vector_load %arg20[%get3A_3217, %get3A_3218] {strides = array<i32>} : memref<128x128xf32, #tpu.memory_space<vmem>>, vector<1x16xf32>,
      %get3A_3220 = vector.shape_cast %get3A_3219 : vector<1x16xf32> to vector<16xf32>
      %get3A_3221 = arith.constant 104 : i32
      %get3A_3222 = arith.index_cast %get3A_3221 : i32 to index
      %get3A_3223 = arith.constant 0 : index
      %get3A_3224 = tpu.vector_load %arg21[%get3A_3222, %get3A_3223] {strides = array<i32>} : memref<128x128xf32, #tpu.memory_space<vmem>>, vector<1x16xf32>,
      %get3A_3225 = vector.shape_cast %get3A_3224 : vector<1x16xf32> to vector<16xf32>
      %add3A_3226 = arith.addf %get3A_3220, %get3A_3225 : vector<16xf32>
      %get3A_3227 = arith.constant 104 : i32
      %get3A_3228 = arith.index_cast %get3A_3227 : i32 to index
      %get3A_3229 = arith.constant 0 : index
      %get3A_3230 = tpu.vector_load %arg22[%get3A_3228, %get3A_3229] {strides = array<i32>} : memref<128x128xf32, #tpu.memory_space<vmem>>, vector<1x16xf32>,
      %get3A_3231 = vector.shape_cast %get3A_3230 : vector<1x16xf32> to vector<16xf32>
      %get3A_3232 = arith.constant 104 : i32
      %get3A_3233 = arith.index_cast %get3A_3232 : i32 to index
      %get3A_3234 = arith.constant 0 : index
      %get3A_3235 = tpu.vector_load %arg23[%get3A_3233, %get3A_3234] {strides = array<i32>} : memref<128x128xf32, #tpu.memory_space<vmem>>, vector<1x16xf32>,
      %get3A_3236 = vector.shape_cast %get3A_3235 : vector<1x16xf32> to vector<16xf32>
      %add3A_3237 = arith.addf %get3A_3231, %get3A_3236 : vector<16xf32>
      %add3A_3238 = arith.addf %add3A_3226, %add3A_3237 : vector<16xf32>
      %swap3A_3239 = arith.constant 104 : i32
      %swap3A_3240 = arith.index_cast %swap3A_3239 : i32 to index
      %swap3A_3241 = arith.constant 0 : index
      %swap3A_3242 = tpu.vector_load %arg24[%swap3A_3240, %swap3A_3241] {strides = array<i32>} : memref<128x16xf32, #tpu.memory_space<vmem>>, vector<1x16xf32>,
      %swap3A_3243 = vector.shape_cast %swap3A_3242 : vector<1x16xf32> to vector<16xf32>
      %swap3A_3244 = vector.shape_cast %add3A_3238 : vector<16xf32> to vector<1x16xf32>
      tpu.vector_store %arg24[%swap3A_3240, %swap3A_3241], %swap3A_3244 {strides = array<i32>} : memref<128x16xf32, #tpu.memory_space<vmem>>, vector<1x16xf32>,
      %get3A_3245 = arith.constant 105 : i32
      %get3A_3246 = arith.index_cast %get3A_3245 : i32 to index
      %get3A_3247 = arith.constant 0 : index
      %get3A_3248 = tpu.vector_load %arg20[%get3A_3246, %get3A_3247] {strides = array<i32>} : memref<128x128xf32, #tpu.memory_space<vmem>>, vector<1x16xf32>,
      %get3A_3249 = vector.shape_cast %get3A_3248 : vector<1x16xf32> to vector<16xf32>
      %get3A_3250 = arith.constant 105 : i32
      %get3A_3251 = arith.index_cast %get3A_3250 : i32 to index
      %get3A_3252 = arith.constant 0 : index
      %get3A_3253 = tpu.vector_load %arg21[%get3A_3251, %get3A_3252] {strides = array<i32>} : memref<128x128xf32, #tpu.memory_space<vmem>>, vector<1x16xf32>,
      %get3A_3254 = vector.shape_cast %get3A_3253 : vector<1x16xf32> to vector<16xf32>
      %add3A_3255 = arith.addf %get3A_3249, %get3A_3254 : vector<16xf32>
      %get3A_3256 = arith.constant 105 : i32
      %get3A_3257 = arith.index_cast %get3A_3256 : i32 to index
      %get3A_3258 = arith.constant 0 : index
      %get3A_3259 = tpu.vector_load %arg22[%get3A_3257, %get3A_3258] {strides = array<i32>} : memref<128x128xf32, #tpu.memory_space<vmem>>, vector<1x16xf32>,
      %get3A_3260 = vector.shape_cast %get3A_3259 : vector<1x16xf32> to vector<16xf32>
      %get3A_3261 = arith.constant 105 : i32
      %get3A_3262 = arith.index_cast %get3A_3261 : i32 to index
      %get3A_3263 = arith.constant 0 : index
      %get3A_3264 = tpu.vector_load %arg23[%get3A_3262, %get3A_3263] {strides = array<i32>} : memref<128x128xf32, #tpu.memory_space<vmem>>, vector<1x16xf32>,
      %get3A_3265 = vector.shape_cast %get3A_3264 : vector<1x16xf32> to vector<16xf32>
      %add3A_3266 = arith.addf %get3A_3260, %get3A_3265 : vector<16xf32>
      %add3A_3267 = arith.addf %add3A_3255, %add3A_3266 : vector<16xf32>
      %swap3A_3268 = arith.constant 105 : i32
      %swap3A_3269 = arith.index_cast %swap3A_3268 : i32 to index
      %swap3A_3270 = arith.constant 0 : index
      %swap3A_3271 = tpu.vector_load %arg24[%swap3A_3269, %swap3A_3270] {strides = array<i32>} : memref<128x16xf32, #tpu.memory_space<vmem>>, vector<1x16xf32>,
      %swap3A_3272 = vector.shape_cast %swap3A_3271 : vector<1x16xf32> to vector<16xf32>
      %swap3A_3273 = vector.shape_cast %add3A_3267 : vector<16xf32> to vector<1x16xf32>
      tpu.vector_store %arg24[%swap3A_3269, %swap3A_3270], %swap3A_3273 {strides = array<i32>} : memref<128x16xf32, #tpu.memory_space<vmem>>, vector<1x16xf32>,
      %get3A_3274 = arith.constant 106 : i32
      %get3A_3275 = arith.index_cast %get3A_3274 : i32 to index
      %get3A_3276 = arith.constant 0 : index
      %get3A_3277 = tpu.vector_load %arg20[%get3A_3275, %get3A_3276] {strides = array<i32>} : memref<128x128xf32, #tpu.memory_space<vmem>>, vector<1x16xf32>,
      %get3A_3278 = vector.shape_cast %get3A_3277 : vector<1x16xf32> to vector<16xf32>
      %get3A_3279 = arith.constant 106 : i32
      %get3A_3280 = arith.index_cast %get3A_3279 : i32 to index
      %get3A_3281 = arith.constant 0 : index
      %get3A_3282 = tpu.vector_load %arg21[%get3A_3280, %get3A_3281] {strides = array<i32>} : memref<128x128xf32, #tpu.memory_space<vmem>>, vector<1x16xf32>,
      %get3A_3283 = vector.shape_cast %get3A_3282 : vector<1x16xf32> to vector<16xf32>
      %add3A_3284 = arith.addf %get3A_3278, %get3A_3283 : vector<16xf32>
      %get3A_3285 = arith.constant 106 : i32
      %get3A_3286 = arith.index_cast %get3A_3285 : i32 to index
      %get3A_3287 = arith.constant 0 : index
      %get3A_3288 = tpu.vector_load %arg22[%get3A_3286, %get3A_3287] {strides = array<i32>} : memref<128x128xf32, #tpu.memory_space<vmem>>, vector<1x16xf32>,
      %get3A_3289 = vector.shape_cast %get3A_3288 : vector<1x16xf32> to vector<16xf32>
      %get3A_3290 = arith.constant 106 : i32
      %get3A_3291 = arith.index_cast %get3A_3290 : i32 to index
      %get3A_3292 = arith.constant 0 : index
      %get3A_3293 = tpu.vector_load %arg23[%get3A_3291, %get3A_3292] {strides = array<i32>} : memref<128x128xf32, #tpu.memory_space<vmem>>, vector<1x16xf32>,
      %get3A_3294 = vector.shape_cast %get3A_3293 : vector<1x16xf32> to vector<16xf32>
      %add3A_3295 = arith.addf %get3A_3289, %get3A_3294 : vector<16xf32>
      %add3A_3296 = arith.addf %add3A_3284, %add3A_3295 : vector<16xf32>
      %swap3A_3297 = arith.constant 106 : i32
      %swap3A_3298 = arith.index_cast %swap3A_3297 : i32 to index
      %swap3A_3299 = arith.constant 0 : index
      %swap3A_3300 = tpu.vector_load %arg24[%swap3A_3298, %swap3A_3299] {strides = array<i32>} : memref<128x16xf32, #tpu.memory_space<vmem>>, vector<1x16xf32>,
      %swap3A_3301 = vector.shape_cast %swap3A_3300 : vector<1x16xf32> to vector<16xf32>
      %swap3A_3302 = vector.shape_cast %add3A_3296 : vector<16xf32> to vector<1x16xf32>
      tpu.vector_store %arg24[%swap3A_3298, %swap3A_3299], %swap3A_3302 {strides = array<i32>} : memref<128x16xf32, #tpu.memory_space<vmem>>, vector<1x16xf32>,
      %get3A_3303 = arith.constant 107 : i32
      %get3A_3304 = arith.index_cast %get3A_3303 : i32 to index
      %get3A_3305 = arith.constant 0 : index
      %get3A_3306 = tpu.vector_load %arg20[%get3A_3304, %get3A_3305] {strides = array<i32>} : memref<128x128xf32, #tpu.memory_space<vmem>>, vector<1x16xf32>,
      %get3A_3307 = vector.shape_cast %get3A_3306 : vector<1x16xf32> to vector<16xf32>
      %get3A_3308 = arith.constant 107 : i32
      %get3A_3309 = arith.index_cast %get3A_3308 : i32 to index
      %get3A_3310 = arith.constant 0 : index
      %get3A_3311 = tpu.vector_load %arg21[%get3A_3309, %get3A_3310] {strides = array<i32>} : memref<128x128xf32, #tpu.memory_space<vmem>>, vector<1x16xf32>,
      %get3A_3312 = vector.shape_cast %get3A_3311 : vector<1x16xf32> to vector<16xf32>
      %add3A_3313 = arith.addf %get3A_3307, %get3A_3312 : vector<16xf32>
      %get3A_3314 = arith.constant 107 : i32
      %get3A_3315 = arith.index_cast %get3A_3314 : i32 to index
      %get3A_3316 = arith.constant 0 : index
      %get3A_3317 = tpu.vector_load %arg22[%get3A_3315, %get3A_3316] {strides = array<i32>} : memref<128x128xf32, #tpu.memory_space<vmem>>, vector<1x16xf32>,
      %get3A_3318 = vector.shape_cast %get3A_3317 : vector<1x16xf32> to vector<16xf32>
      %get3A_3319 = arith.constant 107 : i32
      %get3A_3320 = arith.index_cast %get3A_3319 : i32 to index
      %get3A_3321 = arith.constant 0 : index
      %get3A_3322 = tpu.vector_load %arg23[%get3A_3320, %get3A_3321] {strides = array<i32>} : memref<128x128xf32, #tpu.memory_space<vmem>>, vector<1x16xf32>,
      %get3A_3323 = vector.shape_cast %get3A_3322 : vector<1x16xf32> to vector<16xf32>
      %add3A_3324 = arith.addf %get3A_3318, %get3A_3323 : vector<16xf32>
      %add3A_3325 = arith.addf %add3A_3313, %add3A_3324 : vector<16xf32>
      %swap3A_3326 = arith.constant 107 : i32
      %swap3A_3327 = arith.index_cast %swap3A_3326 : i32 to index
      %swap3A_3328 = arith.constant 0 : index
      %swap3A_3329 = tpu.vector_load %arg24[%swap3A_3327, %swap3A_3328] {strides = array<i32>} : memref<128x16xf32, #tpu.memory_space<vmem>>, vector<1x16xf32>,
      %swap3A_3330 = vector.shape_cast %swap3A_3329 : vector<1x16xf32> to vector<16xf32>
      %swap3A_3331 = vector.shape_cast %add3A_3325 : vector<16xf32> to vector<1x16xf32>
      tpu.vector_store %arg24[%swap3A_3327, %swap3A_3328], %swap3A_3331 {strides = array<i32>} : memref<128x16xf32, #tpu.memory_space<vmem>>, vector<1x16xf32>,
      %get3A_3332 = arith.constant 108 : i32
      %get3A_3333 = arith.index_cast %get3A_3332 : i32 to index
      %get3A_3334 = arith.constant 0 : index
      %get3A_3335 = tpu.vector_load %arg20[%get3A_3333, %get3A_3334] {strides = array<i32>} : memref<128x128xf32, #tpu.memory_space<vmem>>, vector<1x16xf32>,
      %get3A_3336 = vector.shape_cast %get3A_3335 : vector<1x16xf32> to vector<16xf32>
      %get3A_3337 = arith.constant 108 : i32
      %get3A_3338 = arith.index_cast %get3A_3337 : i32 to index
      %get3A_3339 = arith.constant 0 : index
      %get3A_3340 = tpu.vector_load %arg21[%get3A_3338, %get3A_3339] {strides = array<i32>} : memref<128x128xf32, #tpu.memory_space<vmem>>, vector<1x16xf32>,
      %get3A_3341 = vector.shape_cast %get3A_3340 : vector<1x16xf32> to vector<16xf32>
      %add3A_3342 = arith.addf %get3A_3336, %get3A_3341 : vector<16xf32>
      %get3A_3343 = arith.constant 108 : i32
      %get3A_3344 = arith.index_cast %get3A_3343 : i32 to index
      %get3A_3345 = arith.constant 0 : index
      %get3A_3346 = tpu.vector_load %arg22[%get3A_3344, %get3A_3345] {strides = array<i32>} : memref<128x128xf32, #tpu.memory_space<vmem>>, vector<1x16xf32>,
      %get3A_3347 = vector.shape_cast %get3A_3346 : vector<1x16xf32> to vector<16xf32>
      %get3A_3348 = arith.constant 108 : i32
      %get3A_3349 = arith.index_cast %get3A_3348 : i32 to index
      %get3A_3350 = arith.constant 0 : index
      %get3A_3351 = tpu.vector_load %arg23[%get3A_3349, %get3A_3350] {strides = array<i32>} : memref<128x128xf32, #tpu.memory_space<vmem>>, vector<1x16xf32>,
      %get3A_3352 = vector.shape_cast %get3A_3351 : vector<1x16xf32> to vector<16xf32>
      %add3A_3353 = arith.addf %get3A_3347, %get3A_3352 : vector<16xf32>
      %add3A_3354 = arith.addf %add3A_3342, %add3A_3353 : vector<16xf32>
      %swap3A_3355 = arith.constant 108 : i32
      %swap3A_3356 = arith.index_cast %swap3A_3355 : i32 to index
      %swap3A_3357 = arith.constant 0 : index
      %swap3A_3358 = tpu.vector_load %arg24[%swap3A_3356, %swap3A_3357] {strides = array<i32>} : memref<128x16xf32, #tpu.memory_space<vmem>>, vector<1x16xf32>,
      %swap3A_3359 = vector.shape_cast %swap3A_3358 : vector<1x16xf32> to vector<16xf32>
      %swap3A_3360 = vector.shape_cast %add3A_3354 : vector<16xf32> to vector<1x16xf32>
      tpu.vector_store %arg24[%swap3A_3356, %swap3A_3357], %swap3A_3360 {strides = array<i32>} : memref<128x16xf32, #tpu.memory_space<vmem>>, vector<1x16xf32>,
      %get3A_3361 = arith.constant 109 : i32
      %get3A_3362 = arith.index_cast %get3A_3361 : i32 to index
      %get3A_3363 = arith.constant 0 : index
      %get3A_3364 = tpu.vector_load %arg20[%get3A_3362, %get3A_3363] {strides = array<i32>} : memref<128x128xf32, #tpu.memory_space<vmem>>, vector<1x16xf32>,
      %get3A_3365 = vector.shape_cast %get3A_3364 : vector<1x16xf32> to vector<16xf32>
      %get3A_3366 = arith.constant 109 : i32
      %get3A_3367 = arith.index_cast %get3A_3366 : i32 to index
      %get3A_3368 = arith.constant 0 : index
      %get3A_3369 = tpu.vector_load %arg21[%get3A_3367, %get3A_3368] {strides = array<i32>} : memref<128x128xf32, #tpu.memory_space<vmem>>, vector<1x16xf32>,
      %get3A_3370 = vector.shape_cast %get3A_3369 : vector<1x16xf32> to vector<16xf32>
      %add3A_3371 = arith.addf %get3A_3365, %get3A_3370 : vector<16xf32>
      %get3A_3372 = arith.constant 109 : i32
      %get3A_3373 = arith.index_cast %get3A_3372 : i32 to index
      %get3A_3374 = arith.constant 0 : index
      %get3A_3375 = tpu.vector_load %arg22[%get3A_3373, %get3A_3374] {strides = array<i32>} : memref<128x128xf32, #tpu.memory_space<vmem>>, vector<1x16xf32>,
      %get3A_3376 = vector.shape_cast %get3A_3375 : vector<1x16xf32> to vector<16xf32>
      %get3A_3377 = arith.constant 109 : i32
      %get3A_3378 = arith.index_cast %get3A_3377 : i32 to index
      %get3A_3379 = arith.constant 0 : index
      %get3A_3380 = tpu.vector_load %arg23[%get3A_3378, %get3A_3379] {strides = array<i32>} : memref<128x128xf32, #tpu.memory_space<vmem>>, vector<1x16xf32>,
      %get3A_3381 = vector.shape_cast %get3A_3380 : vector<1x16xf32> to vector<16xf32>
      %add3A_3382 = arith.addf %get3A_3376, %get3A_3381 : vector<16xf32>
      %add3A_3383 = arith.addf %add3A_3371, %add3A_3382 : vector<16xf32>
      %swap3A_3384 = arith.constant 109 : i32
      %swap3A_3385 = arith.index_cast %swap3A_3384 : i32 to index
      %swap3A_3386 = arith.constant 0 : index
      %swap3A_3387 = tpu.vector_load %arg24[%swap3A_3385, %swap3A_3386] {strides = array<i32>} : memref<128x16xf32, #tpu.memory_space<vmem>>, vector<1x16xf32>,
      %swap3A_3388 = vector.shape_cast %swap3A_3387 : vector<1x16xf32> to vector<16xf32>
      %swap3A_3389 = vector.shape_cast %add3A_3383 : vector<16xf32> to vector<1x16xf32>
      tpu.vector_store %arg24[%swap3A_3385, %swap3A_3386], %swap3A_3389 {strides = array<i32>} : memref<128x16xf32, #tpu.memory_space<vmem>>, vector<1x16xf32>,
      %get3A_3390 = arith.constant 110 : i32
      %get3A_3391 = arith.index_cast %get3A_3390 : i32 to index
      %get3A_3392 = arith.constant 0 : index
      %get3A_3393 = tpu.vector_load %arg20[%get3A_3391, %get3A_3392] {strides = array<i32>} : memref<128x128xf32, #tpu.memory_space<vmem>>, vector<1x16xf32>,
      %get3A_3394 = vector.shape_cast %get3A_3393 : vector<1x16xf32> to vector<16xf32>
      %get3A_3395 = arith.constant 110 : i32
      %get3A_3396 = arith.index_cast %get3A_3395 : i32 to index
      %get3A_3397 = arith.constant 0 : index
      %get3A_3398 = tpu.vector_load %arg21[%get3A_3396, %get3A_3397] {strides = array<i32>} : memref<128x128xf32, #tpu.memory_space<vmem>>, vector<1x16xf32>,
      %get3A_3399 = vector.shape_cast %get3A_3398 : vector<1x16xf32> to vector<16xf32>
      %add3A_3400 = arith.addf %get3A_3394, %get3A_3399 : vector<16xf32>
      %get3A_3401 = arith.constant 110 : i32
      %get3A_3402 = arith.index_cast %get3A_3401 : i32 to index
      %get3A_3403 = arith.constant 0 : index
      %get3A_3404 = tpu.vector_load %arg22[%get3A_3402, %get3A_3403] {strides = array<i32>} : memref<128x128xf32, #tpu.memory_space<vmem>>, vector<1x16xf32>,
      %get3A_3405 = vector.shape_cast %get3A_3404 : vector<1x16xf32> to vector<16xf32>
      %get3A_3406 = arith.constant 110 : i32
      %get3A_3407 = arith.index_cast %get3A_3406 : i32 to index
      %get3A_3408 = arith.constant 0 : index
      %get3A_3409 = tpu.vector_load %arg23[%get3A_3407, %get3A_3408] {strides = array<i32>} : memref<128x128xf32, #tpu.memory_space<vmem>>, vector<1x16xf32>,
      %get3A_3410 = vector.shape_cast %get3A_3409 : vector<1x16xf32> to vector<16xf32>
      %add3A_3411 = arith.addf %get3A_3405, %get3A_3410 : vector<16xf32>
      %add3A_3412 = arith.addf %add3A_3400, %add3A_3411 : vector<16xf32>
      %swap3A_3413 = arith.constant 110 : i32
      %swap3A_3414 = arith.index_cast %swap3A_3413 : i32 to index
      %swap3A_3415 = arith.constant 0 : index
      %swap3A_3416 = tpu.vector_load %arg24[%swap3A_3414, %swap3A_3415] {strides = array<i32>} : memref<128x16xf32, #tpu.memory_space<vmem>>, vector<1x16xf32>,
      %swap3A_3417 = vector.shape_cast %swap3A_3416 : vector<1x16xf32> to vector<16xf32>
      %swap3A_3418 = vector.shape_cast %add3A_3412 : vector<16xf32> to vector<1x16xf32>
      tpu.vector_store %arg24[%swap3A_3414, %swap3A_3415], %swap3A_3418 {strides = array<i32>} : memref<128x16xf32, #tpu.memory_space<vmem>>, vector<1x16xf32>,
      %get3A_3419 = arith.constant 111 : i32
      %get3A_3420 = arith.index_cast %get3A_3419 : i32 to index
      %get3A_3421 = arith.constant 0 : index
      %get3A_3422 = tpu.vector_load %arg20[%get3A_3420, %get3A_3421] {strides = array<i32>} : memref<128x128xf32, #tpu.memory_space<vmem>>, vector<1x16xf32>,
      %get3A_3423 = vector.shape_cast %get3A_3422 : vector<1x16xf32> to vector<16xf32>
      %get3A_3424 = arith.constant 111 : i32
      %get3A_3425 = arith.index_cast %get3A_3424 : i32 to index
      %get3A_3426 = arith.constant 0 : index
      %get3A_3427 = tpu.vector_load %arg21[%get3A_3425, %get3A_3426] {strides = array<i32>} : memref<128x128xf32, #tpu.memory_space<vmem>>, vector<1x16xf32>,
      %get3A_3428 = vector.shape_cast %get3A_3427 : vector<1x16xf32> to vector<16xf32>
      %add3A_3429 = arith.addf %get3A_3423, %get3A_3428 : vector<16xf32>
      %get3A_3430 = arith.constant 111 : i32
      %get3A_3431 = arith.index_cast %get3A_3430 : i32 to index
      %get3A_3432 = arith.constant 0 : index
      %get3A_3433 = tpu.vector_load %arg22[%get3A_3431, %get3A_3432] {strides = array<i32>} : memref<128x128xf32, #tpu.memory_space<vmem>>, vector<1x16xf32>,
      %get3A_3434 = vector.shape_cast %get3A_3433 : vector<1x16xf32> to vector<16xf32>
      %get3A_3435 = arith.constant 111 : i32
      %get3A_3436 = arith.index_cast %get3A_3435 : i32 to index
      %get3A_3437 = arith.constant 0 : index
      %get3A_3438 = tpu.vector_load %arg23[%get3A_3436, %get3A_3437] {strides = array<i32>} : memref<128x128xf32, #tpu.memory_space<vmem>>, vector<1x16xf32>,
      %get3A_3439 = vector.shape_cast %get3A_3438 : vector<1x16xf32> to vector<16xf32>
      %add3A_3440 = arith.addf %get3A_3434, %get3A_3439 : vector<16xf32>
      %add3A_3441 = arith.addf %add3A_3429, %add3A_3440 : vector<16xf32>
      %swap3A_3442 = arith.constant 111 : i32
      %swap3A_3443 = arith.index_cast %swap3A_3442 : i32 to index
      %swap3A_3444 = arith.constant 0 : index
      %swap3A_3445 = tpu.vector_load %arg24[%swap3A_3443, %swap3A_3444] {strides = array<i32>} : memref<128x16xf32, #tpu.memory_space<vmem>>, vector<1x16xf32>,
      %swap3A_3446 = vector.shape_cast %swap3A_3445 : vector<1x16xf32> to vector<16xf32>
      %swap3A_3447 = vector.shape_cast %add3A_3441 : vector<16xf32> to vector<1x16xf32>
      tpu.vector_store %arg24[%swap3A_3443, %swap3A_3444], %swap3A_3447 {strides = array<i32>} : memref<128x16xf32, #tpu.memory_space<vmem>>, vector<1x16xf32>,
      %get3A_3448 = arith.constant 112 : i32
      %get3A_3449 = arith.index_cast %get3A_3448 : i32 to index
      %get3A_3450 = arith.constant 0 : index
      %get3A_3451 = tpu.vector_load %arg20[%get3A_3449, %get3A_3450] {strides = array<i32>} : memref<128x128xf32, #tpu.memory_space<vmem>>, vector<1x16xf32>,
      %get3A_3452 = vector.shape_cast %get3A_3451 : vector<1x16xf32> to vector<16xf32>
      %get3A_3453 = arith.constant 112 : i32
      %get3A_3454 = arith.index_cast %get3A_3453 : i32 to index
      %get3A_3455 = arith.constant 0 : index
      %get3A_3456 = tpu.vector_load %arg21[%get3A_3454, %get3A_3455] {strides = array<i32>} : memref<128x128xf32, #tpu.memory_space<vmem>>, vector<1x16xf32>,
      %get3A_3457 = vector.shape_cast %get3A_3456 : vector<1x16xf32> to vector<16xf32>
      %add3A_3458 = arith.addf %get3A_3452, %get3A_3457 : vector<16xf32>
      %get3A_3459 = arith.constant 112 : i32
      %get3A_3460 = arith.index_cast %get3A_3459 : i32 to index
      %get3A_3461 = arith.constant 0 : index
      %get3A_3462 = tpu.vector_load %arg22[%get3A_3460, %get3A_3461] {strides = array<i32>} : memref<128x128xf32, #tpu.memory_space<vmem>>, vector<1x16xf32>,
      %get3A_3463 = vector.shape_cast %get3A_3462 : vector<1x16xf32> to vector<16xf32>
      %get3A_3464 = arith.constant 112 : i32
      %get3A_3465 = arith.index_cast %get3A_3464 : i32 to index
      %get3A_3466 = arith.constant 0 : index
      %get3A_3467 = tpu.vector_load %arg23[%get3A_3465, %get3A_3466] {strides = array<i32>} : memref<128x128xf32, #tpu.memory_space<vmem>>, vector<1x16xf32>,
      %get3A_3468 = vector.shape_cast %get3A_3467 : vector<1x16xf32> to vector<16xf32>
      %add3A_3469 = arith.addf %get3A_3463, %get3A_3468 : vector<16xf32>
      %add3A_3470 = arith.addf %add3A_3458, %add3A_3469 : vector<16xf32>
      %swap3A_3471 = arith.constant 112 : i32
      %swap3A_3472 = arith.index_cast %swap3A_3471 : i32 to index
      %swap3A_3473 = arith.constant 0 : index
      %swap3A_3474 = tpu.vector_load %arg24[%swap3A_3472, %swap3A_3473] {strides = array<i32>} : memref<128x16xf32, #tpu.memory_space<vmem>>, vector<1x16xf32>,
      %swap3A_3475 = vector.shape_cast %swap3A_3474 : vector<1x16xf32> to vector<16xf32>
      %swap3A_3476 = vector.shape_cast %add3A_3470 : vector<16xf32> to vector<1x16xf32>
      tpu.vector_store %arg24[%swap3A_3472, %swap3A_3473], %swap3A_3476 {strides = array<i32>} : memref<128x16xf32, #tpu.memory_space<vmem>>, vector<1x16xf32>,
      %get3A_3477 = arith.constant 113 : i32
      %get3A_3478 = arith.index_cast %get3A_3477 : i32 to index
      %get3A_3479 = arith.constant 0 : index
      %get3A_3480 = tpu.vector_load %arg20[%get3A_3478, %get3A_3479] {strides = array<i32>} : memref<128x128xf32, #tpu.memory_space<vmem>>, vector<1x16xf32>,
      %get3A_3481 = vector.shape_cast %get3A_3480 : vector<1x16xf32> to vector<16xf32>
      %get3A_3482 = arith.constant 113 : i32
      %get3A_3483 = arith.index_cast %get3A_3482 : i32 to index
      %get3A_3484 = arith.constant 0 : index
      %get3A_3485 = tpu.vector_load %arg21[%get3A_3483, %get3A_3484] {strides = array<i32>} : memref<128x128xf32, #tpu.memory_space<vmem>>, vector<1x16xf32>,
      %get3A_3486 = vector.shape_cast %get3A_3485 : vector<1x16xf32> to vector<16xf32>
      %add3A_3487 = arith.addf %get3A_3481, %get3A_3486 : vector<16xf32>
      %get3A_3488 = arith.constant 113 : i32
      %get3A_3489 = arith.index_cast %get3A_3488 : i32 to index
      %get3A_3490 = arith.constant 0 : index
      %get3A_3491 = tpu.vector_load %arg22[%get3A_3489, %get3A_3490] {strides = array<i32>} : memref<128x128xf32, #tpu.memory_space<vmem>>, vector<1x16xf32>,
      %get3A_3492 = vector.shape_cast %get3A_3491 : vector<1x16xf32> to vector<16xf32>
      %get3A_3493 = arith.constant 113 : i32
      %get3A_3494 = arith.index_cast %get3A_3493 : i32 to index
      %get3A_3495 = arith.constant 0 : index
      %get3A_3496 = tpu.vector_load %arg23[%get3A_3494, %get3A_3495] {strides = array<i32>} : memref<128x128xf32, #tpu.memory_space<vmem>>, vector<1x16xf32>,
      %get3A_3497 = vector.shape_cast %get3A_3496 : vector<1x16xf32> to vector<16xf32>
      %add3A_3498 = arith.addf %get3A_3492, %get3A_3497 : vector<16xf32>
      %add3A_3499 = arith.addf %add3A_3487, %add3A_3498 : vector<16xf32>
      %swap3A_3500 = arith.constant 113 : i32
      %swap3A_3501 = arith.index_cast %swap3A_3500 : i32 to index
      %swap3A_3502 = arith.constant 0 : index
      %swap3A_3503 = tpu.vector_load %arg24[%swap3A_3501, %swap3A_3502] {strides = array<i32>} : memref<128x16xf32, #tpu.memory_space<vmem>>, vector<1x16xf32>,
      %swap3A_3504 = vector.shape_cast %swap3A_3503 : vector<1x16xf32> to vector<16xf32>
      %swap3A_3505 = vector.shape_cast %add3A_3499 : vector<16xf32> to vector<1x16xf32>
      tpu.vector_store %arg24[%swap3A_3501, %swap3A_3502], %swap3A_3505 {strides = array<i32>} : memref<128x16xf32, #tpu.memory_space<vmem>>, vector<1x16xf32>,
      %get3A_3506 = arith.constant 114 : i32
      %get3A_3507 = arith.index_cast %get3A_3506 : i32 to index
      %get3A_3508 = arith.constant 0 : index
      %get3A_3509 = tpu.vector_load %arg20[%get3A_3507, %get3A_3508] {strides = array<i32>} : memref<128x128xf32, #tpu.memory_space<vmem>>, vector<1x16xf32>,
      %get3A_3510 = vector.shape_cast %get3A_3509 : vector<1x16xf32> to vector<16xf32>
      %get3A_3511 = arith.constant 114 : i32
      %get3A_3512 = arith.index_cast %get3A_3511 : i32 to index
      %get3A_3513 = arith.constant 0 : index
      %get3A_3514 = tpu.vector_load %arg21[%get3A_3512, %get3A_3513] {strides = array<i32>} : memref<128x128xf32, #tpu.memory_space<vmem>>, vector<1x16xf32>,
      %get3A_3515 = vector.shape_cast %get3A_3514 : vector<1x16xf32> to vector<16xf32>
      %add3A_3516 = arith.addf %get3A_3510, %get3A_3515 : vector<16xf32>
      %get3A_3517 = arith.constant 114 : i32
      %get3A_3518 = arith.index_cast %get3A_3517 : i32 to index
      %get3A_3519 = arith.constant 0 : index
      %get3A_3520 = tpu.vector_load %arg22[%get3A_3518, %get3A_3519] {strides = array<i32>} : memref<128x128xf32, #tpu.memory_space<vmem>>, vector<1x16xf32>,
      %get3A_3521 = vector.shape_cast %get3A_3520 : vector<1x16xf32> to vector<16xf32>
      %get3A_3522 = arith.constant 114 : i32
      %get3A_3523 = arith.index_cast %get3A_3522 : i32 to index
      %get3A_3524 = arith.constant 0 : index
      %get3A_3525 = tpu.vector_load %arg23[%get3A_3523, %get3A_3524] {strides = array<i32>} : memref<128x128xf32, #tpu.memory_space<vmem>>, vector<1x16xf32>,
      %get3A_3526 = vector.shape_cast %get3A_3525 : vector<1x16xf32> to vector<16xf32>
      %add3A_3527 = arith.addf %get3A_3521, %get3A_3526 : vector<16xf32>
      %add3A_3528 = arith.addf %add3A_3516, %add3A_3527 : vector<16xf32>
      %swap3A_3529 = arith.constant 114 : i32
      %swap3A_3530 = arith.index_cast %swap3A_3529 : i32 to index
      %swap3A_3531 = arith.constant 0 : index
      %swap3A_3532 = tpu.vector_load %arg24[%swap3A_3530, %swap3A_3531] {strides = array<i32>} : memref<128x16xf32, #tpu.memory_space<vmem>>, vector<1x16xf32>,
      %swap3A_3533 = vector.shape_cast %swap3A_3532 : vector<1x16xf32> to vector<16xf32>
      %swap3A_3534 = vector.shape_cast %add3A_3528 : vector<16xf32> to vector<1x16xf32>
      tpu.vector_store %arg24[%swap3A_3530, %swap3A_3531], %swap3A_3534 {strides = array<i32>} : memref<128x16xf32, #tpu.memory_space<vmem>>, vector<1x16xf32>,
      %get3A_3535 = arith.constant 115 : i32
      %get3A_3536 = arith.index_cast %get3A_3535 : i32 to index
      %get3A_3537 = arith.constant 0 : index
      %get3A_3538 = tpu.vector_load %arg20[%get3A_3536, %get3A_3537] {strides = array<i32>} : memref<128x128xf32, #tpu.memory_space<vmem>>, vector<1x16xf32>,
      %get3A_3539 = vector.shape_cast %get3A_3538 : vector<1x16xf32> to vector<16xf32>
      %get3A_3540 = arith.constant 115 : i32
      %get3A_3541 = arith.index_cast %get3A_3540 : i32 to index
      %get3A_3542 = arith.constant 0 : index
      %get3A_3543 = tpu.vector_load %arg21[%get3A_3541, %get3A_3542] {strides = array<i32>} : memref<128x128xf32, #tpu.memory_space<vmem>>, vector<1x16xf32>,
      %get3A_3544 = vector.shape_cast %get3A_3543 : vector<1x16xf32> to vector<16xf32>
      %add3A_3545 = arith.addf %get3A_3539, %get3A_3544 : vector<16xf32>
      %get3A_3546 = arith.constant 115 : i32
      %get3A_3547 = arith.index_cast %get3A_3546 : i32 to index
      %get3A_3548 = arith.constant 0 : index
      %get3A_3549 = tpu.vector_load %arg22[%get3A_3547, %get3A_3548] {strides = array<i32>} : memref<128x128xf32, #tpu.memory_space<vmem>>, vector<1x16xf32>,
      %get3A_3550 = vector.shape_cast %get3A_3549 : vector<1x16xf32> to vector<16xf32>
      %get3A_3551 = arith.constant 115 : i32
      %get3A_3552 = arith.index_cast %get3A_3551 : i32 to index
      %get3A_3553 = arith.constant 0 : index
      %get3A_3554 = tpu.vector_load %arg23[%get3A_3552, %get3A_3553] {strides = array<i32>} : memref<128x128xf32, #tpu.memory_space<vmem>>, vector<1x16xf32>,
      %get3A_3555 = vector.shape_cast %get3A_3554 : vector<1x16xf32> to vector<16xf32>
      %add3A_3556 = arith.addf %get3A_3550, %get3A_3555 : vector<16xf32>
      %add3A_3557 = arith.addf %add3A_3545, %add3A_3556 : vector<16xf32>
      %swap3A_3558 = arith.constant 115 : i32
      %swap3A_3559 = arith.index_cast %swap3A_3558 : i32 to index
      %swap3A_3560 = arith.constant 0 : index
      %swap3A_3561 = tpu.vector_load %arg24[%swap3A_3559, %swap3A_3560] {strides = array<i32>} : memref<128x16xf32, #tpu.memory_space<vmem>>, vector<1x16xf32>,
      %swap3A_3562 = vector.shape_cast %swap3A_3561 : vector<1x16xf32> to vector<16xf32>
      %swap3A_3563 = vector.shape_cast %add3A_3557 : vector<16xf32> to vector<1x16xf32>
      tpu.vector_store %arg24[%swap3A_3559, %swap3A_3560], %swap3A_3563 {strides = array<i32>} : memref<128x16xf32, #tpu.memory_space<vmem>>, vector<1x16xf32>,
      %get3A_3564 = arith.constant 116 : i32
      %get3A_3565 = arith.index_cast %get3A_3564 : i32 to index
      %get3A_3566 = arith.constant 0 : index
      %get3A_3567 = tpu.vector_load %arg20[%get3A_3565, %get3A_3566] {strides = array<i32>} : memref<128x128xf32, #tpu.memory_space<vmem>>, vector<1x16xf32>,
      %get3A_3568 = vector.shape_cast %get3A_3567 : vector<1x16xf32> to vector<16xf32>
      %get3A_3569 = arith.constant 116 : i32
      %get3A_3570 = arith.index_cast %get3A_3569 : i32 to index
      %get3A_3571 = arith.constant 0 : index
      %get3A_3572 = tpu.vector_load %arg21[%get3A_3570, %get3A_3571] {strides = array<i32>} : memref<128x128xf32, #tpu.memory_space<vmem>>, vector<1x16xf32>,
      %get3A_3573 = vector.shape_cast %get3A_3572 : vector<1x16xf32> to vector<16xf32>
      %add3A_3574 = arith.addf %get3A_3568, %get3A_3573 : vector<16xf32>
      %get3A_3575 = arith.constant 116 : i32
      %get3A_3576 = arith.index_cast %get3A_3575 : i32 to index
      %get3A_3577 = arith.constant 0 : index
      %get3A_3578 = tpu.vector_load %arg22[%get3A_3576, %get3A_3577] {strides = array<i32>} : memref<128x128xf32, #tpu.memory_space<vmem>>, vector<1x16xf32>,
      %get3A_3579 = vector.shape_cast %get3A_3578 : vector<1x16xf32> to vector<16xf32>
      %get3A_3580 = arith.constant 116 : i32
      %get3A_3581 = arith.index_cast %get3A_3580 : i32 to index
      %get3A_3582 = arith.constant 0 : index
      %get3A_3583 = tpu.vector_load %arg23[%get3A_3581, %get3A_3582] {strides = array<i32>} : memref<128x128xf32, #tpu.memory_space<vmem>>, vector<1x16xf32>,
      %get3A_3584 = vector.shape_cast %get3A_3583 : vector<1x16xf32> to vector<16xf32>
      %add3A_3585 = arith.addf %get3A_3579, %get3A_3584 : vector<16xf32>
      %add3A_3586 = arith.addf %add3A_3574, %add3A_3585 : vector<16xf32>
      %swap3A_3587 = arith.constant 116 : i32
      %swap3A_3588 = arith.index_cast %swap3A_3587 : i32 to index
      %swap3A_3589 = arith.constant 0 : index
      %swap3A_3590 = tpu.vector_load %arg24[%swap3A_3588, %swap3A_3589] {strides = array<i32>} : memref<128x16xf32, #tpu.memory_space<vmem>>, vector<1x16xf32>,
      %swap3A_3591 = vector.shape_cast %swap3A_3590 : vector<1x16xf32> to vector<16xf32>
      %swap3A_3592 = vector.shape_cast %add3A_3586 : vector<16xf32> to vector<1x16xf32>
      tpu.vector_store %arg24[%swap3A_3588, %swap3A_3589], %swap3A_3592 {strides = array<i32>} : memref<128x16xf32, #tpu.memory_space<vmem>>, vector<1x16xf32>,
      %get3A_3593 = arith.constant 117 : i32
      %get3A_3594 = arith.index_cast %get3A_3593 : i32 to index
      %get3A_3595 = arith.constant 0 : index
      %get3A_3596 = tpu.vector_load %arg20[%get3A_3594, %get3A_3595] {strides = array<i32>} : memref<128x128xf32, #tpu.memory_space<vmem>>, vector<1x16xf32>,
      %get3A_3597 = vector.shape_cast %get3A_3596 : vector<1x16xf32> to vector<16xf32>
      %get3A_3598 = arith.constant 117 : i32
      %get3A_3599 = arith.index_cast %get3A_3598 : i32 to index
      %get3A_3600 = arith.constant 0 : index
      %get3A_3601 = tpu.vector_load %arg21[%get3A_3599, %get3A_3600] {strides = array<i32>} : memref<128x128xf32, #tpu.memory_space<vmem>>, vector<1x16xf32>,
      %get3A_3602 = vector.shape_cast %get3A_3601 : vector<1x16xf32> to vector<16xf32>
      %add3A_3603 = arith.addf %get3A_3597, %get3A_3602 : vector<16xf32>
      %get3A_3604 = arith.constant 117 : i32
      %get3A_3605 = arith.index_cast %get3A_3604 : i32 to index
      %get3A_3606 = arith.constant 0 : index
      %get3A_3607 = tpu.vector_load %arg22[%get3A_3605, %get3A_3606] {strides = array<i32>} : memref<128x128xf32, #tpu.memory_space<vmem>>, vector<1x16xf32>,
      %get3A_3608 = vector.shape_cast %get3A_3607 : vector<1x16xf32> to vector<16xf32>
      %get3A_3609 = arith.constant 117 : i32
      %get3A_3610 = arith.index_cast %get3A_3609 : i32 to index
      %get3A_3611 = arith.constant 0 : index
      %get3A_3612 = tpu.vector_load %arg23[%get3A_3610, %get3A_3611] {strides = array<i32>} : memref<128x128xf32, #tpu.memory_space<vmem>>, vector<1x16xf32>,
      %get3A_3613 = vector.shape_cast %get3A_3612 : vector<1x16xf32> to vector<16xf32>
      %add3A_3614 = arith.addf %get3A_3608, %get3A_3613 : vector<16xf32>
      %add3A_3615 = arith.addf %add3A_3603, %add3A_3614 : vector<16xf32>
      %swap3A_3616 = arith.constant 117 : i32
      %swap3A_3617 = arith.index_cast %swap3A_3616 : i32 to index
      %swap3A_3618 = arith.constant 0 : index
      %swap3A_3619 = tpu.vector_load %arg24[%swap3A_3617, %swap3A_3618] {strides = array<i32>} : memref<128x16xf32, #tpu.memory_space<vmem>>, vector<1x16xf32>,
      %swap3A_3620 = vector.shape_cast %swap3A_3619 : vector<1x16xf32> to vector<16xf32>
      %swap3A_3621 = vector.shape_cast %add3A_3615 : vector<16xf32> to vector<1x16xf32>
      tpu.vector_store %arg24[%swap3A_3617, %swap3A_3618], %swap3A_3621 {strides = array<i32>} : memref<128x16xf32, #tpu.memory_space<vmem>>, vector<1x16xf32>,
      %get3A_3622 = arith.constant 118 : i32
      %get3A_3623 = arith.index_cast %get3A_3622 : i32 to index
      %get3A_3624 = arith.constant 0 : index
      %get3A_3625 = tpu.vector_load %arg20[%get3A_3623, %get3A_3624] {strides = array<i32>} : memref<128x128xf32, #tpu.memory_space<vmem>>, vector<1x16xf32>,
      %get3A_3626 = vector.shape_cast %get3A_3625 : vector<1x16xf32> to vector<16xf32>
      %get3A_3627 = arith.constant 118 : i32
      %get3A_3628 = arith.index_cast %get3A_3627 : i32 to index
      %get3A_3629 = arith.constant 0 : index
      %get3A_3630 = tpu.vector_load %arg21[%get3A_3628, %get3A_3629] {strides = array<i32>} : memref<128x128xf32, #tpu.memory_space<vmem>>, vector<1x16xf32>,
      %get3A_3631 = vector.shape_cast %get3A_3630 : vector<1x16xf32> to vector<16xf32>
      %add3A_3632 = arith.addf %get3A_3626, %get3A_3631 : vector<16xf32>
      %get3A_3633 = arith.constant 118 : i32
      %get3A_3634 = arith.index_cast %get3A_3633 : i32 to index
      %get3A_3635 = arith.constant 0 : index
      %get3A_3636 = tpu.vector_load %arg22[%get3A_3634, %get3A_3635] {strides = array<i32>} : memref<128x128xf32, #tpu.memory_space<vmem>>, vector<1x16xf32>,
      %get3A_3637 = vector.shape_cast %get3A_3636 : vector<1x16xf32> to vector<16xf32>
      %get3A_3638 = arith.constant 118 : i32
      %get3A_3639 = arith.index_cast %get3A_3638 : i32 to index
      %get3A_3640 = arith.constant 0 : index
      %get3A_3641 = tpu.vector_load %arg23[%get3A_3639, %get3A_3640] {strides = array<i32>} : memref<128x128xf32, #tpu.memory_space<vmem>>, vector<1x16xf32>,
      %get3A_3642 = vector.shape_cast %get3A_3641 : vector<1x16xf32> to vector<16xf32>
      %add3A_3643 = arith.addf %get3A_3637, %get3A_3642 : vector<16xf32>
      %add3A_3644 = arith.addf %add3A_3632, %add3A_3643 : vector<16xf32>
      %swap3A_3645 = arith.constant 118 : i32
      %swap3A_3646 = arith.index_cast %swap3A_3645 : i32 to index
      %swap3A_3647 = arith.constant 0 : index
      %swap3A_3648 = tpu.vector_load %arg24[%swap3A_3646, %swap3A_3647] {strides = array<i32>} : memref<128x16xf32, #tpu.memory_space<vmem>>, vector<1x16xf32>,
      %swap3A_3649 = vector.shape_cast %swap3A_3648 : vector<1x16xf32> to vector<16xf32>
      %swap3A_3650 = vector.shape_cast %add3A_3644 : vector<16xf32> to vector<1x16xf32>
      tpu.vector_store %arg24[%swap3A_3646, %swap3A_3647], %swap3A_3650 {strides = array<i32>} : memref<128x16xf32, #tpu.memory_space<vmem>>, vector<1x16xf32>,
      %get3A_3651 = arith.constant 119 : i32
      %get3A_3652 = arith.index_cast %get3A_3651 : i32 to index
      %get3A_3653 = arith.constant 0 : index
      %get3A_3654 = tpu.vector_load %arg20[%get3A_3652, %get3A_3653] {strides = array<i32>} : memref<128x128xf32, #tpu.memory_space<vmem>>, vector<1x16xf32>,
      %get3A_3655 = vector.shape_cast %get3A_3654 : vector<1x16xf32> to vector<16xf32>
      %get3A_3656 = arith.constant 119 : i32
      %get3A_3657 = arith.index_cast %get3A_3656 : i32 to index
      %get3A_3658 = arith.constant 0 : index
      %get3A_3659 = tpu.vector_load %arg21[%get3A_3657, %get3A_3658] {strides = array<i32>} : memref<128x128xf32, #tpu.memory_space<vmem>>, vector<1x16xf32>,
      %get3A_3660 = vector.shape_cast %get3A_3659 : vector<1x16xf32> to vector<16xf32>
      %add3A_3661 = arith.addf %get3A_3655, %get3A_3660 : vector<16xf32>
      %get3A_3662 = arith.constant 119 : i32
      %get3A_3663 = arith.index_cast %get3A_3662 : i32 to index
      %get3A_3664 = arith.constant 0 : index
      %get3A_3665 = tpu.vector_load %arg22[%get3A_3663, %get3A_3664] {strides = array<i32>} : memref<128x128xf32, #tpu.memory_space<vmem>>, vector<1x16xf32>,
      %get3A_3666 = vector.shape_cast %get3A_3665 : vector<1x16xf32> to vector<16xf32>
      %get3A_3667 = arith.constant 119 : i32
      %get3A_3668 = arith.index_cast %get3A_3667 : i32 to index
      %get3A_3669 = arith.constant 0 : index
      %get3A_3670 = tpu.vector_load %arg23[%get3A_3668, %get3A_3669] {strides = array<i32>} : memref<128x128xf32, #tpu.memory_space<vmem>>, vector<1x16xf32>,
      %get3A_3671 = vector.shape_cast %get3A_3670 : vector<1x16xf32> to vector<16xf32>
      %add3A_3672 = arith.addf %get3A_3666, %get3A_3671 : vector<16xf32>
      %add3A_3673 = arith.addf %add3A_3661, %add3A_3672 : vector<16xf32>
      %swap3A_3674 = arith.constant 119 : i32
      %swap3A_3675 = arith.index_cast %swap3A_3674 : i32 to index
      %swap3A_3676 = arith.constant 0 : index
      %swap3A_3677 = tpu.vector_load %arg24[%swap3A_3675, %swap3A_3676] {strides = array<i32>} : memref<128x16xf32, #tpu.memory_space<vmem>>, vector<1x16xf32>,
      %swap3A_3678 = vector.shape_cast %swap3A_3677 : vector<1x16xf32> to vector<16xf32>
      %swap3A_3679 = vector.shape_cast %add3A_3673 : vector<16xf32> to vector<1x16xf32>
      tpu.vector_store %arg24[%swap3A_3675, %swap3A_3676], %swap3A_3679 {strides = array<i32>} : memref<128x16xf32, #tpu.memory_space<vmem>>, vector<1x16xf32>,
      %get3A_3680 = arith.constant 120 : i32
      %get3A_3681 = arith.index_cast %get3A_3680 : i32 to index
      %get3A_3682 = arith.constant 0 : index
      %get3A_3683 = tpu.vector_load %arg20[%get3A_3681, %get3A_3682] {strides = array<i32>} : memref<128x128xf32, #tpu.memory_space<vmem>>, vector<1x16xf32>,
      %get3A_3684 = vector.shape_cast %get3A_3683 : vector<1x16xf32> to vector<16xf32>
      %get3A_3685 = arith.constant 120 : i32
      %get3A_3686 = arith.index_cast %get3A_3685 : i32 to index
      %get3A_3687 = arith.constant 0 : index
      %get3A_3688 = tpu.vector_load %arg21[%get3A_3686, %get3A_3687] {strides = array<i32>} : memref<128x128xf32, #tpu.memory_space<vmem>>, vector<1x16xf32>,
      %get3A_3689 = vector.shape_cast %get3A_3688 : vector<1x16xf32> to vector<16xf32>
      %add3A_3690 = arith.addf %get3A_3684, %get3A_3689 : vector<16xf32>
      %get3A_3691 = arith.constant 120 : i32
      %get3A_3692 = arith.index_cast %get3A_3691 : i32 to index
      %get3A_3693 = arith.constant 0 : index
      %get3A_3694 = tpu.vector_load %arg22[%get3A_3692, %get3A_3693] {strides = array<i32>} : memref<128x128xf32, #tpu.memory_space<vmem>>, vector<1x16xf32>,
      %get3A_3695 = vector.shape_cast %get3A_3694 : vector<1x16xf32> to vector<16xf32>
      %get3A_3696 = arith.constant 120 : i32
      %get3A_3697 = arith.index_cast %get3A_3696 : i32 to index
      %get3A_3698 = arith.constant 0 : index
      %get3A_3699 = tpu.vector_load %arg23[%get3A_3697, %get3A_3698] {strides = array<i32>} : memref<128x128xf32, #tpu.memory_space<vmem>>, vector<1x16xf32>,
      %get3A_3700 = vector.shape_cast %get3A_3699 : vector<1x16xf32> to vector<16xf32>
      %add3A_3701 = arith.addf %get3A_3695, %get3A_3700 : vector<16xf32>
      %add3A_3702 = arith.addf %add3A_3690, %add3A_3701 : vector<16xf32>
      %swap3A_3703 = arith.constant 120 : i32
      %swap3A_3704 = arith.index_cast %swap3A_3703 : i32 to index
      %swap3A_3705 = arith.constant 0 : index
      %swap3A_3706 = tpu.vector_load %arg24[%swap3A_3704, %swap3A_3705] {strides = array<i32>} : memref<128x16xf32, #tpu.memory_space<vmem>>, vector<1x16xf32>,
      %swap3A_3707 = vector.shape_cast %swap3A_3706 : vector<1x16xf32> to vector<16xf32>
      %swap3A_3708 = vector.shape_cast %add3A_3702 : vector<16xf32> to vector<1x16xf32>
      tpu.vector_store %arg24[%swap3A_3704, %swap3A_3705], %swap3A_3708 {strides = array<i32>} : memref<128x16xf32, #tpu.memory_space<vmem>>, vector<1x16xf32>,
      %get3A_3709 = arith.constant 121 : i32
      %get3A_3710 = arith.index_cast %get3A_3709 : i32 to index
      %get3A_3711 = arith.constant 0 : index
      %get3A_3712 = tpu.vector_load %arg20[%get3A_3710, %get3A_3711] {strides = array<i32>} : memref<128x128xf32, #tpu.memory_space<vmem>>, vector<1x16xf32>,
      %get3A_3713 = vector.shape_cast %get3A_3712 : vector<1x16xf32> to vector<16xf32>
      %get3A_3714 = arith.constant 121 : i32
      %get3A_3715 = arith.index_cast %get3A_3714 : i32 to index
      %get3A_3716 = arith.constant 0 : index
      %get3A_3717 = tpu.vector_load %arg21[%get3A_3715, %get3A_3716] {strides = array<i32>} : memref<128x128xf32, #tpu.memory_space<vmem>>, vector<1x16xf32>,
      %get3A_3718 = vector.shape_cast %get3A_3717 : vector<1x16xf32> to vector<16xf32>
      %add3A_3719 = arith.addf %get3A_3713, %get3A_3718 : vector<16xf32>
      %get3A_3720 = arith.constant 121 : i32
      %get3A_3721 = arith.index_cast %get3A_3720 : i32 to index
      %get3A_3722 = arith.constant 0 : index
      %get3A_3723 = tpu.vector_load %arg22[%get3A_3721, %get3A_3722] {strides = array<i32>} : memref<128x128xf32, #tpu.memory_space<vmem>>, vector<1x16xf32>,
      %get3A_3724 = vector.shape_cast %get3A_3723 : vector<1x16xf32> to vector<16xf32>
      %get3A_3725 = arith.constant 121 : i32
      %get3A_3726 = arith.index_cast %get3A_3725 : i32 to index
      %get3A_3727 = arith.constant 0 : index
      %get3A_3728 = tpu.vector_load %arg23[%get3A_3726, %get3A_3727] {strides = array<i32>} : memref<128x128xf32, #tpu.memory_space<vmem>>, vector<1x16xf32>,
      %get3A_3729 = vector.shape_cast %get3A_3728 : vector<1x16xf32> to vector<16xf32>
      %add3A_3730 = arith.addf %get3A_3724, %get3A_3729 : vector<16xf32>
      %add3A_3731 = arith.addf %add3A_3719, %add3A_3730 : vector<16xf32>
      %swap3A_3732 = arith.constant 121 : i32
      %swap3A_3733 = arith.index_cast %swap3A_3732 : i32 to index
      %swap3A_3734 = arith.constant 0 : index
      %swap3A_3735 = tpu.vector_load %arg24[%swap3A_3733, %swap3A_3734] {strides = array<i32>} : memref<128x16xf32, #tpu.memory_space<vmem>>, vector<1x16xf32>,
      %swap3A_3736 = vector.shape_cast %swap3A_3735 : vector<1x16xf32> to vector<16xf32>
      %swap3A_3737 = vector.shape_cast %add3A_3731 : vector<16xf32> to vector<1x16xf32>
      tpu.vector_store %arg24[%swap3A_3733, %swap3A_3734], %swap3A_3737 {strides = array<i32>} : memref<128x16xf32, #tpu.memory_space<vmem>>, vector<1x16xf32>,
      %get3A_3738 = arith.constant 122 : i32
      %get3A_3739 = arith.index_cast %get3A_3738 : i32 to index
      %get3A_3740 = arith.constant 0 : index
      %get3A_3741 = tpu.vector_load %arg20[%get3A_3739, %get3A_3740] {strides = array<i32>} : memref<128x128xf32, #tpu.memory_space<vmem>>, vector<1x16xf32>,
      %get3A_3742 = vector.shape_cast %get3A_3741 : vector<1x16xf32> to vector<16xf32>
      %get3A_3743 = arith.constant 122 : i32
      %get3A_3744 = arith.index_cast %get3A_3743 : i32 to index
      %get3A_3745 = arith.constant 0 : index
      %get3A_3746 = tpu.vector_load %arg21[%get3A_3744, %get3A_3745] {strides = array<i32>} : memref<128x128xf32, #tpu.memory_space<vmem>>, vector<1x16xf32>,
      %get3A_3747 = vector.shape_cast %get3A_3746 : vector<1x16xf32> to vector<16xf32>
      %add3A_3748 = arith.addf %get3A_3742, %get3A_3747 : vector<16xf32>
      %get3A_3749 = arith.constant 122 : i32
      %get3A_3750 = arith.index_cast %get3A_3749 : i32 to index
      %get3A_3751 = arith.constant 0 : index
      %get3A_3752 = tpu.vector_load %arg22[%get3A_3750, %get3A_3751] {strides = array<i32>} : memref<128x128xf32, #tpu.memory_space<vmem>>, vector<1x16xf32>,
      %get3A_3753 = vector.shape_cast %get3A_3752 : vector<1x16xf32> to vector<16xf32>
      %get3A_3754 = arith.constant 122 : i32
      %get3A_3755 = arith.index_cast %get3A_3754 : i32 to index
      %get3A_3756 = arith.constant 0 : index
      %get3A_3757 = tpu.vector_load %arg23[%get3A_3755, %get3A_3756] {strides = array<i32>} : memref<128x128xf32, #tpu.memory_space<vmem>>, vector<1x16xf32>,
      %get3A_3758 = vector.shape_cast %get3A_3757 : vector<1x16xf32> to vector<16xf32>
      %add3A_3759 = arith.addf %get3A_3753, %get3A_3758 : vector<16xf32>
      %add3A_3760 = arith.addf %add3A_3748, %add3A_3759 : vector<16xf32>
      %swap3A_3761 = arith.constant 122 : i32
      %swap3A_3762 = arith.index_cast %swap3A_3761 : i32 to index
      %swap3A_3763 = arith.constant 0 : index
      %swap3A_3764 = tpu.vector_load %arg24[%swap3A_3762, %swap3A_3763] {strides = array<i32>} : memref<128x16xf32, #tpu.memory_space<vmem>>, vector<1x16xf32>,
      %swap3A_3765 = vector.shape_cast %swap3A_3764 : vector<1x16xf32> to vector<16xf32>
      %swap3A_3766 = vector.shape_cast %add3A_3760 : vector<16xf32> to vector<1x16xf32>
      tpu.vector_store %arg24[%swap3A_3762, %swap3A_3763], %swap3A_3766 {strides = array<i32>} : memref<128x16xf32, #tpu.memory_space<vmem>>, vector<1x16xf32>,
      %get3A_3767 = arith.constant 123 : i32
      %get3A_3768 = arith.index_cast %get3A_3767 : i32 to index
      %get3A_3769 = arith.constant 0 : index
      %get3A_3770 = tpu.vector_load %arg20[%get3A_3768, %get3A_3769] {strides = array<i32>} : memref<128x128xf32, #tpu.memory_space<vmem>>, vector<1x16xf32>,
      %get3A_3771 = vector.shape_cast %get3A_3770 : vector<1x16xf32> to vector<16xf32>
      %get3A_3772 = arith.constant 123 : i32
      %get3A_3773 = arith.index_cast %get3A_3772 : i32 to index
      %get3A_3774 = arith.constant 0 : index
      %get3A_3775 = tpu.vector_load %arg21[%get3A_3773, %get3A_3774] {strides = array<i32>} : memref<128x128xf32, #tpu.memory_space<vmem>>, vector<1x16xf32>,
      %get3A_3776 = vector.shape_cast %get3A_3775 : vector<1x16xf32> to vector<16xf32>
      %add3A_3777 = arith.addf %get3A_3771, %get3A_3776 : vector<16xf32>
      %get3A_3778 = arith.constant 123 : i32
      %get3A_3779 = arith.index_cast %get3A_3778 : i32 to index
      %get3A_3780 = arith.constant 0 : index
      %get3A_3781 = tpu.vector_load %arg22[%get3A_3779, %get3A_3780] {strides = array<i32>} : memref<128x128xf32, #tpu.memory_space<vmem>>, vector<1x16xf32>,
      %get3A_3782 = vector.shape_cast %get3A_3781 : vector<1x16xf32> to vector<16xf32>
      %get3A_3783 = arith.constant 123 : i32
      %get3A_3784 = arith.index_cast %get3A_3783 : i32 to index
      %get3A_3785 = arith.constant 0 : index
      %get3A_3786 = tpu.vector_load %arg23[%get3A_3784, %get3A_3785] {strides = array<i32>} : memref<128x128xf32, #tpu.memory_space<vmem>>, vector<1x16xf32>,
      %get3A_3787 = vector.shape_cast %get3A_3786 : vector<1x16xf32> to vector<16xf32>
      %add3A_3788 = arith.addf %get3A_3782, %get3A_3787 : vector<16xf32>
      %add3A_3789 = arith.addf %add3A_3777, %add3A_3788 : vector<16xf32>
      %swap3A_3790 = arith.constant 123 : i32
      %swap3A_3791 = arith.index_cast %swap3A_3790 : i32 to index
      %swap3A_3792 = arith.constant 0 : index
      %swap3A_3793 = tpu.vector_load %arg24[%swap3A_3791, %swap3A_3792] {strides = array<i32>} : memref<128x16xf32, #tpu.memory_space<vmem>>, vector<1x16xf32>,
      %swap3A_3794 = vector.shape_cast %swap3A_3793 : vector<1x16xf32> to vector<16xf32>
      %swap3A_3795 = vector.shape_cast %add3A_3789 : vector<16xf32> to vector<1x16xf32>
      tpu.vector_store %arg24[%swap3A_3791, %swap3A_3792], %swap3A_3795 {strides = array<i32>} : memref<128x16xf32, #tpu.memory_space<vmem>>, vector<1x16xf32>,
      %get3A_3796 = arith.constant 124 : i32
      %get3A_3797 = arith.index_cast %get3A_3796 : i32 to index
      %get3A_3798 = arith.constant 0 : index
      %get3A_3799 = tpu.vector_load %arg20[%get3A_3797, %get3A_3798] {strides = array<i32>} : memref<128x128xf32, #tpu.memory_space<vmem>>, vector<1x16xf32>,
      %get3A_3800 = vector.shape_cast %get3A_3799 : vector<1x16xf32> to vector<16xf32>
      %get3A_3801 = arith.constant 124 : i32
      %get3A_3802 = arith.index_cast %get3A_3801 : i32 to index
      %get3A_3803 = arith.constant 0 : index
      %get3A_3804 = tpu.vector_load %arg21[%get3A_3802, %get3A_3803] {strides = array<i32>} : memref<128x128xf32, #tpu.memory_space<vmem>>, vector<1x16xf32>,
      %get3A_3805 = vector.shape_cast %get3A_3804 : vector<1x16xf32> to vector<16xf32>
      %add3A_3806 = arith.addf %get3A_3800, %get3A_3805 : vector<16xf32>
      %get3A_3807 = arith.constant 124 : i32
      %get3A_3808 = arith.index_cast %get3A_3807 : i32 to index
      %get3A_3809 = arith.constant 0 : index
      %get3A_3810 = tpu.vector_load %arg22[%get3A_3808, %get3A_3809] {strides = array<i32>} : memref<128x128xf32, #tpu.memory_space<vmem>>, vector<1x16xf32>,
      %get3A_3811 = vector.shape_cast %get3A_3810 : vector<1x16xf32> to vector<16xf32>
      %get3A_3812 = arith.constant 124 : i32
      %get3A_3813 = arith.index_cast %get3A_3812 : i32 to index
      %get3A_3814 = arith.constant 0 : index
      %get3A_3815 = tpu.vector_load %arg23[%get3A_3813, %get3A_3814] {strides = array<i32>} : memref<128x128xf32, #tpu.memory_space<vmem>>, vector<1x16xf32>,
      %get3A_3816 = vector.shape_cast %get3A_3815 : vector<1x16xf32> to vector<16xf32>
      %add3A_3817 = arith.addf %get3A_3811, %get3A_3816 : vector<16xf32>
      %add3A_3818 = arith.addf %add3A_3806, %add3A_3817 : vector<16xf32>
      %swap3A_3819 = arith.constant 124 : i32
      %swap3A_3820 = arith.index_cast %swap3A_3819 : i32 to index
      %swap3A_3821 = arith.constant 0 : index
      %swap3A_3822 = tpu.vector_load %arg24[%swap3A_3820, %swap3A_3821] {strides = array<i32>} : memref<128x16xf32, #tpu.memory_space<vmem>>, vector<1x16xf32>,
      %swap3A_3823 = vector.shape_cast %swap3A_3822 : vector<1x16xf32> to vector<16xf32>
      %swap3A_3824 = vector.shape_cast %add3A_3818 : vector<16xf32> to vector<1x16xf32>
      tpu.vector_store %arg24[%swap3A_3820, %swap3A_3821], %swap3A_3824 {strides = array<i32>} : memref<128x16xf32, #tpu.memory_space<vmem>>, vector<1x16xf32>,
      %get3A_3825 = arith.constant 125 : i32
      %get3A_3826 = arith.index_cast %get3A_3825 : i32 to index
      %get3A_3827 = arith.constant 0 : index
      %get3A_3828 = tpu.vector_load %arg20[%get3A_3826, %get3A_3827] {strides = array<i32>} : memref<128x128xf32, #tpu.memory_space<vmem>>, vector<1x16xf32>,
      %get3A_3829 = vector.shape_cast %get3A_3828 : vector<1x16xf32> to vector<16xf32>
      %get3A_3830 = arith.constant 125 : i32
      %get3A_3831 = arith.index_cast %get3A_3830 : i32 to index
      %get3A_3832 = arith.constant 0 : index
      %get3A_3833 = tpu.vector_load %arg21[%get3A_3831, %get3A_3832] {strides = array<i32>} : memref<128x128xf32, #tpu.memory_space<vmem>>, vector<1x16xf32>,
      %get3A_3834 = vector.shape_cast %get3A_3833 : vector<1x16xf32> to vector<16xf32>
      %add3A_3835 = arith.addf %get3A_3829, %get3A_3834 : vector<16xf32>
      %get3A_3836 = arith.constant 125 : i32
      %get3A_3837 = arith.index_cast %get3A_3836 : i32 to index
      %get3A_3838 = arith.constant 0 : index
      %get3A_3839 = tpu.vector_load %arg22[%get3A_3837, %get3A_3838] {strides = array<i32>} : memref<128x128xf32, #tpu.memory_space<vmem>>, vector<1x16xf32>,
      %get3A_3840 = vector.shape_cast %get3A_3839 : vector<1x16xf32> to vector<16xf32>
      %get3A_3841 = arith.constant 125 : i32
      %get3A_3842 = arith.index_cast %get3A_3841 : i32 to index
      %get3A_3843 = arith.constant 0 : index
      %get3A_3844 = tpu.vector_load %arg23[%get3A_3842, %get3A_3843] {strides = array<i32>} : memref<128x128xf32, #tpu.memory_space<vmem>>, vector<1x16xf32>,
      %get3A_3845 = vector.shape_cast %get3A_3844 : vector<1x16xf32> to vector<16xf32>
      %add3A_3846 = arith.addf %get3A_3840, %get3A_3845 : vector<16xf32>
      %add3A_3847 = arith.addf %add3A_3835, %add3A_3846 : vector<16xf32>
      %swap3A_3848 = arith.constant 125 : i32
      %swap3A_3849 = arith.index_cast %swap3A_3848 : i32 to index
      %swap3A_3850 = arith.constant 0 : index
      %swap3A_3851 = tpu.vector_load %arg24[%swap3A_3849, %swap3A_3850] {strides = array<i32>} : memref<128x16xf32, #tpu.memory_space<vmem>>, vector<1x16xf32>,
      %swap3A_3852 = vector.shape_cast %swap3A_3851 : vector<1x16xf32> to vector<16xf32>
      %swap3A_3853 = vector.shape_cast %add3A_3847 : vector<16xf32> to vector<1x16xf32>
      tpu.vector_store %arg24[%swap3A_3849, %swap3A_3850], %swap3A_3853 {strides = array<i32>} : memref<128x16xf32, #tpu.memory_space<vmem>>, vector<1x16xf32>,
      %get3A_3854 = arith.constant 126 : i32
      %get3A_3855 = arith.index_cast %get3A_3854 : i32 to index
      %get3A_3856 = arith.constant 0 : index
      %get3A_3857 = tpu.vector_load %arg20[%get3A_3855, %get3A_3856] {strides = array<i32>} : memref<128x128xf32, #tpu.memory_space<vmem>>, vector<1x16xf32>,
      %get3A_3858 = vector.shape_cast %get3A_3857 : vector<1x16xf32> to vector<16xf32>
      %get3A_3859 = arith.constant 126 : i32
      %get3A_3860 = arith.index_cast %get3A_3859 : i32 to index
      %get3A_3861 = arith.constant 0 : index
      %get3A_3862 = tpu.vector_load %arg21[%get3A_3860, %get3A_3861] {strides = array<i32>} : memref<128x128xf32, #tpu.memory_space<vmem>>, vector<1x16xf32>,
      %get3A_3863 = vector.shape_cast %get3A_3862 : vector<1x16xf32> to vector<16xf32>
      %add3A_3864 = arith.addf %get3A_3858, %get3A_3863 : vector<16xf32>
      %get3A_3865 = arith.constant 126 : i32
      %get3A_3866 = arith.index_cast %get3A_3865 : i32 to index
      %get3A_3867 = arith.constant 0 : index
      %get3A_3868 = tpu.vector_load %arg22[%get3A_3866, %get3A_3867] {strides = array<i32>} : memref<128x128xf32, #tpu.memory_space<vmem>>, vector<1x16xf32>,
      %get3A_3869 = vector.shape_cast %get3A_3868 : vector<1x16xf32> to vector<16xf32>
      %get3A_3870 = arith.constant 126 : i32
      %get3A_3871 = arith.index_cast %get3A_3870 : i32 to index
      %get3A_3872 = arith.constant 0 : index
      %get3A_3873 = tpu.vector_load %arg23[%get3A_3871, %get3A_3872] {strides = array<i32>} : memref<128x128xf32, #tpu.memory_space<vmem>>, vector<1x16xf32>,
      %get3A_3874 = vector.shape_cast %get3A_3873 : vector<1x16xf32> to vector<16xf32>
      %add3A_3875 = arith.addf %get3A_3869, %get3A_3874 : vector<16xf32>
      %add3A_3876 = arith.addf %add3A_3864, %add3A_3875 : vector<16xf32>
      %swap3A_3877 = arith.constant 126 : i32
      %swap3A_3878 = arith.index_cast %swap3A_3877 : i32 to index
      %swap3A_3879 = arith.constant 0 : index
      %swap3A_3880 = tpu.vector_load %arg24[%swap3A_3878, %swap3A_3879] {strides = array<i32>} : memref<128x16xf32, #tpu.memory_space<vmem>>, vector<1x16xf32>,
      %swap3A_3881 = vector.shape_cast %swap3A_3880 : vector<1x16xf32> to vector<16xf32>
      %swap3A_3882 = vector.shape_cast %add3A_3876 : vector<16xf32> to vector<1x16xf32>
      tpu.vector_store %arg24[%swap3A_3878, %swap3A_3879], %swap3A_3882 {strides = array<i32>} : memref<128x16xf32, #tpu.memory_space<vmem>>, vector<1x16xf32>,
      %get3A_3883 = arith.constant 127 : i32
      %get3A_3884 = arith.index_cast %get3A_3883 : i32 to index
      %get3A_3885 = arith.constant 0 : index
      %get3A_3886 = tpu.vector_load %arg20[%get3A_3884, %get3A_3885] {strides = array<i32>} : memref<128x128xf32, #tpu.memory_space<vmem>>, vector<1x16xf32>,
      %get3A_3887 = vector.shape_cast %get3A_3886 : vector<1x16xf32> to vector<16xf32>
      %get3A_3888 = arith.constant 127 : i32
      %get3A_3889 = arith.index_cast %get3A_3888 : i32 to index
      %get3A_3890 = arith.constant 0 : index
      %get3A_3891 = tpu.vector_load %arg21[%get3A_3889, %get3A_3890] {strides = array<i32>} : memref<128x128xf32, #tpu.memory_space<vmem>>, vector<1x16xf32>,
      %get3A_3892 = vector.shape_cast %get3A_3891 : vector<1x16xf32> to vector<16xf32>
      %add3A_3893 = arith.addf %get3A_3887, %get3A_3892 : vector<16xf32>
      %get3A_3894 = arith.constant 127 : i32
      %get3A_3895 = arith.index_cast %get3A_3894 : i32 to index
      %get3A_3896 = arith.constant 0 : index
      %get3A_3897 = tpu.vector_load %arg22[%get3A_3895, %get3A_3896] {strides = array<i32>} : memref<128x128xf32, #tpu.memory_space<vmem>>, vector<1x16xf32>,
      %get3A_3898 = vector.shape_cast %get3A_3897 : vector<1x16xf32> to vector<16xf32>
      %get3A_3899 = arith.constant 127 : i32
      %get3A_3900 = arith.index_cast %get3A_3899 : i32 to index
      %get3A_3901 = arith.constant 0 : index
      %get3A_3902 = tpu.vector_load %arg23[%get3A_3900, %get3A_3901] {strides = array<i32>} : memref<128x128xf32, #tpu.memory_space<vmem>>, vector<1x16xf32>,
      %get3A_3903 = vector.shape_cast %get3A_3902 : vector<1x16xf32> to vector<16xf32>
      %add3A_3904 = arith.addf %get3A_3898, %get3A_3903 : vector<16xf32>
      %add3A_3905 = arith.addf %add3A_3893, %add3A_3904 : vector<16xf32>
      %swap3A_3906 = arith.constant 127 : i32
      %swap3A_3907 = arith.index_cast %swap3A_3906 : i32 to index
      %swap3A_3908 = arith.constant 0 : index
      %swap3A_3909 = tpu.vector_load %arg24[%swap3A_3907, %swap3A_3908] {strides = array<i32>} : memref<128x16xf32, #tpu.memory_space<vmem>>, vector<1x16xf32>,
      %swap3A_3910 = vector.shape_cast %swap3A_3909 : vector<1x16xf32> to vector<16xf32>
      %swap3A_3911 = vector.shape_cast %add3A_3905 : vector<16xf32> to vector<1x16xf32>
      tpu.vector_store %arg24[%swap3A_3907, %swap3A_3908], %swap3A_3911 {strides = array<i32>} : memref<128x16xf32, #tpu.memory_space<vmem>>, vector<1x16xf32>,
      "tpu.region"() ({
        %run_scoped3A = tpu.sem_alloc : memref<!tpu.dma_semaphore, #tpu.memory_space<semaphore_mem>>
        %dma_start3A_3912 = arith.constant 0 : i32
        %dma_start3A_3913 = tpu.memref_slice %arg12[%add3A_11, %dma_start3A_3912] : memref<819200x16xf32, #tpu.memory_space<hbm>> -> memref<128x16xf32, #tpu.memory_space<hbm>>
        %dma_start3A_3914 = arith.constant 0 : i32
        %dma_start3A_3915 = tpu.memref_slice %arg12[%add3A_11, %dma_start3A_3914] : memref<819200x16xf32, #tpu.memory_space<hbm>> -> memref<128x16xf32, #tpu.memory_space<hbm>>
        tpu.enqueue_dma source(%arg24 : memref<128x16xf32, #tpu.memory_space<vmem>>) target(%dma_start3A_3915 : memref<128x16xf32, #tpu.memory_space<hbm>>) target_semaphore(%run_scoped3A : memref<!tpu.dma_semaphore, #tpu.memory_space<semaphore_mem>>)
        %dma_wait3A_3916 = arith.constant 0 : i32
        %dma_wait3A_3917 = tpu.memref_slice %arg12[%add3A_11, %dma_wait3A_3916] : memref<819200x16xf32, #tpu.memory_space<hbm>> -> memref<128x16xf32, #tpu.memory_space<hbm>>
        %dma_wait3A_3918 = arith.constant 0 : i32
        %dma_wait3A_3919 = tpu.memref_slice %arg12[%add3A_11, %dma_wait3A_3918] : memref<819200x16xf32, #tpu.memory_space<hbm>> -> memref<128x16xf32, #tpu.memory_space<hbm>>
        tpu.wait_dma2 semaphore(%run_scoped3A : memref<!tpu.dma_semaphore, #tpu.memory_space<semaphore_mem>>) src(%arg24 : memref<128x16xf32, #tpu.memory_space<vmem>>) dst(%dma_wait3A_3919 : memref<128x16xf32, #tpu.memory_space<hbm>>)
        tpu.yield
      }) : () -> ()
    }
    %scan3A_7 = arith.constant 200 : i32
    return
  }
}

module attributes {stable_mosaic.version = 14 : i64} {
  func.func @_prep_body(%arg0: memref<1000x4xf32, #tpu.memory_space<vmem>>, %arg1: memref<200x2xf32, #tpu.memory_space<vmem>>, %arg2: memref<1000x2xf32, #tpu.memory_space<vmem>>, %arg3: memref<2x2xf32, #tpu.memory_space<vmem>>, %arg4: memref<4x2xf32, #tpu.memory_space<vmem>>, %arg5: memref<8x4xf32, #tpu.memory_space<vmem>>, %arg6: memref<8xf32, #tpu.memory_space<vmem>>, %arg7: memref<8x2xf32, #tpu.memory_space<vmem>>, %arg8: memref<8xf32, #tpu.memory_space<vmem>>, %arg9: memref<8x4xf32, #tpu.memory_space<vmem>>, %arg10: memref<8xf32, #tpu.memory_space<vmem>>, %arg11: memref<8x2xf32, #tpu.memory_space<vmem>>, %arg12: memref<8xf32, #tpu.memory_space<vmem>>, %arg13: memref<8x2xf32, #tpu.memory_space<vmem>>, %arg14: memref<8xf32, #tpu.memory_space<vmem>>, %arg15: memref<1000x128xf32, #tpu.memory_space<vmem>>, %arg16: memref<1000x128xf32, #tpu.memory_space<vmem>>, %arg17: memref<8x200x128xf32, #tpu.memory_space<vmem>>) attributes {dimension_semantics = [], scalar_prefetch = 0 : i64, scratch_operands = 0 : i64, tpu.core_type = #tpu.core_type<tc>} {
    %get3A = arith.constant 0 : index
    %get3A_0 = arith.constant 0 : index
    %get3A_1 = vector.load %arg0[%get3A, %get3A_0] : memref<1000x4xf32, #tpu.memory_space<vmem>>, vector<1000x4xf32>
    %get3A_2 = arith.constant 0 : index
    %get3A_3 = arith.constant 0 : index
    %get3A_4 = vector.load %arg5[%get3A_2, %get3A_3] : memref<8x4xf32, #tpu.memory_space<vmem>>, vector<8x4xf32>
    %dot_general3A = arith.constant dense<0.000000e+00> : vector<1000x8xf32>
    %dot_general3A_5 = tpu.matmul %get3A_1, %get3A_4, %dot_general3A {dimension_numbers = #tpu.dot_dimension_numbers<[1], [1], [0], [0], [0, 0, 1, 0], [], []>, precision = #tpu.contract_precision<fp32>, transpose_lhs_hint = false} : vector<1000x4xf32>, vector<8x4xf32>, vector<1000x8xf32> -> vector<1000x8xf32>
    %get3A_6 = arith.constant 0 : index
    %get3A_7 = vector.load %arg6[%get3A_6] : memref<8xf32, #tpu.memory_space<vmem>>, vector<8xf32>
    %broadcast_in_dim3A = vector.shape_cast %get3A_7 : vector<8xf32> to vector<1x8xf32>
    %add3A = vector.broadcast %broadcast_in_dim3A : vector<1x8xf32> to vector<1000x8xf32>
    %add3A_8 = arith.addf %dot_general3A_5, %add3A : vector<1000x8xf32>
    %jit3A = arith.constant 0 : i32
    %convert_element_type3A = arith.sitofp %jit3A : i32 to f32
    %pad3A = vector.broadcast %convert_element_type3A : f32 to vector<1000x120xf32>
    %pad3A_9 = tpu.concatenate %add3A_8, %pad3A in 1 : vector<1000x8xf32>, vector<1000x120xf32> -> vector<1000x128xf32>
    %swap3A = arith.constant 0 : index
    %swap3A_10 = arith.constant 0 : index
    %swap3A_11 = vector.load %arg15[%swap3A, %swap3A_10] : memref<1000x128xf32, #tpu.memory_space<vmem>>, vector<1000x128xf32>
    tpu.vector_store %arg15[%swap3A, %swap3A_10], %pad3A_9 {strides = array<i32>} : memref<1000x128xf32, #tpu.memory_space<vmem>>, vector<1000x128xf32>,
    %get3A_12 = arith.constant 0 : index
    %get3A_13 = arith.constant 0 : index
    %get3A_14 = vector.load %arg2[%get3A_12, %get3A_13] : memref<1000x2xf32, #tpu.memory_space<vmem>>, vector<1000x2xf32>
    %get3A_15 = arith.constant 0 : index
    %get3A_16 = arith.constant 0 : index
    %get3A_17 = vector.load %arg9[%get3A_15, %get3A_16] : memref<8x4xf32, #tpu.memory_space<vmem>>, vector<8x4xf32>
    %slice3A = vector.extract_strided_slice %get3A_17 {offsets = [0, 0], sizes = [8, 2], strides = [1, 1]} : vector<8x4xf32> to vector<8x2xf32>
    %dot_general3A_18 = arith.constant dense<0.000000e+00> : vector<1000x8xf32>
    %dot_general3A_19 = tpu.matmul %get3A_14, %slice3A, %dot_general3A_18 {dimension_numbers = #tpu.dot_dimension_numbers<[1], [1], [0], [0], [0, 0, 1, 0], [], []>, precision = #tpu.contract_precision<fp32>, transpose_lhs_hint = false} : vector<1000x2xf32>, vector<8x2xf32>, vector<1000x8xf32> -> vector<1000x8xf32>
    %get3A_20 = arith.constant 0 : index
    %get3A_21 = vector.load %arg10[%get3A_20] : memref<8xf32, #tpu.memory_space<vmem>>, vector<8xf32>
    %broadcast_in_dim3A_22 = vector.shape_cast %get3A_21 : vector<8xf32> to vector<1x8xf32>
    %add3A_23 = vector.broadcast %broadcast_in_dim3A_22 : vector<1x8xf32> to vector<1000x8xf32>
    %add3A_24 = arith.addf %dot_general3A_19, %add3A_23 : vector<1000x8xf32>
    %jit3A_25 = arith.constant 0 : i32
    %convert_element_type3A_26 = arith.sitofp %jit3A_25 : i32 to f32
    %pad3A_27 = vector.broadcast %convert_element_type3A_26 : f32 to vector<1000x120xf32>
    %pad3A_28 = tpu.concatenate %add3A_24, %pad3A_27 in 1 : vector<1000x8xf32>, vector<1000x120xf32> -> vector<1000x128xf32>
    %swap3A_29 = arith.constant 0 : index
    %swap3A_30 = arith.constant 0 : index
    %swap3A_31 = vector.load %arg16[%swap3A_29, %swap3A_30] : memref<1000x128xf32, #tpu.memory_space<vmem>>, vector<1000x128xf32>
    tpu.vector_store %arg16[%swap3A_29, %swap3A_30], %pad3A_28 {strides = array<i32>} : memref<1000x128xf32, #tpu.memory_space<vmem>>, vector<1000x128xf32>,
    %get3A_32 = arith.constant 0 : index
    %get3A_33 = arith.constant 0 : index
    %get3A_34 = vector.load %arg1[%get3A_32, %get3A_33] : memref<200x2xf32, #tpu.memory_space<vmem>>, vector<200x2xf32>
    %get3A_35 = arith.constant 0 : index
    %get3A_36 = arith.constant 0 : index
    %get3A_37 = vector.load %arg7[%get3A_35, %get3A_36] : memref<8x2xf32, #tpu.memory_space<vmem>>, vector<8x2xf32>
    %dot_general3A_38 = arith.constant dense<0.000000e+00> : vector<200x8xf32>
    %dot_general3A_39 = tpu.matmul %get3A_34, %get3A_37, %dot_general3A_38 {dimension_numbers = #tpu.dot_dimension_numbers<[1], [1], [0], [0], [0, 0, 1, 0], [], []>, precision = #tpu.contract_precision<fp32>, transpose_lhs_hint = false} : vector<200x2xf32>, vector<8x2xf32>, vector<200x8xf32> -> vector<200x8xf32>
    %get3A_40 = arith.constant 0 : index
    %get3A_41 = arith.constant 0 : index
    %get3A_42 = vector.load %arg3[%get3A_40, %get3A_41] : memref<2x2xf32, #tpu.memory_space<vmem>>, vector<2x2xf32>
    %get3A_43 = arith.constant 0 : index
    %get3A_44 = arith.constant 0 : index
    %get3A_45 = vector.load %arg11[%get3A_43, %get3A_44] : memref<8x2xf32, #tpu.memory_space<vmem>>, vector<8x2xf32>
    %dot_general3A_46 = arith.constant dense<0.000000e+00> : vector<2x8xf32>
    %dot_general3A_47 = tpu.matmul %get3A_42, %get3A_45, %dot_general3A_46 {dimension_numbers = #tpu.dot_dimension_numbers<[1], [1], [0], [0], [0, 0, 1, 0], [], []>, precision = #tpu.contract_precision<fp32>, transpose_lhs_hint = false} : vector<2x2xf32>, vector<8x2xf32>, vector<2x8xf32> -> vector<2x8xf32>
    %get3A_48 = arith.constant 0 : index
    %get3A_49 = arith.constant 0 : index
    %get3A_50 = vector.load %arg4[%get3A_48, %get3A_49] : memref<4x2xf32, #tpu.memory_space<vmem>>, vector<4x2xf32>
    %get3A_51 = arith.constant 0 : index
    %get3A_52 = arith.constant 0 : index
    %get3A_53 = vector.load %arg13[%get3A_51, %get3A_52] : memref<8x2xf32, #tpu.memory_space<vmem>>, vector<8x2xf32>
    %dot_general3A_54 = arith.constant dense<0.000000e+00> : vector<4x8xf32>
    %dot_general3A_55 = tpu.matmul %get3A_50, %get3A_53, %dot_general3A_54 {dimension_numbers = #tpu.dot_dimension_numbers<[1], [1], [0], [0], [0, 0, 1, 0], [], []>, precision = #tpu.contract_precision<fp32>, transpose_lhs_hint = false} : vector<4x2xf32>, vector<8x2xf32>, vector<4x8xf32> -> vector<4x8xf32>
    %get3A_56 = arith.constant 0 : index
    %get3A_57 = vector.load %arg8[%get3A_56] : memref<8xf32, #tpu.memory_space<vmem>>, vector<8xf32>
    %get3A_58 = arith.constant 0 : index
    %get3A_59 = vector.load %arg12[%get3A_58] : memref<8xf32, #tpu.memory_space<vmem>>, vector<8xf32>
    %add3A_60 = arith.addf %get3A_57, %get3A_59 : vector<8xf32>
    %get3A_61 = arith.constant 0 : index
    %get3A_62 = vector.load %arg14[%get3A_61] : memref<8xf32, #tpu.memory_space<vmem>>, vector<8xf32>
    %add3A_63 = arith.addf %add3A_60, %get3A_62 : vector<8xf32>
    %slice3A_64 = vector.extract_strided_slice %dot_general3A_47 {offsets = [0, 0], sizes = [1, 8], strides = [1, 1]} : vector<2x8xf32> to vector<1x8xf32>
    %squeeze3A = vector.shape_cast %slice3A_64 : vector<1x8xf32> to vector<8xf32>
    %slice3A_65 = vector.extract_strided_slice %dot_general3A_55 {offsets = [0, 0], sizes = [1, 8], strides = [1, 1]} : vector<4x8xf32> to vector<1x8xf32>
    %squeeze3A_66 = vector.shape_cast %slice3A_65 : vector<1x8xf32> to vector<8xf32>
    %add3A_67 = arith.addf %squeeze3A, %squeeze3A_66 : vector<8xf32>
    %add3A_68 = arith.addf %add3A_67, %add3A_63 : vector<8xf32>
    %broadcast_in_dim3A_69 = vector.shape_cast %add3A_68 : vector<8xf32> to vector<1x8xf32>
    %add3A_70 = vector.broadcast %broadcast_in_dim3A_69 : vector<1x8xf32> to vector<200x8xf32>
    %add3A_71 = arith.addf %dot_general3A_39, %add3A_70 : vector<200x8xf32>
    %jit3A_72 = arith.constant 0 : i32
    %convert_element_type3A_73 = arith.sitofp %jit3A_72 : i32 to f32
    %pad3A_74 = vector.broadcast %convert_element_type3A_73 : f32 to vector<200x120xf32>
    %pad3A_75 = tpu.concatenate %add3A_71, %pad3A_74 in 1 : vector<200x8xf32>, vector<200x120xf32> -> vector<200x128xf32>
    %swap3A_76 = arith.constant 0 : index
    %swap3A_77 = arith.constant 0 : index
    %swap3A_78 = arith.constant 0 : index
    %swap3A_79 = vector.load %arg17[%swap3A_76, %swap3A_77, %swap3A_78] : memref<8x200x128xf32, #tpu.memory_space<vmem>>, vector<1x200x128xf32>
    %swap3A_80 = vector.shape_cast %swap3A_79 : vector<1x200x128xf32> to vector<200x128xf32>
    %swap3A_81 = vector.shape_cast %pad3A_75 : vector<200x128xf32> to vector<1x200x128xf32>
    tpu.vector_store %arg17[%swap3A_76, %swap3A_77, %swap3A_78], %swap3A_81 {strides = array<i32>} : memref<8x200x128xf32, #tpu.memory_space<vmem>>, vector<1x200x128xf32>,
    %slice3A_82 = vector.extract_strided_slice %dot_general3A_47 {offsets = [0, 0], sizes = [1, 8], strides = [1, 1]} : vector<2x8xf32> to vector<1x8xf32>
    %squeeze3A_83 = vector.shape_cast %slice3A_82 : vector<1x8xf32> to vector<8xf32>
    %slice3A_84 = vector.extract_strided_slice %dot_general3A_55 {offsets = [1, 0], sizes = [1, 8], strides = [1, 1]} : vector<4x8xf32> to vector<1x8xf32>
    %squeeze3A_85 = vector.shape_cast %slice3A_84 : vector<1x8xf32> to vector<8xf32>
    %add3A_86 = arith.addf %squeeze3A_83, %squeeze3A_85 : vector<8xf32>
    %add3A_87 = arith.addf %add3A_86, %add3A_63 : vector<8xf32>
    %broadcast_in_dim3A_88 = vector.shape_cast %add3A_87 : vector<8xf32> to vector<1x8xf32>
    %add3A_89 = vector.broadcast %broadcast_in_dim3A_88 : vector<1x8xf32> to vector<200x8xf32>
    %add3A_90 = arith.addf %dot_general3A_39, %add3A_89 : vector<200x8xf32>
    %jit3A_91 = arith.constant 0 : i32
    %convert_element_type3A_92 = arith.sitofp %jit3A_91 : i32 to f32
    %pad3A_93 = vector.broadcast %convert_element_type3A_92 : f32 to vector<200x120xf32>
    %pad3A_94 = tpu.concatenate %add3A_90, %pad3A_93 in 1 : vector<200x8xf32>, vector<200x120xf32> -> vector<200x128xf32>
    %swap3A_95 = arith.constant 1 : index
    %swap3A_96 = arith.constant 0 : index
    %swap3A_97 = arith.constant 0 : index
    %swap3A_98 = vector.load %arg17[%swap3A_95, %swap3A_96, %swap3A_97] : memref<8x200x128xf32, #tpu.memory_space<vmem>>, vector<1x200x128xf32>
    %swap3A_99 = vector.shape_cast %swap3A_98 : vector<1x200x128xf32> to vector<200x128xf32>
    %swap3A_100 = vector.shape_cast %pad3A_94 : vector<200x128xf32> to vector<1x200x128xf32>
    tpu.vector_store %arg17[%swap3A_95, %swap3A_96, %swap3A_97], %swap3A_100 {strides = array<i32>} : memref<8x200x128xf32, #tpu.memory_space<vmem>>, vector<1x200x128xf32>,
    %slice3A_101 = vector.extract_strided_slice %dot_general3A_47 {offsets = [0, 0], sizes = [1, 8], strides = [1, 1]} : vector<2x8xf32> to vector<1x8xf32>
    %squeeze3A_102 = vector.shape_cast %slice3A_101 : vector<1x8xf32> to vector<8xf32>
    %slice3A_103 = vector.extract_strided_slice %dot_general3A_55 {offsets = [2, 0], sizes = [1, 8], strides = [1, 1]} : vector<4x8xf32> to vector<1x8xf32>
    %squeeze3A_104 = vector.shape_cast %slice3A_103 : vector<1x8xf32> to vector<8xf32>
    %add3A_105 = arith.addf %squeeze3A_102, %squeeze3A_104 : vector<8xf32>
    %add3A_106 = arith.addf %add3A_105, %add3A_63 : vector<8xf32>
    %broadcast_in_dim3A_107 = vector.shape_cast %add3A_106 : vector<8xf32> to vector<1x8xf32>
    %add3A_108 = vector.broadcast %broadcast_in_dim3A_107 : vector<1x8xf32> to vector<200x8xf32>
    %add3A_109 = arith.addf %dot_general3A_39, %add3A_108 : vector<200x8xf32>
    %jit3A_110 = arith.constant 0 : i32
    %convert_element_type3A_111 = arith.sitofp %jit3A_110 : i32 to f32
    %pad3A_112 = vector.broadcast %convert_element_type3A_111 : f32 to vector<200x120xf32>
    %pad3A_113 = tpu.concatenate %add3A_109, %pad3A_112 in 1 : vector<200x8xf32>, vector<200x120xf32> -> vector<200x128xf32>
    %swap3A_114 = arith.constant 2 : index
    %swap3A_115 = arith.constant 0 : index
    %swap3A_116 = arith.constant 0 : index
    %swap3A_117 = vector.load %arg17[%swap3A_114, %swap3A_115, %swap3A_116] : memref<8x200x128xf32, #tpu.memory_space<vmem>>, vector<1x200x128xf32>
    %swap3A_118 = vector.shape_cast %swap3A_117 : vector<1x200x128xf32> to vector<200x128xf32>
    %swap3A_119 = vector.shape_cast %pad3A_113 : vector<200x128xf32> to vector<1x200x128xf32>
    tpu.vector_store %arg17[%swap3A_114, %swap3A_115, %swap3A_116], %swap3A_119 {strides = array<i32>} : memref<8x200x128xf32, #tpu.memory_space<vmem>>, vector<1x200x128xf32>,
    %slice3A_120 = vector.extract_strided_slice %dot_general3A_47 {offsets = [0, 0], sizes = [1, 8], strides = [1, 1]} : vector<2x8xf32> to vector<1x8xf32>
    %squeeze3A_121 = vector.shape_cast %slice3A_120 : vector<1x8xf32> to vector<8xf32>
    %slice3A_122 = vector.extract_strided_slice %dot_general3A_55 {offsets = [3, 0], sizes = [1, 8], strides = [1, 1]} : vector<4x8xf32> to vector<1x8xf32>
    %squeeze3A_123 = vector.shape_cast %slice3A_122 : vector<1x8xf32> to vector<8xf32>
    %add3A_124 = arith.addf %squeeze3A_121, %squeeze3A_123 : vector<8xf32>
    %add3A_125 = arith.addf %add3A_124, %add3A_63 : vector<8xf32>
    %broadcast_in_dim3A_126 = vector.shape_cast %add3A_125 : vector<8xf32> to vector<1x8xf32>
    %add3A_127 = vector.broadcast %broadcast_in_dim3A_126 : vector<1x8xf32> to vector<200x8xf32>
    %add3A_128 = arith.addf %dot_general3A_39, %add3A_127 : vector<200x8xf32>
    %jit3A_129 = arith.constant 0 : i32
    %convert_element_type3A_130 = arith.sitofp %jit3A_129 : i32 to f32
    %pad3A_131 = vector.broadcast %convert_element_type3A_130 : f32 to vector<200x120xf32>
    %pad3A_132 = tpu.concatenate %add3A_128, %pad3A_131 in 1 : vector<200x8xf32>, vector<200x120xf32> -> vector<200x128xf32>
    %swap3A_133 = arith.constant 3 : index
    %swap3A_134 = arith.constant 0 : index
    %swap3A_135 = arith.constant 0 : index
    %swap3A_136 = vector.load %arg17[%swap3A_133, %swap3A_134, %swap3A_135] : memref<8x200x128xf32, #tpu.memory_space<vmem>>, vector<1x200x128xf32>
    %swap3A_137 = vector.shape_cast %swap3A_136 : vector<1x200x128xf32> to vector<200x128xf32>
    %swap3A_138 = vector.shape_cast %pad3A_132 : vector<200x128xf32> to vector<1x200x128xf32>
    tpu.vector_store %arg17[%swap3A_133, %swap3A_134, %swap3A_135], %swap3A_138 {strides = array<i32>} : memref<8x200x128xf32, #tpu.memory_space<vmem>>, vector<1x200x128xf32>,
    %slice3A_139 = vector.extract_strided_slice %dot_general3A_47 {offsets = [1, 0], sizes = [1, 8], strides = [1, 1]} : vector<2x8xf32> to vector<1x8xf32>
    %squeeze3A_140 = vector.shape_cast %slice3A_139 : vector<1x8xf32> to vector<8xf32>
    %slice3A_141 = vector.extract_strided_slice %dot_general3A_55 {offsets = [0, 0], sizes = [1, 8], strides = [1, 1]} : vector<4x8xf32> to vector<1x8xf32>
    %squeeze3A_142 = vector.shape_cast %slice3A_141 : vector<1x8xf32> to vector<8xf32>
    %add3A_143 = arith.addf %squeeze3A_140, %squeeze3A_142 : vector<8xf32>
    %add3A_144 = arith.addf %add3A_143, %add3A_63 : vector<8xf32>
    %broadcast_in_dim3A_145 = vector.shape_cast %add3A_144 : vector<8xf32> to vector<1x8xf32>
    %add3A_146 = vector.broadcast %broadcast_in_dim3A_145 : vector<1x8xf32> to vector<200x8xf32>
    %add3A_147 = arith.addf %dot_general3A_39, %add3A_146 : vector<200x8xf32>
    %jit3A_148 = arith.constant 0 : i32
    %convert_element_type3A_149 = arith.sitofp %jit3A_148 : i32 to f32
    %pad3A_150 = vector.broadcast %convert_element_type3A_149 : f32 to vector<200x120xf32>
    %pad3A_151 = tpu.concatenate %add3A_147, %pad3A_150 in 1 : vector<200x8xf32>, vector<200x120xf32> -> vector<200x128xf32>
    %swap3A_152 = arith.constant 4 : index
    %swap3A_153 = arith.constant 0 : index
    %swap3A_154 = arith.constant 0 : index
    %swap3A_155 = vector.load %arg17[%swap3A_152, %swap3A_153, %swap3A_154] : memref<8x200x128xf32, #tpu.memory_space<vmem>>, vector<1x200x128xf32>
    %swap3A_156 = vector.shape_cast %swap3A_155 : vector<1x200x128xf32> to vector<200x128xf32>
    %swap3A_157 = vector.shape_cast %pad3A_151 : vector<200x128xf32> to vector<1x200x128xf32>
    tpu.vector_store %arg17[%swap3A_152, %swap3A_153, %swap3A_154], %swap3A_157 {strides = array<i32>} : memref<8x200x128xf32, #tpu.memory_space<vmem>>, vector<1x200x128xf32>,
    %slice3A_158 = vector.extract_strided_slice %dot_general3A_47 {offsets = [1, 0], sizes = [1, 8], strides = [1, 1]} : vector<2x8xf32> to vector<1x8xf32>
    %squeeze3A_159 = vector.shape_cast %slice3A_158 : vector<1x8xf32> to vector<8xf32>
    %slice3A_160 = vector.extract_strided_slice %dot_general3A_55 {offsets = [1, 0], sizes = [1, 8], strides = [1, 1]} : vector<4x8xf32> to vector<1x8xf32>
    %squeeze3A_161 = vector.shape_cast %slice3A_160 : vector<1x8xf32> to vector<8xf32>
    %add3A_162 = arith.addf %squeeze3A_159, %squeeze3A_161 : vector<8xf32>
    %add3A_163 = arith.addf %add3A_162, %add3A_63 : vector<8xf32>
    %broadcast_in_dim3A_164 = vector.shape_cast %add3A_163 : vector<8xf32> to vector<1x8xf32>
    %add3A_165 = vector.broadcast %broadcast_in_dim3A_164 : vector<1x8xf32> to vector<200x8xf32>
    %add3A_166 = arith.addf %dot_general3A_39, %add3A_165 : vector<200x8xf32>
    %jit3A_167 = arith.constant 0 : i32
    %convert_element_type3A_168 = arith.sitofp %jit3A_167 : i32 to f32
    %pad3A_169 = vector.broadcast %convert_element_type3A_168 : f32 to vector<200x120xf32>
    %pad3A_170 = tpu.concatenate %add3A_166, %pad3A_169 in 1 : vector<200x8xf32>, vector<200x120xf32> -> vector<200x128xf32>
    %swap3A_171 = arith.constant 5 : index
    %swap3A_172 = arith.constant 0 : index
    %swap3A_173 = arith.constant 0 : index
    %swap3A_174 = vector.load %arg17[%swap3A_171, %swap3A_172, %swap3A_173] : memref<8x200x128xf32, #tpu.memory_space<vmem>>, vector<1x200x128xf32>
    %swap3A_175 = vector.shape_cast %swap3A_174 : vector<1x200x128xf32> to vector<200x128xf32>
    %swap3A_176 = vector.shape_cast %pad3A_170 : vector<200x128xf32> to vector<1x200x128xf32>
    tpu.vector_store %arg17[%swap3A_171, %swap3A_172, %swap3A_173], %swap3A_176 {strides = array<i32>} : memref<8x200x128xf32, #tpu.memory_space<vmem>>, vector<1x200x128xf32>,
    %slice3A_177 = vector.extract_strided_slice %dot_general3A_47 {offsets = [1, 0], sizes = [1, 8], strides = [1, 1]} : vector<2x8xf32> to vector<1x8xf32>
    %squeeze3A_178 = vector.shape_cast %slice3A_177 : vector<1x8xf32> to vector<8xf32>
    %slice3A_179 = vector.extract_strided_slice %dot_general3A_55 {offsets = [2, 0], sizes = [1, 8], strides = [1, 1]} : vector<4x8xf32> to vector<1x8xf32>
    %squeeze3A_180 = vector.shape_cast %slice3A_179 : vector<1x8xf32> to vector<8xf32>
    %add3A_181 = arith.addf %squeeze3A_178, %squeeze3A_180 : vector<8xf32>
    %add3A_182 = arith.addf %add3A_181, %add3A_63 : vector<8xf32>
    %broadcast_in_dim3A_183 = vector.shape_cast %add3A_182 : vector<8xf32> to vector<1x8xf32>
    %add3A_184 = vector.broadcast %broadcast_in_dim3A_183 : vector<1x8xf32> to vector<200x8xf32>
    %add3A_185 = arith.addf %dot_general3A_39, %add3A_184 : vector<200x8xf32>
    %jit3A_186 = arith.constant 0 : i32
    %convert_element_type3A_187 = arith.sitofp %jit3A_186 : i32 to f32
    %pad3A_188 = vector.broadcast %convert_element_type3A_187 : f32 to vector<200x120xf32>
    %pad3A_189 = tpu.concatenate %add3A_185, %pad3A_188 in 1 : vector<200x8xf32>, vector<200x120xf32> -> vector<200x128xf32>
    %swap3A_190 = arith.constant 6 : index
    %swap3A_191 = arith.constant 0 : index
    %swap3A_192 = arith.constant 0 : index
    %swap3A_193 = vector.load %arg17[%swap3A_190, %swap3A_191, %swap3A_192] : memref<8x200x128xf32, #tpu.memory_space<vmem>>, vector<1x200x128xf32>
    %swap3A_194 = vector.shape_cast %swap3A_193 : vector<1x200x128xf32> to vector<200x128xf32>
    %swap3A_195 = vector.shape_cast %pad3A_189 : vector<200x128xf32> to vector<1x200x128xf32>
    tpu.vector_store %arg17[%swap3A_190, %swap3A_191, %swap3A_192], %swap3A_195 {strides = array<i32>} : memref<8x200x128xf32, #tpu.memory_space<vmem>>, vector<1x200x128xf32>,
    %slice3A_196 = vector.extract_strided_slice %dot_general3A_47 {offsets = [1, 0], sizes = [1, 8], strides = [1, 1]} : vector<2x8xf32> to vector<1x8xf32>
    %squeeze3A_197 = vector.shape_cast %slice3A_196 : vector<1x8xf32> to vector<8xf32>
    %slice3A_198 = vector.extract_strided_slice %dot_general3A_55 {offsets = [3, 0], sizes = [1, 8], strides = [1, 1]} : vector<4x8xf32> to vector<1x8xf32>
    %squeeze3A_199 = vector.shape_cast %slice3A_198 : vector<1x8xf32> to vector<8xf32>
    %add3A_200 = arith.addf %squeeze3A_197, %squeeze3A_199 : vector<8xf32>
    %add3A_201 = arith.addf %add3A_200, %add3A_63 : vector<8xf32>
    %broadcast_in_dim3A_202 = vector.shape_cast %add3A_201 : vector<8xf32> to vector<1x8xf32>
    %add3A_203 = vector.broadcast %broadcast_in_dim3A_202 : vector<1x8xf32> to vector<200x8xf32>
    %add3A_204 = arith.addf %dot_general3A_39, %add3A_203 : vector<200x8xf32>
    %jit3A_205 = arith.constant 0 : i32
    %convert_element_type3A_206 = arith.sitofp %jit3A_205 : i32 to f32
    %pad3A_207 = vector.broadcast %convert_element_type3A_206 : f32 to vector<200x120xf32>
    %pad3A_208 = tpu.concatenate %add3A_204, %pad3A_207 in 1 : vector<200x8xf32>, vector<200x120xf32> -> vector<200x128xf32>
    %swap3A_209 = arith.constant 7 : index
    %swap3A_210 = arith.constant 0 : index
    %swap3A_211 = arith.constant 0 : index
    %swap3A_212 = vector.load %arg17[%swap3A_209, %swap3A_210, %swap3A_211] : memref<8x200x128xf32, #tpu.memory_space<vmem>>, vector<1x200x128xf32>
    %swap3A_213 = vector.shape_cast %swap3A_212 : vector<1x200x128xf32> to vector<200x128xf32>
    %swap3A_214 = vector.shape_cast %pad3A_208 : vector<200x128xf32> to vector<1x200x128xf32>
    tpu.vector_store %arg17[%swap3A_209, %swap3A_210, %swap3A_211], %swap3A_214 {strides = array<i32>} : memref<8x200x128xf32, #tpu.memory_space<vmem>>, vector<1x200x128xf32>,
    return
  }
}

</mosaic_0001>

<sc_bundles>
// kernel: kernel.4.cloned.1.call-start
scs
__scs_entry_jumppad:
0x0: {  	(pc) =	sbr.rel $0x88, $3  }
0x1: {  	(tag) =	ssettag $0x0;
	lr =	simm.s32 $0x1  }
0x2: {  	[smem:$0x3F8B] =	sst lr;
	_ =	strace $0xD0000000  }
0x3: {  	_ = 	snop  }
0x4: {  	_ = 	snop  }
0x5: {  	_ = 	snop  }
0x6: {  	_ = 	snop  }
0x7: {  	_ = 	snop  }
__scs_overlays_trampoline_lowered:
0x8: {  	[smem:$0x3F9A] =	sst s0  }
0x9: {  	[smem:$0x3F9B] =	sst s1  }
0xa: {  	[smem:$0x3F9C] =	sst s2  }
0xb: {  	[smem:$0x3F9D] =	sst s3  }
0xc: {  	[smem:$0x3F9E] =	sst s4  }
0xd: {  	[smem:$0x3F9F] =	sst s5  }
0xe: {  	[smem:$0x3FA0] =	sst s6  }
0xf: {  	[smem:$0x3FA1] =	sst s7  }
0x10: {  	[smem:$0x3FA2] =	sst s8  }
0x11: {  	[smem:$0x3FA3] =	sst s9;
	s0 =	simm.s32 @!p0 $0x0  }
0x12: {  	s1 =	sld [smem:$0x3F89];
	s0 =	simm.s32 @p0 $0x1  }
0x13: {  	[smem:$0x3FA4] =	sst s0;
	s0 =	simm.s32 @!p1 $0x0  }
0x14: {  	s2 =	sld [smem:$0x3F88];
	s0 =	simm.s32 @p1 $0x1  }
0x15: {  	[smem:$0x3FA5] =	sst s0;
	s0 =	simm.s32 @!p2 $0x0  }
0x16: {  	s3 =	sld [smem:$0x3FDB];
	s0 =	simm.s32 @p2 $0x1  }
0x17: {  	s4 =	simm.s32 $0x1BF5;
	[smem:$0x3FA7] =	sst s0  }
0x18: {  	s0 =	sld [smem:$0x3F8A];
	_ =	swait.ge [sflag:s4], $0x0  }
0x19: {  	s7 =	sld [smem:$0x3F8B]  }
0x1a: {  	s8 =	sadd.s32 $0xFFFFE003, lr  }
0x1b: {  	s9 =	sadd.s32 $0xFFFFFEF7, lr;
	s5 =	simm.s32 $0xFFFFFFFF;
	p2 =	slt.u32 s8, $0xFFFFF086  }
0x1c: {  	p1 =	slt.u32 s9, $0xF7A;
	s5 =	simm.s32 @!p2 $0x0  }
0x1d: {  	s5 =	simm.s32 @p1 $0x1;
	p0 =	seq.s32 s7, s2  }
0x1e: {  	s7 =	smul.u32 @!p0 $0xF7A, s2;
	p2 =	seq.s32 @!p0 s5, $0x0  }
0x1f: {  	s9 =	smul.u32 $0xF7A, s1;
	s8 =	simm.s32 @!p0 $0x1BF5;
	p2 =	por !p2, p0  }
0x20: {  	[sflag:s8] =	ssyncset.s32 @!p0 $0xFFFFF086;
	s6 =	sadd.s32 @!p0 s3, s7;
	s7 =	simm.s32 @!p0 $0x108  }
0x21: {  	s3 =	sadd.s32 s3, s9;
	s6 =	sadd.s32 @!p0 $0x88, s6;
	s7 =	simm.s32 @p2 $0x1082  }
0x22: {  	[simem:s7], [sflag:s8] =	dma.local @!p0 [hbm:s6], $0xF7A  }
0x23: {  	s9 =	sor.u32 $0xD0000000, s2;
	s6 =	simm.s32 $0x108;
	_ =	swait.ge @!p0 [sflag:s8], $0x0  }
0x24: {  	s3 =	sadd.s32 $0x88, s3;
	s6 =	simm.s32 @!p1 $0x1082;
	[sflag:s4] =	ssyncset.s32 $0xFFFFF086  }
0x25: {  	[simem:s6], [sflag:s4] =	dma.local [hbm:s3], $0xF7A  }
0x26: {  	[smem:$0x3F8B] =	sst s1;
	(tag) =	ssettag s2;
	_ =	strace s9  }
0x27: {  	s1 =	sld [smem:$0x3F9B]  }
0x28: {  	s2 =	sld [smem:$0x3F9C]  }
0x29: {  	s4 =	sld [smem:$0x3F9E]  }
0x2a: {  	p0 =	seq.s32 s5, $0x0;
	s5 =	sld [smem:$0x3F9F]  }
0x2b: {  	s6 =	sld [smem:$0x3FA0]  }
0x2c: {  	s7 =	sld [smem:$0x3FA1]  }
0x2d: {  	s3 =	simm.s32 $0x108;
	s8 =	sld [smem:$0x3FA2]  }
0x2e: {  	s3 =	simm.s32 @!p0 $0x1082;
	s9 =	sld [smem:$0x3FA3]  }
0x2f: {  	lr =	sadd.s32 s0, s3;
	s0 =	sld [smem:$0x3F9A]  }
0x30: {  	s3 =	sld [smem:$0x3F9D]  }
0x31: {  	[smem:$0x3FA6] =	sst s10  }
0x32: {  	s10 =	sld [smem:$0x3FA4];
	_ =	sdelay $0x3  }
0x33: {  	p0 =	seq.s32 s10, $0x1;
	s10 =	sld [smem:$0x3FA6];
	_ =	sdelay $0x3  }
0x34: {  	[smem:$0x3FA6] =	sst s10  }
0x35: {  	s10 =	sld [smem:$0x3FA5];
	_ =	sdelay $0x3  }
0x36: {  	p1 =	seq.s32 s10, $0x1;
	s10 =	sld [smem:$0x3FA6];
	_ =	sdelay $0x3  }
0x37: {  	[smem:$0x3FA6] =	sst s10  }
0x38: {  	s10 =	sld [smem:$0x3FA7]  }
0x39: {  	_ = 	snop;
	(pc) =	sbr.ind lr, $3  }
0x3a: {  	_ = 	snop  }
0x3b: {  	_ = 	snop  }
0x3c: {  	p2 =	seq.s32 s10, $0x1;
	s10 =	sld [smem:$0x3FA6]  }
0x3d: {  	_ =	shalt  }
0x3e: {  	_ =	shalt  }
0x3f: {  	_ =	shalt  }
0x40: {  	_ =	shalt  }
0x41: {  	_ =	shalt  }
0x42: {  	_ =	shalt  }
0x43: {  	_ =	shalt  }
0x44: {  	_ =	shalt  }
0x45: {  	_ =	shalt  }
0x46: {  	_ =	shalt  }
0x47: {  	_ =	shalt  }
0x48: {  	_ =	shalt  }
0x49: {  	_ =	shalt  }
0x4a: {  	_ =	shalt  }
0x4b: {  	_ =	shalt  }
0x4c: {  	_ =	shalt  }
0x4d: {  	_ =	shalt  }
0x4e: {  	_ =	shalt  }
0x4f: {  	_ =	shalt  }
0x50: {  	_ =	shalt  }
0x51: {  	_ =	shalt  }
0x52: {  	_ =	shalt  }
0x53: {  	_ =	shalt  }
0x54: {  	_ =	shalt  }
0x55: {  	_ =	shalt  }
0x56: {  	_ =	shalt  }
0x57: {  	_ =	shalt  }
0x58: {  	_ =	shalt  }
0x59: {  	_ =	shalt  }
0x5a: {  	_ =	shalt  }
0x5b: {  	_ =	shalt  }
0x5c: {  	_ =	shalt  }
0x5d: {  	_ =	shalt  }
0x5e: {  	_ =	shalt  }
0x5f: {  	_ =	shalt  }
0x60: {  	_ =	shalt  }
0x61: {  	_ =	shalt  }
0x62: {  	_ =	shalt  }
0x63: {  	_ =	shalt  }
0x64: {  	_ =	shalt  }
0x65: {  	_ =	shalt  }
0x66: {  	_ =	shalt  }
0x67: {  	_ =	shalt  }
0x68: {  	_ =	shalt  }
0x69: {  	_ =	shalt  }
0x6a: {  	_ =	shalt  }
0x6b: {  	_ =	shalt  }
0x6c: {  	_ =	shalt  }
0x6d: {  	_ =	shalt  }
0x6e: {  	_ =	shalt  }
0x6f: {  	_ =	shalt  }
0x70: {  	_ =	shalt  }
0x71: {  	_ =	shalt  }
0x72: {  	_ =	shalt  }
0x73: {  	_ =	shalt  }
0x74: {  	_ =	shalt  }
0x75: {  	_ =	shalt  }
0x76: {  	_ =	shalt  }
0x77: {  	_ =	shalt  }
0x78: {  	_ =	shalt  }
0x79: {  	_ =	shalt  }
0x7a: {  	_ =	shalt  }
0x7b: {  	_ =	shalt  }
0x7c: {  	_ =	shalt  }
0x7d: {  	_ =	shalt  }
0x7e: {  	_ =	shalt  }
0x7f: {  	_ =	shalt  }
0x80: {  	_ =	shalt  }
0x81: {  	_ =	shalt  }
0x82: {  	_ =	shalt  }
0x83: {  	_ =	shalt  }
0x84: {  	_ =	shalt  }
0x85: {  	_ =	shalt  }
0x86: {  	_ =	shalt  }
0x87: {  	_ =	shalt  }
.Lfunc_end0:
.L_simem_size_0:
called_computation_lowered:
.L_overlay_start_0:
0x88: {  	s2 =	sld [smem:$0x3FD9]  }
0x89: {  	s3 =	sld [smem:$0x3FFE];
	_ =	sdelay $0x1  }
0x8a: {  	s1 =	srdreg.scid  }
0x8b: {  	s0 =	sand.u32 $0x1, s1  }
0x8c: {  	s17 =	sshll.u32 s0, $0xA;
	s2 =	sadd.s32 s3, s2  }
0x8d: {  	s2 =	sadd.s32 s2, s17  }
0x8e: {  	[smem:$0x3FB2] =	sst s2  }
0x8f: {  	_ = 	snop  }
0x90: {  	s2 =	sld [smem:$0x3FD0];
	(tm) =	ssettm $0x1  }
0x91: {  	s18 =	sld [smem:$0x3FFB];
	_ =	sdelay $0x3  }
0x92: {  	_ =	strace s18  }
0x93: {  	s3 =	sld [smem:$0x3FFC];
	_ =	sdelay $0x3  }
0x94: {  	_ =	strace s3  }
0x95: {  	s3 =	sld [smem:$0x3FFD];
	_ =	sdelay $0x3  }
0x96: {  	_ =	strace s3  }
0x97: {  	_ =	strace $0x8FFFFFFF  }
0x98: {  	s19 =	sld [smem:$0x3FDB];
	_ =	sdelay $0x1  }
0x99: {  	s4 =	simm.s32 $_scs_section_size  }
0x9a: {  	s5 =	simm.s32 $_size__tile_overlayer_lowered;
	s6 =	simm.s32 $_tile_overlayer_lowered  }
0x9b: {  	s22 =	simm.s32 $0x1BFF;
	s21 =	sshll.u32 s6, $0x1;
	s3 =	sadd.s32 s4, s19  }
0x9c: {  	s7 =	simm.s32 $0x0;
	s20 =	sshll.u32 s5, $0x1;
	s5 =	sadd.s32 s21, s3  }
0x9d: {  	[timem:s7], [sflag:s22] =	dma.local [hbm:s5], s20  }
0x9e: {  	_ =	swait.ge [sflag:s22], s20  }
0x9f: {  	s4 =	ssub.s32 $0x0, s20;
	[sflag:s22] =	ssyncset.done $0x0  }
0xa0: {  	[sflag:s22] =	ssyncadd.s32 s4;
	_ =	sdelay $0x1  }
0xa1: {  	s23 =	simm.s32 $0x1B8B  }
0xa2: {  	_ =	swait.ge [sflag:s23], $0x1  }
0xa3: {  	[sflag:s23] =	ssyncset.done $0x0  }
0xa4: {  	s25 =	simm.s32 $0x1B8E;
	s24 =	sld [smem:$0x3FFE];
	[sflag:s23] =	ssyncadd.s32 $0xFFFFFFFF  }
0xa5: {  	s26 =	simm.s32 $execute0_lowered;
	[smem:$0x3FD2] =	sst s25  }
0xa6: {  	s5 =	sshll.u32 s26, $0x1;
	_ =	strace $0x80000046;
	[dreg:$0x1] =	wrdreg $0xFFFFFFFF  }
0xa7: {  	s28 =	simm.s32 $_size_execute0_lowered;
	s3 =	sadd.s32 s3, s5;
	[dreg:$0x0] =	wrdreg $0x0  }
0xa8: {  	s5 =	sshll.u32 s28, $0x1;
	[dreg:$0x2] =	wrdreg s3  }
0xa9: {  	[dreg:$0x3] =	wrdreg s5  }
0xaa: {  	[dreg:$0x4] =	wrdreg $0xC0  }
0xab: {  	_ =	task [dreg:s7], $0x5FFFF  }
0xac: {  	[dreg:$0x1] =	wrdreg $0xFFFFFFFF  }
0xad: {  	[dreg:$0x0] =	wrdreg $0x60  }
0xae: {  	[dreg:$0x2] =	wrdreg s2  }
0xaf: {  	[dreg:$0x3] =	wrdreg s24  }
0xb0: {  	[dreg:$0x4] =	wrdreg $0x9  }
0xb1: {  	_ =	task.clear_ibuf [dreg:s7], $0x5FFFF;
	_ =	strace $0x90000046  }
0xb2: {  	s29 =	simm.s32 $0x9;
	_ =	strace $0x80000048  }
0xb3: {  	_ =	swait.ge [sflag:s29], $0x1  }
0xb4: {  	[sflag:s29] =	ssyncadd.s32 $0xFFFFFFFF  }
0xb5: {  	_ =	strace $0x90000048  }
0xb6: {  	_ =	sfence  }
0xb7: {  	s30 =	sld [smem:$0x0];
	_ =	sdelay $0x2  }
0xb8: {  	s31 =	sshll.u32 s1, $0xD;
	s1 =	sshrl.u32 s1, $0x2  }
0xb9: {  	s3 =	sand.u32 $0x4000, s31;
	s1 =	sadd.s32 s1, s30  }
0xba: {  	s0 =	sor.u32 s3, s0;
	s1 =	sshll.u32 s1, $0x11  }
0xbb: {  	s0 =	sor.u32 s1, s0  }
0xbc: {  	s0 =	sadd.s32 $0x8F2B, s0  }
0xbd: {  	[sflag:s0] =	ssyncadd.remote.s32 $0x1  }
0xbe: {  	_ =	sfence.sel $0xFFFF  }
0xbf: {  	[dreg:$0x0] =	wrdreg $0xFFFFFFFF;
	(pc) =	sbr.abs _section_cstart, $3  }
0xc0: {  	[dreg:$0x1] =	wrdreg $0xFFFFFFFF  }
0xc1: {  	_ =	task.clear_ibuf [dreg:s7], $0x2FFFF;
	_ =	strace $0x9FFFFFFF  }
0xc2: {  	(tm) =	ssettm $0x7FFFFFFF  }
0xc3: {  	_ =	shalt  }
tec
execute0_lowered:
.L_overlay_start_1:
0x0: {  	(tag) =	ssettag $0x1  }
0x1: {  	s1 =	srdreg.scid;
	s12 =	rddreg [dreg:$0x0]  }
0x2: {  	s0 =	stileid.u32;
	s5 =	rddreg [dreg:$0x1]  }
0x3: {  	s2 =	simm.s32 $0x0;
	s14 =	simm.s32 $0x80;
	s15 =	simm.s32 $0x100  }
0x4: {  	s16 =	simm.s32 $0x180;
	s17 =	simm.s32 $0x200;
	s18 =	simm.s32 $0x280  }
0x5: {  	s19 =	simm.s32 $0x380;
	s20 =	simm.s32 $0x4380;
	s21 =	simm.s32 $0x8380  }
0x6: {  	s22 =	simm.s32 $0x300;
	s23 =	simm.s32 $0xC380;
	s24 =	simm.s32 $0x1  }
0x7: {  	s25 =	simm.s32 $0x10380;
	s3 =	sand.u32 $0x1, s1;
	s1 =	rddreg [dreg:$0x2]  }
0x8: {  	s26 =	simm.s32 $0x0;
	s4 =	smul.u32 $0xC800, s0;
	[smem:$0x7FF] =	sst s2  }
0x9: {  	s28 =	sadd.s32 $0x205E00, s5;
	s29 =	sadd.s32 $0x85800, s5;
	s30 =	smul.u32 $0xC8000, s0  }
0xa: {  	s6 =	smul.u32 $0x6400, s3;
	_ =	strace $0x80000047;
	[dreg:$0x3] =	wrdreg s28  }
0xb: {  	s7 =	ssub.s32 $0x2, s3;
	[dreg:$0x4] =	wrdreg s29;
	s8 =	smul.u32 $0x64000, s3  }
0xc: {  	s3 =	sadd.s32 $0x89800, s5;
	s31 =	sshrl.u32 s7, $0x1;
	s4 =	sadd.s32 s6, s4  }
0xd: {  	s6 =	sadd.s32 s30, s5;
	s7 =	ssub.s32 s7, s31;
	s13 =	sshrl.u32 s4, $0x3  }
0xe: {  	s4 =	sadd.s32 $0x7F400, s5;
	s6 =	sadd.s32 s8, s6;
	s11 =	sadd.s32 s13, s5  }
0xf: {  	s5 =	smax.u32 s7, $0x1;
	s6 =	sadd.s32 $0x38C800, s6;
	s12 =	sadd.s32 s13, s12  }
0x10: {  	s13 =	simm.s32 $0x2;
	s7 =	sadd.s32 $0x66400, s11;
	s8 =	sadd.s32 $0x4D400, s11  }
0x11: {  	s9 =	sadd.s32 $0x1B400, s11;
	s10 =	sadd.s32 $0x34400, s11;
	s11 =	sadd.s32 $0x2400, s11  }
.LBB2_1:
0x12: {  	s28 =	smov.u32 s6;
	s29 =	simm.s32 $0x0  }
.LBB2_2:
0x13: {  	s30 =	sadd.s32 s29, s12  }
0x14: {  	[tilespmem:s2], [sflag:$0x2] =	stream.linear.gather [hbm4b:s30+s2], $0x80, $0x38;
	[tilespmem:$0x14380] =	vst v63  }
0x15: {  	_ =	swait.ge [sflag:s13], $0x80  }
0x16: {  	[sflag:s13] =	ssyncset.done $0x0  }
0x17: {  	s31 =	sadd.s32 s29, s11;
	[sflag:s13] =	ssyncadd.s32 $0xFFFFFF80  }
0x18: {  	[tilespmem:s14], [sflag:$0x2] =	stream.linear.gather [hbm4b:s31+s2], $0x80, $0x38;
	[tilespmem:$0x14380] =	vst v63  }
0x19: {  	_ =	swait.ge [sflag:s13], $0x80  }
0x1a: {  	[sflag:s13] =	ssyncset.done $0x0  }
0x1b: {  	s31 =	sadd.s32 s29, s10;
	[sflag:s13] =	ssyncadd.s32 $0xFFFFFF80  }
0x1c: {  	[tilespmem:s15], [sflag:$0x2] =	stream.linear.gather [hbm4b:s31+s2], $0x80, $0x38;
	[tilespmem:$0x14380] =	vst v63  }
0x1d: {  	_ =	swait.ge [sflag:s13], $0x80  }
0x1e: {  	[sflag:s13] =	ssyncset.done $0x0  }
0x1f: {  	s31 =	sadd.s32 s29, s9;
	[sflag:s13] =	ssyncadd.s32 $0xFFFFFF80  }
0x20: {  	[tilespmem:s16], [sflag:$0x2] =	stream.linear.gather [hbm4b:s31+s2], $0x80, $0x38;
	[tilespmem:$0x14380] =	vst v63  }
0x21: {  	_ =	swait.ge [sflag:s13], $0x80  }
0x22: {  	[sflag:s13] =	ssyncset.done $0x0  }
0x23: {  	s31 =	sadd.s32 s29, s8;
	[sflag:s13] =	ssyncadd.s32 $0xFFFFFF80  }
0x24: {  	[tilespmem:s17], [sflag:$0x2] =	stream.linear.gather [hbm4b:s31+s2], $0x80, $0x38;
	[tilespmem:$0x14380] =	vst v63  }
0x25: {  	_ =	swait.ge [sflag:s13], $0x80  }
0x26: {  	[sflag:s13] =	ssyncset.done $0x0  }
0x27: {  	s31 =	sadd.s32 s29, s7;
	[sflag:s13] =	ssyncadd.s32 $0xFFFFFF80  }
0x28: {  	[tilespmem:s18], [sflag:$0x2] =	stream.linear.gather [hbm4b:s31+s2], $0x80, $0x38;
	[tilespmem:$0x14380] =	vst v63  }
0x29: {  	_ =	swait.ge [sflag:s13], $0x80  }
0x2a: {  	[sflag:s13] =	ssyncset.done $0x0  }
0x2b: {  	[sflag:s13] =	ssyncadd.s32 $0xFFFFFF80  }
0x2c: {  	v0 =	vld [tilespmem:$0x200]  }
0x2d: {  	v1 =	vld [tilespmem:$0x280]  }
0x2e: {  	v2 =	vld [tilespmem:$0x180]  }
0x2f: {  	v3 =	vld [tilespmem:$0x210]  }
0x30: {  	v4 =	vld [tilespmem:$0x290]  }
0x31: {  	v5 =	vld [tilespmem:$0x190]  }
0x32: {  	v6 =	vld [tilespmem:$0x220]  }
0x33: {  	v7 =	vld [tilespmem:$0x2A0]  }
0x34: {  	v8 =	vld [tilespmem:$0x1A0]  }
0x35: {  	v9 =	vld [tilespmem:$0x230]  }
0x36: {  	v10 =	vld [tilespmem:$0x2B0]  }
0x37: {  	v11 =	vld [tilespmem:$0x1B0]  }
0x38: {  	v12 =	vld [tilespmem:$0x240]  }
0x39: {  	v13 =	vld [tilespmem:$0x2C0]  }
0x3a: {  	v15 =	vld [tilespmem:$0x250]  }
0x3b: {  	v16 =	vld [tilespmem:$0x2D0]  }
0x3c: {  	v17 =	vld [tilespmem:$0x260]  }
0x3d: {  	v18 =	vld [tilespmem:$0x2E0];
	v0 =	vmul.u32 $0x320, v0;
	v1 =	vmul.u32 $0xC8, v1;
	v3 =	vmul.u32 $0x320, v3  }
0x3e: {  	v38 =	vld [tilespmem:$0x270];
	v4 =	vmul.u32 $0xC8, v4;
	v6 =	vmul.u32 $0x320, v6;
	v7 =	vmul.u32 $0xC8, v7  }
0x3f: {  	v41 =	vld [tilespmem:$0x2F0];
	v36 =	vmul.u32 $0x320, v9;
	v37 =	vmul.u32 $0xC8, v10;
	v42 =	vmul.u32 $0x320, v12  }
0x40: {  	v44 =	vld [tilespmem:$0x1D0];
	v43 =	vmul.u32 $0xC8, v13;
	v49 =	vmul.u32 $0x320, v15;
	v0 =	vadd.s32 v0, v1  }
0x41: {  	v47 =	vld [tilespmem:$0x1E0];
	v50 =	vmul.u32 $0xC8, v16;
	v39 =	vadd.s32 v3, v4;
	v0 =	vadd.s32 v2, v0  }
0x42: {  	v14 =	vld [tilespmem:$0x1C0];
	v52 =	vmul.u32 $0x320, v17;
	v40 =	vadd.s32 v6, v7;
	v45 =	vadd.s32 v5, v39;
	[tilespmem:$0x300] =	vst v0  }
0x43: {  	v51 =	vld [tilespmem:$0x1F0];
	v53 =	vmul.u32 $0xC8, v18;
	v1 =	vadd.s32 v36, v37;
	v46 =	vadd.s32 v8, v40;
	[tilespmem:$0x310] =	vst v45  }
0x44: {  	v55 =	vmul.u32 $0x320, v38;
	v54 =	vadd.s32 v49, v50;
	v1 =	vadd.s32 v11, v1;
	[tilespmem:$0x320] =	vst v46  }
0x45: {  	v4 =	vmul.u32 $0xC8, v41;
	v57 =	vadd.s32 v52, v53;
	v56 =	vadd.s32 v44, v54;
	[tilespmem:$0x330] =	vst v1  }
0x46: {  	v48 =	vadd.s32 v42, v43;
	v58 =	vadd.s32 v47, v57;
	[tilespmem:$0x350] =	vst v56  }
0x47: {  	v0 =	vadd.s32 v14, v48;
	v59 =	vadd.s32 v55, v4;
	[tilespmem:$0x360] =	vst v58  }
0x48: {  	[tilespmem:$0x340] =	vst v0;
	v60 =	vadd.s32 v51, v59  }
0x49: {  	s30 =	rddreg [dreg:$0x3];
	[tilespmem:$0x370] =	vst v60  }
0x4a: {  	[tilespmem:s19], [sflag:$0x1] =	stream.indirect.gather [hbm4b:s30+s14], $0x80, s2, s14, $0xb8;
	[tilespmem:$0x14380] =	vst v63  }
0x4b: {  	s31 =	rddreg [dreg:$0x4]  }
0x4c: {  	[tilespmem:s20], [sflag:$0x1] =	stream.indirect.gather [hbm4b:s31+s14], $0x80, s14, s14, $0xb8;
	[tilespmem:$0x14380] =	vst v63  }
0x4d: {  	_ = 	snop  }
0x4e: {  	[tilespmem:s21], [sflag:$0x1] =	stream.indirect.gather [hbm4b:s3+s14], $0x80, s15, s14, $0xb8;
	[tilespmem:$0x14380] =	vst v63  }
0x4f: {  	_ = 	snop  }
0x50: {  	[tilespmem:s23], [sflag:$0x1] =	stream.indirect.gather [hbm4b:s4+s14], $0x80, s22, s14, $0xb8;
	[tilespmem:$0x14380] =	vst v63  }
0x51: {  	_ =	swait.ge [sflag:s24], $0x4000  }
0x52: {  	[sflag:s24] =	ssyncset.done $0x0  }
0x53: {  	[sflag:s24] =	ssyncadd.s32 $0xFFFFC000  }
0x54: {  	_ =	swait.ge [sflag:s24], $0x4000  }
0x55: {  	[sflag:s24] =	ssyncset.done $0x0  }
0x56: {  	[sflag:s24] =	ssyncadd.s32 $0xFFFFC000  }
0x57: {  	_ =	swait.ge [sflag:s24], $0x4000  }
0x58: {  	[sflag:s24] =	ssyncset.done $0x0  }
0x59: {  	[sflag:s24] =	ssyncadd.s32 $0xFFFFC000  }
0x5a: {  	_ =	swait.ge [sflag:s24], $0x4000  }
0x5b: {  	[sflag:s24] =	ssyncset.done $0x0  }
0x5c: {  	[sflag:s24] =	ssyncadd.s32 $0xFFFFC000  }
0x5d: {  	v0 =	vld [tilespmem:$0x380]  }
0x5e: {  	v1 =	vld [tilespmem:$0x4380]  }
0x5f: {  	v2 =	vld [tilespmem:$0x8380]  }
0x60: {  	v3 =	vld [tilespmem:$0xC380]  }
0x61: {  	v4 =	vld [tilespmem:$0x400]  }
0x62: {  	v5 =	vld [tilespmem:$0x4400]  }
0x63: {  	v6 =	vld [tilespmem:$0x8400]  }
0x64: {  	v7 =	vld [tilespmem:$0xC400]  }
0x65: {  	v8 =	vld [tilespmem:$0x480]  }
0x66: {  	v9 =	vld [tilespmem:$0x4480]  }
0x67: {  	v10 =	vld [tilespmem:$0x8480]  }
0x68: {  	v11 =	vld [tilespmem:$0xC480]  }
0x69: {  	v12 =	vld [tilespmem:$0x500]  }
0x6a: {  	v13 =	vld [tilespmem:$0x4500]  }
0x6b: {  	v14 =	vld [tilespmem:$0x8500]  }
0x6c: {  	v15 =	vld [tilespmem:$0xC500]  }
0x6d: {  	v16 =	vld [tilespmem:$0x580]  }
0x6e: {  	v17 =	vld [tilespmem:$0x4580]  }
0x6f: {  	v18 =	vld [tilespmem:$0x8580]  }
0x70: {  	v19 =	vld [tilespmem:$0xC580]  }
0x71: {  	v20 =	vld [tilespmem:$0x600]  }
0x72: {  	v21 =	vld [tilespmem:$0x4600]  }
0x73: {  	v22 =	vld [tilespmem:$0x8600]  }
0x74: {  	v23 =	vld [tilespmem:$0xC600]  }
0x75: {  	v24 =	vld [tilespmem:$0x680]  }
0x76: {  	v25 =	vld [tilespmem:$0x4680]  }
0x77: {  	v26 =	vld [tilespmem:$0x8680]  }
0x78: {  	v27 =	vld [tilespmem:$0xC680]  }
0x79: {  	v28 =	vld [tilespmem:$0x700]  }
0x7a: {  	v29 =	vld [tilespmem:$0x4700]  }
0x7b: {  	v30 =	vld [tilespmem:$0x8700]  }
0x7c: {  	v31 =	vld [tilespmem:$0xC700]  }
0x7d: {  	v32 =	vld [tilespmem:$0x780]  }
0x7e: {  	v33 =	vld [tilespmem:$0x4780]  }
0x7f: {  	v34 =	vld [tilespmem:$0x8780]  }
0x80: {  	v35 =	vld [tilespmem:$0xC780]  }
0x81: {  	v36 =	vld [tilespmem:$0x800]  }
0x82: {  	v37 =	vld [tilespmem:$0x4800]  }
0x83: {  	v38 =	vld [tilespmem:$0x8800]  }
0x84: {  	v39 =	vld [tilespmem:$0xC800]  }
0x85: {  	v40 =	vld [tilespmem:$0x880]  }
0x86: {  	v41 =	vld [tilespmem:$0x4880]  }
0x87: {  	v42 =	vld [tilespmem:$0x8880]  }
0x88: {  	v43 =	vld [tilespmem:$0xC880]  }
0x89: {  	v44 =	vld [tilespmem:$0x900]  }
0x8a: {  	v45 =	vld [tilespmem:$0x4900]  }
0x8b: {  	v46 =	vld [tilespmem:$0x8900]  }
0x8c: {  	v47 =	vld [tilespmem:$0xC900]  }
0x8d: {  	v48 =	vld [tilespmem:$0x980]  }
0x8e: {  	v49 =	vld [tilespmem:$0x4980]  }
0x8f: {  	v50 =	vld [tilespmem:$0x8980]  }
0x90: {  	v51 =	vld [tilespmem:$0xC980]  }
0x91: {  	v52 =	vld [tilespmem:$0xA00]  }
0x92: {  	v53 =	vld [tilespmem:$0x4A00]  }
0x93: {  	v54 =	vld [tilespmem:$0x8A00]  }
0x94: {  	v55 =	vld [tilespmem:$0xCA00]  }
0x95: {  	v56 =	vld [tilespmem:$0xA80]  }
0x96: {  	v61 =	vld [tilespmem:$0x4A80]  }
0x97: {  	v62 =	vld [tilespmem:$0x8A80]  }
0x98: {  	v59 =	vld [tilespmem:$0xCA80]  }
0x99: {  	v63 =	vld [tilespmem:$0xB00]  }
0x9a: {  	v60 =	vld [tilespmem:$0xB80]  }
0x9b: {  	v57 =	vld [tilespmem:$0xC00]  }
0x9c: {  	v58 =	vld [tilespmem:$0xC80]  }
0x9d: {  	[tilespmem:$0x1EE90] =	vst v61;
	v61 =	vld [tilespmem:$0x4B00]  }
0x9e: {  	[tilespmem:$0x1EEA0] =	vst v62;
	v62 =	vld [tilespmem:$0x8B00]  }
0x9f: {  	[tilespmem:$0x1EEB0] =	vst v63;
	v63 =	vld [tilespmem:$0xCB00]  }
0xa0: {  	[tilespmem:$0x1EEC0] =	vst v60;
	v60 =	vld [tilespmem:$0x4B80]  }
0xa1: {  	[tilespmem:$0x1EE80] =	vst v56;
	v56 =	vld [tilespmem:$0xCB80]  }
0xa2: {  	[tilespmem:$0x1EEE0] =	vst v57;
	v57 =	vld [tilespmem:$0x4C00]  }
0xa3: {  	[tilespmem:$0x1EF10] =	vst v58;
	v58 =	vld [tilespmem:$0x4C80]  }
0xa4: {  	v0 =	vadd.f32 v1, v0;
	v1 =	vadd.f32 v3, v2;
	v2 =	vld [tilespmem:$0xCC80]  }
0xa5: {  	v3 =	vadd.f32 v5, v4;
	v5 =	vld [tilespmem:$0xD00]  }
0xa6: {  	v4 =	vadd.f32 v9, v8;
	v8 =	vld [tilespmem:$0xCD00]  }
0xa7: {  	v9 =	vadd.f32 v13, v12;
	v12 =	vadd.f32 v17, v16;
	v17 =	vld [tilespmem:$0x8D80]  }
0xa8: {  	v13 =	vld [tilespmem:$0xE00]  }
0xa9: {  	v16 =	vadd.f32 v27, v26;
	v27 =	vld [tilespmem:$0xE80]  }
0xaa: {  	v26 =	vld [tilespmem:$0xCF00]  }
0xab: {  	v31 =	vadd.f32 v31, v30;
	v33 =	vadd.f32 v33, v32;
	v30 =	vld [tilespmem:$0x4F80]  }
0xac: {  	v35 =	vadd.f32 v35, v34;
	v43 =	vadd.f32 v43, v42;
	v42 =	vld [tilespmem:$0x8F80]  }
0xad: {  	v47 =	vadd.f32 v47, v46;
	v50 =	vadd.f32 v51, v50;
	v46 =	vld [tilespmem:$0xCF80]  }
0xae: {  	v51 =	vadd.f32 v53, v52;
	v52 =	vadd.f32 v55, v54;
	v54 =	vld [tilespmem:$0x1EE80]  }
0xaf: {  	v21 =	vadd.f32 v21, v20;
	v37 =	vadd.f32 v37, v36;
	v55 =	vld [tilespmem:$0x1EE90]  }
0xb0: {  	v41 =	vadd.f32 v41, v40;
	v20 =	vadd.f32 v35, v33;
	v33 =	vld [tilespmem:$0x4F00]  }
0xb1: {  	v39 =	vadd.f32 v39, v38;
	v49 =	vadd.f32 v49, v48;
	v35 =	vld [tilespmem:$0x8F00]  }
0xb2: {  	v0 =	vadd.f32 v1, v0;
	v53 =	vadd.f32 v43, v41;
	v43 =	vld [tilespmem:$0x1EEC0]  }
0xb3: {  	v23 =	vadd.f32 v23, v22;
	v22 =	vadd.f32 v39, v37;
	v39 =	vld [tilespmem:$0x5500]  }
0xb4: {  	[tilespmem:$0x10380] =	vst v0;
	v0 =	vadd.f32 v50, v49;
	v50 =	vld [tilespmem:$0x1000]  }
0xb5: {  	[tilespmem:$0x10880] =	vst v53;
	v53 =	vld [tilespmem:$0x1EF10]  }
0xb6: {  	[tilespmem:$0x10780] =	vst v20;
	v20 =	vld [tilespmem:$0x1380]  }
0xb7: {  	[tilespmem:$0x10800] =	vst v22;
	v22 =	vld [tilespmem:$0x5600]  }
0xb8: {  	[tilespmem:$0x1EEF0] =	vst v57;
	v57 =	vld [tilespmem:$0x8C00]  }
0xb9: {  	[tilespmem:$0x1EF20] =	vst v58;
	v58 =	vld [tilespmem:$0x8C80]  }
0xba: {  	[tilespmem:$0x1EED0] =	vst v60;
	v60 =	vld [tilespmem:$0x8B80]  }
0xbb: {  	v45 =	vadd.f32 v45, v44;
	v44 =	vld [tilespmem:$0x1EED0]  }
0xbc: {  	v48 =	vld [tilespmem:$0x1EEF0]  }
0xbd: {  	[tilespmem:$0x1EF00] =	vst v57;
	v57 =	vld [tilespmem:$0xCC00]  }
0xbe: {  	[tilespmem:$0x1EF30] =	vst v58;
	v58 =	vadd.f32 v7, v6;
	v6 =	vld [tilespmem:$0x4D00]  }
0xbf: {  	v7 =	vadd.f32 v11, v10;
	v11 =	vld [tilespmem:$0xD80]  }
0xc0: {  	v10 =	vadd.f32 v15, v14;
	v14 =	vld [tilespmem:$0x4D80]  }
0xc1: {  	v15 =	vadd.f32 v25, v24;
	v24 =	vld [tilespmem:$0xCE00]  }
0xc2: {  	v25 =	vadd.f32 v47, v45;
	v47 =	vld [tilespmem:$0x1EEE0]  }
0xc3: {  	v45 =	vadd.f32 v56, v60;
	v56 =	vld [tilespmem:$0xD000]  }
0xc4: {  	v60 =	vld [tilespmem:$0x5080]  }
0xc5: {  	v49 =	vld [tilespmem:$0x1EF00]  }
0xc6: {  	v1 =	vadd.f32 v58, v3;
	v3 =	vld [tilespmem:$0x8D00]  }
0xc7: {  	v4 =	vadd.f32 v7, v4;
	v7 =	vadd.f32 v10, v9;
	v9 =	vld [tilespmem:$0xCD80]  }
0xc8: {  	v58 =	vadd.f32 v19, v18;
	v18 =	vld [tilespmem:$0x4E00]  }
0xc9: {  	v19 =	vld [tilespmem:$0x4E80]  }
0xca: {  	v10 =	vadd.f32 v58, v12;
	v12 =	vadd.f32 v23, v21;
	v21 =	vld [tilespmem:$0x8E00]  }
0xcb: {  	v23 =	vld [tilespmem:$0x8E80]  }
0xcc: {  	v58 =	vadd.f32 v29, v28;
	v28 =	vld [tilespmem:$0xCE80]  }
0xcd: {  	[tilespmem:$0x10500] =	vst v7;
	v7 =	vld [tilespmem:$0xF80]  }
0xce: {  	[tilespmem:$0x10400] =	vst v1;
	v1 =	vadd.f32 v52, v51;
	v51 =	vld [tilespmem:$0x5000]  }
0xcf: {  	v52 =	vld [tilespmem:$0x9000]  }
0xd0: {  	v5 =	vadd.f32 v6, v5;
	v6 =	vld [tilespmem:$0xD180]  }
0xd1: {  	v15 =	vadd.f32 v16, v15;
	v16 =	vadd.f32 v31, v58;
	v31 =	vld [tilespmem:$0xF00]  }
0xd2: {  	v58 =	vld [tilespmem:$0x1EEA0]  }
0xd3: {  	[tilespmem:$0x10580] =	vst v10;
	v10 =	vadd.f32 v55, v54;
	v54 =	vld [tilespmem:$0x1EF20]  }
0xd4: {  	[tilespmem:$0x10680] =	vst v15;
	v15 =	vadd.f32 v44, v43;
	v55 =	vld [tilespmem:$0x1EF30]  }
0xd5: {  	v38 =	vadd.f32 v57, v49;
	v57 =	vld [tilespmem:$0x1080]  }
0xd6: {  	v15 =	vadd.f32 v45, v15;
	v3 =	vadd.f32 v8, v3;
	v8 =	vld [tilespmem:$0x1200]  }
0xd7: {  	[tilespmem:$0x10900] =	vst v25;
	v25 =	vadd.f32 v19, v27;
	v19 =	vld [tilespmem:$0x9300]  }
0xd8: {  	[tilespmem:$0x10B80] =	vst v15;
	v15 =	vld [tilespmem:$0x9600]  }
0xd9: {  	v63 =	vadd.f32 v63, v62;
	v62 =	vadd.f32 v24, v21;
	v21 =	vld [tilespmem:$0xD080]  }
0xda: {  	v24 =	vld [tilespmem:$0x1100]  }
0xdb: {  	v27 =	vadd.f32 v28, v23;
	v28 =	vld [tilespmem:$0x5100]  }
0xdc: {  	v36 =	vadd.f32 v30, v7;
	v7 =	vld [tilespmem:$0x5200]  }
0xdd: {  	[tilespmem:$0x10700] =	vst v16;
	v16 =	vadd.f32 v48, v47;
	v3 =	vadd.f32 v3, v5;
	v5 =	vld [tilespmem:$0x9400]  }
0xde: {  	v30 =	vld [tilespmem:$0x1600]  }
0xdf: {  	v16 =	vadd.f32 v38, v16;
	v38 =	vld [tilespmem:$0xD100]  }
0xe0: {  	v37 =	vadd.f32 v46, v42;
	v29 =	vadd.f32 v59, v58;
	v59 =	vld [tilespmem:$0x1EEB0]  }
0xe1: {  	v32 =	vadd.f32 v33, v31;
	v33 =	vadd.f32 v26, v35;
	v35 =	vld [tilespmem:$0x9100]  }
0xe2: {  	v44 =	vadd.f32 v37, v36;
	v36 =	vld [tilespmem:$0x1180]  }
0xe3: {  	v58 =	vadd.f32 v14, v11;
	v14 =	vld [tilespmem:$0x9180]  }
0xe4: {  	v37 =	vld [tilespmem:$0x1280]  }
0xe5: {  	v42 =	vadd.f32 v27, v25;
	v25 =	vld [tilespmem:$0x9280]  }
0xe6: {  	v26 =	vld [tilespmem:$0x1300]  }
0xe7: {  	v40 =	vadd.f32 v51, v50;
	v41 =	vadd.f32 v56, v52;
	v11 =	vld [tilespmem:$0x9380]  }
0xe8: {  	[tilespmem:$0x10D00] =	vst v3;
	v3 =	vld [tilespmem:$0xD380]  }
0xe9: {  	v45 =	vadd.f32 v41, v40;
	v40 =	vld [tilespmem:$0x5480]  }
0xea: {  	v41 =	vld [tilespmem:$0x9480]  }
0xeb: {  	v31 =	vld [tilespmem:$0x9500]  }
0xec: {  	[tilespmem:$0x10480] =	vst v4;
	v4 =	vadd.f32 v54, v53;
	v2 =	vadd.f32 v2, v55;
	v27 =	vld [tilespmem:$0xD500]  }
0xed: {  	[tilespmem:$0x10C00] =	vst v16;
	v16 =	vld [tilespmem:$0x5180]  }
0xee: {  	v2 =	vadd.f32 v2, v4;
	v4 =	vld [tilespmem:$0x5400]  }
0xef: {  	[tilespmem:$0x10E80] =	vst v42;
	v42 =	vld [tilespmem:$0x1500]  }
0xf0: {  	v43 =	vadd.f32 v33, v32;
	v32 =	vld [tilespmem:$0x1580]  }
0xf1: {  	v10 =	vadd.f32 v29, v10;
	v29 =	vld [tilespmem:$0x9580]  }
0xf2: {  	v48 =	vadd.f32 v28, v24;
	v24 =	vld [tilespmem:$0x5280]  }
0xf3: {  	[tilespmem:$0x10600] =	vst v12;
	v28 =	vld [tilespmem:$0x5580]  }
0xf4: {  	[tilespmem:$0x10C80] =	vst v2;
	v2 =	vld [tilespmem:$0x9200];
	v12 =	vadd.f32 v61, v59  }
0xf5: {  	[tilespmem:$0x10A80] =	vst v10;
	v10 =	vld [tilespmem:$0x5380]  }
0xf6: {  	[tilespmem:$0x10980] =	vst v0;
	v12 =	vadd.f32 v63, v12;
	v63 =	vld [tilespmem:$0x9080]  }
0xf7: {  	[tilespmem:$0x10A00] =	vst v1;
	v59 =	vadd.f32 v9, v17;
	v17 =	vld [tilespmem:$0xD280]  }
0xf8: {  	[tilespmem:$0x10F80] =	vst v44;
	v61 =	vadd.f32 v18, v13;
	v18 =	vld [tilespmem:$0x5300]  }
0xf9: {  	v46 =	vadd.f32 v60, v57;
	[tilespmem:$0x11000] =	vst v45;
	v49 =	vadd.f32 v38, v35;
	v9 =	vld [tilespmem:$0xD300]  }
0xfa: {  	[tilespmem:$0x10F00] =	vst v43;
	v38 =	vld [tilespmem:$0xD480];
	v0 =	vadd.f32 v59, v58;
	v1 =	vadd.f32 v62, v61  }
0xfb: {  	v50 =	vadd.f32 v49, v48;
	v48 =	vld [tilespmem:$0x1480];
	[tilespmem:$0x10B00] =	vst v12;
	v47 =	vadd.f32 v21, v63  }
0xfc: {  	[tilespmem:$0x10D80] =	vst v0;
	v12 =	vld [tilespmem:$0x1400]  }
0xfd: {  	[tilespmem:$0x10E00] =	vst v1;
	v1 =	vld [tilespmem:$0xD400];
	v0 =	vadd.f32 v47, v46  }
0xfe: {  	[tilespmem:$0x11100] =	vst v50;
	v21 =	vld [tilespmem:$0xD580]  }
0xff: {  	[tilespmem:$0x11080] =	vst v0;
	v0 =	vld [tilespmem:$0xD200]  }
0x100: {  	v13 =	vld [tilespmem:$0xD600]  }
0x101: {  	v57 =	vld [tilespmem:$0xD880];
	_ =	sdelay $0x4  }
0x102: {  	[tilespmem:$0x1EF90] =	vst v57;
	v57 =	vld [tilespmem:$0x1C80];
	_ =	sdelay $0x4  }
0x103: {  	[tilespmem:$0x1F0D0] =	vst v57;
	v57 =	vld [tilespmem:$0x5C80];
	_ =	sdelay $0x4  }
0x104: {  	[tilespmem:$0x1F0E0] =	vst v57;
	v57 =	vld [tilespmem:$0x9C80];
	_ =	sdelay $0x4  }
0x105: {  	[tilespmem:$0x1F0F0] =	vst v57;
	v57 =	vld [tilespmem:$0xDC80];
	_ =	sdelay $0x4  }
0x106: {  	[tilespmem:$0x1F100] =	vst v57;
	v57 =	vld [tilespmem:$0x1D00];
	_ =	sdelay $0x4  }
0x107: {  	[tilespmem:$0x1F110] =	vst v57;
	v57 =	vld [tilespmem:$0x5D00];
	_ =	sdelay $0x4  }
0x108: {  	[tilespmem:$0x1F120] =	vst v57;
	v57 =	vld [tilespmem:$0x9D00];
	_ =	sdelay $0x4  }
0x109: {  	[tilespmem:$0x1F130] =	vst v57;
	v57 =	vld [tilespmem:$0xDD00];
	_ =	sdelay $0x4  }
0x10a: {  	[tilespmem:$0x1F140] =	vst v57;
	v57 =	vld [tilespmem:$0x1D80];
	_ =	sdelay $0x4  }
0x10b: {  	[tilespmem:$0x1F150] =	vst v57;
	v57 =	vld [tilespmem:$0x5D80];
	_ =	sdelay $0x4  }
0x10c: {  	[tilespmem:$0x1F160] =	vst v57;
	v57 =	vld [tilespmem:$0x9D80];
	_ =	sdelay $0x4  }
0x10d: {  	[tilespmem:$0x1F170] =	vst v57;
	v57 =	vld [tilespmem:$0xDD80];
	_ =	sdelay $0x4  }
0x10e: {  	[tilespmem:$0x1F180] =	vst v57;
	v57 =	vld [tilespmem:$0x1E00];
	_ =	sdelay $0x4  }
0x10f: {  	[tilespmem:$0x1F190] =	vst v57;
	v57 =	vld [tilespmem:$0x5E00];
	_ =	sdelay $0x4  }
0x110: {  	[tilespmem:$0x1F1A0] =	vst v57;
	v57 =	vld [tilespmem:$0x9E00];
	_ =	sdelay $0x4  }
0x111: {  	[tilespmem:$0x1F1B0] =	vst v57;
	v57 =	vld [tilespmem:$0xDE00];
	_ =	sdelay $0x4  }
0x112: {  	[tilespmem:$0x1F1C0] =	vst v57;
	v57 =	vld [tilespmem:$0x1E80];
	_ =	sdelay $0x4  }
0x113: {  	[tilespmem:$0x1F1D0] =	vst v57;
	v57 =	vld [tilespmem:$0x5E80];
	_ =	sdelay $0x4  }
0x114: {  	[tilespmem:$0x1F1E0] =	vst v57;
	v57 =	vld [tilespmem:$0x9E80];
	_ =	sdelay $0x4  }
0x115: {  	[tilespmem:$0x1F1F0] =	vst v57;
	v57 =	vld [tilespmem:$0xDE80];
	_ =	sdelay $0x4  }
0x116: {  	[tilespmem:$0x1F200] =	vst v57;
	v57 =	vld [tilespmem:$0x1F00];
	_ =	sdelay $0x4  }
0x117: {  	[tilespmem:$0x1F210] =	vst v57;
	v57 =	vld [tilespmem:$0x5F00];
	_ =	sdelay $0x4  }
0x118: {  	[tilespmem:$0x1F220] =	vst v57;
	v57 =	vld [tilespmem:$0x9F00];
	_ =	sdelay $0x4  }
0x119: {  	[tilespmem:$0x1F230] =	vst v57;
	v57 =	vld [tilespmem:$0xDF00];
	_ =	sdelay $0x4  }
0x11a: {  	[tilespmem:$0x1F240] =	vst v57;
	v57 =	vld [tilespmem:$0x1F80];
	_ =	sdelay $0x4  }
0x11b: {  	[tilespmem:$0x1F250] =	vst v57;
	v57 =	vld [tilespmem:$0x5F80];
	_ =	sdelay $0x4  }
0x11c: {  	[tilespmem:$0x1F260] =	vst v57;
	v57 =	vld [tilespmem:$0x9F80];
	_ =	sdelay $0x4  }
0x11d: {  	[tilespmem:$0x1F270] =	vst v57;
	v57 =	vld [tilespmem:$0xDF80];
	_ =	sdelay $0x4  }
0x11e: {  	[tilespmem:$0x1F280] =	vst v57;
	v57 =	vld [tilespmem:$0x2000];
	_ =	sdelay $0x4  }
0x11f: {  	[tilespmem:$0x1F290] =	vst v57;
	v57 =	vld [tilespmem:$0x6000];
	_ =	sdelay $0x4  }
0x120: {  	[tilespmem:$0x1F2A0] =	vst v57;
	v57 =	vld [tilespmem:$0xA000];
	_ =	sdelay $0x4  }
0x121: {  	[tilespmem:$0x1F2B0] =	vst v57;
	v57 =	vld [tilespmem:$0xE000];
	_ =	sdelay $0x4  }
0x122: {  	[tilespmem:$0x1F2C0] =	vst v57;
	v57 =	vld [tilespmem:$0x2080];
	_ =	sdelay $0x4  }
0x123: {  	[tilespmem:$0x1F2D0] =	vst v57;
	v57 =	vld [tilespmem:$0x6080];
	_ =	sdelay $0x4  }
0x124: {  	[tilespmem:$0x1F2E0] =	vst v57;
	v57 =	vld [tilespmem:$0xA080];
	_ =	sdelay $0x4  }
0x125: {  	[tilespmem:$0x1F2F0] =	vst v57;
	v57 =	vld [tilespmem:$0xE080];
	_ =	sdelay $0x4  }
0x126: {  	[tilespmem:$0x1F300] =	vst v57;
	v57 =	vld [tilespmem:$0x2100];
	_ =	sdelay $0x4  }
0x127: {  	[tilespmem:$0x1F310] =	vst v57;
	v57 =	vld [tilespmem:$0x6100];
	_ =	sdelay $0x4  }
0x128: {  	[tilespmem:$0x1F320] =	vst v57;
	v57 =	vld [tilespmem:$0xA100];
	_ =	sdelay $0x4  }
0x129: {  	[tilespmem:$0x1F330] =	vst v57;
	v57 =	vld [tilespmem:$0xE100];
	_ =	sdelay $0x4  }
0x12a: {  	[tilespmem:$0x1F340] =	vst v57;
	v57 =	vld [tilespmem:$0x2180];
	_ =	sdelay $0x4  }
0x12b: {  	[tilespmem:$0x1F350] =	vst v57;
	v57 =	vld [tilespmem:$0x6180];
	_ =	sdelay $0x4  }
0x12c: {  	[tilespmem:$0x1F360] =	vst v57;
	v57 =	vld [tilespmem:$0xA180];
	_ =	sdelay $0x4  }
0x12d: {  	[tilespmem:$0x1F370] =	vst v57;
	v57 =	vld [tilespmem:$0xE180];
	_ =	sdelay $0x4  }
0x12e: {  	[tilespmem:$0x1F380] =	vst v57;
	v57 =	vld [tilespmem:$0x2200];
	_ =	sdelay $0x4  }
0x12f: {  	[tilespmem:$0x1F390] =	vst v57;
	v57 =	vld [tilespmem:$0x6200];
	_ =	sdelay $0x4  }
0x130: {  	[tilespmem:$0x1F3A0] =	vst v57;
	v57 =	vld [tilespmem:$0xA200];
	_ =	sdelay $0x4  }
0x131: {  	[tilespmem:$0x1F3B0] =	vst v57;
	v57 =	vld [tilespmem:$0xE200];
	_ =	sdelay $0x4  }
0x132: {  	[tilespmem:$0x1F3C0] =	vst v57;
	v57 =	vld [tilespmem:$0x2280];
	_ =	sdelay $0x4  }
0x133: {  	[tilespmem:$0x1F3D0] =	vst v57;
	v57 =	vld [tilespmem:$0x6280];
	_ =	sdelay $0x4  }
0x134: {  	[tilespmem:$0x1F3E0] =	vst v57;
	v57 =	vld [tilespmem:$0xA280];
	_ =	sdelay $0x4  }
0x135: {  	[tilespmem:$0x1F3F0] =	vst v57;
	v57 =	vld [tilespmem:$0xE280];
	_ =	sdelay $0x4  }
0x136: {  	[tilespmem:$0x1F400] =	vst v57;
	v57 =	vld [tilespmem:$0x2300];
	_ =	sdelay $0x4  }
0x137: {  	[tilespmem:$0x1F410] =	vst v57;
	v57 =	vld [tilespmem:$0x6300];
	_ =	sdelay $0x4  }
0x138: {  	[tilespmem:$0x1F420] =	vst v57;
	v57 =	vld [tilespmem:$0xA300];
	_ =	sdelay $0x4  }
0x139: {  	[tilespmem:$0x1F430] =	vst v57;
	v57 =	vld [tilespmem:$0xE300];
	_ =	sdelay $0x4  }
0x13a: {  	[tilespmem:$0x1F440] =	vst v57;
	v57 =	vld [tilespmem:$0x2380];
	_ =	sdelay $0x4  }
0x13b: {  	[tilespmem:$0x1F450] =	vst v57;
	v57 =	vld [tilespmem:$0x6380];
	_ =	sdelay $0x4  }
0x13c: {  	[tilespmem:$0x1F460] =	vst v57;
	v57 =	vld [tilespmem:$0xA380];
	_ =	sdelay $0x4  }
0x13d: {  	[tilespmem:$0x1F470] =	vst v57;
	v57 =	vld [tilespmem:$0xE380];
	_ =	sdelay $0x4  }
0x13e: {  	[tilespmem:$0x1F480] =	vst v57;
	v57 =	vld [tilespmem:$0x2400];
	_ =	sdelay $0x4  }
0x13f: {  	[tilespmem:$0x1F490] =	vst v57;
	v57 =	vld [tilespmem:$0x6400];
	_ =	sdelay $0x4  }
0x140: {  	[tilespmem:$0x1F4A0] =	vst v57;
	v57 =	vld [tilespmem:$0xA400];
	_ =	sdelay $0x4  }
0x141: {  	[tilespmem:$0x1F4B0] =	vst v57;
	v57 =	vld [tilespmem:$0xE400];
	_ =	sdelay $0x4  }
0x142: {  	[tilespmem:$0x1F4C0] =	vst v57;
	v57 =	vld [tilespmem:$0x2480];
	_ =	sdelay $0x4  }
0x143: {  	[tilespmem:$0x1F4D0] =	vst v57;
	v57 =	vld [tilespmem:$0x6480];
	_ =	sdelay $0x4  }
0x144: {  	[tilespmem:$0x1F4E0] =	vst v57;
	v57 =	vld [tilespmem:$0xA480];
	_ =	sdelay $0x4  }
0x145: {  	[tilespmem:$0x1F4F0] =	vst v57;
	v57 =	vld [tilespmem:$0xE480];
	_ =	sdelay $0x4  }
0x146: {  	[tilespmem:$0x1F500] =	vst v57;
	v57 =	vld [tilespmem:$0x2500];
	_ =	sdelay $0x4  }
0x147: {  	[tilespmem:$0x1F510] =	vst v57;
	v57 =	vld [tilespmem:$0x6500];
	_ =	sdelay $0x4  }
0x148: {  	[tilespmem:$0x1F520] =	vst v57;
	v57 =	vld [tilespmem:$0xA500];
	_ =	sdelay $0x4  }
0x149: {  	[tilespmem:$0x1F530] =	vst v57;
	v57 =	vld [tilespmem:$0xE500];
	_ =	sdelay $0x4  }
0x14a: {  	[tilespmem:$0x1F540] =	vst v57;
	v57 =	vld [tilespmem:$0x2580];
	_ =	sdelay $0x4  }
0x14b: {  	[tilespmem:$0x1F550] =	vst v57;
	v57 =	vld [tilespmem:$0x6580];
	_ =	sdelay $0x4  }
0x14c: {  	[tilespmem:$0x1F560] =	vst v57;
	v57 =	vld [tilespmem:$0xA580];
	_ =	sdelay $0x4  }
0x14d: {  	[tilespmem:$0x1F570] =	vst v57;
	v57 =	vld [tilespmem:$0xE580];
	_ =	sdelay $0x4  }
0x14e: {  	[tilespmem:$0x1F580] =	vst v57;
	v57 =	vld [tilespmem:$0x2600];
	_ =	sdelay $0x4  }
0x14f: {  	[tilespmem:$0x1F590] =	vst v57;
	v57 =	vld [tilespmem:$0x6600];
	_ =	sdelay $0x4  }
0x150: {  	[tilespmem:$0x1F5A0] =	vst v57;
	v57 =	vld [tilespmem:$0xA600];
	_ =	sdelay $0x4  }
0x151: {  	[tilespmem:$0x1F5B0] =	vst v57;
	v57 =	vld [tilespmem:$0xE600];
	_ =	sdelay $0x4  }
0x152: {  	[tilespmem:$0x1F5C0] =	vst v57;
	v57 =	vld [tilespmem:$0x2680];
	_ =	sdelay $0x4  }
0x153: {  	[tilespmem:$0x1F5D0] =	vst v57;
	v57 =	vld [tilespmem:$0x6680];
	_ =	sdelay $0x4  }
0x154: {  	[tilespmem:$0x1F5E0] =	vst v57;
	v57 =	vld [tilespmem:$0xA680];
	_ =	sdelay $0x4  }
0x155: {  	[tilespmem:$0x1F5F0] =	vst v57;
	v57 =	vld [tilespmem:$0xE680];
	_ =	sdelay $0x4  }
0x156: {  	[tilespmem:$0x1F600] =	vst v57;
	v57 =	vld [tilespmem:$0x2700];
	_ =	sdelay $0x4  }
0x157: {  	[tilespmem:$0x1F610] =	vst v57;
	v57 =	vld [tilespmem:$0x6700];
	_ =	sdelay $0x4  }
0x158: {  	[tilespmem:$0x1F620] =	vst v57;
	v57 =	vld [tilespmem:$0xA700];
	_ =	sdelay $0x4  }
0x159: {  	[tilespmem:$0x1F630] =	vst v57;
	v57 =	vld [tilespmem:$0xE700];
	_ =	sdelay $0x4  }
0x15a: {  	[tilespmem:$0x1F640] =	vst v57;
	v57 =	vld [tilespmem:$0x2780];
	_ =	sdelay $0x4  }
0x15b: {  	[tilespmem:$0x1F650] =	vst v57;
	v57 =	vld [tilespmem:$0x6780];
	_ =	sdelay $0x4  }
0x15c: {  	[tilespmem:$0x1F660] =	vst v57;
	v57 =	vld [tilespmem:$0xA780];
	_ =	sdelay $0x4  }
0x15d: {  	[tilespmem:$0x1F670] =	vst v57;
	v57 =	vld [tilespmem:$0xE780];
	_ =	sdelay $0x4  }
0x15e: {  	[tilespmem:$0x1F680] =	vst v57;
	v57 =	vld [tilespmem:$0x2800];
	_ =	sdelay $0x4  }
0x15f: {  	[tilespmem:$0x1F690] =	vst v57;
	v57 =	vld [tilespmem:$0x6800];
	_ =	sdelay $0x4  }
0x160: {  	[tilespmem:$0x1F6A0] =	vst v57;
	v57 =	vld [tilespmem:$0xA800];
	_ =	sdelay $0x4  }
0x161: {  	[tilespmem:$0x1F6B0] =	vst v57;
	v57 =	vld [tilespmem:$0xE800];
	_ =	sdelay $0x4  }
0x162: {  	[tilespmem:$0x1F6C0] =	vst v57;
	v57 =	vld [tilespmem:$0x2880];
	_ =	sdelay $0x4  }
0x163: {  	[tilespmem:$0x1F6D0] =	vst v57;
	v57 =	vld [tilespmem:$0x6880];
	_ =	sdelay $0x4  }
0x164: {  	[tilespmem:$0x1F6E0] =	vst v57;
	v57 =	vld [tilespmem:$0xA880];
	_ =	sdelay $0x4  }
0x165: {  	[tilespmem:$0x1F6F0] =	vst v57;
	v57 =	vld [tilespmem:$0xE880];
	_ =	sdelay $0x4  }
0x166: {  	[tilespmem:$0x1F700] =	vst v57;
	v57 =	vld [tilespmem:$0x2900];
	_ =	sdelay $0x4  }
0x167: {  	[tilespmem:$0x1F710] =	vst v57;
	v57 =	vld [tilespmem:$0x6900];
	_ =	sdelay $0x4  }
0x168: {  	[tilespmem:$0x1F720] =	vst v57;
	v57 =	vld [tilespmem:$0xA900];
	_ =	sdelay $0x4  }
0x169: {  	[tilespmem:$0x1F730] =	vst v57;
	v57 =	vld [tilespmem:$0xE900];
	_ =	sdelay $0x4  }
0x16a: {  	[tilespmem:$0x1F740] =	vst v57;
	v57 =	vld [tilespmem:$0x2980];
	_ =	sdelay $0x4  }
0x16b: {  	[tilespmem:$0x1F750] =	vst v57;
	v57 =	vld [tilespmem:$0x6980];
	_ =	sdelay $0x4  }
0x16c: {  	[tilespmem:$0x1F760] =	vst v57;
	v57 =	vld [tilespmem:$0xA980];
	_ =	sdelay $0x4  }
0x16d: {  	[tilespmem:$0x1F770] =	vst v57;
	v57 =	vld [tilespmem:$0xE980];
	_ =	sdelay $0x4  }
0x16e: {  	[tilespmem:$0x1F780] =	vst v57;
	v57 =	vld [tilespmem:$0x2A00];
	_ =	sdelay $0x4  }
0x16f: {  	[tilespmem:$0x1F790] =	vst v57;
	v57 =	vld [tilespmem:$0x6A00];
	_ =	sdelay $0x4  }
0x170: {  	[tilespmem:$0x1F7A0] =	vst v57;
	v57 =	vld [tilespmem:$0xAA00];
	_ =	sdelay $0x4  }
0x171: {  	[tilespmem:$0x1F7B0] =	vst v57;
	v57 =	vld [tilespmem:$0xEA00];
	_ =	sdelay $0x4  }
0x172: {  	[tilespmem:$0x1F7C0] =	vst v57;
	v57 =	vld [tilespmem:$0x2A80];
	_ =	sdelay $0x4  }
0x173: {  	[tilespmem:$0x1F7D0] =	vst v57;
	v57 =	vld [tilespmem:$0x6A80];
	_ =	sdelay $0x4  }
0x174: {  	[tilespmem:$0x1F7E0] =	vst v57;
	v57 =	vld [tilespmem:$0xAA80];
	_ =	sdelay $0x4  }
0x175: {  	[tilespmem:$0x1F7F0] =	vst v57;
	v57 =	vld [tilespmem:$0xEA80];
	_ =	sdelay $0x4  }
0x176: {  	[tilespmem:$0x1F800] =	vst v57;
	v57 =	vld [tilespmem:$0x2B00];
	_ =	sdelay $0x4  }
0x177: {  	[tilespmem:$0x1F810] =	vst v57;
	v57 =	vld [tilespmem:$0x6B00];
	_ =	sdelay $0x4  }
0x178: {  	[tilespmem:$0x1F820] =	vst v57;
	v57 =	vld [tilespmem:$0xAB00];
	_ =	sdelay $0x4  }
0x179: {  	[tilespmem:$0x1F830] =	vst v57;
	v57 =	vld [tilespmem:$0xEB00];
	_ =	sdelay $0x4  }
0x17a: {  	[tilespmem:$0x1F840] =	vst v57;
	v57 =	vld [tilespmem:$0x2B80];
	_ =	sdelay $0x4  }
0x17b: {  	[tilespmem:$0x1F850] =	vst v57;
	v57 =	vld [tilespmem:$0x6B80];
	_ =	sdelay $0x4  }
0x17c: {  	[tilespmem:$0x1F860] =	vst v57;
	v57 =	vld [tilespmem:$0xAB80];
	_ =	sdelay $0x4  }
0x17d: {  	[tilespmem:$0x1F870] =	vst v57;
	v57 =	vld [tilespmem:$0xEB80];
	_ =	sdelay $0x4  }
0x17e: {  	[tilespmem:$0x1F880] =	vst v57;
	v57 =	vld [tilespmem:$0x2C00];
	_ =	sdelay $0x4  }
0x17f: {  	[tilespmem:$0x1F890] =	vst v57;
	v57 =	vld [tilespmem:$0x6C00];
	_ =	sdelay $0x4  }
0x180: {  	[tilespmem:$0x1F8A0] =	vst v57;
	v57 =	vld [tilespmem:$0xAC00];
	_ =	sdelay $0x4  }
0x181: {  	[tilespmem:$0x1F8B0] =	vst v57;
	v57 =	vld [tilespmem:$0xEC00];
	_ =	sdelay $0x4  }
0x182: {  	[tilespmem:$0x1F8C0] =	vst v57;
	v57 =	vld [tilespmem:$0x2C80];
	_ =	sdelay $0x4  }
0x183: {  	[tilespmem:$0x1F8D0] =	vst v57;
	v57 =	vld [tilespmem:$0x6C80];
	_ =	sdelay $0x4  }
0x184: {  	[tilespmem:$0x1F8E0] =	vst v57;
	v57 =	vld [tilespmem:$0xAC80];
	_ =	sdelay $0x4  }
0x185: {  	[tilespmem:$0x1F8F0] =	vst v57;
	v57 =	vld [tilespmem:$0xEC80];
	_ =	sdelay $0x4  }
0x186: {  	[tilespmem:$0x1F900] =	vst v57;
	v57 =	vld [tilespmem:$0x2D00];
	_ =	sdelay $0x4  }
0x187: {  	[tilespmem:$0x1F910] =	vst v57;
	v57 =	vld [tilespmem:$0x6D00];
	_ =	sdelay $0x4  }
0x188: {  	[tilespmem:$0x1F920] =	vst v57;
	v57 =	vld [tilespmem:$0xAD00];
	_ =	sdelay $0x4  }
0x189: {  	[tilespmem:$0x1F930] =	vst v57;
	v57 =	vld [tilespmem:$0xED00];
	_ =	sdelay $0x4  }
0x18a: {  	[tilespmem:$0x1F940] =	vst v57;
	v57 =	vld [tilespmem:$0x2D80];
	_ =	sdelay $0x4  }
0x18b: {  	[tilespmem:$0x1F950] =	vst v57;
	v57 =	vld [tilespmem:$0x6D80];
	_ =	sdelay $0x4  }
0x18c: {  	[tilespmem:$0x1F960] =	vst v57;
	v57 =	vld [tilespmem:$0xAD80];
	_ =	sdelay $0x4  }
0x18d: {  	[tilespmem:$0x1F970] =	vst v57;
	v57 =	vld [tilespmem:$0xED80];
	_ =	sdelay $0x4  }
0x18e: {  	[tilespmem:$0x1F980] =	vst v57;
	v57 =	vld [tilespmem:$0x2E00];
	_ =	sdelay $0x4  }
0x18f: {  	[tilespmem:$0x1F990] =	vst v57;
	v57 =	vld [tilespmem:$0x6E00];
	_ =	sdelay $0x4  }
0x190: {  	[tilespmem:$0x1F9A0] =	vst v57;
	v57 =	vld [tilespmem:$0xAE00];
	_ =	sdelay $0x4  }
0x191: {  	[tilespmem:$0x1F9B0] =	vst v57;
	v57 =	vld [tilespmem:$0xEE00];
	_ =	sdelay $0x4  }
0x192: {  	[tilespmem:$0x1F9C0] =	vst v57;
	v57 =	vld [tilespmem:$0x2E80];
	_ =	sdelay $0x4  }
0x193: {  	[tilespmem:$0x1F9D0] =	vst v57;
	v57 =	vld [tilespmem:$0x6E80];
	_ =	sdelay $0x4  }
0x194: {  	[tilespmem:$0x1F9E0] =	vst v57;
	v57 =	vld [tilespmem:$0xAE80];
	_ =	sdelay $0x4  }
0x195: {  	[tilespmem:$0x1F9F0] =	vst v57;
	v57 =	vld [tilespmem:$0xEE80];
	_ =	sdelay $0x4  }
0x196: {  	[tilespmem:$0x1FA00] =	vst v57;
	v57 =	vld [tilespmem:$0x2F00];
	_ =	sdelay $0x3  }
0x197: {  	v51 =	vld [tilespmem:$0x1680]  }
0x198: {  	[tilespmem:$0x1FA10] =	vst v57;
	v57 =	vld [tilespmem:$0x6F00]  }
0x199: {  	v56 =	vld [tilespmem:$0x5680]  }
0x19a: {  	v52 =	vld [tilespmem:$0x9680]  }
0x19b: {  	v49 =	vld [tilespmem:$0xD680]  }
0x19c: {  	v58 =	vld [tilespmem:$0x1700]  }
0x19d: {  	[tilespmem:$0x1FA20] =	vst v57;
	v57 =	vld [tilespmem:$0xAF00]  }
0x19e: {  	v50 =	vld [tilespmem:$0x5700]  }
0x19f: {  	v43 =	vld [tilespmem:$0xD700]  }
0x1a0: {  	v44 =	vld [tilespmem:$0x5780]  }
0x1a1: {  	v45 =	vld [tilespmem:$0x9780]  }
0x1a2: {  	[tilespmem:$0x1FA30] =	vst v57;
	v57 =	vld [tilespmem:$0xEF00]  }
0x1a3: {  	v33 =	vld [tilespmem:$0xD780]  }
0x1a4: {  	v46 =	vld [tilespmem:$0x1800]  }
0x1a5: {  	v34 =	vld [tilespmem:$0x5800]  }
0x1a6: {  	v63 =	vld [tilespmem:$0x1A80]  }
0x1a7: {  	[tilespmem:$0x1FA40] =	vst v57;
	v57 =	vld [tilespmem:$0x2F80]  }
0x1a8: {  	v35 =	vld [tilespmem:$0x9800]  }
0x1a9: {  	v23 =	vld [tilespmem:$0xD800]  }
0x1aa: {  	v53 =	vld [tilespmem:$0x1880]  }
0x1ab: {  	[tilespmem:$0x1EFE0] =	vst v63;
	v63 =	vld [tilespmem:$0x5A80]  }
0x1ac: {  	[tilespmem:$0x1FA50] =	vst v57;
	v57 =	vld [tilespmem:$0x6F80]  }
0x1ad: {  	v54 =	vld [tilespmem:$0x5880]  }
0x1ae: {  	v55 =	vld [tilespmem:$0x9880]  }
0x1af: {  	v59 =	vld [tilespmem:$0x1900]  }
0x1b0: {  	[tilespmem:$0x1EFF0] =	vst v63;
	v63 =	vld [tilespmem:$0x9A80]  }
0x1b1: {  	[tilespmem:$0x1FA60] =	vst v57;
	v57 =	vld [tilespmem:$0xAF80]  }
0x1b2: {  	v60 =	vld [tilespmem:$0x5900]  }
0x1b3: {  	v61 =	vld [tilespmem:$0x9900]  }
0x1b4: {  	v62 =	vld [tilespmem:$0x1980]  }
0x1b5: {  	[tilespmem:$0x1F000] =	vst v63;
	v63 =	vld [tilespmem:$0xDA80]  }
0x1b6: {  	[tilespmem:$0x1FA70] =	vst v57;
	v57 =	vld [tilespmem:$0xEF80]  }
0x1b7: {  	v47 =	vld [tilespmem:$0xDA00]  }
0x1b8: {  	v7 =	vadd.f32 v7, v8;
	v8 =	vld [tilespmem:$0x3180]  }
0x1b9: {  	v6 =	vadd.f32 v6, v14;
	v14 =	vld [tilespmem:$0x7180]  }
0x1ba: {  	[tilespmem:$0x1F010] =	vst v63;
	v63 =	vld [tilespmem:$0x1B00]  }
0x1bb: {  	[tilespmem:$0x1FA80] =	vst v57;
	v57 =	vld [tilespmem:$0x3000]  }
0x1bc: {  	v4 =	vadd.f32 v4, v12;
	v12 =	vld [tilespmem:$0x7280];
	[tilespmem:$0x1EF40] =	vst v51  }
0x1bd: {  	[tilespmem:$0x1EF50] =	vst v52;
	v51 =	vld [tilespmem:$0x9700]  }
0x1be: {  	v52 =	vld [tilespmem:$0x1780];
	[tilespmem:$0x1EF60] =	vst v53  }
0x1bf: {  	[tilespmem:$0x1F020] =	vst v63;
	v63 =	vld [tilespmem:$0x5B00]  }
0x1c0: {  	[tilespmem:$0x1FA90] =	vst v57;
	v57 =	vld [tilespmem:$0x7000]  }
0x1c1: {  	[tilespmem:$0x1EFA0] =	vst v59;
	v59 =	vld [tilespmem:$0xD900]  }
0x1c2: {  	[tilespmem:$0x1EFB0] =	vst v60;
	v60 =	vld [tilespmem:$0x5980]  }
0x1c3: {  	[tilespmem:$0x1EFC0] =	vst v61;
	v61 =	vld [tilespmem:$0x9980]  }
0x1c4: {  	[tilespmem:$0x1F030] =	vst v63;
	v63 =	vld [tilespmem:$0x9B00]  }
0x1c5: {  	[tilespmem:$0x1FAA0] =	vst v57;
	v57 =	vld [tilespmem:$0xB000]  }
0x1c6: {  	[tilespmem:$0x1EF70] =	vst v54;
	v53 =	vld [tilespmem:$0xD980]  }
0x1c7: {  	[tilespmem:$0x1EFD0] =	vst v62;
	v62 =	vld [tilespmem:$0x1A00]  }
0x1c8: {  	[tilespmem:$0x1EF80] =	vst v55;
	v54 =	vld [tilespmem:$0x5A00]  }
0x1c9: {  	[tilespmem:$0x1F040] =	vst v63;
	v63 =	vld [tilespmem:$0xDB00]  }
0x1ca: {  	v16 =	vadd.f32 v16, v36;
	[tilespmem:$0x1FAB0] =	vst v57;
	v57 =	vld [tilespmem:$0xF000]  }
0x1cb: {  	v55 =	vld [tilespmem:$0x9A00];
	[tilespmem:$0x1FB50] =	vst v8  }
0x1cc: {  	[tilespmem:$0x1FB60] =	vst v14;
	v8 =	vadd.f32 v6, v16;
	v16 =	vld [tilespmem:$0xB180];
	v14 =	vadd.f32 v17, v25  }
0x1cd: {  	v17 =	vadd.f32 v18, v26;
	v18 =	vadd.f32 v9, v19;
	v19 =	vld [tilespmem:$0x3200]  }
0x1ce: {  	[tilespmem:$0x1F050] =	vst v63;
	v63 =	vld [tilespmem:$0x1B80]  }
0x1cf: {  	[tilespmem:$0x1FAC0] =	vst v57;
	v57 =	vld [tilespmem:$0x3080]  }
0x1d0: {  	v25 =	vld [tilespmem:$0xB200]  }
0x1d1: {  	v40 =	vadd.f32 v40, v48;
	v26 =	vld [tilespmem:$0xF200]  }
0x1d2: {  	v48 =	vadd.f32 v38, v41;
	v41 =	vadd.f32 v50, v58;
	v50 =	vld [tilespmem:$0x7380]  }
0x1d3: {  	[tilespmem:$0x1F060] =	vst v63;
	v63 =	vld [tilespmem:$0x5B80]  }
0x1d4: {  	[tilespmem:$0x1FAD0] =	vst v57;
	v57 =	vld [tilespmem:$0x7080]  }
0x1d5: {  	v0 =	vadd.f32 v0, v2;
	v58 =	vld [tilespmem:$0xF380]  }
0x1d6: {  	v38 =	vld [tilespmem:$0x1EF40]  }
0x1d7: {  	v36 =	vadd.f32 v0, v7;
	v7 =	vld [tilespmem:$0x3400]  }
0x1d8: {  	[tilespmem:$0x1F070] =	vst v63;
	v63 =	vld [tilespmem:$0x9B80]  }
0x1d9: {  	[tilespmem:$0x1FAE0] =	vst v57;
	v57 =	vld [tilespmem:$0xB080]  }
0x1da: {  	v9 =	vld [tilespmem:$0x1EF60]  }
0x1db: {  	v3 =	vadd.f32 v3, v11;
	v11 =	vld [tilespmem:$0x1EF70]  }
0x1dc: {  	[tilespmem:$0x1FBE0] =	vst v12;
	v12 =	vld [tilespmem:$0x1EF80]  }
0x1dd: {  	[tilespmem:$0x1F080] =	vst v63;
	v63 =	vld [tilespmem:$0xDB80]  }
0x1de: {  	v20 =	vadd.f32 v10, v20;
	[tilespmem:$0x1FAF0] =	vst v57;
	v57 =	vld [tilespmem:$0xF080]  }
0x1df: {  	[tilespmem:$0x1FB70] =	vst v16;
	v16 =	vld [tilespmem:$0xF180]  }
0x1e0: {  	[tilespmem:$0x1FBB0] =	vst v25;
	v25 =	vadd.f32 v3, v20;
	v20 =	vld [tilespmem:$0xF280]  }
0x1e1: {  	[tilespmem:$0x1FB90] =	vst v19;
	v19 =	vadd.f32 v21, v29;
	v29 =	vadd.f32 v48, v40;
	v40 =	vld [tilespmem:$0xF300]  }
0x1e2: {  	[tilespmem:$0x1F090] =	vst v63;
	v63 =	vld [tilespmem:$0x1C00]  }
0x1e3: {  	[tilespmem:$0x1FB00] =	vst v57;
	v57 =	vld [tilespmem:$0x3100]  }
0x1e4: {  	v21 =	vadd.f32 v22, v30;
	v22 =	vadd.f32 v13, v15;
	v13 =	vld [tilespmem:$0x1EF90]  }
0x1e5: {  	v48 =	vadd.f32 v44, v52;
	v15 =	vld [tilespmem:$0x1EFA0]  }
0x1e6: {  	v52 =	vadd.f32 v23, v35;
	v23 =	vadd.f32 v47, v55;
	v47 =	vld [tilespmem:$0xF480]  }
0x1e7: {  	[tilespmem:$0x1F0A0] =	vst v63;
	v63 =	vld [tilespmem:$0x5C00]  }
0x1e8: {  	[tilespmem:$0x1FB10] =	vst v57;
	v57 =	vld [tilespmem:$0x7100]  }
0x1e9: {  	[tilespmem:$0x1FC80] =	vst v58;
	v58 =	vld [tilespmem:$0x7500]  }
0x1ea: {  	v0 =	vadd.f32 v56, v38;
	v56 =	vld [tilespmem:$0xB380]  }
0x1eb: {  	v44 =	vld [tilespmem:$0x1EFF0]  }
0x1ec: {  	[tilespmem:$0x1F0B0] =	vst v63;
	v63 =	vld [tilespmem:$0x9C00]  }
0x1ed: {  	[tilespmem:$0x1FB20] =	vst v57;
	v57 =	vld [tilespmem:$0xB100]  }
0x1ee: {  	[tilespmem:$0x1FB80] =	vst v16;
	v16 =	vadd.f32 v27, v31;
	v31 =	vld [tilespmem:$0x3300]  }
0x1ef: {  	[tilespmem:$0x1FC40] =	vst v40;
	v40 =	vld [tilespmem:$0x3480]  }
0x1f0: {  	[tilespmem:$0x1FC60] =	vst v50;
	v50 =	vld [tilespmem:$0x1F040]  }
0x1f1: {  	[tilespmem:$0x1F0C0] =	vst v63;
	v63 =	vld [tilespmem:$0xDC00]  }
0x1f2: {  	[tilespmem:$0x1FB30] =	vst v57;
	v57 =	vld [tilespmem:$0xF100]  }
0x1f3: {  	[tilespmem:$0x1FC00] =	vst v20;
	v20 =	vadd.f32 v53, v61;
	v61 =	vld [tilespmem:$0x1F0C0]  }
0x1f4: {  	v53 =	vld [tilespmem:$0x1F060]  }
0x1f5: {  	v55 =	vld [tilespmem:$0x1F080]  }
0x1f6: {  	[tilespmem:$0x1FC70] =	vst v56;
	v56 =	vld [tilespmem:$0x1F090]  }
0x1f7: {  	[tilespmem:$0x1FB40] =	vst v57;
	v57 =	vadd.f32 v24, v37;
	v24 =	vld [tilespmem:$0x7200]  }
0x1f8: {  	[tilespmem:$0x1FC90] =	vst v7;
	v7 =	vadd.f32 v63, v61;
	v63 =	vld [tilespmem:$0xF500]  }
0x1f9: {  	v37 =	vld [tilespmem:$0x3280]  }
0x1fa: {  	v10 =	vadd.f32 v14, v57;
	v14 =	vadd.f32 v39, v42;
	v39 =	vld [tilespmem:$0x1EF50]  }
0x1fb: {  	v42 =	vadd.f32 v43, v51;
	v43 =	vld [tilespmem:$0x3380]  }
0x1fc: {  	[tilespmem:$0x1FBA0] =	vst v24;
	v24 =	vadd.f32 v18, v17;
	v17 =	vld [tilespmem:$0xB280]  }
0x1fd: {  	v51 =	vadd.f32 v34, v46;
	v46 =	vld [tilespmem:$0x1F010]  }
0x1fe: {  	[tilespmem:$0x1FBC0] =	vst v26;
	v26 =	vadd.f32 v16, v14;
	v14 =	vld [tilespmem:$0x7400];
	v18 =	vadd.f32 v28, v32  }
0x1ff: {  	v30 =	vadd.f32 v42, v41;
	v41 =	vld [tilespmem:$0x7480]  }
0x200: {  	v27 =	vadd.f32 v19, v18;
	v19 =	vld [tilespmem:$0x1EFD0]  }
0x201: {  	[tilespmem:$0x1FBF0] =	vst v17;
	v17 =	vld [tilespmem:$0x1EFC0]  }
0x202: {  	[tilespmem:$0x1FD00] =	vst v47;
	v42 =	vld [tilespmem:$0xB480]  }
0x203: {  	v1 =	vadd.f32 v1, v5;
	[tilespmem:$0x1FD20] =	vst v58;
	v32 =	vld [tilespmem:$0x7300]  }
0x204: {  	[tilespmem:$0x1FBD0] =	vst v37;
	v37 =	vld [tilespmem:$0xB300]  }
0x205: {  	[tilespmem:$0x1FC10] =	vst v31;
	v57 =	vadd.f32 v1, v4;
	v4 =	vadd.f32 v60, v19;
	v60 =	vld [tilespmem:$0x1F0B0]  }
0x206: {  	[tilespmem:$0x1FCD0] =	vst v40;
	v3 =	vadd.f32 v59, v17;
	v59 =	vld [tilespmem:$0x1F0A0]  }
0x207: {  	[tilespmem:$0x1FD40] =	vst v63;
	v28 =	vadd.f32 v22, v21;
	v21 =	vld [tilespmem:$0xF400]  }
0x208: {  	v22 =	vadd.f32 v54, v62;
	v62 =	vld [tilespmem:$0xB500];
	[tilespmem:$0x1FC50] =	vst v43  }
0x209: {  	v18 =	vld [tilespmem:$0xB400];
	[tilespmem:$0x1FCA0] =	vst v14  }
0x20a: {  	v1 =	vadd.f32 v49, v39;
	v43 =	vld [tilespmem:$0x1EFE0];
	[tilespmem:$0x1FCE0] =	vst v41  }
0x20b: {  	v49 =	vadd.f32 v33, v45;
	v45 =	vld [tilespmem:$0x1F000];
	[tilespmem:$0x1FCF0] =	vst v42;
	v6 =	vadd.f32 v60, v59  }
0x20c: {  	[tilespmem:$0x1FC20] =	vst v32;
	v32 =	vadd.f32 v52, v51;
	v52 =	vld [tilespmem:$0x3500]  }
0x20d: {  	v33 =	vadd.f32 v1, v0;
	[tilespmem:$0x1FC30] =	vst v37;
	v40 =	vadd.f32 v7, v6;
	v6 =	vld [tilespmem:$0x3580]  }
0x20e: {  	v16 =	vld [tilespmem:$0x1EFB0];
	v0 =	vadd.f32 v11, v9;
	v1 =	vadd.f32 v13, v12;
	[tilespmem:$0x1FCC0] =	vst v21  }
0x20f: {  	v54 =	vld [tilespmem:$0x1F070];
	[tilespmem:$0x1FD30] =	vst v62  }
0x210: {  	v31 =	vadd.f32 v49, v48;
	v48 =	vld [tilespmem:$0x1F020];
	v39 =	vadd.f32 v1, v0;
	[tilespmem:$0x1FCB0] =	vst v18  }
0x211: {  	v49 =	vld [tilespmem:$0x1F030];
	v0 =	vadd.f32 v44, v43;
	v1 =	vadd.f32 v46, v45;
	[tilespmem:$0x1FD10] =	vst v52  }
0x212: {  	v51 =	vld [tilespmem:$0x1F050];
	[tilespmem:$0x1FD50] =	vst v6  }
0x213: {  	v14 =	vadd.f32 v1, v0;
	v0 =	vld [tilespmem:$0x1F0D0]  }
0x214: {  	v7 =	vld [tilespmem:$0x1F0E0]  }
0x215: {  	v9 =	vld [tilespmem:$0x1F0F0]  }
0x216: {  	v11 =	vld [tilespmem:$0x1F100]  }
0x217: {  	v12 =	vld [tilespmem:$0x7580]  }
0x218: {  	v13 =	vld [tilespmem:$0x1F110]  }
0x219: {  	v2 =	vadd.f32 v16, v15;
	v15 =	vld [tilespmem:$0x1F120]  }
0x21a: {  	v16 =	vld [tilespmem:$0x1F130]  }
0x21b: {  	v17 =	vld [tilespmem:$0x1F140]  }
0x21c: {  	v18 =	vld [tilespmem:$0xB580]  }
0x21d: {  	v19 =	vld [tilespmem:$0x1F150]  }
0x21e: {  	v35 =	vadd.f32 v20, v4;
	v20 =	vld [tilespmem:$0x1F160]  }
0x21f: {  	v21 =	vld [tilespmem:$0x1F170]  }
0x220: {  	v37 =	vadd.f32 v23, v22;
	v22 =	vld [tilespmem:$0x1F180]  }
0x221: {  	v23 =	vld [tilespmem:$0xF580]  }
0x222: {  	v42 =	vld [tilespmem:$0x1F190]  }
0x223: {  	v43 =	vld [tilespmem:$0x1F1A0]  }
0x224: {  	v44 =	vld [tilespmem:$0x1F1B0]  }
0x225: {  	v45 =	vld [tilespmem:$0x1F1C0]  }
0x226: {  	v46 =	vld [tilespmem:$0x3600]  }
0x227: {  	v47 =	vld [tilespmem:$0x7600]  }
0x228: {  	v34 =	vadd.f32 v3, v2;
	v2 =	vadd.f32 v49, v48;
	v48 =	vld [tilespmem:$0xB600]  }
0x229: {  	v49 =	vld [tilespmem:$0x1F1D0]  }
0x22a: {  	v3 =	vadd.f32 v51, v50;
	v50 =	vld [tilespmem:$0x1F1E0]  }
0x22b: {  	v51 =	vld [tilespmem:$0x1F1F0]  }
0x22c: {  	v52 =	vld [tilespmem:$0x1F200]  }
0x22d: {  	v4 =	vadd.f32 v54, v53;
	v53 =	vld [tilespmem:$0xF600]  }
0x22e: {  	v54 =	vld [tilespmem:$0x1F210]  }
0x22f: {  	v5 =	vadd.f32 v56, v55;
	v55 =	vld [tilespmem:$0x1F220]  }
0x230: {  	v56 =	vld [tilespmem:$0x1F230]  }
0x231: {  	v58 =	vld [tilespmem:$0x1F240]  }
0x232: {  	v60 =	vld [tilespmem:$0x3680]  }
0x233: {  	v61 =	vld [tilespmem:$0x1F250]  }
0x234: {  	v62 =	vld [tilespmem:$0x1F260]  }
0x235: {  	[tilespmem:$0x11280] =	vst v10;
	v10 =	vld [tilespmem:$0x3880]  }
0x236: {  	[tilespmem:$0x11300] =	vst v24;
	v24 =	vld [tilespmem:$0x1F540]  }
0x237: {  	[tilespmem:$0x11180] =	vst v8;
	v8 =	vld [tilespmem:$0x1F560]  }
0x238: {  	[tilespmem:$0x11500] =	vst v26;
	v26 =	vld [tilespmem:$0x1F5B0]  }
0x239: {  	[tilespmem:$0x11580] =	vst v27;
	v27 =	vld [tilespmem:$0x1F660]  }
0x23a: {  	[tilespmem:$0x11480] =	vst v29;
	v29 =	vld [tilespmem:$0x1F670]  }
0x23b: {  	[tilespmem:$0x11700] =	vst v30;
	v30 =	vld [tilespmem:$0x1F680]  }
0x23c: {  	[tilespmem:$0x11800] =	vst v32;
	v32 =	vld [tilespmem:$0x1F760]  }
0x23d: {  	[tilespmem:$0x11900] =	vst v34;
	v34 =	vld [tilespmem:$0x1F770]  }
0x23e: {  	[tilespmem:$0x11980] =	vst v35;
	v35 =	vld [tilespmem:$0x1F780]  }
0x23f: {  	v41 =	vadd.f32 v3, v2;
	[tilespmem:$0x11A00] =	vst v37;
	v37 =	vld [tilespmem:$0xFA00]  }
0x240: {  	[tilespmem:$0x11880] =	vst v39;
	v39 =	vld [tilespmem:$0x1F790]  }
0x241: {  	v38 =	vadd.f32 v5, v4;
	[tilespmem:$0x11B00] =	vst v41;
	v41 =	vld [tilespmem:$0x1F7A0]  }
0x242: {  	[tilespmem:$0x11A80] =	vst v14;
	v14 =	vld [tilespmem:$0x7A80]  }
0x243: {  	[tilespmem:$0x11B80] =	vst v38;
	v38 =	vld [tilespmem:$0x1F880]  }
0x244: {  	[tilespmem:$0x11C00] =	vst v40;
	v40 =	vld [tilespmem:$0x1F890]  }
0x245: {  	v3 =	vadd.f32 v15, v13;
	v13 =	vld [tilespmem:$0x1F270]  }
0x246: {  	v15 =	vld [tilespmem:$0x1F280]  }
0x247: {  	v4 =	vadd.f32 v17, v16;
	v17 =	vld [tilespmem:$0x7680]  }
0x248: {  	[tilespmem:$0x1FD70] =	vst v18;
	v18 =	vld [tilespmem:$0x1F290]  }
0x249: {  	v5 =	vadd.f32 v20, v19;
	v19 =	vld [tilespmem:$0x1F2A0]  }
0x24a: {  	v6 =	vadd.f32 v22, v21;
	v21 =	vld [tilespmem:$0x1F2B0]  }
0x24b: {  	v22 =	vld [tilespmem:$0x1F2C0]  }
0x24c: {  	[tilespmem:$0x1FD90] =	vst v46;
	v46 =	vld [tilespmem:$0xB680]  }
0x24d: {  	[tilespmem:$0x1FDA0] =	vst v47;
	v47 =	vld [tilespmem:$0xF680]  }
0x24e: {  	[tilespmem:$0x1FDB0] =	vst v48;
	v48 =	vld [tilespmem:$0x3700]  }
0x24f: {  	[tilespmem:$0x1FDC0] =	vst v53;
	v53 =	vld [tilespmem:$0x1F300]  }
0x250: {  	v59 =	vadd.f32 v58, v56;
	v56 =	vld [tilespmem:$0x1F320]  }
0x251: {  	[tilespmem:$0x1FDD0] =	vst v60;
	v60 =	vld [tilespmem:$0x1F380]  }
0x252: {  	v63 =	vadd.f32 v62, v61;
	v62 =	vld [tilespmem:$0xF700]  }
0x253: {  	[tilespmem:$0x1FD60] =	vst v12;
	v12 =	vld [tilespmem:$0x1F440]  }
0x254: {  	v1 =	vadd.f32 v7, v0;
	[tilespmem:$0x1FED0] =	vst v10;
	v10 =	vld [tilespmem:$0x1F570]  }
0x255: {  	[tilespmem:$0x11780] =	vst v31;
	v2 =	vadd.f32 v11, v9;
	v31 =	vadd.f32 v30, v29;
	v30 =	vld [tilespmem:$0xBA00]  }
0x256: {  	v9 =	vadd.f32 v45, v44;
	[tilespmem:$0x1FFC0] =	vst v37;
	v37 =	vld [tilespmem:$0x1F870]  }
0x257: {  	v45 =	vadd.f32 v2, v1;
	v1 =	vadd.f32 v50, v49;
	v50 =	vld [tilespmem:$0x1F2D0]  }
0x258: {  	v2 =	vadd.f32 v52, v51;
	v51 =	vld [tilespmem:$0x1F2E0]  }
0x259: {  	v7 =	vadd.f32 v43, v42;
	v52 =	vld [tilespmem:$0x1F2F0]  }
0x25a: {  	v42 =	vadd.f32 v4, v3;
	v3 =	vadd.f32 v55, v54;
	v54 =	vld [tilespmem:$0x7700]  }
0x25b: {  	v55 =	vld [tilespmem:$0x1F310]  }
0x25c: {  	v4 =	vld [tilespmem:$0x1F3A0]  }
0x25d: {  	v43 =	vadd.f32 v6, v5;
	v6 =	vld [tilespmem:$0x1F3B0]  }
0x25e: {  	v44 =	vadd.f32 v9, v7;
	v9 =	vld [tilespmem:$0x1F3C0]  }
0x25f: {  	v49 =	vadd.f32 v59, v3;
	v59 =	vld [tilespmem:$0x1F370]  }
0x260: {  	[tilespmem:$0x11D00] =	vst v42;
	v42 =	vld [tilespmem:$0x1F8B0]  }
0x261: {  	[tilespmem:$0x11D80] =	vst v43;
	v43 =	vld [tilespmem:$0x1F8C0]  }
0x262: {  	[tilespmem:$0x11C80] =	vst v45;
	v45 =	vld [tilespmem:$0xBB80]  }
0x263: {  	[tilespmem:$0x1FE10] =	vst v48;
	v48 =	vld [tilespmem:$0x1F330]  }
0x264: {  	[tilespmem:$0x1FE40] =	vst v62;
	v62 =	vld [tilespmem:$0x1F3F0]  }
0x265: {  	[tilespmem:$0x1FDE0] =	vst v17;
	v17 =	vld [tilespmem:$0x1F450]  }
0x266: {  	v20 =	vadd.f32 v19, v18;
	v18 =	vld [tilespmem:$0x1F460]  }
0x267: {  	[tilespmem:$0x1FD80] =	vst v23;
	v23 =	vadd.f32 v22, v21;
	v21 =	vld [tilespmem:$0x1F480]  }
0x268: {  	[tilespmem:$0x1FDF0] =	vst v46;
	v46 =	vadd.f32 v2, v1;
	v2 =	vadd.f32 v51, v50;
	v50 =	vld [tilespmem:$0x1F340]  }
0x269: {  	v3 =	vadd.f32 v53, v52;
	v52 =	vld [tilespmem:$0xB700]  }
0x26a: {  	v16 =	vadd.f32 v15, v13;
	v53 =	vld [tilespmem:$0x1F350]  }
0x26b: {  	[tilespmem:$0x1FE20] =	vst v54;
	v54 =	vld [tilespmem:$0x1F360]  }
0x26c: {  	[tilespmem:$0x1FE00] =	vst v47;
	v47 =	vadd.f32 v16, v63;
	v63 =	vld [tilespmem:$0x1F390]  }
0x26d: {  	v58 =	vadd.f32 v56, v55;
	v56 =	vld [tilespmem:$0x3780]  }
0x26e: {  	v11 =	vadd.f32 v9, v6;
	v6 =	vld [tilespmem:$0x1F410]  }
0x26f: {  	v9 =	vld [tilespmem:$0x1F420]  }
0x270: {  	v16 =	vld [tilespmem:$0x3800]  }
0x271: {  	v7 =	vadd.f32 v23, v20;
	v20 =	vld [tilespmem:$0x1F470]  }
0x272: {  	[tilespmem:$0x11E80] =	vst v46;
	v46 =	vld [tilespmem:$0x3B80]  }
0x273: {  	v61 =	vadd.f32 v60, v59;
	v59 =	vld [tilespmem:$0xB780]  }
0x274: {  	v60 =	vld [tilespmem:$0x1F3D0]  }
0x275: {  	[tilespmem:$0x11F80] =	vst v47;
	v47 =	vld [tilespmem:$0x7B80]  }
0x276: {  	[tilespmem:$0x11E00] =	vst v44;
	v44 =	vadd.f32 v43, v42;
	v42 =	vld [tilespmem:$0xBC00]  }
0x277: {  	[tilespmem:$0x12000] =	vst v7;
	v7 =	vld [tilespmem:$0x1FA10]  }
0x278: {  	v43 =	vld [tilespmem:$0x1FAF0]  }
0x279: {  	v19 =	vadd.f32 v18, v17;
	v17 =	vld [tilespmem:$0x1F500]  }
0x27a: {  	v5 =	vadd.f32 v4, v63;
	v63 =	vld [tilespmem:$0x1F400]  }
0x27b: {  	v4 =	vld [tilespmem:$0xF780]  }
0x27c: {  	v23 =	vadd.f32 v9, v6;
	v6 =	vld [tilespmem:$0xB800]  }
0x27d: {  	v9 =	vld [tilespmem:$0xF800]  }
0x27e: {  	[tilespmem:$0x1FE90] =	vst v16;
	v16 =	vld [tilespmem:$0x1F4F0]  }
0x27f: {  	v51 =	vadd.f32 v50, v48;
	v48 =	vadd.f32 v21, v20;
	v20 =	vld [tilespmem:$0x7880]  }
0x280: {  	v55 =	vadd.f32 v54, v53;
	v21 =	vld [tilespmem:$0x1F510]  }
0x281: {  	v51 =	vadd.f32 v51, v58;
	v58 =	vld [tilespmem:$0x7780]  }
0x282: {  	[tilespmem:$0x1FE30] =	vst v52;
	v52 =	vadd.f32 v61, v55;
	v61 =	vld [tilespmem:$0x1F3E0]  }
0x283: {  	v5 =	vadd.f32 v11, v5;
	v11 =	vld [tilespmem:$0x1F430]  }
0x284: {  	[tilespmem:$0x1FE70] =	vst v59;
	v59 =	vld [tilespmem:$0x1F490]  }
0x285: {  	v19 =	vadd.f32 v48, v19;
	v48 =	vld [tilespmem:$0x1F5C0]  }
0x286: {  	[tilespmem:$0x12100] =	vst v51;
	v51 =	vld [tilespmem:$0x3C00]  }
0x287: {  	[tilespmem:$0x12180] =	vst v52;
	v52 =	vld [tilespmem:$0x7C00]  }
0x288: {  	v22 =	vadd.f32 v63, v62;
	v62 =	vld [tilespmem:$0x1F4B0]  }
0x289: {  	v63 =	vld [tilespmem:$0x1F4C0]  }
0x28a: {  	[tilespmem:$0x1FEE0] =	vst v20;
	v20 =	vld [tilespmem:$0xF880]  }
0x28b: {  	v18 =	vadd.f32 v17, v16;
	v16 =	vld [tilespmem:$0x1F610]  }
0x28c: {  	[tilespmem:$0x1FE60] =	vst v58;
	v58 =	vld [tilespmem:$0x7800]  }
0x28d: {  	v13 =	vadd.f32 v3, v2;
	v3 =	vadd.f32 v61, v60;
	v60 =	vld [tilespmem:$0x1F4A0]  }
0x28e: {  	v15 =	vadd.f32 v12, v11;
	v11 =	vld [tilespmem:$0x1F4D0]  }
0x28f: {  	v12 =	vld [tilespmem:$0x1F4E0]  }
0x290: {  	[tilespmem:$0x1FE50] =	vst v56;
	v56 =	vadd.f32 v22, v3;
	v22 =	vld [tilespmem:$0x1F520]  }
0x291: {  	v53 =	vadd.f32 v15, v23;
	v23 =	vld [tilespmem:$0x1F530]  }
0x292: {  	[tilespmem:$0x1FE80] =	vst v4;
	v4 =	vadd.f32 v63, v62;
	v63 =	vld [tilespmem:$0xB880]  }
0x293: {  	v62 =	vld [tilespmem:$0xB900]  }
0x294: {  	[tilespmem:$0x12280] =	vst v56;
	v56 =	vld [tilespmem:$0xFC00]  }
0x295: {  	[tilespmem:$0x12300] =	vst v53;
	v53 =	vld [tilespmem:$0x3C80]  }
0x296: {  	v15 =	vadd.f32 v12, v11;
	v11 =	vld [tilespmem:$0x1F580]  }
0x297: {  	v61 =	vadd.f32 v60, v59;
	v59 =	vld [tilespmem:$0x3900]  }
0x298: {  	v60 =	vld [tilespmem:$0x7900]  }
0x299: {  	[tilespmem:$0x1FEA0] =	vst v58;
	v58 =	vadd.f32 v48, v26;
	v26 =	vld [tilespmem:$0x1F650]  }
0x29a: {  	v48 =	vadd.f32 v41, v39;
	v41 =	vld [tilespmem:$0x1F8A0]  }
0x29b: {  	v39 =	vadd.f32 v38, v37;
	v37 =	vld [tilespmem:$0x1F920]  }
0x29c: {  	[tilespmem:$0x1FEB0] =	vst v6;
	v6 =	vadd.f32 v4, v61;
	v4 =	vld [tilespmem:$0x1F550]  }
0x29d: {  	v54 =	vadd.f32 v22, v21;
	v21 =	vld [tilespmem:$0x1F590]  }
0x29e: {  	v22 =	vld [tilespmem:$0x1F5A0]  }
0x29f: {  	v17 =	vadd.f32 v18, v15;
	v15 =	vld [tilespmem:$0xF900]  }
0x2a0: {  	[tilespmem:$0x11380] =	vst v25;
	v25 =	vadd.f32 v24, v23;
	v18 =	vld [tilespmem:$0x1F620]  }
0x2a1: {  	[tilespmem:$0x1FF30] =	vst v62;
	v62 =	vld [tilespmem:$0x1F6B0]  }
0x2a2: {  	[tilespmem:$0x11200] =	vst v36;
	v36 =	vadd.f32 v25, v54;
	v25 =	vld [tilespmem:$0x3980]  }
0x2a3: {  	[tilespmem:$0x12400] =	vst v6;
	v6 =	vld [tilespmem:$0x1FB10]  }
0x2a4: {  	v12 =	vadd.f32 v11, v10;
	v10 =	vld [tilespmem:$0x1F5F0]  }
0x2a5: {  	v11 =	vld [tilespmem:$0x1F600]  }
0x2a6: {  	[tilespmem:$0x1FF10] =	vst v59;
	v59 =	vld [tilespmem:$0x1F690]  }
0x2a7: {  	[tilespmem:$0x1FF20] =	vst v60;
	v60 =	vld [tilespmem:$0x1F6A0]  }
0x2a8: {  	[tilespmem:$0x11600] =	vst v28;
	v28 =	vadd.f32 v27, v26;
	v27 =	vld [tilespmem:$0x1F730]  }
0x2a9: {  	[tilespmem:$0x12500] =	vst v36;
	v36 =	vld [tilespmem:$0x1FAD0]  }
0x2aa: {  	[tilespmem:$0x1FEC0] =	vst v9;
	v9 =	vadd.f32 v8, v4;
	v4 =	vld [tilespmem:$0x1F5D0]  }
0x2ab: {  	v8 =	vld [tilespmem:$0x1F5E0]  }
0x2ac: {  	v23 =	vadd.f32 v22, v21;
	v21 =	vld [tilespmem:$0x1F630]  }
0x2ad: {  	v22 =	vld [tilespmem:$0x1F640]  }
0x2ae: {  	[tilespmem:$0x1FF00] =	vst v20;
	v20 =	vadd.f32 v18, v16;
	v16 =	vld [tilespmem:$0x1F6F0]  }
0x2af: {  	v18 =	vld [tilespmem:$0x1F700]  }
0x2b0: {  	v55 =	vadd.f32 v31, v28;
	v28 =	vld [tilespmem:$0x1F740]  }
0x2b1: {  	v31 =	vld [tilespmem:$0x1F750]  }
0x2b2: {  	[tilespmem:$0x1FEF0] =	vst v63;
	v63 =	vadd.f32 v58, v23;
	v58 =	vld [tilespmem:$0x7980]  }
0x2b3: {  	[tilespmem:$0x1FF50] =	vst v25;
	v25 =	vld [tilespmem:$0x1F720]  }
0x2b4: {  	v24 =	vadd.f32 v12, v9;
	v12 =	vadd.f32 v11, v10;
	v10 =	vld [tilespmem:$0x3A00]  }
0x2b5: {  	v11 =	vld [tilespmem:$0x1F6D0]  }
0x2b6: {  	v1 =	vadd.f32 v60, v59;
	v60 =	vld [tilespmem:$0x1F7B0]  }
0x2b7: {  	v59 =	vld [tilespmem:$0x7B00]  }
0x2b8: {  	[tilespmem:$0x12600] =	vst v63;
	v63 =	vld [tilespmem:$0xBD00]  }
0x2b9: {  	[tilespmem:$0x12580] =	vst v24;
	v24 =	vld [tilespmem:$0x1FBD0]  }
0x2ba: {  	v9 =	vadd.f32 v8, v4;
	v4 =	vld [tilespmem:$0x1F6C0]  }
0x2bb: {  	v8 =	vld [tilespmem:$0xB980]  }
0x2bc: {  	v23 =	vadd.f32 v22, v21;
	v22 =	vld [tilespmem:$0x7A00]  }
0x2bd: {  	v29 =	vadd.f32 v28, v27;
	v28 =	vld [tilespmem:$0x1F810]  }
0x2be: {  	[tilespmem:$0x11680] =	vst v33;
	v33 =	vadd.f32 v32, v31;
	v31 =	vld [tilespmem:$0x1F830]  }
0x2bf: {  	v32 =	vld [tilespmem:$0x1F840]  }
0x2c0: {  	v50 =	vadd.f32 v12, v9;
	v9 =	vld [tilespmem:$0xF980]  }
0x2c1: {  	v12 =	vld [tilespmem:$0x1F6E0]  }
0x2c2: {  	v54 =	vadd.f32 v23, v20;
	v23 =	vld [tilespmem:$0x1F710]  }
0x2c3: {  	[tilespmem:$0x1FF60] =	vst v58;
	v58 =	vld [tilespmem:$0xBB00]  }
0x2c4: {  	[tilespmem:$0x12680] =	vst v50;
	v50 =	vld [tilespmem:$0xFD00]  }
0x2c5: {  	[tilespmem:$0x12700] =	vst v54;
	v54 =	vld [tilespmem:$0x3D80]  }
0x2c6: {  	v0 =	vadd.f32 v4, v62;
	v62 =	vld [tilespmem:$0x1F7C0]  }
0x2c7: {  	[tilespmem:$0x1FFA0] =	vst v22;
	v22 =	vld [tilespmem:$0x1F7E0]  }
0x2c8: {  	[tilespmem:$0x1FF70] =	vst v8;
	v8 =	vld [tilespmem:$0x1F8D0]  }
0x2c9: {  	v4 =	vld [tilespmem:$0x1FB00]  }
0x2ca: {  	[tilespmem:$0x1FF40] =	vst v15;
	v15 =	vadd.f32 v12, v11;
	v12 =	vld [tilespmem:$0x3A80]  }
0x2cb: {  	v26 =	vadd.f32 v25, v23;
	v25 =	vld [tilespmem:$0x1F7F0]  }
0x2cc: {  	v20 =	vadd.f32 v0, v1;
	v1 =	vadd.f32 v35, v34;
	v34 =	vld [tilespmem:$0x1F850]  }
0x2cd: {  	v21 =	vadd.f32 v18, v16;
	v35 =	vld [tilespmem:$0x1F860]  }
0x2ce: {  	[tilespmem:$0x1FF80] =	vst v9;
	v9 =	vld [tilespmem:$0x1F8E0]  }
0x2cf: {  	v16 =	vadd.f32 v21, v15;
	v15 =	vld [tilespmem:$0xBA80]  }
0x2d0: {  	v21 =	vld [tilespmem:$0x1F7D0]  }
0x2d1: {  	[tilespmem:$0x11400] =	vst v57;
	v57 =	vadd.f32 v29, v26;
	v26 =	vld [tilespmem:$0x1F800]  }
0x2d2: {  	v29 =	vld [tilespmem:$0x1F820]  }
0x2d3: {  	v61 =	vadd.f32 v1, v33;
	v33 =	vadd.f32 v32, v31;
	v32 =	vld [tilespmem:$0x1F8F0]  }
0x2d4: {  	v31 =	vld [tilespmem:$0x1F9B0]  }
0x2d5: {  	v0 =	vadd.f32 v62, v60;
	v62 =	vld [tilespmem:$0xFA80]  }
0x2d6: {  	v60 =	vld [tilespmem:$0x3B00]  }
0x2d7: {  	v3 =	vadd.f32 v4, v43;
	v4 =	vld [tilespmem:$0x1FC70]  }
0x2d8: {  	[tilespmem:$0x12900] =	vst v57;
	v57 =	vld [tilespmem:$0x3E00]  }
0x2d9: {  	[tilespmem:$0x12980] =	vst v61;
	v61 =	vld [tilespmem:$0x1FC60]  }
0x2da: {  	v18 =	vadd.f32 v0, v48;
	v48 =	vld [tilespmem:$0xFB00]  }
0x2db: {  	v1 =	vadd.f32 v35, v34;
	v35 =	vld [tilespmem:$0x1F910]  }
0x2dc: {  	v0 =	vadd.f32 v41, v40;
	v40 =	vld [tilespmem:$0x1F940]  }
0x2dd: {  	v11 =	vadd.f32 v9, v8;
	v9 =	vld [tilespmem:$0x1FA20]  }
0x2de: {  	[tilespmem:$0x11F00] =	vst v49;
	v49 =	vadd.f32 v39, v1;
	v39 =	vld [tilespmem:$0x1F930]  }
0x2df: {  	v23 =	vadd.f32 v22, v21;
	v21 =	vld [tilespmem:$0x1F950]  }
0x2e0: {  	v22 =	vld [tilespmem:$0x1F960]  }
0x2e1: {  	v27 =	vadd.f32 v26, v25;
	v26 =	vld [tilespmem:$0x1F970]  }
0x2e2: {  	v25 =	vadd.f32 v44, v0;
	v44 =	vld [tilespmem:$0xFB80]  }
0x2e3: {  	[tilespmem:$0x1FFB0] =	vst v30;
	v30 =	vadd.f32 v29, v28;
	v28 =	vld [tilespmem:$0x1F990]  }
0x2e4: {  	v29 =	vld [tilespmem:$0x1F9A0]  }
0x2e5: {  	[tilespmem:$0x1FFF0] =	vst v15;
	v15 =	vld [tilespmem:$0x1FA30]  }
0x2e6: {  	[tilespmem:$0x12A00] =	vst v18;
	v18 =	vld [tilespmem:$0x1FCA0]  }
0x2e7: {  	[tilespmem:$0x1FFD0] =	vst v12;
	v12 =	vadd.f32 v33, v30;
	v33 =	vld [tilespmem:$0x1F900]  }
0x2e8: {  	[tilespmem:$0x1FF90] =	vst v10;
	v10 =	vadd.f32 v27, v23;
	v27 =	vld [tilespmem:$0x1F980]  }
0x2e9: {  	[tilespmem:$0x12B80] =	vst v49;
	v49 =	vld [tilespmem:$0x1FD00]  }
0x2ea: {  	[tilespmem:$0x12C00] =	vst v25;
	v25 =	vld [tilespmem:$0x1FD70]  }
0x2eb: {  	v38 =	vadd.f32 v37, v35;
	v35 =	vld [tilespmem:$0x1F9F0]  }
0x2ec: {  	v37 =	vld [tilespmem:$0x1FA00]  }
0x2ed: {  	v23 =	vadd.f32 v22, v21;
	v21 =	vld [tilespmem:$0x1FA40]  }
0x2ee: {  	v30 =	vadd.f32 v29, v28;
	v28 =	vld [tilespmem:$0x1FA70]  }
0x2ef: {  	v29 =	vld [tilespmem:$0x1FA80]  }
0x2f0: {  	v41 =	vadd.f32 v40, v39;
	v40 =	vld [tilespmem:$0xBC80]  }
0x2f1: {  	v39 =	vld [tilespmem:$0xFC80]  }
0x2f2: {  	v44 =	vadd.f32 v44, v45;
	v45 =	vld [tilespmem:$0x8100]  }
0x2f3: {  	v34 =	vadd.f32 v33, v32;
	v32 =	vld [tilespmem:$0x1F9C0]  }
0x2f4: {  	v33 =	vld [tilespmem:$0x1F9D0]  }
0x2f5: {  	v1 =	vadd.f32 v27, v26;
	v26 =	vld [tilespmem:$0x1FA50]  }
0x2f6: {  	v27 =	vld [tilespmem:$0x1FA60]  }
0x2f7: {  	[tilespmem:$0x1FFE0] =	vst v14;
	v14 =	vadd.f32 v41, v38;
	v41 =	vld [tilespmem:$0x7C80]  }
0x2f8: {  	v38 =	vadd.f32 v37, v35;
	v35 =	vld [tilespmem:$0x1FAC0]  }
0x2f9: {  	v37 =	vld [tilespmem:$0x1FAE0]  }
0x2fa: {  	v8 =	vadd.f32 v34, v11;
	v34 =	vld [tilespmem:$0x1F9E0]  }
0x2fb: {  	v11 =	vadd.f32 v9, v7;
	v7 =	vld [tilespmem:$0x1FB20]  }
0x2fc: {  	v22 =	vadd.f32 v21, v15;
	v21 =	vld [tilespmem:$0x1FBB0]  }
0x2fd: {  	[tilespmem:$0x12C80] =	vst v8;
	v8 =	vld [tilespmem:$0x1FD50]  }
0x2fe: {  	v0 =	vadd.f32 v32, v31;
	v31 =	vld [tilespmem:$0x1FA90]  }
0x2ff: {  	v32 =	vld [tilespmem:$0x1FAA0]  }
0x300: {  	[tilespmem:$0x12080] =	vst v13;
	v13 =	vadd.f32 v1, v23;
	v1 =	vadd.f32 v27, v26;
	v26 =	vld [tilespmem:$0x1FB30]  }
0x301: {  	v27 =	vld [tilespmem:$0x1FB40]  }
0x302: {  	v9 =	vadd.f32 v22, v11;
	v22 =	vld [tilespmem:$0x1FBC0]  }
0x303: {  	[tilespmem:$0x12200] =	vst v5;
	v5 =	vadd.f32 v34, v33;
	v34 =	vld [tilespmem:$0x1FAB0]  }
0x304: {  	v23 =	vadd.f32 v0, v30;
	v30 =	vadd.f32 v29, v28;
	v29 =	vld [tilespmem:$0x1FB50]  }
0x305: {  	v11 =	vadd.f32 v7, v6;
	v7 =	vld [tilespmem:$0x1FC90]  }
0x306: {  	[tilespmem:$0x12480] =	vst v17;
	v17 =	vadd.f32 v38, v5;
	v38 =	vld [tilespmem:$0x3D00]  }
0x307: {  	v5 =	vadd.f32 v37, v36;
	v37 =	vld [tilespmem:$0x7D00]  }
0x308: {  	v15 =	vadd.f32 v30, v1;
	v30 =	vld [tilespmem:$0x1FB60]  }
0x309: {  	[tilespmem:$0x12E00] =	vst v23;
	v23 =	vld [tilespmem:$0x1FDE0]  }
0x30a: {  	v33 =	vadd.f32 v32, v31;
	v32 =	vld [tilespmem:$0x1FB70]  }
0x30b: {  	v28 =	vadd.f32 v27, v26;
	v26 =	vld [tilespmem:$0x1FBE0]  }
0x30c: {  	v27 =	vld [tilespmem:$0x1FBF0]  }
0x30d: {  	v6 =	vadd.f32 v3, v5;
	v5 =	vld [tilespmem:$0x1FC80]  }
0x30e: {  	v0 =	vadd.f32 v35, v34;
	v34 =	vld [tilespmem:$0x1FB90]  }
0x30f: {  	v35 =	vld [tilespmem:$0x1FBA0]  }
0x310: {  	v11 =	vadd.f32 v28, v11;
	v28 =	vld [tilespmem:$0x1FC00]  }
0x311: {  	[tilespmem:$0x12380] =	vst v19;
	v19 =	vadd.f32 v0, v33;
	v33 =	vld [tilespmem:$0x1FB80]  }
0x312: {  	v31 =	vadd.f32 v30, v29;
	v29 =	vld [tilespmem:$0x1FC10]  }
0x313: {  	v30 =	vld [tilespmem:$0x1FC20]  }
0x314: {  	[tilespmem:$0x13100] =	vst v11;
	v11 =	vld [tilespmem:$0x1FEE0]  }
0x315: {  	v58 =	vadd.f32 v48, v58;
	v48 =	vadd.f32 v37, v38;
	v38 =	vld [tilespmem:$0xC180]  }
0x316: {  	[tilespmem:$0x12880] =	vst v16;
	v16 =	vadd.f32 v26, v24;
	v26 =	vld [tilespmem:$0x1FCB0]  }
0x317: {  	v43 =	vadd.f32 v35, v34;
	v34 =	vld [tilespmem:$0x7D80]  }
0x318: {  	v35 =	vld [tilespmem:$0x1FC50]  }
0x319: {  	[tilespmem:$0x12800] =	vst v20;
	v20 =	vadd.f32 v28, v27;
	v27 =	vld [tilespmem:$0x1FCC0]  }
0x31a: {  	v0 =	vadd.f32 v22, v21;
	v28 =	vld [tilespmem:$0x1FCD0]  }
0x31b: {  	v1 =	vadd.f32 v33, v32;
	v33 =	vld [tilespmem:$0xBD80]  }
0x31c: {  	v22 =	vadd.f32 v0, v43;
	v43 =	vld [tilespmem:$0xFD80]  }
0x31d: {  	v32 =	vld [tilespmem:$0x1FC40]  }
0x31e: {  	v36 =	vadd.f32 v30, v29;
	v30 =	vld [tilespmem:$0xFE00]  }
0x31f: {  	v29 =	vld [tilespmem:$0x1FCE0]  }
0x320: {  	v21 =	vadd.f32 v1, v31;
	v31 =	vld [tilespmem:$0x1FC30]  }
0x321: {  	v1 =	vadd.f32 v5, v4;
	v4 =	vld [tilespmem:$0x1FD30]  }
0x322: {  	[tilespmem:$0x12A80] =	vst v10;
	v10 =	vadd.f32 v20, v16;
	v5 =	vld [tilespmem:$0x1FD40]  }
0x323: {  	[tilespmem:$0x13200] =	vst v22;
	v22 =	vld [tilespmem:$0x1FF30]  }
0x324: {  	[tilespmem:$0x13280] =	vst v10;
	v10 =	vld [tilespmem:$0x1FF60]  }
0x325: {  	v61 =	vadd.f32 v61, v35;
	v35 =	vld [tilespmem:$0x7E00]  }
0x326: {  	v0 =	vadd.f32 v27, v26;
	v26 =	vld [tilespmem:$0x1FD80]  }
0x327: {  	v27 =	vld [tilespmem:$0x1FD90]  }
0x328: {  	v24 =	vadd.f32 v18, v7;
	[tilespmem:$0x13180] =	vst v21;
	v21 =	vld [tilespmem:$0x1FF20]  }
0x329: {  	v7 =	vadd.f32 v1, v61;
	v61 =	vld [tilespmem:$0x1FD20]  }
0x32a: {  	v20 =	vadd.f32 v0, v24;
	v24 =	vld [tilespmem:$0x1FD60]  }
0x32b: {  	v18 =	vadd.f32 v29, v28;
	v28 =	vld [tilespmem:$0xFE80]  }
0x32c: {  	v29 =	vld [tilespmem:$0x1FDA0]  }
0x32d: {  	v33 =	vadd.f32 v43, v33;
	v43 =	vld [tilespmem:$0x10280]  }
0x32e: {  	[tilespmem:$0x12780] =	vst v55;
	v55 =	vadd.f32 v32, v31;
	v31 =	vld [tilespmem:$0xBE00]  }
0x32f: {  	v32 =	vld [tilespmem:$0x3E80]  }
0x330: {  	[tilespmem:$0x13400] =	vst v20;
	v20 =	vld [tilespmem:$0x1FFE0]  }
0x331: {  	v1 =	vadd.f32 v26, v25;
	v26 =	vld [tilespmem:$0x7F00]  }
0x332: {  	v25 =	vld [tilespmem:$0x1FE00]  }
0x333: {  	v16 =	vadd.f32 v55, v36;
	v36 =	vld [tilespmem:$0x1FCF0]  }
0x334: {  	v55 =	vld [tilespmem:$0x1FD10]  }
0x335: {  	[tilespmem:$0x12D00] =	vst v14;
	v14 =	vadd.f32 v29, v27;
	v27 =	vld [tilespmem:$0x3F00]  }
0x336: {  	v29 =	vld [tilespmem:$0xBF00]  }
0x337: {  	v8 =	vadd.f32 v24, v8;
	v24 =	vld [tilespmem:$0x1FDF0]  }
0x338: {  	[tilespmem:$0x13300] =	vst v16;
	v16 =	vld [tilespmem:$0x1FFA0]  }
0x339: {  	v30 =	vadd.f32 v30, v31;
	v31 =	vld [tilespmem:$0x4200]  }
0x33a: {  	v36 =	vadd.f32 v49, v36;
	v49 =	vld [tilespmem:$0x7E80]  }
0x33b: {  	[tilespmem:$0x12B00] =	vst v12;
	v12 =	vadd.f32 v61, v55;
	v61 =	vld [tilespmem:$0xBE80]  }
0x33c: {  	v55 =	vadd.f32 v5, v4;
	v4 =	vld [tilespmem:$0x1FDB0]  }
0x33d: {  	v5 =	vld [tilespmem:$0x1FDC0]  }
0x33e: {  	[tilespmem:$0x12E80] =	vst v17;
	v17 =	vadd.f32 v25, v24;
	v25 =	vld [tilespmem:$0xFF00]  }
0x33f: {  	v24 =	vld [tilespmem:$0x1FE60]  }
0x340: {  	[tilespmem:$0x12D80] =	vst v13;
	v13 =	vadd.f32 v36, v18;
	v18 =	vld [tilespmem:$0x1FDD0]  }
0x341: {  	v12 =	vadd.f32 v55, v12;
	v36 =	vld [tilespmem:$0x1FE10]  }
0x342: {  	v55 =	vld [tilespmem:$0x1FE20]  }
0x343: {  	[tilespmem:$0x13500] =	vst v12;
	v12 =	vadd.f32 v59, v60;
	v59 =	vadd.f32 v47, v46;
	v46 =	vld [tilespmem:$0xC100]  }
0x344: {  	v60 =	vadd.f32 v52, v51;
	v52 =	vadd.f32 v34, v54;
	v34 =	vld [tilespmem:$0x10180]  }
0x345: {  	v51 =	vadd.f32 v50, v63;
	v63 =	vld [tilespmem:$0x10200]  }
0x346: {  	v47 =	vadd.f32 v39, v40;
	v40 =	vld [tilespmem:$0xC280];
	v0 =	vadd.f32 v5, v4  }
0x347: {  	v4 =	vadd.f32 v1, v8;
	v8 =	vld [tilespmem:$0x1FE30]  }
0x348: {  	v5 =	vadd.f32 v0, v14;
	v14 =	vadd.f32 v23, v18;
	v18 =	vld [tilespmem:$0x1FE40]  }
0x349: {  	v42 =	vadd.f32 v56, v42;
	v56 =	vadd.f32 v51, v48;
	v48 =	vld [tilespmem:$0x4300]  }
0x34a: {  	[tilespmem:$0x12F00] =	vst v9;
	v9 =	vadd.f32 v55, v36;
	v55 =	vld [tilespmem:$0x3F80]  }
0x34b: {  	v23 =	vld [tilespmem:$0x1FE50]  }
0x34c: {  	[tilespmem:$0x13580] =	vst v4;
	v4 =	vadd.f32 v44, v59;
	v59 =	vld [tilespmem:$0xC200]  }
0x34d: {  	v36 =	vadd.f32 v18, v8;
	v8 =	vld [tilespmem:$0x1FE70]  }
0x34e: {  	v18 =	vld [tilespmem:$0x1FE80]  }
0x34f: {  	v44 =	vadd.f32 v41, v53;
	v53 =	vadd.f32 v35, v57;
	v35 =	vld [tilespmem:$0x8280]  }
0x350: {  	[tilespmem:$0x13080] =	vst v6;
	v6 =	vadd.f32 v17, v14;
	v14 =	vld [tilespmem:$0x4000]  }
0x351: {  	v17 =	vld [tilespmem:$0x1FF00]  }
0x352: {  	[tilespmem:$0x12F80] =	vst v15;
	v15 =	vadd.f32 v24, v23;
	v23 =	vld [tilespmem:$0x1FE90]  }
0x353: {  	v1 =	vadd.f32 v18, v8;
	v8 =	vld [tilespmem:$0x1FEA0]  }
0x354: {  	[tilespmem:$0x13600] =	vst v5;
	v5 =	vadd.f32 v42, v60;
	v60 =	vadd.f32 v49, v32;
	v32 =	vld [tilespmem:$0x4280]  }
0x355: {  	v24 =	vld [tilespmem:$0x7F80]  }
0x356: {  	v18 =	vld [tilespmem:$0x1FEB0]  }
0x357: {  	v2 =	vadd.f32 v1, v15;
	v15 =	vld [tilespmem:$0x1FEF0]  }
0x358: {  	[tilespmem:$0x13000] =	vst v19;
	v19 =	vadd.f32 v8, v23;
	v23 =	vld [tilespmem:$0x1FEC0]  }
0x359: {  	v9 =	vadd.f32 v36, v9;
	v36 =	vld [tilespmem:$0x1FF40]  }
0x35a: {  	v8 =	vld [tilespmem:$0x1FED0]  }
0x35b: {  	[tilespmem:$0x13700] =	vst v9;
	v9 =	vld [tilespmem:$0x4180]  }
0x35c: {  	v15 =	vadd.f32 v17, v15;
	v17 =	vld [tilespmem:$0x8000]  }
0x35d: {  	v0 =	vadd.f32 v23, v18;
	v23 =	vld [tilespmem:$0xBF80]  }
0x35e: {  	v18 =	vld [tilespmem:$0xFF80]  }
0x35f: {  	v11 =	vadd.f32 v11, v8;
	v8 =	vld [tilespmem:$0x1FF50]  }
0x360: {  	v3 =	vadd.f32 v0, v19;
	v19 =	vld [tilespmem:$0x1FF10]  }
0x361: {  	v0 =	vld [tilespmem:$0x1FF90]  }
0x362: {  	[tilespmem:$0x13380] =	vst v7;
	v7 =	vadd.f32 v15, v11;
	v15 =	vld [tilespmem:$0x8080]  }
0x363: {  	[tilespmem:$0x13800] =	vst v3;
	v3 =	vld [tilespmem:$0x8200]  }
0x364: {  	v12 =	vadd.f32 v58, v12;
	v10 =	vadd.f32 v10, v8;
	v8 =	vld [tilespmem:$0x1FF80]  }
0x365: {  	[tilespmem:$0x13480] =	vst v13;
	v19 =	vadd.f32 v21, v19;
	v21 =	vadd.f32 v36, v22;
	v22 =	vld [tilespmem:$0x1FF70]  }
0x366: {  	v25 =	vadd.f32 v25, v29;
	v57 =	vadd.f32 v33, v52;
	[tilespmem:$0x13B00] =	vst v12;
	v36 =	vld [tilespmem:$0xC000]  }
0x367: {  	[tilespmem:$0x13D00] =	vst v56;
	v58 =	vadd.f32 v30, v53;
	v11 =	vadd.f32 v21, v19;
	v21 =	vld [tilespmem:$0x1FFD0]  }
0x368: {  	v30 =	vadd.f32 v26, v27;
	[tilespmem:$0x13B80] =	vst v4;
	v16 =	vadd.f32 v16, v0;
	v0 =	vld [tilespmem:$0x1FFB0]  }
0x369: {  	v54 =	vadd.f32 v47, v44;
	[tilespmem:$0x13D80] =	vst v57;
	v19 =	vld [tilespmem:$0x10080]  }
0x36a: {  	[tilespmem:$0x13680] =	vst v6;
	v42 =	vadd.f32 v25, v30;
	v1 =	vadd.f32 v8, v22;
	v8 =	vld [tilespmem:$0x1FFC0]  }
0x36b: {  	[tilespmem:$0x13C00] =	vst v5;
	v57 =	vadd.f32 v63, v59;
	v59 =	vadd.f32 v35, v32;
	v22 =	vld [tilespmem:$0x10000]  }
0x36c: {  	[tilespmem:$0x13C80] =	vst v54;
	v33 =	vadd.f32 v24, v55;
	v13 =	vadd.f32 v20, v21;
	v21 =	vld [tilespmem:$0x1FFF0]  }
0x36d: {  	[tilespmem:$0x13E00] =	vst v58;
	v18 =	vadd.f32 v18, v23;
	v1 =	vadd.f32 v1, v10;
	v10 =	vld [tilespmem:$0xC080]  }
0x36e: {  	[tilespmem:$0x13F00] =	vst v42;
	v37 =	vadd.f32 v17, v14;
	v3 =	vadd.f32 v3, v31;
	v20 =	vld [tilespmem:$0x8180]  }
0x36f: {  	[tilespmem:$0x13780] =	vst v2;
	v44 =	vadd.f32 v18, v33;
	v0 =	vadd.f32 v8, v0;
	v8 =	vld [tilespmem:$0x4080]  }
0x370: {  	v51 =	vld [tilespmem:$0x8300];
	[tilespmem:$0x13880] =	vst v7;
	v3 =	vadd.f32 v57, v3;
	v39 =	vadd.f32 v22, v36  }
0x371: {  	v56 =	vld [tilespmem:$0x10300];
	[tilespmem:$0x13F80] =	vst v44;
	v0 =	vadd.f32 v0, v16;
	v16 =	vadd.f32 v62, v21  }
0x372: {  	v53 =	vld [tilespmem:$0xC300];
	v55 =	vadd.f32 v34, v38;
	[tilespmem:$0x13900] =	vst v11;
	v47 =	vadd.f32 v39, v37  }
0x373: {  	[tilespmem:$0x14200] =	vst v3;
	v21 =	vld [tilespmem:$0x4100];
	v54 =	vadd.f32 v20, v9;
	v62 =	vadd.f32 v16, v13  }
0x374: {  	[tilespmem:$0x13980] =	vst v1;
	v50 =	vadd.f32 v19, v10;
	v13 =	vld [tilespmem:$0x10100];
	v49 =	vadd.f32 v15, v8  }
0x375: {  	v1 =	vadd.f32 v55, v54;
	[tilespmem:$0x13A80] =	vst v62;
	v62 =	vadd.f32 v28, v61  }
0x376: {  	[tilespmem:$0x13A00] =	vst v0;
	v61 =	vadd.f32 v51, v48;
	v0 =	vadd.f32 v50, v49  }
0x377: {  	[tilespmem:$0x14000] =	vst v47;
	v41 =	vadd.f32 v62, v60;
	v60 =	vadd.f32 v43, v40  }
0x378: {  	[tilespmem:$0x14180] =	vst v1;
	v52 =	vadd.f32 v45, v21;
	v62 =	vadd.f32 v56, v53  }
0x379: {  	v13 =	vadd.f32 v13, v46;
	[tilespmem:$0x14080] =	vst v0;
	v0 =	vadd.f32 v60, v59  }
0x37a: {  	[tilespmem:$0x13E80] =	vst v41;
	v63 =	vadd.f32 v62, v61  }
0x37b: {  	v58 =	vadd.f32 v13, v52;
	[tilespmem:$0x14280] =	vst v0  }
0x37c: {  	p0 =	sne.s32 s29, $0xC70;
	[tilespmem:$0x14300] =	vst v63  }
.Ltmp0:
0x37d: {  	[tilespmem:$0x14100] =	vst v58;
	(pc) =	sbr.rel @p0 .LBB2_2-.Ltmp0, $4  }
0x37e: {  	[hbm4b:s28+s2] =	stream.linear.scatter [tilespmem:s25], [sflag:$0x2], $0x4000, $0x38;
	[tilespmem:$0x14380] =	vst v63  }
0x37f: {  	_ =	swait.ge [sflag:s13], $0x4000  }
0x380: {  	[sflag:s13] =	ssyncset.done $0x0  }
0x381: {  	s29 =	sadd.s32 $0x10, s29;
	s28 =	sadd.s32 $0x800, s28;
	[sflag:s13] =	ssyncadd.s32 $0xFFFFC000  }
0x382: {  	s26 =	sadd.s32 $0x1, s26  }
0x383: {  	p0 =	sne.s32 s26, s5  }
.Ltmp1:
0x384: {  	_ = 	snop;
	(pc) =	sbr.rel @p0 .LBB2_1-.Ltmp1, $1  }
0x385: {  	_ =	sdelay $0x3  }
0x386: {  	_ =	sfence.sel $0x180000  }
0x387: {  	[bflag:$0x0] =	sbarrier.arrive $0xFFFF  }
0x388: {  	p0 =	sne.s32 s0, $0x0;
	_ =	strace $0x90000047  }
0x389: {  	s0 =	sadd.s32 @!p0 $0x100000, s1;
	[bflag:$0x2] =	sbarrier.arrive $0xFFFF  }
0x38a: {  	[sflag:s0] =	ssyncadd.tile.s32 @!p0 $0x1;
	_ =	shalt  }
.Lfunc_end2:
_tile_overlayer_lowered:
.L_overlay_start_2:
0x38b: {  	(tag) =	ssettag $0x2  }
0x38c: {  	s0 =	rddreg [dreg:$0x0];
	s2 =	stileid.u32  }
0x38d: {  	s1 =	rddreg [dreg:$0x1];
	p0 =	sne.s32 s2, $0x0  }
0x38e: {  	s3 =	rddreg [dreg:$0x2];
	[bflag:$0x3] =	sbarrier.arrive $0xFFFF;
	s2 =	simm.s32 @!p0 $0x1C02  }
0x38f: {  	[timem:s3], [sflag:s2] =	dma.local @!p0 [hbm:s0], s1  }
0x390: {  	s0 =	simm.s32 @!p0 $0x2  }
0x391: {  	_ =	swait.ge @!p0 [sflag:s0], s1  }
0x392: {  	s1 =	ssub.s32 @!p0 $0x0, s1;
	[sflag:s0] =	ssyncset.done @!p0 $0x0  }
0x393: {  	[sflag:s0] =	ssyncadd.s32 @!p0 s1  }
0x394: {  	[bflag:$0x3] =	sbarrier.arrive $0xFFFF  }
0x395: {  	_ =	shalt  }

</sc_bundles>
